<compile_context>
chip_gen: v7x
topology: tpu7x:2x2x1
jax: 0.10.2.dev20260603
libtpu: 0.0.44.dev20260713+nightly
codegen_flags: <defaults>
</compile_context>

<pallas_src>
import functools

import jax
import jax.numpy as jnp
from jax import lax
from jax.experimental import pallas as pl
from jax.experimental.pallas import tpu as pltpu
from jax.experimental.pallas import tpu_sc as plsc

N = 50000
E = 800000
K_PAD = 768
HEADS = 8
PH = 8
OUT2 = 10

_f32 = jnp.float32
_i32 = jnp.int32

BLK = 1000
GRID = N // BLK

W1R = 40
EC1 = 32
NCHUNK1 = E // EC1
C1_ITERS = 2 * (-(-NCHUNK1 // 32))
RC1 = 500
NRC1 = N // RC1
RC1_ITERS = -(-NRC1 // 16)

EC = 128
NCHUNK = E // EC
NW = 32
CHUNK_ITERS = -(-NCHUNK // NW)
RC = 400
NRC = N // RC
RC_ITERS = -(-NRC // 16)


def _tc_a_body(x_ref, w_ref, asr_ref, adr_ref,
               t1_ref, ad_ref, ms_ref, md_ref):
    h = jnp.dot(x_ref[...], w_ref[...], preferred_element_type=_f32)
    hr = h.reshape(BLK, HEADS, PH)
    als = jnp.sum(hr * asr_ref[...][None], axis=-1)
    ald = jnp.sum(hr * adr_ref[...][None], axis=-1)
    pad = jnp.zeros((BLK, 4), _f32)
    p0 = jnp.concatenate([h[:, :32], als[:, :4], pad], axis=1)
    p1 = jnp.concatenate([h[:, 32:], als[:, 4:], pad], axis=1)
    t1_ref[...] = jnp.stack([p0, p1], axis=0)
    ad_ref[...] = ald
    bs = jnp.max(als, axis=0, keepdims=True)
    bd = jnp.max(ald, axis=0, keepdims=True)
    i = pl.program_id(0)

    @pl.when(i == 0)
    def _():
        ms_ref[...] = bs
        md_ref[...] = bd

    @pl.when(i != 0)
    def _():
        ms_ref[...] = jnp.maximum(ms_ref[...], bs)
        md_ref[...] = jnp.maximum(md_ref[...], bd)


_tc_a = pl.pallas_call(
    _tc_a_body,
    grid=(GRID,),
    in_specs=[
        pl.BlockSpec((BLK, K_PAD), lambda i: (i, 0)),
        pl.BlockSpec((K_PAD, 64), lambda i: (0, 0)),
        pl.BlockSpec((HEADS, PH), lambda i: (0, 0)),
        pl.BlockSpec((HEADS, PH), lambda i: (0, 0)),
    ],
    out_specs=[
        pl.BlockSpec((2, BLK, W1R), lambda i: (0, i, 0)),
        pl.BlockSpec((BLK, 8), lambda i: (i, 0)),
        pl.BlockSpec((1, 8), lambda i: (0, 0)),
        pl.BlockSpec((1, 8), lambda i: (0, 0)),
    ],
    out_shape=[
        jax.ShapeDtypeStruct((2, N, W1R), _f32),
        jax.ShapeDtypeStruct((N, 8), _f32),
        jax.ShapeDtypeStruct((1, 8), _f32),
        jax.ShapeDtypeStruct((1, 8), _f32),
    ],
)


def _tc_b_body(acc_ref, b1_ref, w2_ref, a2s_ref, a2d_ref,
               t2_ref, ms_ref, md_ref):
    p = acc_ref[...]
    m = jnp.concatenate([p[0, :, :32], p[1, :, :32]],
                        axis=1).reshape(BLK, HEADS, PH)
    d = jnp.concatenate([p[0, :, 32:36], p[1, :, 32:36]], axis=1)
    o = (m / (d[:, :, None] + 1e-16)).reshape(BLK, 64) + b1_ref[...]
    h2 = jnp.where(o > 0, o, jnp.exp(jnp.minimum(o, 0.0)) - 1.0)
    H2 = jnp.dot(h2, w2_ref[...], preferred_element_type=_f32)
    as2 = jnp.sum(H2 * a2s_ref[...], axis=1, keepdims=True)
    ad2 = jnp.sum(H2 * a2d_ref[...], axis=1, keepdims=True)
    t2_ref[...] = jnp.concatenate(
        [H2[:, :OUT2], as2, ad2, jnp.zeros((BLK, 4), _f32)], axis=1)
    bs = jnp.full((1, 8), jnp.max(as2), _f32)
    bd = jnp.full((1, 8), jnp.max(ad2), _f32)
    i = pl.program_id(0)

    @pl.when(i == 0)
    def _():
        ms_ref[...] = bs
        md_ref[...] = bd

    @pl.when(i != 0)
    def _():
        ms_ref[...] = jnp.maximum(ms_ref[...], bs)
        md_ref[...] = jnp.maximum(md_ref[...], bd)


_tc_b = pl.pallas_call(
    _tc_b_body,
    grid=(GRID,),
    in_specs=[
        pl.BlockSpec((2, BLK, W1R), lambda i: (0, i, 0)),
        pl.BlockSpec((1, 64), lambda i: (0, 0)),
        pl.BlockSpec((64, 16), lambda i: (0, 0)),
        pl.BlockSpec((1, 16), lambda i: (0, 0)),
        pl.BlockSpec((1, 16), lambda i: (0, 0)),
    ],
    out_specs=[
        pl.BlockSpec((BLK, 16), lambda i: (i, 0)),
        pl.BlockSpec((1, 8), lambda i: (0, 0)),
        pl.BlockSpec((1, 8), lambda i: (0, 0)),
    ],
    out_shape=[
        jax.ShapeDtypeStruct((N, 16), _f32),
        jax.ShapeDtypeStruct((1, 8), _f32),
        jax.ShapeDtypeStruct((1, 8), _f32),
    ],
)


def _tc_c_body(acc_ref, b2_ref, out_ref):
    a = acc_ref[...]
    s = a[0] + a[1]
    out_ref[...] = s[:, :OUT2] / (s[:, OUT2:OUT2 + 1] + 1e-16) + b2_ref[...]


_tc_c = pl.pallas_call(
    _tc_c_body,
    grid=(GRID,),
    in_specs=[
        pl.BlockSpec((2, BLK, 16), lambda i: (0, i, 0)),
        pl.BlockSpec((1, OUT2), lambda i: (0, 0)),
    ],
    out_specs=pl.BlockSpec((BLK, OUT2), lambda i: (i, 0)),
    out_shape=jax.ShapeDtypeStruct((N, OUT2), _f32),
)


@functools.cache
def _mesh():
    return plsc.VectorSubcoreMesh(core_axis_name="c", subcore_axis_name="s",
                                  num_cores=2, num_subcores=16)


def _col(v):
    return jnp.full((16,), v, _i32)


def _sc1_body(t1_hbm, ad_hbm, src_hbm, dst_hbm, cvec_hbm, z_hbm,
              acc_out,
              accS, srcv0, srcv1, dstv0, dstv1, rowsb0, rowsb1,
              advb0, advb1, msgv0, msgv1, cv,
              semr0, semr1, sema0, sema1, sems0, sems1):
    cid = lax.axis_index("c")
    sid = lax.axis_index("s")
    srcv = [srcv0, srcv1]
    dstv = [dstv0, dstv1]
    rows = [rowsb0, rowsb1]
    adv = [advb0, advb1]
    msgv = [msgv0, msgv1]
    semr = [semr0, semr1]
    sema = [sema0, sema1]
    sems = [sems0, sems1]
    pltpu.sync_copy(cvec_hbm, cv)
    cval = cv[...]
    iot = jnp.arange(16, dtype=_i32)
    hbase = cid * N
    hcol = 4 * cid
    zv = jnp.zeros((16,), _f32)
    for b in range(2):
        for j in range(EC1 // 16):
            for c in range(36, W1R):
                plsc.store_scatter(msgv[b], [j * 16 + iot, _col(c)], zv)

    def zero_acc(i, carry):
        r = sid + 16 * i

        @pl.when(r < NRC1)
        def _():
            pltpu.sync_copy(z_hbm, accS.at[pl.ds(r * RC1, RC1)])
        return carry

    def issue_gather(t, b):
        @pl.when(sid + 16 * t < NCHUNK1)
        def _():
            base = (sid + 16 * t) * EC1
            pltpu.sync_copy(src_hbm.at[pl.ds(base, EC1)], srcv[b])
            pltpu.sync_copy(dst_hbm.at[pl.ds(base, EC1)], dstv[b])
            for j in range(EC1 // 16):
                sl = pl.ds(j * 16, 16)
                srcv[b][sl] = srcv[b][sl] + hbase
            pltpu.async_copy(t1_hbm.at[srcv[b]], rows[b], semr[b])
            pltpu.async_copy(ad_hbm.at[dstv[b]], adv[b], sema[b])

    def wait_gather(t, b):
        @pl.when(sid + 16 * t < NCHUNK1)
        def _():
            pltpu.make_async_copy(t1_hbm.at[srcv[b]], rows[b], semr[b]).wait()
            pltpu.make_async_copy(ad_hbm.at[dstv[b]], adv[b], sema[b]).wait()

    def compute(t, b):
        @pl.when(sid + 16 * t < NCHUNK1)
        def _():
            def grp(j, carry):
                ridx = j * 16 + iot
                for h in range(4):
                    a_s = plsc.load_gather(rows[b], [ridx, _col(32 + h)])
                    a_d = plsc.load_gather(adv[b], [ridx, _col(hcol + h)])
                    e = a_s + a_d
                    e = jnp.where(e >= 0.0, e, e * 0.2)
                    w = jnp.exp(e - cval)
                    plsc.store_scatter(msgv[b], [ridx, _col(32 + h)], w)
                    for c in range(PH):
                        col = _col(h * PH + c)
                        hv = plsc.load_gather(rows[b], [ridx, col])
                        plsc.store_scatter(msgv[b], [ridx, col], hv * w)
                return carry
            lax.fori_loop(0, EC1 // 16, grp, 0)
            pltpu.async_copy(msgv[b], accS.at[dstv[b]], add=True,
                             sem=sems[b])

    def wait_scatter(t, b):
        @pl.when((t >= 0) & (sid + 16 * t < NCHUNK1))
        def _():
            pltpu.make_async_copy(msgv[b], accS.at[dstv[b]],
                                  sems[b]).wait()

    def pipe(i, carry):
        t0 = 2 * i
        t1 = t0 + 1
        issue_gather(t1, 1)
        wait_gather(t0, 0)
        wait_scatter(t0 - 2, 0)
        compute(t0, 0)
        issue_gather(t0 + 2, 0)
        wait_gather(t1, 1)
        wait_scatter(t1 - 2, 1)
        compute(t1, 1)
        return carry

    lax.fori_loop(0, RC1_ITERS, zero_acc, 0)
    plsc.subcore_barrier()
    issue_gather(0, 0)
    lax.fori_loop(0, C1_ITERS // 2, pipe, 0)
    wait_scatter(C1_ITERS - 2, 0)
    wait_scatter(C1_ITERS - 1, 1)
    plsc.subcore_barrier()

    def dump(i, carry):
        r = sid + 16 * i

        @pl.when(r < NRC1)
        def _():
            off = cid * N + r * RC1
            pltpu.sync_copy(accS.at[pl.ds(r * RC1, RC1)],
                            acc_out.at[pl.ds(off, RC1)])
        return carry
    lax.fori_loop(0, RC1_ITERS, dump, 0)


@functools.cache
def _sc1():
  return pl.kernel(
    _sc1_body,
    out_type=jax.ShapeDtypeStruct((2 * N, W1R), _f32),
    mesh=_mesh(),
    compiler_params=pltpu.CompilerParams(needs_layout_passes=False,
                                         use_tc_tiling_on_sc=False),
    scratch_types=[
        pltpu.VMEM_SHARED((N, W1R), _f32),
        pltpu.VMEM((EC1,), _i32),
        pltpu.VMEM((EC1,), _i32),
        pltpu.VMEM((EC1,), _i32),
        pltpu.VMEM((EC1,), _i32),
        pltpu.VMEM((EC1, W1R), _f32),
        pltpu.VMEM((EC1, W1R), _f32),
        pltpu.VMEM((EC1, 8), _f32),
        pltpu.VMEM((EC1, 8), _f32),
        pltpu.VMEM((EC1, W1R), _f32),
        pltpu.VMEM((EC1, W1R), _f32),
        pltpu.VMEM((16,), _f32),
        pltpu.SemaphoreType.DMA,
        pltpu.SemaphoreType.DMA,
        pltpu.SemaphoreType.DMA,
        pltpu.SemaphoreType.DMA,
        pltpu.SemaphoreType.DMA,
        pltpu.SemaphoreType.DMA,
    ],
  )


def _sc2_body(t2_hbm, src_hbm, dst_hbm, cvec_hbm, z_hbm,
              acc_out,
              accS, srcv, dstv, rsrc, rdst, msgv, cv, sem1, sem2):
    cid = lax.axis_index("c")
    sid = lax.axis_index("s")
    wid = sid * 2 + cid
    pltpu.sync_copy(cvec_hbm, cv)
    cval = cv[...]
    iot = jnp.arange(16, dtype=_i32)
    zv = jnp.zeros((16,), _f32)
    for j in range(EC // 16):
        plsc.store_scatter(msgv, [j * 16 + iot, _col(11)], zv)

    def zero_acc(i, carry):
        r = sid + 16 * i

        @pl.when(r < NRC)
        def _():
            pltpu.sync_copy(z_hbm, accS.at[pl.ds(r * RC, RC)])
        return carry

    def chunk(i, carry):
        k = wid + NW * i

        @pl.when(k < NCHUNK)
        def _():
            base = k * EC
            hs = pltpu.async_copy(src_hbm.at[pl.ds(base, EC)], srcv, sem1)
            hd = pltpu.async_copy(dst_hbm.at[pl.ds(base, EC)], dstv, sem2)
            hs.wait()
            hd.wait()
            h1 = pltpu.async_copy(t2_hbm.at[srcv], rsrc, sem1)
            h2 = pltpu.async_copy(t2_hbm.at[dstv], rdst, sem2)
            h1.wait()
            h2.wait()
            for j in range(EC // 16):
                ridx = j * 16 + iot
                a_s = plsc.load_gather(rsrc, [ridx, _col(10)])
                a_d = plsc.load_gather(rdst, [ridx, _col(11)])
                e = a_s + a_d
                e = jnp.where(e >= 0.0, e, e * 0.2)
                w = jnp.exp(e - cval)
                plsc.store_scatter(msgv, [ridx, _col(10)], w)
                for c in range(OUT2):
                    hv = plsc.load_gather(rsrc, [ridx, _col(c)])
                    plsc.store_scatter(msgv, [ridx, _col(c)], hv * w)
            pltpu.sync_copy(msgv, accS.at[dstv], add=True)
        return carry

    lax.fori_loop(0, RC_ITERS, zero_acc, 0)
    plsc.subcore_barrier()
    lax.fori_loop(0, CHUNK_ITERS, chunk, 0)
    plsc.subcore_barrier()

    def dump(i, carry):
        r = sid + 16 * i

        @pl.when(r < NRC)
        def _():
            off = cid * N + r * RC
            pltpu.sync_copy(accS.at[pl.ds(r * RC, RC)],
                            acc_out.at[pl.ds(off, RC)])
        return carry
    lax.fori_loop(0, RC_ITERS, dump, 0)


@functools.cache
def _sc2():
  return pl.kernel(
    _sc2_body,
    out_type=jax.ShapeDtypeStruct((2 * N, 16), _f32),
    mesh=_mesh(),
    compiler_params=pltpu.CompilerParams(needs_layout_passes=False,
                                         use_tc_tiling_on_sc=False),
    scratch_types=[
        pltpu.VMEM_SHARED((N, 16), _f32),
        pltpu.VMEM((EC,), _i32),
        pltpu.VMEM((EC,), _i32),
        pltpu.VMEM((EC, 16), _f32),
        pltpu.VMEM((EC, 16), _f32),
        pltpu.VMEM((EC, 16), _f32),
        pltpu.VMEM((16,), _f32),
        pltpu.SemaphoreType.DMA,
        pltpu.SemaphoreType.DMA,
    ],
  )


@jax.jit
def kernel(x, edge_index, W1, att_src1, att_dst1, b1,
           W2, att_src2, att_dst2, b2):
    x_p = jnp.pad(x, ((0, 0), (0, K_PAD - x.shape[1])))
    W1_p = jnp.pad(W1, ((0, K_PAD - W1.shape[0]), (0, 0)))
    asr = att_src1.reshape(HEADS, PH)
    adr = att_dst1.reshape(HEADS, PH)
    t1, ad, ms, md = _tc_a(x_p, W1_p, asr, adr)
    c1 = jnp.maximum(jnp.max(ms) + jnp.max(md), 0.0)
    c1v = jnp.full((16,), c1, _f32)
    src = edge_index[0]
    dst = edge_index[1]
    z1 = jnp.zeros((RC1, W1R), _f32)
    acc1 = _sc1()(t1.reshape(2 * N, W1R), ad, src, dst, c1v, z1)
    W2_p = jnp.pad(W2, ((0, 0), (0, 6)))
    a2s = jnp.pad(att_src2.reshape(1, OUT2), ((0, 0), (0, 6)))
    a2d = jnp.pad(att_dst2.reshape(1, OUT2), ((0, 0), (0, 6)))
    t2, ms2, md2 = _tc_b(acc1.reshape(2, N, W1R),
                         b1.reshape(1, 64), W2_p, a2s, a2d)
    c2 = jnp.maximum(jnp.max(ms2) + jnp.max(md2), 0.0)
    c2v = jnp.full((16,), c2, _f32)
    z2 = jnp.zeros((RC, 16), _f32)
    acc2 = _sc2()(t2, src, dst, c2v, z2)
    out = _tc_c(acc2.reshape(2, N, 16), b2.reshape(1, OUT2))
    return out

# --- scband reference (transcript-rebuilt; emitter-appended) ---
"""Pipeline reference for scband-gat-20091857011050 (READ-ONLY COPY).

The authoritative reference and input builder live on the scoring server;
editing this copy changes nothing except your own understanding.
"""

import jax, jax.numpy as jnp
import numpy as np

N_NODES = 50000
N_EDGES = 800000
IN_DIM = 767
HIDDEN = 64
HEADS = 8
PER_HEAD = HIDDEN // HEADS
OUT_CLASSES = 10


def segment_softmax(e, seg, n):
    m = jax.ops.segment_max(e, seg, num_segments=n)
    m = jnp.where(jnp.isfinite(m), m, 0.0)
    w = jnp.exp(e - m[seg])
    d = jax.ops.segment_sum(w, seg, num_segments=n)
    return w / (d[seg] + 1e-16)


def gat_conv(x, edge_index, W, a_src, a_dst, b, heads, out_ch, concat):
    n = x.shape[0]
    src = edge_index[0]
    dst = edge_index[1]
    h = (x @ W).reshape(n, heads, out_ch)
    alpha_s = jnp.sum(h * a_src, axis=-1)  # [N, H]
    alpha_d = jnp.sum(h * a_dst, axis=-1)  # [N, H]
    e = alpha_s[src] + alpha_d[dst]        # [E, H]
    e = jax.nn.leaky_relu(e, negative_slope=0.2)
    att = segment_softmax(e, dst, n)       # [E, H]
    msg = h[src] * att[:, :, None]         # [E, H, C]
    out = jax.ops.segment_sum(msg, dst, num_segments=n)  # [N, H, C]
    if concat:
        out = out.reshape(n, heads * out_ch)
    else:
        out = out.mean(axis=1)
    return out + b


def setup_inputs(seed: int = 0):
    key = jax.random.key(seed)
    ks = jax.random.split(key, 10)
    x = jax.random.normal(ks[0], (N_NODES, IN_DIM), dtype=jnp.float32)
    edge_index = jax.random.randint(ks[1], (2, N_EDGES), 0, N_NODES, dtype=jnp.int32)
    W1 = jax.random.normal(ks[2], (IN_DIM, HEADS * PER_HEAD), dtype=jnp.float32) * 0.05
    att_src1 = jax.random.normal(ks[3], (1, HEADS, PER_HEAD), dtype=jnp.float32) * 0.3
    att_dst1 = jax.random.normal(ks[4], (1, HEADS, PER_HEAD), dtype=jnp.float32) * 0.3
    b1 = jnp.zeros((HEADS * PER_HEAD,), dtype=jnp.float32)
    W2 = jax.random.normal(ks[5], (HEADS * PER_HEAD, OUT_CLASSES), dtype=jnp.float32) * 0.12
    att_src2 = jax.random.normal(ks[6], (1, 1, OUT_CLASSES), dtype=jnp.float32) * 0.3
    att_dst2 = jax.random.normal(ks[7], (1, 1, OUT_CLASSES), dtype=jnp.float32) * 0.3
    b2 = jnp.zeros((OUT_CLASSES,), dtype=jnp.float32)
    return {"x": x, "edge_index": edge_index, "W1": W1, "att_src1": att_src1,
            "att_dst1": att_dst1, "b1": b1, "W2": W2, "att_src2": att_src2,
            "att_dst2": att_dst2, "b2": b2}


def reference(x, edge_index, W1, att_src1, att_dst1, b1, W2, att_src2, att_dst2, b2):
    # dropout p=0.0 / eval mode -> identity
    h = jax.nn.elu(gat_conv(x, edge_index, W1, att_src1, att_dst1, b1, HEADS, PER_HEAD, True))
    out = gat_conv(h, edge_index, W2, att_src2, att_dst2, b2, 1, OUT_CLASSES, False)
    return out

if __name__ == "__main__":
    import jax
    _d = setup_inputs()
    print(jax.jit(kernel)(*tuple(_d.values())))

</pallas_src>

<mosaic_0001>
#map = affine_map<(d0, d1) -> (0, 0)>
#map1 = affine_map<(d0, d1) -> (0)>
module attributes {stable_mosaic.version = 14 : i64} {
  func.func @_sc1_body(%arg0: i32, %arg1: i32, %arg2: memref<100000x40xf32, #tpu.memory_space<hbm>>, %arg3: memref<50000x8xf32, #tpu.memory_space<hbm>>, %arg4: memref<800000xi32, #tpu.memory_space<hbm>>, %arg5: memref<800000xi32, #tpu.memory_space<hbm>>, %arg6: memref<16xf32, #tpu.memory_space<hbm>>, %arg7: memref<500x40xf32, #tpu.memory_space<hbm>>, %arg8: memref<100000x40xf32, #tpu.memory_space<hbm>>, %arg9: memref<50000x40xf32, #tpu.memory_space<vmem_shared>>, %arg10: memref<32xi32, #tpu.memory_space<vmem>>, %arg11: memref<32xi32, #tpu.memory_space<vmem>>, %arg12: memref<32xi32, #tpu.memory_space<vmem>>, %arg13: memref<32xi32, #tpu.memory_space<vmem>>, %arg14: memref<32x40xf32, #tpu.memory_space<vmem>>, %arg15: memref<32x40xf32, #tpu.memory_space<vmem>>, %arg16: memref<32x8xf32, #tpu.memory_space<vmem>>, %arg17: memref<32x8xf32, #tpu.memory_space<vmem>>, %arg18: memref<32x40xf32, #tpu.memory_space<vmem>>, %arg19: memref<32x40xf32, #tpu.memory_space<vmem>>, %arg20: memref<16xf32, #tpu.memory_space<vmem>>, %arg21: memref<!tpu.dma_semaphore, #tpu.memory_space<semaphore_mem>>, %arg22: memref<!tpu.dma_semaphore, #tpu.memory_space<semaphore_mem>>, %arg23: memref<!tpu.dma_semaphore, #tpu.memory_space<semaphore_mem>>, %arg24: memref<!tpu.dma_semaphore, #tpu.memory_space<semaphore_mem>>, %arg25: memref<!tpu.dma_semaphore, #tpu.memory_space<semaphore_mem>>, %arg26: memref<!tpu.dma_semaphore, #tpu.memory_space<semaphore_mem>>) attributes {dimension_semantics = [#tpu.dimension_semantics<core_parallel>, #tpu.dimension_semantics<subcore_parallel>], iteration_bounds = array<i64: 2, 16>, scalar_prefetch = 0 : i64, scratch_operands = 18 : i64, tpu.core_type = #tpu.core_type<sc_vector_subcore>, window_params = [{transform_indices = #map}, {transform_indices = #map}, {transform_indices = #map1}, {transform_indices = #map1}, {transform_indices = #map1}, {transform_indices = #map}, {transform_indices = #map}]} {
    "tpu.region"() ({
      %run_scoped3A = tpu.sem_alloc : memref<!tpu.dma_semaphore, #tpu.memory_space<semaphore_mem>>
      tpu.enqueue_dma source(%arg6 : memref<16xf32, #tpu.memory_space<hbm>>) target(%arg20 : memref<16xf32, #tpu.memory_space<vmem>>) target_semaphore(%run_scoped3A : memref<!tpu.dma_semaphore, #tpu.memory_space<semaphore_mem>>)
      tpu.wait_dma2 semaphore(%run_scoped3A : memref<!tpu.dma_semaphore, #tpu.memory_space<semaphore_mem>>) src(%arg6 : memref<16xf32, #tpu.memory_space<hbm>>) dst(%arg20 : memref<16xf32, #tpu.memory_space<vmem>>)
      tpu.yield
    }) : () -> ()
    %get3A = arith.constant 0 : index
    %get3A_0 = tpu.vector_load %arg20[%get3A] {strides = array<i32>} : memref<16xf32, #tpu.memory_space<vmem>>, vector<16xf32>,
    %iota3A = tpu.iota {dimensions = array<i32: 0>} : vector<16xi32>
    %mul3A = arith.constant 50000 : i32
    %mul3A_1 = arith.muli %arg0, %mul3A : i32
    %mul3A_2 = arith.constant 4 : i32
    %mul3A_3 = arith.muli %mul3A_2, %arg0 : i32
    %broadcast_in_dim3A = arith.constant 0.000000e+00 : f32
    %broadcast_in_dim3A_4 = vector.broadcast %broadcast_in_dim3A : f32 to vector<16xf32>
    %add3A = arith.constant 0 : i32
    %add3A_5 = vector.broadcast %add3A : i32 to vector<16xi32>
    %add3A_6 = arith.addi %add3A_5, %iota3A : vector<16xi32>
    %broadcast_in_dim3A_7 = arith.constant 36 : i32
    %broadcast_in_dim3A_8 = vector.broadcast %broadcast_in_dim3A_7 : i32 to vector<16xi32>
    tpu.vector_store_idx %arg18[%add3A_6, %broadcast_in_dim3A_8], %broadcast_in_dim3A_4 : memref<32x40xf32, #tpu.memory_space<vmem>>[vector<16xi32>, vector<16xi32>], vector<16xf32>,
    %add3A_9 = arith.constant 0 : i32
    %add3A_10 = vector.broadcast %add3A_9 : i32 to vector<16xi32>
    %add3A_11 = arith.addi %add3A_10, %iota3A : vector<16xi32>
    %broadcast_in_dim3A_12 = arith.constant 37 : i32
    %broadcast_in_dim3A_13 = vector.broadcast %broadcast_in_dim3A_12 : i32 to vector<16xi32>
    tpu.vector_store_idx %arg18[%add3A_11, %broadcast_in_dim3A_13], %broadcast_in_dim3A_4 : memref<32x40xf32, #tpu.memory_space<vmem>>[vector<16xi32>, vector<16xi32>], vector<16xf32>,
    %add3A_14 = arith.constant 0 : i32
    %add3A_15 = vector.broadcast %add3A_14 : i32 to vector<16xi32>
    %add3A_16 = arith.addi %add3A_15, %iota3A : vector<16xi32>
    %broadcast_in_dim3A_17 = arith.constant 38 : i32
    %broadcast_in_dim3A_18 = vector.broadcast %broadcast_in_dim3A_17 : i32 to vector<16xi32>
    tpu.vector_store_idx %arg18[%add3A_16, %broadcast_in_dim3A_18], %broadcast_in_dim3A_4 : memref<32x40xf32, #tpu.memory_space<vmem>>[vector<16xi32>, vector<16xi32>], vector<16xf32>,
    %add3A_19 = arith.constant 0 : i32
    %add3A_20 = vector.broadcast %add3A_19 : i32 to vector<16xi32>
    %add3A_21 = arith.addi %add3A_20, %iota3A : vector<16xi32>
    %broadcast_in_dim3A_22 = arith.constant 39 : i32
    %broadcast_in_dim3A_23 = vector.broadcast %broadcast_in_dim3A_22 : i32 to vector<16xi32>
    tpu.vector_store_idx %arg18[%add3A_21, %broadcast_in_dim3A_23], %broadcast_in_dim3A_4 : memref<32x40xf32, #tpu.memory_space<vmem>>[vector<16xi32>, vector<16xi32>], vector<16xf32>,
    %add3A_24 = arith.constant 16 : i32
    %add3A_25 = vector.broadcast %add3A_24 : i32 to vector<16xi32>
    %add3A_26 = arith.addi %add3A_25, %iota3A : vector<16xi32>
    %broadcast_in_dim3A_27 = arith.constant 36 : i32
    %broadcast_in_dim3A_28 = vector.broadcast %broadcast_in_dim3A_27 : i32 to vector<16xi32>
    tpu.vector_store_idx %arg18[%add3A_26, %broadcast_in_dim3A_28], %broadcast_in_dim3A_4 : memref<32x40xf32, #tpu.memory_space<vmem>>[vector<16xi32>, vector<16xi32>], vector<16xf32>,
    %add3A_29 = arith.constant 16 : i32
    %add3A_30 = vector.broadcast %add3A_29 : i32 to vector<16xi32>
    %add3A_31 = arith.addi %add3A_30, %iota3A : vector<16xi32>
    %broadcast_in_dim3A_32 = arith.constant 37 : i32
    %broadcast_in_dim3A_33 = vector.broadcast %broadcast_in_dim3A_32 : i32 to vector<16xi32>
    tpu.vector_store_idx %arg18[%add3A_31, %broadcast_in_dim3A_33], %broadcast_in_dim3A_4 : memref<32x40xf32, #tpu.memory_space<vmem>>[vector<16xi32>, vector<16xi32>], vector<16xf32>,
    %add3A_34 = arith.constant 16 : i32
    %add3A_35 = vector.broadcast %add3A_34 : i32 to vector<16xi32>
    %add3A_36 = arith.addi %add3A_35, %iota3A : vector<16xi32>
    %broadcast_in_dim3A_37 = arith.constant 38 : i32
    %broadcast_in_dim3A_38 = vector.broadcast %broadcast_in_dim3A_37 : i32 to vector<16xi32>
    tpu.vector_store_idx %arg18[%add3A_36, %broadcast_in_dim3A_38], %broadcast_in_dim3A_4 : memref<32x40xf32, #tpu.memory_space<vmem>>[vector<16xi32>, vector<16xi32>], vector<16xf32>,
    %add3A_39 = arith.constant 16 : i32
    %add3A_40 = vector.broadcast %add3A_39 : i32 to vector<16xi32>
    %add3A_41 = arith.addi %add3A_40, %iota3A : vector<16xi32>
    %broadcast_in_dim3A_42 = arith.constant 39 : i32
    %broadcast_in_dim3A_43 = vector.broadcast %broadcast_in_dim3A_42 : i32 to vector<16xi32>
    tpu.vector_store_idx %arg18[%add3A_41, %broadcast_in_dim3A_43], %broadcast_in_dim3A_4 : memref<32x40xf32, #tpu.memory_space<vmem>>[vector<16xi32>, vector<16xi32>], vector<16xf32>,
    %add3A_44 = arith.constant 0 : i32
    %add3A_45 = vector.broadcast %add3A_44 : i32 to vector<16xi32>
    %add3A_46 = arith.addi %add3A_45, %iota3A : vector<16xi32>
    %broadcast_in_dim3A_47 = arith.constant 36 : i32
    %broadcast_in_dim3A_48 = vector.broadcast %broadcast_in_dim3A_47 : i32 to vector<16xi32>
    tpu.vector_store_idx %arg19[%add3A_46, %broadcast_in_dim3A_48], %broadcast_in_dim3A_4 : memref<32x40xf32, #tpu.memory_space<vmem>>[vector<16xi32>, vector<16xi32>], vector<16xf32>,
    %add3A_49 = arith.constant 0 : i32
    %add3A_50 = vector.broadcast %add3A_49 : i32 to vector<16xi32>
    %add3A_51 = arith.addi %add3A_50, %iota3A : vector<16xi32>
    %broadcast_in_dim3A_52 = arith.constant 37 : i32
    %broadcast_in_dim3A_53 = vector.broadcast %broadcast_in_dim3A_52 : i32 to vector<16xi32>
    tpu.vector_store_idx %arg19[%add3A_51, %broadcast_in_dim3A_53], %broadcast_in_dim3A_4 : memref<32x40xf32, #tpu.memory_space<vmem>>[vector<16xi32>, vector<16xi32>], vector<16xf32>,
    %add3A_54 = arith.constant 0 : i32
    %add3A_55 = vector.broadcast %add3A_54 : i32 to vector<16xi32>
    %add3A_56 = arith.addi %add3A_55, %iota3A : vector<16xi32>
    %broadcast_in_dim3A_57 = arith.constant 38 : i32
    %broadcast_in_dim3A_58 = vector.broadcast %broadcast_in_dim3A_57 : i32 to vector<16xi32>
    tpu.vector_store_idx %arg19[%add3A_56, %broadcast_in_dim3A_58], %broadcast_in_dim3A_4 : memref<32x40xf32, #tpu.memory_space<vmem>>[vector<16xi32>, vector<16xi32>], vector<16xf32>,
    %add3A_59 = arith.constant 0 : i32
    %add3A_60 = vector.broadcast %add3A_59 : i32 to vector<16xi32>
    %add3A_61 = arith.addi %add3A_60, %iota3A : vector<16xi32>
    %broadcast_in_dim3A_62 = arith.constant 39 : i32
    %broadcast_in_dim3A_63 = vector.broadcast %broadcast_in_dim3A_62 : i32 to vector<16xi32>
    tpu.vector_store_idx %arg19[%add3A_61, %broadcast_in_dim3A_63], %broadcast_in_dim3A_4 : memref<32x40xf32, #tpu.memory_space<vmem>>[vector<16xi32>, vector<16xi32>], vector<16xf32>,
    %add3A_64 = arith.constant 16 : i32
    %add3A_65 = vector.broadcast %add3A_64 : i32 to vector<16xi32>
    %add3A_66 = arith.addi %add3A_65, %iota3A : vector<16xi32>
    %broadcast_in_dim3A_67 = arith.constant 36 : i32
    %broadcast_in_dim3A_68 = vector.broadcast %broadcast_in_dim3A_67 : i32 to vector<16xi32>
    tpu.vector_store_idx %arg19[%add3A_66, %broadcast_in_dim3A_68], %broadcast_in_dim3A_4 : memref<32x40xf32, #tpu.memory_space<vmem>>[vector<16xi32>, vector<16xi32>], vector<16xf32>,
    %add3A_69 = arith.constant 16 : i32
    %add3A_70 = vector.broadcast %add3A_69 : i32 to vector<16xi32>
    %add3A_71 = arith.addi %add3A_70, %iota3A : vector<16xi32>
    %broadcast_in_dim3A_72 = arith.constant 37 : i32
    %broadcast_in_dim3A_73 = vector.broadcast %broadcast_in_dim3A_72 : i32 to vector<16xi32>
    tpu.vector_store_idx %arg19[%add3A_71, %broadcast_in_dim3A_73], %broadcast_in_dim3A_4 : memref<32x40xf32, #tpu.memory_space<vmem>>[vector<16xi32>, vector<16xi32>], vector<16xf32>,
    %add3A_74 = arith.constant 16 : i32
    %add3A_75 = vector.broadcast %add3A_74 : i32 to vector<16xi32>
    %add3A_76 = arith.addi %add3A_75, %iota3A : vector<16xi32>
    %broadcast_in_dim3A_77 = arith.constant 38 : i32
    %broadcast_in_dim3A_78 = vector.broadcast %broadcast_in_dim3A_77 : i32 to vector<16xi32>
    tpu.vector_store_idx %arg19[%add3A_76, %broadcast_in_dim3A_78], %broadcast_in_dim3A_4 : memref<32x40xf32, #tpu.memory_space<vmem>>[vector<16xi32>, vector<16xi32>], vector<16xf32>,
    %add3A_79 = arith.constant 16 : i32
    %add3A_80 = vector.broadcast %add3A_79 : i32 to vector<16xi32>
    %add3A_81 = arith.addi %add3A_80, %iota3A : vector<16xi32>
    %broadcast_in_dim3A_82 = arith.constant 39 : i32
    %broadcast_in_dim3A_83 = vector.broadcast %broadcast_in_dim3A_82 : i32 to vector<16xi32>
    tpu.vector_store_idx %arg19[%add3A_81, %broadcast_in_dim3A_83], %broadcast_in_dim3A_4 : memref<32x40xf32, #tpu.memory_space<vmem>>[vector<16xi32>, vector<16xi32>], vector<16xf32>,
    %scan3A = arith.constant 0 : i32
    %scan3A_84 = arith.constant 0 : i32
    %scan3A_85 = arith.constant 7 : i32
    %scan3A_86 = arith.addi %scan3A_84, %scan3A_85 : i32
    %scan3A_87 = arith.constant 1 : i32
    scf.for %scan3A_123 = %scan3A_84 to %scan3A_86 step %scan3A_87  : i32 {
      %mul3A_124 = arith.constant 16 : i32
      %mul3A_125 = arith.muli %mul3A_124, %scan3A_123 : i32
      %add3A_126 = arith.addi %arg1, %mul3A_125 : i32
      %lt3A_127 = arith.constant 100 : i32
      %lt3A_128 = arith.cmpi slt, %add3A_126, %lt3A_127 : i32
      %convert_element_type3A_129 = arith.extui %lt3A_128 : i1 to i32
      %cond3A_130 = arith.constant 0 : i32
      %cond3A_131 = arith.cmpi ne, %convert_element_type3A_129, %cond3A_130 : i32
      scf.if %cond3A_131 {
        %mul3A_132 = arith.constant 500 : i32
        %mul3A_133 = arith.muli %add3A_126, %mul3A_132 : i32
        "tpu.region"() ({
          %run_scoped3A = tpu.sem_alloc : memref<!tpu.dma_semaphore, #tpu.memory_space<semaphore_mem>>
          %dma_start3A = arith.constant 0 : i32
          %dma_start3A_134 = tpu.memref_slice %arg9[%mul3A_133, %dma_start3A] : memref<50000x40xf32, #tpu.memory_space<vmem_shared>> -> memref<500x40xf32, #tpu.memory_space<vmem_shared>>
          tpu.enqueue_dma source(%arg7 : memref<500x40xf32, #tpu.memory_space<hbm>>) target(%dma_start3A_134 : memref<500x40xf32, #tpu.memory_space<vmem_shared>>) target_semaphore(%run_scoped3A : memref<!tpu.dma_semaphore, #tpu.memory_space<semaphore_mem>>)
          %dma_wait3A = arith.constant 0 : i32
          %dma_wait3A_135 = tpu.memref_slice %arg9[%mul3A_133, %dma_wait3A] : memref<50000x40xf32, #tpu.memory_space<vmem_shared>> -> memref<500x40xf32, #tpu.memory_space<vmem_shared>>
          tpu.wait_dma2 semaphore(%run_scoped3A : memref<!tpu.dma_semaphore, #tpu.memory_space<semaphore_mem>>) src(%arg7 : memref<500x40xf32, #tpu.memory_space<hbm>>) dst(%dma_wait3A_135 : memref<500x40xf32, #tpu.memory_space<vmem_shared>>)
          tpu.yield
        }) : () -> ()
      } else {
      }
    }
    %scan3A_88 = arith.constant 7 : i32
    %barrier3A = arith.constant 0 : index
    tpu.barrier barrier_id(%barrier3A)
    %add3A_89 = arith.constant 0 : i32
    %add3A_90 = arith.addi %arg1, %add3A_89 : i32
    %lt3A = arith.constant 25000 : i32
    %lt3A_91 = arith.cmpi slt, %add3A_90, %lt3A : i32
    %convert_element_type3A = arith.extui %lt3A_91 : i1 to i32
    %cond3A = arith.constant 0 : i32
    %cond3A_92 = arith.cmpi ne, %convert_element_type3A, %cond3A : i32
    scf.if %cond3A_92 {
      %add3A_123 = arith.constant 0 : i32
      %add3A_124 = arith.addi %arg1, %add3A_123 : i32
      %mul3A_125 = arith.constant 32 : i32
      %mul3A_126 = arith.muli %add3A_124, %mul3A_125 : i32
      "tpu.region"() ({
        %run_scoped3A = tpu.sem_alloc : memref<!tpu.dma_semaphore, #tpu.memory_space<semaphore_mem>>
        %dma_start3A_143 = tpu.memref_slice %arg4[%mul3A_126] : memref<800000xi32, #tpu.memory_space<hbm>> -> memref<32xi32, #tpu.memory_space<hbm>>
        %dma_start3A_144 = tpu.memref_slice %arg4[%mul3A_126] : memref<800000xi32, #tpu.memory_space<hbm>> -> memref<32xi32, #tpu.memory_space<hbm>>
        tpu.enqueue_dma source(%dma_start3A_144 : memref<32xi32, #tpu.memory_space<hbm>>) target(%arg10 : memref<32xi32, #tpu.memory_space<vmem>>) target_semaphore(%run_scoped3A : memref<!tpu.dma_semaphore, #tpu.memory_space<semaphore_mem>>)
        %dma_wait3A = tpu.memref_slice %arg4[%mul3A_126] : memref<800000xi32, #tpu.memory_space<hbm>> -> memref<32xi32, #tpu.memory_space<hbm>>
        %dma_wait3A_145 = tpu.memref_slice %arg4[%mul3A_126] : memref<800000xi32, #tpu.memory_space<hbm>> -> memref<32xi32, #tpu.memory_space<hbm>>
        tpu.wait_dma2 semaphore(%run_scoped3A : memref<!tpu.dma_semaphore, #tpu.memory_space<semaphore_mem>>) src(%dma_wait3A_145 : memref<32xi32, #tpu.memory_space<hbm>>) dst(%arg10 : memref<32xi32, #tpu.memory_space<vmem>>)
        tpu.yield
      }) : () -> ()
      "tpu.region"() ({
        %run_scoped3A = tpu.sem_alloc : memref<!tpu.dma_semaphore, #tpu.memory_space<semaphore_mem>>
        %dma_start3A_143 = tpu.memref_slice %arg5[%mul3A_126] : memref<800000xi32, #tpu.memory_space<hbm>> -> memref<32xi32, #tpu.memory_space<hbm>>
        %dma_start3A_144 = tpu.memref_slice %arg5[%mul3A_126] : memref<800000xi32, #tpu.memory_space<hbm>> -> memref<32xi32, #tpu.memory_space<hbm>>
        tpu.enqueue_dma source(%dma_start3A_144 : memref<32xi32, #tpu.memory_space<hbm>>) target(%arg12 : memref<32xi32, #tpu.memory_space<vmem>>) target_semaphore(%run_scoped3A : memref<!tpu.dma_semaphore, #tpu.memory_space<semaphore_mem>>)
        %dma_wait3A = tpu.memref_slice %arg5[%mul3A_126] : memref<800000xi32, #tpu.memory_space<hbm>> -> memref<32xi32, #tpu.memory_space<hbm>>
        %dma_wait3A_145 = tpu.memref_slice %arg5[%mul3A_126] : memref<800000xi32, #tpu.memory_space<hbm>> -> memref<32xi32, #tpu.memory_space<hbm>>
        tpu.wait_dma2 semaphore(%run_scoped3A : memref<!tpu.dma_semaphore, #tpu.memory_space<semaphore_mem>>) src(%dma_wait3A_145 : memref<32xi32, #tpu.memory_space<hbm>>) dst(%arg12 : memref<32xi32, #tpu.memory_space<vmem>>)
        tpu.yield
      }) : () -> ()
      %get3A_127 = arith.constant 0 : index
      %get3A_128 = tpu.vector_load %arg10[%get3A_127] {strides = array<i32>} : memref<32xi32, #tpu.memory_space<vmem>>, vector<16xi32>,
      %add3A_129 = vector.broadcast %mul3A_1 : i32 to vector<16xi32>
      %add3A_130 = arith.addi %get3A_128, %add3A_129 : vector<16xi32>
      %swap3A = arith.constant 0 : index
      %swap3A_131 = tpu.vector_load %arg10[%swap3A] {strides = array<i32>} : memref<32xi32, #tpu.memory_space<vmem>>, vector<16xi32>,
      tpu.vector_store %arg10[%swap3A], %add3A_130 {strides = array<i32>} : memref<32xi32, #tpu.memory_space<vmem>>, vector<16xi32>,
      %get3A_132 = arith.constant 16 : index
      %get3A_133 = tpu.vector_load %arg10[%get3A_132] {strides = array<i32>} : memref<32xi32, #tpu.memory_space<vmem>>, vector<16xi32>,
      %add3A_134 = vector.broadcast %mul3A_1 : i32 to vector<16xi32>
      %add3A_135 = arith.addi %get3A_133, %add3A_134 : vector<16xi32>
      %swap3A_136 = arith.constant 16 : index
      %swap3A_137 = tpu.vector_load %arg10[%swap3A_136] {strides = array<i32>} : memref<32xi32, #tpu.memory_space<vmem>>, vector<16xi32>,
      tpu.vector_store %arg10[%swap3A_136], %add3A_135 {strides = array<i32>} : memref<32xi32, #tpu.memory_space<vmem>>, vector<16xi32>,
      %dma_start3A = arith.constant 0 : i32
      %dma_start3A_138 = arith.constant 0 : i32
      %dma_start3A_139 = tpu.memref_slice %arg2[%dma_start3A, %dma_start3A_138] : memref<100000x40xf32, #tpu.memory_space<hbm>> -> memref<100000x40xf32, #tpu.memory_space<hbm>>
      tpu.enqueue_indirect_dma source(%dma_start3A_139 : memref<100000x40xf32, #tpu.memory_space<hbm>>) target(%arg14 : memref<32x40xf32, #tpu.memory_space<vmem>>) offsets(%arg10 : memref<32xi32, #tpu.memory_space<vmem>>) semaphore(%arg21 : memref<!tpu.dma_semaphore, #tpu.memory_space<semaphore_mem>>)
      %dma_start3A_140 = arith.constant 0 : i32
      %dma_start3A_141 = arith.constant 0 : i32
      %dma_start3A_142 = tpu.memref_slice %arg3[%dma_start3A_140, %dma_start3A_141] : memref<50000x8xf32, #tpu.memory_space<hbm>> -> memref<50000x8xf32, #tpu.memory_space<hbm>>
      tpu.enqueue_indirect_dma source(%dma_start3A_142 : memref<50000x8xf32, #tpu.memory_space<hbm>>) target(%arg16 : memref<32x8xf32, #tpu.memory_space<vmem>>) offsets(%arg12 : memref<32xi32, #tpu.memory_space<vmem>>) semaphore(%arg23 : memref<!tpu.dma_semaphore, #tpu.memory_space<semaphore_mem>>)
    } else {
    }
    %scan3A_93 = arith.constant 0 : i32
    %scan3A_94 = arith.constant 0 : i32
    %scan3A_95 = arith.constant 782 : i32
    %scan3A_96 = arith.addi %scan3A_94, %scan3A_95 : i32
    %scan3A_97 = arith.constant 1 : i32
    scf.for %scan3A_123 = %scan3A_94 to %scan3A_96 step %scan3A_97  : i32 {
      %mul3A_124 = arith.constant 2 : i32
      %mul3A_125 = arith.muli %mul3A_124, %scan3A_123 : i32
      %add3A_126 = arith.constant 1 : i32
      %add3A_127 = arith.addi %mul3A_125, %add3A_126 : i32
      %mul3A_128 = arith.constant 16 : i32
      %mul3A_129 = arith.muli %mul3A_128, %add3A_127 : i32
      %add3A_130 = arith.addi %arg1, %mul3A_129 : i32
      %lt3A_131 = arith.constant 25000 : i32
      %lt3A_132 = arith.cmpi slt, %add3A_130, %lt3A_131 : i32
      %convert_element_type3A_133 = arith.extui %lt3A_132 : i1 to i32
      %cond3A_134 = arith.constant 0 : i32
      %cond3A_135 = arith.cmpi ne, %convert_element_type3A_133, %cond3A_134 : i32
      scf.if %cond3A_135 {
        %mul3A_202 = arith.constant 16 : i32
        %mul3A_203 = arith.muli %mul3A_202, %add3A_127 : i32
        %add3A_204 = arith.addi %arg1, %mul3A_203 : i32
        %mul3A_205 = arith.constant 32 : i32
        %mul3A_206 = arith.muli %add3A_204, %mul3A_205 : i32
        "tpu.region"() ({
          %run_scoped3A = tpu.sem_alloc : memref<!tpu.dma_semaphore, #tpu.memory_space<semaphore_mem>>
          %dma_start3A_223 = tpu.memref_slice %arg4[%mul3A_206] : memref<800000xi32, #tpu.memory_space<hbm>> -> memref<32xi32, #tpu.memory_space<hbm>>
          %dma_start3A_224 = tpu.memref_slice %arg4[%mul3A_206] : memref<800000xi32, #tpu.memory_space<hbm>> -> memref<32xi32, #tpu.memory_space<hbm>>
          tpu.enqueue_dma source(%dma_start3A_224 : memref<32xi32, #tpu.memory_space<hbm>>) target(%arg11 : memref<32xi32, #tpu.memory_space<vmem>>) target_semaphore(%run_scoped3A : memref<!tpu.dma_semaphore, #tpu.memory_space<semaphore_mem>>)
          %dma_wait3A = tpu.memref_slice %arg4[%mul3A_206] : memref<800000xi32, #tpu.memory_space<hbm>> -> memref<32xi32, #tpu.memory_space<hbm>>
          %dma_wait3A_225 = tpu.memref_slice %arg4[%mul3A_206] : memref<800000xi32, #tpu.memory_space<hbm>> -> memref<32xi32, #tpu.memory_space<hbm>>
          tpu.wait_dma2 semaphore(%run_scoped3A : memref<!tpu.dma_semaphore, #tpu.memory_space<semaphore_mem>>) src(%dma_wait3A_225 : memref<32xi32, #tpu.memory_space<hbm>>) dst(%arg11 : memref<32xi32, #tpu.memory_space<vmem>>)
          tpu.yield
        }) : () -> ()
        "tpu.region"() ({
          %run_scoped3A = tpu.sem_alloc : memref<!tpu.dma_semaphore, #tpu.memory_space<semaphore_mem>>
          %dma_start3A_223 = tpu.memref_slice %arg5[%mul3A_206] : memref<800000xi32, #tpu.memory_space<hbm>> -> memref<32xi32, #tpu.memory_space<hbm>>
          %dma_start3A_224 = tpu.memref_slice %arg5[%mul3A_206] : memref<800000xi32, #tpu.memory_space<hbm>> -> memref<32xi32, #tpu.memory_space<hbm>>
          tpu.enqueue_dma source(%dma_start3A_224 : memref<32xi32, #tpu.memory_space<hbm>>) target(%arg13 : memref<32xi32, #tpu.memory_space<vmem>>) target_semaphore(%run_scoped3A : memref<!tpu.dma_semaphore, #tpu.memory_space<semaphore_mem>>)
          %dma_wait3A = tpu.memref_slice %arg5[%mul3A_206] : memref<800000xi32, #tpu.memory_space<hbm>> -> memref<32xi32, #tpu.memory_space<hbm>>
          %dma_wait3A_225 = tpu.memref_slice %arg5[%mul3A_206] : memref<800000xi32, #tpu.memory_space<hbm>> -> memref<32xi32, #tpu.memory_space<hbm>>
          tpu.wait_dma2 semaphore(%run_scoped3A : memref<!tpu.dma_semaphore, #tpu.memory_space<semaphore_mem>>) src(%dma_wait3A_225 : memref<32xi32, #tpu.memory_space<hbm>>) dst(%arg13 : memref<32xi32, #tpu.memory_space<vmem>>)
          tpu.yield
        }) : () -> ()
        %get3A_207 = arith.constant 0 : index
        %get3A_208 = tpu.vector_load %arg11[%get3A_207] {strides = array<i32>} : memref<32xi32, #tpu.memory_space<vmem>>, vector<16xi32>,
        %add3A_209 = vector.broadcast %mul3A_1 : i32 to vector<16xi32>
        %add3A_210 = arith.addi %get3A_208, %add3A_209 : vector<16xi32>
        %swap3A = arith.constant 0 : index
        %swap3A_211 = tpu.vector_load %arg11[%swap3A] {strides = array<i32>} : memref<32xi32, #tpu.memory_space<vmem>>, vector<16xi32>,
        tpu.vector_store %arg11[%swap3A], %add3A_210 {strides = array<i32>} : memref<32xi32, #tpu.memory_space<vmem>>, vector<16xi32>,
        %get3A_212 = arith.constant 16 : index
        %get3A_213 = tpu.vector_load %arg11[%get3A_212] {strides = array<i32>} : memref<32xi32, #tpu.memory_space<vmem>>, vector<16xi32>,
        %add3A_214 = vector.broadcast %mul3A_1 : i32 to vector<16xi32>
        %add3A_215 = arith.addi %get3A_213, %add3A_214 : vector<16xi32>
        %swap3A_216 = arith.constant 16 : index
        %swap3A_217 = tpu.vector_load %arg11[%swap3A_216] {strides = array<i32>} : memref<32xi32, #tpu.memory_space<vmem>>, vector<16xi32>,
        tpu.vector_store %arg11[%swap3A_216], %add3A_215 {strides = array<i32>} : memref<32xi32, #tpu.memory_space<vmem>>, vector<16xi32>,
        %dma_start3A = arith.constant 0 : i32
        %dma_start3A_218 = arith.constant 0 : i32
        %dma_start3A_219 = tpu.memref_slice %arg2[%dma_start3A, %dma_start3A_218] : memref<100000x40xf32, #tpu.memory_space<hbm>> -> memref<100000x40xf32, #tpu.memory_space<hbm>>
        tpu.enqueue_indirect_dma source(%dma_start3A_219 : memref<100000x40xf32, #tpu.memory_space<hbm>>) target(%arg15 : memref<32x40xf32, #tpu.memory_space<vmem>>) offsets(%arg11 : memref<32xi32, #tpu.memory_space<vmem>>) semaphore(%arg22 : memref<!tpu.dma_semaphore, #tpu.memory_space<semaphore_mem>>)
        %dma_start3A_220 = arith.constant 0 : i32
        %dma_start3A_221 = arith.constant 0 : i32
        %dma_start3A_222 = tpu.memref_slice %arg3[%dma_start3A_220, %dma_start3A_221] : memref<50000x8xf32, #tpu.memory_space<hbm>> -> memref<50000x8xf32, #tpu.memory_space<hbm>>
        tpu.enqueue_indirect_dma source(%dma_start3A_222 : memref<50000x8xf32, #tpu.memory_space<hbm>>) target(%arg17 : memref<32x8xf32, #tpu.memory_space<vmem>>) offsets(%arg13 : memref<32xi32, #tpu.memory_space<vmem>>) semaphore(%arg24 : memref<!tpu.dma_semaphore, #tpu.memory_space<semaphore_mem>>)
      } else {
      }
      %mul3A_136 = arith.constant 16 : i32
      %mul3A_137 = arith.muli %mul3A_136, %mul3A_125 : i32
      %add3A_138 = arith.addi %arg1, %mul3A_137 : i32
      %lt3A_139 = arith.constant 25000 : i32
      %lt3A_140 = arith.cmpi slt, %add3A_138, %lt3A_139 : i32
      %convert_element_type3A_141 = arith.extui %lt3A_140 : i1 to i32
      %cond3A_142 = arith.constant 0 : i32
      %cond3A_143 = arith.cmpi ne, %convert_element_type3A_141, %cond3A_142 : i32
      scf.if %cond3A_143 {
        %dma_wait3A = arith.constant 0 : i32
        %dma_wait3A_202 = arith.constant 0 : i32
        %dma_wait3A_203 = tpu.memref_slice %arg2[%dma_wait3A, %dma_wait3A_202] : memref<100000x40xf32, #tpu.memory_space<hbm>> -> memref<100000x40xf32, #tpu.memory_space<hbm>>
        tpu.wait_indirect_dma semaphore(%arg21 : memref<!tpu.dma_semaphore, #tpu.memory_space<semaphore_mem>>) src(%dma_wait3A_203 : memref<100000x40xf32, #tpu.memory_space<hbm>>) dst(%arg14 : memref<32x40xf32, #tpu.memory_space<vmem>>)
        %dma_wait3A_204 = arith.constant 0 : i32
        %dma_wait3A_205 = arith.constant 0 : i32
        %dma_wait3A_206 = tpu.memref_slice %arg3[%dma_wait3A_204, %dma_wait3A_205] : memref<50000x8xf32, #tpu.memory_space<hbm>> -> memref<50000x8xf32, #tpu.memory_space<hbm>>
        tpu.wait_indirect_dma semaphore(%arg23 : memref<!tpu.dma_semaphore, #tpu.memory_space<semaphore_mem>>) src(%dma_wait3A_206 : memref<50000x8xf32, #tpu.memory_space<hbm>>) dst(%arg16 : memref<32x8xf32, #tpu.memory_space<vmem>>)
      } else {
      }
      %sub3A = arith.constant 2 : i32
      %sub3A_144 = arith.subi %mul3A_125, %sub3A : i32
      %ge3A = arith.constant 0 : i32
      %ge3A_145 = arith.cmpi sge, %sub3A_144, %ge3A : i32
      %mul3A_146 = arith.constant 16 : i32
      %mul3A_147 = arith.muli %mul3A_146, %sub3A_144 : i32
      %add3A_148 = arith.addi %arg1, %mul3A_147 : i32
      %lt3A_149 = arith.constant 25000 : i32
      %lt3A_150 = arith.cmpi slt, %add3A_148, %lt3A_149 : i32
      %and3A_151 = arith.andi %ge3A_145, %lt3A_150 : i1
      %convert_element_type3A_152 = arith.extui %and3A_151 : i1 to i32
      %cond3A_153 = arith.constant 0 : i32
      %cond3A_154 = arith.cmpi ne, %convert_element_type3A_152, %cond3A_153 : i32
      scf.if %cond3A_154 {
        %dma_wait3A = arith.constant 0 : i32
        %dma_wait3A_202 = arith.constant 0 : i32
        %dma_wait3A_203 = tpu.memref_slice %arg9[%dma_wait3A, %dma_wait3A_202] : memref<50000x40xf32, #tpu.memory_space<vmem_shared>> -> memref<50000x40xf32, #tpu.memory_space<vmem_shared>>
        tpu.wait_indirect_dma semaphore(%arg25 : memref<!tpu.dma_semaphore, #tpu.memory_space<semaphore_mem>>) src(%arg18 : memref<32x40xf32, #tpu.memory_space<vmem>>) dst(%dma_wait3A_203 : memref<50000x40xf32, #tpu.memory_space<vmem_shared>>)
      } else {
      }
      %mul3A_155 = arith.constant 16 : i32
      %mul3A_156 = arith.muli %mul3A_155, %mul3A_125 : i32
      %add3A_157 = arith.addi %arg1, %mul3A_156 : i32
      %lt3A_158 = arith.constant 25000 : i32
      %lt3A_159 = arith.cmpi slt, %add3A_157, %lt3A_158 : i32
      %convert_element_type3A_160 = arith.extui %lt3A_159 : i1 to i32
      %cond3A_161 = arith.constant 0 : i32
      %cond3A_162 = arith.cmpi ne, %convert_element_type3A_160, %cond3A_161 : i32
      scf.if %cond3A_162 {
        %scan3A_202 = arith.constant 0 : i32
        %scan3A_203 = arith.constant 0 : i32
        %scan3A_204 = arith.constant 2 : i32
        %scan3A_205 = arith.addi %scan3A_203, %scan3A_204 : i32
        %scan3A_206 = arith.constant 1 : i32
        scf.for %scan3A_210 = %scan3A_203 to %scan3A_205 step %scan3A_206  : i32 {
          %mul3A_211 = arith.constant 16 : i32
          %mul3A_212 = arith.muli %scan3A_210, %mul3A_211 : i32
          %add3A_213 = vector.broadcast %mul3A_212 : i32 to vector<16xi32>
          %add3A_214 = arith.addi %add3A_213, %iota3A : vector<16xi32>
          %broadcast_in_dim3A_215 = arith.constant 32 : i32
          %broadcast_in_dim3A_216 = vector.broadcast %broadcast_in_dim3A_215 : i32 to vector<16xi32>
          %gather3A = tpu.vector_load_idx %arg14[%add3A_214, %broadcast_in_dim3A_216] : memref<32x40xf32, #tpu.memory_space<vmem>>[vector<16xi32>, vector<16xi32>], vector<16xf32>,
          %add3A_217 = arith.constant 0 : i32
          %add3A_218 = arith.addi %mul3A_3, %add3A_217 : i32
          %broadcast_in_dim3A_219 = vector.broadcast %add3A_218 : i32 to vector<16xi32>
          %gather3A_220 = tpu.vector_load_idx %arg16[%add3A_214, %broadcast_in_dim3A_219] : memref<32x8xf32, #tpu.memory_space<vmem>>[vector<16xi32>, vector<16xi32>], vector<16xf32>,
          %add3A_221 = arith.addf %gather3A, %gather3A_220 : vector<16xf32>
          %ge3A_222 = arith.constant 0.000000e+00 : f32
          %ge3A_223 = vector.broadcast %ge3A_222 : f32 to vector<16xf32>
          %ge3A_224 = arith.cmpf oge, %add3A_221, %ge3A_223 : vector<16xf32>
          %mul3A_225 = arith.constant 2.000000e-01 : f32
          %mul3A_226 = vector.broadcast %mul3A_225 : f32 to vector<16xf32>
          %mul3A_227 = arith.mulf %add3A_221, %mul3A_226 : vector<16xf32>
          %select_n3A = arith.select %ge3A_224, %add3A_221, %mul3A_227 : vector<16xi1>, vector<16xf32>
          %sub3A_228 = arith.subf %select_n3A, %get3A_0 : vector<16xf32>
          %exp3A = math.exp %sub3A_228 : vector<16xf32>
          %broadcast_in_dim3A_229 = arith.constant 32 : i32
          %broadcast_in_dim3A_230 = vector.broadcast %broadcast_in_dim3A_229 : i32 to vector<16xi32>
          tpu.vector_store_idx %arg18[%add3A_214, %broadcast_in_dim3A_230], %exp3A : memref<32x40xf32, #tpu.memory_space<vmem>>[vector<16xi32>, vector<16xi32>], vector<16xf32>,
          %broadcast_in_dim3A_231 = arith.constant 0 : i32
          %broadcast_in_dim3A_232 = vector.broadcast %broadcast_in_dim3A_231 : i32 to vector<16xi32>
          %gather3A_233 = tpu.vector_load_idx %arg14[%add3A_214, %broadcast_in_dim3A_232] : memref<32x40xf32, #tpu.memory_space<vmem>>[vector<16xi32>, vector<16xi32>], vector<16xf32>,
          %mul3A_234 = arith.mulf %gather3A_233, %exp3A : vector<16xf32>
          tpu.vector_store_idx %arg18[%add3A_214, %broadcast_in_dim3A_232], %mul3A_234 : memref<32x40xf32, #tpu.memory_space<vmem>>[vector<16xi32>, vector<16xi32>], vector<16xf32>,
          %broadcast_in_dim3A_235 = arith.constant 1 : i32
          %broadcast_in_dim3A_236 = vector.broadcast %broadcast_in_dim3A_235 : i32 to vector<16xi32>
          %gather3A_237 = tpu.vector_load_idx %arg14[%add3A_214, %broadcast_in_dim3A_236] : memref<32x40xf32, #tpu.memory_space<vmem>>[vector<16xi32>, vector<16xi32>], vector<16xf32>,
          %mul3A_238 = arith.mulf %gather3A_237, %exp3A : vector<16xf32>
          tpu.vector_store_idx %arg18[%add3A_214, %broadcast_in_dim3A_236], %mul3A_238 : memref<32x40xf32, #tpu.memory_space<vmem>>[vector<16xi32>, vector<16xi32>], vector<16xf32>,
          %broadcast_in_dim3A_239 = arith.constant 2 : i32
          %broadcast_in_dim3A_240 = vector.broadcast %broadcast_in_dim3A_239 : i32 to vector<16xi32>
          %gather3A_241 = tpu.vector_load_idx %arg14[%add3A_214, %broadcast_in_dim3A_240] : memref<32x40xf32, #tpu.memory_space<vmem>>[vector<16xi32>, vector<16xi32>], vector<16xf32>,
          %mul3A_242 = arith.mulf %gather3A_241, %exp3A : vector<16xf32>
          tpu.vector_store_idx %arg18[%add3A_214, %broadcast_in_dim3A_240], %mul3A_242 : memref<32x40xf32, #tpu.memory_space<vmem>>[vector<16xi32>, vector<16xi32>], vector<16xf32>,
          %broadcast_in_dim3A_243 = arith.constant 3 : i32
          %broadcast_in_dim3A_244 = vector.broadcast %broadcast_in_dim3A_243 : i32 to vector<16xi32>
          %gather3A_245 = tpu.vector_load_idx %arg14[%add3A_214, %broadcast_in_dim3A_244] : memref<32x40xf32, #tpu.memory_space<vmem>>[vector<16xi32>, vector<16xi32>], vector<16xf32>,
          %mul3A_246 = arith.mulf %gather3A_245, %exp3A : vector<16xf32>
          tpu.vector_store_idx %arg18[%add3A_214, %broadcast_in_dim3A_244], %mul3A_246 : memref<32x40xf32, #tpu.memory_space<vmem>>[vector<16xi32>, vector<16xi32>], vector<16xf32>,
          %broadcast_in_dim3A_247 = arith.constant 4 : i32
          %broadcast_in_dim3A_248 = vector.broadcast %broadcast_in_dim3A_247 : i32 to vector<16xi32>
          %gather3A_249 = tpu.vector_load_idx %arg14[%add3A_214, %broadcast_in_dim3A_248] : memref<32x40xf32, #tpu.memory_space<vmem>>[vector<16xi32>, vector<16xi32>], vector<16xf32>,
          %mul3A_250 = arith.mulf %gather3A_249, %exp3A : vector<16xf32>
          tpu.vector_store_idx %arg18[%add3A_214, %broadcast_in_dim3A_248], %mul3A_250 : memref<32x40xf32, #tpu.memory_space<vmem>>[vector<16xi32>, vector<16xi32>], vector<16xf32>,
          %broadcast_in_dim3A_251 = arith.constant 5 : i32
          %broadcast_in_dim3A_252 = vector.broadcast %broadcast_in_dim3A_251 : i32 to vector<16xi32>
          %gather3A_253 = tpu.vector_load_idx %arg14[%add3A_214, %broadcast_in_dim3A_252] : memref<32x40xf32, #tpu.memory_space<vmem>>[vector<16xi32>, vector<16xi32>], vector<16xf32>,
          %mul3A_254 = arith.mulf %gather3A_253, %exp3A : vector<16xf32>
          tpu.vector_store_idx %arg18[%add3A_214, %broadcast_in_dim3A_252], %mul3A_254 : memref<32x40xf32, #tpu.memory_space<vmem>>[vector<16xi32>, vector<16xi32>], vector<16xf32>,
          %broadcast_in_dim3A_255 = arith.constant 6 : i32
          %broadcast_in_dim3A_256 = vector.broadcast %broadcast_in_dim3A_255 : i32 to vector<16xi32>
          %gather3A_257 = tpu.vector_load_idx %arg14[%add3A_214, %broadcast_in_dim3A_256] : memref<32x40xf32, #tpu.memory_space<vmem>>[vector<16xi32>, vector<16xi32>], vector<16xf32>,
          %mul3A_258 = arith.mulf %gather3A_257, %exp3A : vector<16xf32>
          tpu.vector_store_idx %arg18[%add3A_214, %broadcast_in_dim3A_256], %mul3A_258 : memref<32x40xf32, #tpu.memory_space<vmem>>[vector<16xi32>, vector<16xi32>], vector<16xf32>,
          %broadcast_in_dim3A_259 = arith.constant 7 : i32
          %broadcast_in_dim3A_260 = vector.broadcast %broadcast_in_dim3A_259 : i32 to vector<16xi32>
          %gather3A_261 = tpu.vector_load_idx %arg14[%add3A_214, %broadcast_in_dim3A_260] : memref<32x40xf32, #tpu.memory_space<vmem>>[vector<16xi32>, vector<16xi32>], vector<16xf32>,
          %mul3A_262 = arith.mulf %gather3A_261, %exp3A : vector<16xf32>
          tpu.vector_store_idx %arg18[%add3A_214, %broadcast_in_dim3A_260], %mul3A_262 : memref<32x40xf32, #tpu.memory_space<vmem>>[vector<16xi32>, vector<16xi32>], vector<16xf32>,
          %broadcast_in_dim3A_263 = arith.constant 33 : i32
          %broadcast_in_dim3A_264 = vector.broadcast %broadcast_in_dim3A_263 : i32 to vector<16xi32>
          %gather3A_265 = tpu.vector_load_idx %arg14[%add3A_214, %broadcast_in_dim3A_264] : memref<32x40xf32, #tpu.memory_space<vmem>>[vector<16xi32>, vector<16xi32>], vector<16xf32>,
          %add3A_266 = arith.constant 1 : i32
          %add3A_267 = arith.addi %mul3A_3, %add3A_266 : i32
          %broadcast_in_dim3A_268 = vector.broadcast %add3A_267 : i32 to vector<16xi32>
          %gather3A_269 = tpu.vector_load_idx %arg16[%add3A_214, %broadcast_in_dim3A_268] : memref<32x8xf32, #tpu.memory_space<vmem>>[vector<16xi32>, vector<16xi32>], vector<16xf32>,
          %add3A_270 = arith.addf %gather3A_265, %gather3A_269 : vector<16xf32>
          %ge3A_271 = arith.constant 0.000000e+00 : f32
          %ge3A_272 = vector.broadcast %ge3A_271 : f32 to vector<16xf32>
          %ge3A_273 = arith.cmpf oge, %add3A_270, %ge3A_272 : vector<16xf32>
          %mul3A_274 = arith.constant 2.000000e-01 : f32
          %mul3A_275 = vector.broadcast %mul3A_274 : f32 to vector<16xf32>
          %mul3A_276 = arith.mulf %add3A_270, %mul3A_275 : vector<16xf32>
          %select_n3A_277 = arith.select %ge3A_273, %add3A_270, %mul3A_276 : vector<16xi1>, vector<16xf32>
          %sub3A_278 = arith.subf %select_n3A_277, %get3A_0 : vector<16xf32>
          %exp3A_279 = math.exp %sub3A_278 : vector<16xf32>
          %broadcast_in_dim3A_280 = arith.constant 33 : i32
          %broadcast_in_dim3A_281 = vector.broadcast %broadcast_in_dim3A_280 : i32 to vector<16xi32>
          tpu.vector_store_idx %arg18[%add3A_214, %broadcast_in_dim3A_281], %exp3A_279 : memref<32x40xf32, #tpu.memory_space<vmem>>[vector<16xi32>, vector<16xi32>], vector<16xf32>,
          %broadcast_in_dim3A_282 = arith.constant 8 : i32
          %broadcast_in_dim3A_283 = vector.broadcast %broadcast_in_dim3A_282 : i32 to vector<16xi32>
          %gather3A_284 = tpu.vector_load_idx %arg14[%add3A_214, %broadcast_in_dim3A_283] : memref<32x40xf32, #tpu.memory_space<vmem>>[vector<16xi32>, vector<16xi32>], vector<16xf32>,
          %mul3A_285 = arith.mulf %gather3A_284, %exp3A_279 : vector<16xf32>
          tpu.vector_store_idx %arg18[%add3A_214, %broadcast_in_dim3A_283], %mul3A_285 : memref<32x40xf32, #tpu.memory_space<vmem>>[vector<16xi32>, vector<16xi32>], vector<16xf32>,
          %broadcast_in_dim3A_286 = arith.constant 9 : i32
          %broadcast_in_dim3A_287 = vector.broadcast %broadcast_in_dim3A_286 : i32 to vector<16xi32>
          %gather3A_288 = tpu.vector_load_idx %arg14[%add3A_214, %broadcast_in_dim3A_287] : memref<32x40xf32, #tpu.memory_space<vmem>>[vector<16xi32>, vector<16xi32>], vector<16xf32>,
          %mul3A_289 = arith.mulf %gather3A_288, %exp3A_279 : vector<16xf32>
          tpu.vector_store_idx %arg18[%add3A_214, %broadcast_in_dim3A_287], %mul3A_289 : memref<32x40xf32, #tpu.memory_space<vmem>>[vector<16xi32>, vector<16xi32>], vector<16xf32>,
          %broadcast_in_dim3A_290 = arith.constant 10 : i32
          %broadcast_in_dim3A_291 = vector.broadcast %broadcast_in_dim3A_290 : i32 to vector<16xi32>
          %gather3A_292 = tpu.vector_load_idx %arg14[%add3A_214, %broadcast_in_dim3A_291] : memref<32x40xf32, #tpu.memory_space<vmem>>[vector<16xi32>, vector<16xi32>], vector<16xf32>,
          %mul3A_293 = arith.mulf %gather3A_292, %exp3A_279 : vector<16xf32>
          tpu.vector_store_idx %arg18[%add3A_214, %broadcast_in_dim3A_291], %mul3A_293 : memref<32x40xf32, #tpu.memory_space<vmem>>[vector<16xi32>, vector<16xi32>], vector<16xf32>,
          %broadcast_in_dim3A_294 = arith.constant 11 : i32
          %broadcast_in_dim3A_295 = vector.broadcast %broadcast_in_dim3A_294 : i32 to vector<16xi32>
          %gather3A_296 = tpu.vector_load_idx %arg14[%add3A_214, %broadcast_in_dim3A_295] : memref<32x40xf32, #tpu.memory_space<vmem>>[vector<16xi32>, vector<16xi32>], vector<16xf32>,
          %mul3A_297 = arith.mulf %gather3A_296, %exp3A_279 : vector<16xf32>
          tpu.vector_store_idx %arg18[%add3A_214, %broadcast_in_dim3A_295], %mul3A_297 : memref<32x40xf32, #tpu.memory_space<vmem>>[vector<16xi32>, vector<16xi32>], vector<16xf32>,
          %broadcast_in_dim3A_298 = arith.constant 12 : i32
          %broadcast_in_dim3A_299 = vector.broadcast %broadcast_in_dim3A_298 : i32 to vector<16xi32>
          %gather3A_300 = tpu.vector_load_idx %arg14[%add3A_214, %broadcast_in_dim3A_299] : memref<32x40xf32, #tpu.memory_space<vmem>>[vector<16xi32>, vector<16xi32>], vector<16xf32>,
          %mul3A_301 = arith.mulf %gather3A_300, %exp3A_279 : vector<16xf32>
          tpu.vector_store_idx %arg18[%add3A_214, %broadcast_in_dim3A_299], %mul3A_301 : memref<32x40xf32, #tpu.memory_space<vmem>>[vector<16xi32>, vector<16xi32>], vector<16xf32>,
          %broadcast_in_dim3A_302 = arith.constant 13 : i32
          %broadcast_in_dim3A_303 = vector.broadcast %broadcast_in_dim3A_302 : i32 to vector<16xi32>
          %gather3A_304 = tpu.vector_load_idx %arg14[%add3A_214, %broadcast_in_dim3A_303] : memref<32x40xf32, #tpu.memory_space<vmem>>[vector<16xi32>, vector<16xi32>], vector<16xf32>,
          %mul3A_305 = arith.mulf %gather3A_304, %exp3A_279 : vector<16xf32>
          tpu.vector_store_idx %arg18[%add3A_214, %broadcast_in_dim3A_303], %mul3A_305 : memref<32x40xf32, #tpu.memory_space<vmem>>[vector<16xi32>, vector<16xi32>], vector<16xf32>,
          %broadcast_in_dim3A_306 = arith.constant 14 : i32
          %broadcast_in_dim3A_307 = vector.broadcast %broadcast_in_dim3A_306 : i32 to vector<16xi32>
          %gather3A_308 = tpu.vector_load_idx %arg14[%add3A_214, %broadcast_in_dim3A_307] : memref<32x40xf32, #tpu.memory_space<vmem>>[vector<16xi32>, vector<16xi32>], vector<16xf32>,
          %mul3A_309 = arith.mulf %gather3A_308, %exp3A_279 : vector<16xf32>
          tpu.vector_store_idx %arg18[%add3A_214, %broadcast_in_dim3A_307], %mul3A_309 : memref<32x40xf32, #tpu.memory_space<vmem>>[vector<16xi32>, vector<16xi32>], vector<16xf32>,
          %broadcast_in_dim3A_310 = arith.constant 15 : i32
          %broadcast_in_dim3A_311 = vector.broadcast %broadcast_in_dim3A_310 : i32 to vector<16xi32>
          %gather3A_312 = tpu.vector_load_idx %arg14[%add3A_214, %broadcast_in_dim3A_311] : memref<32x40xf32, #tpu.memory_space<vmem>>[vector<16xi32>, vector<16xi32>], vector<16xf32>,
          %mul3A_313 = arith.mulf %gather3A_312, %exp3A_279 : vector<16xf32>
          tpu.vector_store_idx %arg18[%add3A_214, %broadcast_in_dim3A_311], %mul3A_313 : memref<32x40xf32, #tpu.memory_space<vmem>>[vector<16xi32>, vector<16xi32>], vector<16xf32>,
          %broadcast_in_dim3A_314 = arith.constant 34 : i32
          %broadcast_in_dim3A_315 = vector.broadcast %broadcast_in_dim3A_314 : i32 to vector<16xi32>
          %gather3A_316 = tpu.vector_load_idx %arg14[%add3A_214, %broadcast_in_dim3A_315] : memref<32x40xf32, #tpu.memory_space<vmem>>[vector<16xi32>, vector<16xi32>], vector<16xf32>,
          %add3A_317 = arith.constant 2 : i32
          %add3A_318 = arith.addi %mul3A_3, %add3A_317 : i32
          %broadcast_in_dim3A_319 = vector.broadcast %add3A_318 : i32 to vector<16xi32>
          %gather3A_320 = tpu.vector_load_idx %arg16[%add3A_214, %broadcast_in_dim3A_319] : memref<32x8xf32, #tpu.memory_space<vmem>>[vector<16xi32>, vector<16xi32>], vector<16xf32>,
          %add3A_321 = arith.addf %gather3A_316, %gather3A_320 : vector<16xf32>
          %ge3A_322 = arith.constant 0.000000e+00 : f32
          %ge3A_323 = vector.broadcast %ge3A_322 : f32 to vector<16xf32>
          %ge3A_324 = arith.cmpf oge, %add3A_321, %ge3A_323 : vector<16xf32>
          %mul3A_325 = arith.constant 2.000000e-01 : f32
          %mul3A_326 = vector.broadcast %mul3A_325 : f32 to vector<16xf32>
          %mul3A_327 = arith.mulf %add3A_321, %mul3A_326 : vector<16xf32>
          %select_n3A_328 = arith.select %ge3A_324, %add3A_321, %mul3A_327 : vector<16xi1>, vector<16xf32>
          %sub3A_329 = arith.subf %select_n3A_328, %get3A_0 : vector<16xf32>
          %exp3A_330 = math.exp %sub3A_329 : vector<16xf32>
          %broadcast_in_dim3A_331 = arith.constant 34 : i32
          %broadcast_in_dim3A_332 = vector.broadcast %broadcast_in_dim3A_331 : i32 to vector<16xi32>
          tpu.vector_store_idx %arg18[%add3A_214, %broadcast_in_dim3A_332], %exp3A_330 : memref<32x40xf32, #tpu.memory_space<vmem>>[vector<16xi32>, vector<16xi32>], vector<16xf32>,
          %broadcast_in_dim3A_333 = arith.constant 16 : i32
          %broadcast_in_dim3A_334 = vector.broadcast %broadcast_in_dim3A_333 : i32 to vector<16xi32>
          %gather3A_335 = tpu.vector_load_idx %arg14[%add3A_214, %broadcast_in_dim3A_334] : memref<32x40xf32, #tpu.memory_space<vmem>>[vector<16xi32>, vector<16xi32>], vector<16xf32>,
          %mul3A_336 = arith.mulf %gather3A_335, %exp3A_330 : vector<16xf32>
          tpu.vector_store_idx %arg18[%add3A_214, %broadcast_in_dim3A_334], %mul3A_336 : memref<32x40xf32, #tpu.memory_space<vmem>>[vector<16xi32>, vector<16xi32>], vector<16xf32>,
          %broadcast_in_dim3A_337 = arith.constant 17 : i32
          %broadcast_in_dim3A_338 = vector.broadcast %broadcast_in_dim3A_337 : i32 to vector<16xi32>
          %gather3A_339 = tpu.vector_load_idx %arg14[%add3A_214, %broadcast_in_dim3A_338] : memref<32x40xf32, #tpu.memory_space<vmem>>[vector<16xi32>, vector<16xi32>], vector<16xf32>,
          %mul3A_340 = arith.mulf %gather3A_339, %exp3A_330 : vector<16xf32>
          tpu.vector_store_idx %arg18[%add3A_214, %broadcast_in_dim3A_338], %mul3A_340 : memref<32x40xf32, #tpu.memory_space<vmem>>[vector<16xi32>, vector<16xi32>], vector<16xf32>,
          %broadcast_in_dim3A_341 = arith.constant 18 : i32
          %broadcast_in_dim3A_342 = vector.broadcast %broadcast_in_dim3A_341 : i32 to vector<16xi32>
          %gather3A_343 = tpu.vector_load_idx %arg14[%add3A_214, %broadcast_in_dim3A_342] : memref<32x40xf32, #tpu.memory_space<vmem>>[vector<16xi32>, vector<16xi32>], vector<16xf32>,
          %mul3A_344 = arith.mulf %gather3A_343, %exp3A_330 : vector<16xf32>
          tpu.vector_store_idx %arg18[%add3A_214, %broadcast_in_dim3A_342], %mul3A_344 : memref<32x40xf32, #tpu.memory_space<vmem>>[vector<16xi32>, vector<16xi32>], vector<16xf32>,
          %broadcast_in_dim3A_345 = arith.constant 19 : i32
          %broadcast_in_dim3A_346 = vector.broadcast %broadcast_in_dim3A_345 : i32 to vector<16xi32>
          %gather3A_347 = tpu.vector_load_idx %arg14[%add3A_214, %broadcast_in_dim3A_346] : memref<32x40xf32, #tpu.memory_space<vmem>>[vector<16xi32>, vector<16xi32>], vector<16xf32>,
          %mul3A_348 = arith.mulf %gather3A_347, %exp3A_330 : vector<16xf32>
          tpu.vector_store_idx %arg18[%add3A_214, %broadcast_in_dim3A_346], %mul3A_348 : memref<32x40xf32, #tpu.memory_space<vmem>>[vector<16xi32>, vector<16xi32>], vector<16xf32>,
          %broadcast_in_dim3A_349 = arith.constant 20 : i32
          %broadcast_in_dim3A_350 = vector.broadcast %broadcast_in_dim3A_349 : i32 to vector<16xi32>
          %gather3A_351 = tpu.vector_load_idx %arg14[%add3A_214, %broadcast_in_dim3A_350] : memref<32x40xf32, #tpu.memory_space<vmem>>[vector<16xi32>, vector<16xi32>], vector<16xf32>,
          %mul3A_352 = arith.mulf %gather3A_351, %exp3A_330 : vector<16xf32>
          tpu.vector_store_idx %arg18[%add3A_214, %broadcast_in_dim3A_350], %mul3A_352 : memref<32x40xf32, #tpu.memory_space<vmem>>[vector<16xi32>, vector<16xi32>], vector<16xf32>,
          %broadcast_in_dim3A_353 = arith.constant 21 : i32
          %broadcast_in_dim3A_354 = vector.broadcast %broadcast_in_dim3A_353 : i32 to vector<16xi32>
          %gather3A_355 = tpu.vector_load_idx %arg14[%add3A_214, %broadcast_in_dim3A_354] : memref<32x40xf32, #tpu.memory_space<vmem>>[vector<16xi32>, vector<16xi32>], vector<16xf32>,
          %mul3A_356 = arith.mulf %gather3A_355, %exp3A_330 : vector<16xf32>
          tpu.vector_store_idx %arg18[%add3A_214, %broadcast_in_dim3A_354], %mul3A_356 : memref<32x40xf32, #tpu.memory_space<vmem>>[vector<16xi32>, vector<16xi32>], vector<16xf32>,
          %broadcast_in_dim3A_357 = arith.constant 22 : i32
          %broadcast_in_dim3A_358 = vector.broadcast %broadcast_in_dim3A_357 : i32 to vector<16xi32>
          %gather3A_359 = tpu.vector_load_idx %arg14[%add3A_214, %broadcast_in_dim3A_358] : memref<32x40xf32, #tpu.memory_space<vmem>>[vector<16xi32>, vector<16xi32>], vector<16xf32>,
          %mul3A_360 = arith.mulf %gather3A_359, %exp3A_330 : vector<16xf32>
          tpu.vector_store_idx %arg18[%add3A_214, %broadcast_in_dim3A_358], %mul3A_360 : memref<32x40xf32, #tpu.memory_space<vmem>>[vector<16xi32>, vector<16xi32>], vector<16xf32>,
          %broadcast_in_dim3A_361 = arith.constant 23 : i32
          %broadcast_in_dim3A_362 = vector.broadcast %broadcast_in_dim3A_361 : i32 to vector<16xi32>
          %gather3A_363 = tpu.vector_load_idx %arg14[%add3A_214, %broadcast_in_dim3A_362] : memref<32x40xf32, #tpu.memory_space<vmem>>[vector<16xi32>, vector<16xi32>], vector<16xf32>,
          %mul3A_364 = arith.mulf %gather3A_363, %exp3A_330 : vector<16xf32>
          tpu.vector_store_idx %arg18[%add3A_214, %broadcast_in_dim3A_362], %mul3A_364 : memref<32x40xf32, #tpu.memory_space<vmem>>[vector<16xi32>, vector<16xi32>], vector<16xf32>,
          %broadcast_in_dim3A_365 = arith.constant 35 : i32
          %broadcast_in_dim3A_366 = vector.broadcast %broadcast_in_dim3A_365 : i32 to vector<16xi32>
          %gather3A_367 = tpu.vector_load_idx %arg14[%add3A_214, %broadcast_in_dim3A_366] : memref<32x40xf32, #tpu.memory_space<vmem>>[vector<16xi32>, vector<16xi32>], vector<16xf32>,
          %add3A_368 = arith.constant 3 : i32
          %add3A_369 = arith.addi %mul3A_3, %add3A_368 : i32
          %broadcast_in_dim3A_370 = vector.broadcast %add3A_369 : i32 to vector<16xi32>
          %gather3A_371 = tpu.vector_load_idx %arg16[%add3A_214, %broadcast_in_dim3A_370] : memref<32x8xf32, #tpu.memory_space<vmem>>[vector<16xi32>, vector<16xi32>], vector<16xf32>,
          %add3A_372 = arith.addf %gather3A_367, %gather3A_371 : vector<16xf32>
          %ge3A_373 = arith.constant 0.000000e+00 : f32
          %ge3A_374 = vector.broadcast %ge3A_373 : f32 to vector<16xf32>
          %ge3A_375 = arith.cmpf oge, %add3A_372, %ge3A_374 : vector<16xf32>
          %mul3A_376 = arith.constant 2.000000e-01 : f32
          %mul3A_377 = vector.broadcast %mul3A_376 : f32 to vector<16xf32>
          %mul3A_378 = arith.mulf %add3A_372, %mul3A_377 : vector<16xf32>
          %select_n3A_379 = arith.select %ge3A_375, %add3A_372, %mul3A_378 : vector<16xi1>, vector<16xf32>
          %sub3A_380 = arith.subf %select_n3A_379, %get3A_0 : vector<16xf32>
          %exp3A_381 = math.exp %sub3A_380 : vector<16xf32>
          %broadcast_in_dim3A_382 = arith.constant 35 : i32
          %broadcast_in_dim3A_383 = vector.broadcast %broadcast_in_dim3A_382 : i32 to vector<16xi32>
          tpu.vector_store_idx %arg18[%add3A_214, %broadcast_in_dim3A_383], %exp3A_381 : memref<32x40xf32, #tpu.memory_space<vmem>>[vector<16xi32>, vector<16xi32>], vector<16xf32>,
          %broadcast_in_dim3A_384 = arith.constant 24 : i32
          %broadcast_in_dim3A_385 = vector.broadcast %broadcast_in_dim3A_384 : i32 to vector<16xi32>
          %gather3A_386 = tpu.vector_load_idx %arg14[%add3A_214, %broadcast_in_dim3A_385] : memref<32x40xf32, #tpu.memory_space<vmem>>[vector<16xi32>, vector<16xi32>], vector<16xf32>,
          %mul3A_387 = arith.mulf %gather3A_386, %exp3A_381 : vector<16xf32>
          tpu.vector_store_idx %arg18[%add3A_214, %broadcast_in_dim3A_385], %mul3A_387 : memref<32x40xf32, #tpu.memory_space<vmem>>[vector<16xi32>, vector<16xi32>], vector<16xf32>,
          %broadcast_in_dim3A_388 = arith.constant 25 : i32
          %broadcast_in_dim3A_389 = vector.broadcast %broadcast_in_dim3A_388 : i32 to vector<16xi32>
          %gather3A_390 = tpu.vector_load_idx %arg14[%add3A_214, %broadcast_in_dim3A_389] : memref<32x40xf32, #tpu.memory_space<vmem>>[vector<16xi32>, vector<16xi32>], vector<16xf32>,
          %mul3A_391 = arith.mulf %gather3A_390, %exp3A_381 : vector<16xf32>
          tpu.vector_store_idx %arg18[%add3A_214, %broadcast_in_dim3A_389], %mul3A_391 : memref<32x40xf32, #tpu.memory_space<vmem>>[vector<16xi32>, vector<16xi32>], vector<16xf32>,
          %broadcast_in_dim3A_392 = arith.constant 26 : i32
          %broadcast_in_dim3A_393 = vector.broadcast %broadcast_in_dim3A_392 : i32 to vector<16xi32>
          %gather3A_394 = tpu.vector_load_idx %arg14[%add3A_214, %broadcast_in_dim3A_393] : memref<32x40xf32, #tpu.memory_space<vmem>>[vector<16xi32>, vector<16xi32>], vector<16xf32>,
          %mul3A_395 = arith.mulf %gather3A_394, %exp3A_381 : vector<16xf32>
          tpu.vector_store_idx %arg18[%add3A_214, %broadcast_in_dim3A_393], %mul3A_395 : memref<32x40xf32, #tpu.memory_space<vmem>>[vector<16xi32>, vector<16xi32>], vector<16xf32>,
          %broadcast_in_dim3A_396 = arith.constant 27 : i32
          %broadcast_in_dim3A_397 = vector.broadcast %broadcast_in_dim3A_396 : i32 to vector<16xi32>
          %gather3A_398 = tpu.vector_load_idx %arg14[%add3A_214, %broadcast_in_dim3A_397] : memref<32x40xf32, #tpu.memory_space<vmem>>[vector<16xi32>, vector<16xi32>], vector<16xf32>,
          %mul3A_399 = arith.mulf %gather3A_398, %exp3A_381 : vector<16xf32>
          tpu.vector_store_idx %arg18[%add3A_214, %broadcast_in_dim3A_397], %mul3A_399 : memref<32x40xf32, #tpu.memory_space<vmem>>[vector<16xi32>, vector<16xi32>], vector<16xf32>,
          %broadcast_in_dim3A_400 = arith.constant 28 : i32
          %broadcast_in_dim3A_401 = vector.broadcast %broadcast_in_dim3A_400 : i32 to vector<16xi32>
          %gather3A_402 = tpu.vector_load_idx %arg14[%add3A_214, %broadcast_in_dim3A_401] : memref<32x40xf32, #tpu.memory_space<vmem>>[vector<16xi32>, vector<16xi32>], vector<16xf32>,
          %mul3A_403 = arith.mulf %gather3A_402, %exp3A_381 : vector<16xf32>
          tpu.vector_store_idx %arg18[%add3A_214, %broadcast_in_dim3A_401], %mul3A_403 : memref<32x40xf32, #tpu.memory_space<vmem>>[vector<16xi32>, vector<16xi32>], vector<16xf32>,
          %broadcast_in_dim3A_404 = arith.constant 29 : i32
          %broadcast_in_dim3A_405 = vector.broadcast %broadcast_in_dim3A_404 : i32 to vector<16xi32>
          %gather3A_406 = tpu.vector_load_idx %arg14[%add3A_214, %broadcast_in_dim3A_405] : memref<32x40xf32, #tpu.memory_space<vmem>>[vector<16xi32>, vector<16xi32>], vector<16xf32>,
          %mul3A_407 = arith.mulf %gather3A_406, %exp3A_381 : vector<16xf32>
          tpu.vector_store_idx %arg18[%add3A_214, %broadcast_in_dim3A_405], %mul3A_407 : memref<32x40xf32, #tpu.memory_space<vmem>>[vector<16xi32>, vector<16xi32>], vector<16xf32>,
          %broadcast_in_dim3A_408 = arith.constant 30 : i32
          %broadcast_in_dim3A_409 = vector.broadcast %broadcast_in_dim3A_408 : i32 to vector<16xi32>
          %gather3A_410 = tpu.vector_load_idx %arg14[%add3A_214, %broadcast_in_dim3A_409] : memref<32x40xf32, #tpu.memory_space<vmem>>[vector<16xi32>, vector<16xi32>], vector<16xf32>,
          %mul3A_411 = arith.mulf %gather3A_410, %exp3A_381 : vector<16xf32>
          tpu.vector_store_idx %arg18[%add3A_214, %broadcast_in_dim3A_409], %mul3A_411 : memref<32x40xf32, #tpu.memory_space<vmem>>[vector<16xi32>, vector<16xi32>], vector<16xf32>,
          %broadcast_in_dim3A_412 = arith.constant 31 : i32
          %broadcast_in_dim3A_413 = vector.broadcast %broadcast_in_dim3A_412 : i32 to vector<16xi32>
          %gather3A_414 = tpu.vector_load_idx %arg14[%add3A_214, %broadcast_in_dim3A_413] : memref<32x40xf32, #tpu.memory_space<vmem>>[vector<16xi32>, vector<16xi32>], vector<16xf32>,
          %mul3A_415 = arith.mulf %gather3A_414, %exp3A_381 : vector<16xf32>
          tpu.vector_store_idx %arg18[%add3A_214, %broadcast_in_dim3A_413], %mul3A_415 : memref<32x40xf32, #tpu.memory_space<vmem>>[vector<16xi32>, vector<16xi32>], vector<16xf32>,
        }
        %scan3A_207 = arith.constant 2 : i32
        %dma_start3A = arith.constant 0 : i32
        %dma_start3A_208 = arith.constant 0 : i32
        %dma_start3A_209 = tpu.memref_slice %arg9[%dma_start3A, %dma_start3A_208] : memref<50000x40xf32, #tpu.memory_space<vmem_shared>> -> memref<50000x40xf32, #tpu.memory_space<vmem_shared>>
        tpu.enqueue_indirect_dma source(%arg18 : memref<32x40xf32, #tpu.memory_space<vmem>>) target(%dma_start3A_209 : memref<50000x40xf32, #tpu.memory_space<vmem_shared>>) offsets(%arg12 : memref<32xi32, #tpu.memory_space<vmem>>) semaphore(%arg25 : memref<!tpu.dma_semaphore, #tpu.memory_space<semaphore_mem>>) {add = true}
      } else {
      }
      %add3A_163 = arith.constant 2 : i32
      %add3A_164 = arith.addi %mul3A_125, %add3A_163 : i32
      %mul3A_165 = arith.constant 16 : i32
      %mul3A_166 = arith.muli %mul3A_165, %add3A_164 : i32
      %add3A_167 = arith.addi %arg1, %mul3A_166 : i32
      %lt3A_168 = arith.constant 25000 : i32
      %lt3A_169 = arith.cmpi slt, %add3A_167, %lt3A_168 : i32
      %convert_element_type3A_170 = arith.extui %lt3A_169 : i1 to i32
      %cond3A_171 = arith.constant 0 : i32
      %cond3A_172 = arith.cmpi ne, %convert_element_type3A_170, %cond3A_171 : i32
      scf.if %cond3A_172 {
        %mul3A_202 = arith.constant 16 : i32
        %mul3A_203 = arith.muli %mul3A_202, %add3A_164 : i32
        %add3A_204 = arith.addi %arg1, %mul3A_203 : i32
        %mul3A_205 = arith.constant 32 : i32
        %mul3A_206 = arith.muli %add3A_204, %mul3A_205 : i32
        "tpu.region"() ({
          %run_scoped3A = tpu.sem_alloc : memref<!tpu.dma_semaphore, #tpu.memory_space<semaphore_mem>>
          %dma_start3A_223 = tpu.memref_slice %arg4[%mul3A_206] : memref<800000xi32, #tpu.memory_space<hbm>> -> memref<32xi32, #tpu.memory_space<hbm>>
          %dma_start3A_224 = tpu.memref_slice %arg4[%mul3A_206] : memref<800000xi32, #tpu.memory_space<hbm>> -> memref<32xi32, #tpu.memory_space<hbm>>
          tpu.enqueue_dma source(%dma_start3A_224 : memref<32xi32, #tpu.memory_space<hbm>>) target(%arg10 : memref<32xi32, #tpu.memory_space<vmem>>) target_semaphore(%run_scoped3A : memref<!tpu.dma_semaphore, #tpu.memory_space<semaphore_mem>>)
          %dma_wait3A = tpu.memref_slice %arg4[%mul3A_206] : memref<800000xi32, #tpu.memory_space<hbm>> -> memref<32xi32, #tpu.memory_space<hbm>>
          %dma_wait3A_225 = tpu.memref_slice %arg4[%mul3A_206] : memref<800000xi32, #tpu.memory_space<hbm>> -> memref<32xi32, #tpu.memory_space<hbm>>
          tpu.wait_dma2 semaphore(%run_scoped3A : memref<!tpu.dma_semaphore, #tpu.memory_space<semaphore_mem>>) src(%dma_wait3A_225 : memref<32xi32, #tpu.memory_space<hbm>>) dst(%arg10 : memref<32xi32, #tpu.memory_space<vmem>>)
          tpu.yield
        }) : () -> ()
        "tpu.region"() ({
          %run_scoped3A = tpu.sem_alloc : memref<!tpu.dma_semaphore, #tpu.memory_space<semaphore_mem>>
          %dma_start3A_223 = tpu.memref_slice %arg5[%mul3A_206] : memref<800000xi32, #tpu.memory_space<hbm>> -> memref<32xi32, #tpu.memory_space<hbm>>
          %dma_start3A_224 = tpu.memref_slice %arg5[%mul3A_206] : memref<800000xi32, #tpu.memory_space<hbm>> -> memref<32xi32, #tpu.memory_space<hbm>>
          tpu.enqueue_dma source(%dma_start3A_224 : memref<32xi32, #tpu.memory_space<hbm>>) target(%arg12 : memref<32xi32, #tpu.memory_space<vmem>>) target_semaphore(%run_scoped3A : memref<!tpu.dma_semaphore, #tpu.memory_space<semaphore_mem>>)
          %dma_wait3A = tpu.memref_slice %arg5[%mul3A_206] : memref<800000xi32, #tpu.memory_space<hbm>> -> memref<32xi32, #tpu.memory_space<hbm>>
          %dma_wait3A_225 = tpu.memref_slice %arg5[%mul3A_206] : memref<800000xi32, #tpu.memory_space<hbm>> -> memref<32xi32, #tpu.memory_space<hbm>>
          tpu.wait_dma2 semaphore(%run_scoped3A : memref<!tpu.dma_semaphore, #tpu.memory_space<semaphore_mem>>) src(%dma_wait3A_225 : memref<32xi32, #tpu.memory_space<hbm>>) dst(%arg12 : memref<32xi32, #tpu.memory_space<vmem>>)
          tpu.yield
        }) : () -> ()
        %get3A_207 = arith.constant 0 : index
        %get3A_208 = tpu.vector_load %arg10[%get3A_207] {strides = array<i32>} : memref<32xi32, #tpu.memory_space<vmem>>, vector<16xi32>,
        %add3A_209 = vector.broadcast %mul3A_1 : i32 to vector<16xi32>
        %add3A_210 = arith.addi %get3A_208, %add3A_209 : vector<16xi32>
        %swap3A = arith.constant 0 : index
        %swap3A_211 = tpu.vector_load %arg10[%swap3A] {strides = array<i32>} : memref<32xi32, #tpu.memory_space<vmem>>, vector<16xi32>,
        tpu.vector_store %arg10[%swap3A], %add3A_210 {strides = array<i32>} : memref<32xi32, #tpu.memory_space<vmem>>, vector<16xi32>,
        %get3A_212 = arith.constant 16 : index
        %get3A_213 = tpu.vector_load %arg10[%get3A_212] {strides = array<i32>} : memref<32xi32, #tpu.memory_space<vmem>>, vector<16xi32>,
        %add3A_214 = vector.broadcast %mul3A_1 : i32 to vector<16xi32>
        %add3A_215 = arith.addi %get3A_213, %add3A_214 : vector<16xi32>
        %swap3A_216 = arith.constant 16 : index
        %swap3A_217 = tpu.vector_load %arg10[%swap3A_216] {strides = array<i32>} : memref<32xi32, #tpu.memory_space<vmem>>, vector<16xi32>,
        tpu.vector_store %arg10[%swap3A_216], %add3A_215 {strides = array<i32>} : memref<32xi32, #tpu.memory_space<vmem>>, vector<16xi32>,
        %dma_start3A = arith.constant 0 : i32
        %dma_start3A_218 = arith.constant 0 : i32
        %dma_start3A_219 = tpu.memref_slice %arg2[%dma_start3A, %dma_start3A_218] : memref<100000x40xf32, #tpu.memory_space<hbm>> -> memref<100000x40xf32, #tpu.memory_space<hbm>>
        tpu.enqueue_indirect_dma source(%dma_start3A_219 : memref<100000x40xf32, #tpu.memory_space<hbm>>) target(%arg14 : memref<32x40xf32, #tpu.memory_space<vmem>>) offsets(%arg10 : memref<32xi32, #tpu.memory_space<vmem>>) semaphore(%arg21 : memref<!tpu.dma_semaphore, #tpu.memory_space<semaphore_mem>>)
        %dma_start3A_220 = arith.constant 0 : i32
        %dma_start3A_221 = arith.constant 0 : i32
        %dma_start3A_222 = tpu.memref_slice %arg3[%dma_start3A_220, %dma_start3A_221] : memref<50000x8xf32, #tpu.memory_space<hbm>> -> memref<50000x8xf32, #tpu.memory_space<hbm>>
        tpu.enqueue_indirect_dma source(%dma_start3A_222 : memref<50000x8xf32, #tpu.memory_space<hbm>>) target(%arg16 : memref<32x8xf32, #tpu.memory_space<vmem>>) offsets(%arg12 : memref<32xi32, #tpu.memory_space<vmem>>) semaphore(%arg23 : memref<!tpu.dma_semaphore, #tpu.memory_space<semaphore_mem>>)
      } else {
      }
      %mul3A_173 = arith.constant 16 : i32
      %mul3A_174 = arith.muli %mul3A_173, %add3A_127 : i32
      %add3A_175 = arith.addi %arg1, %mul3A_174 : i32
      %lt3A_176 = arith.constant 25000 : i32
      %lt3A_177 = arith.cmpi slt, %add3A_175, %lt3A_176 : i32
      %convert_element_type3A_178 = arith.extui %lt3A_177 : i1 to i32
      %cond3A_179 = arith.constant 0 : i32
      %cond3A_180 = arith.cmpi ne, %convert_element_type3A_178, %cond3A_179 : i32
      scf.if %cond3A_180 {
        %dma_wait3A = arith.constant 0 : i32
        %dma_wait3A_202 = arith.constant 0 : i32
        %dma_wait3A_203 = tpu.memref_slice %arg2[%dma_wait3A, %dma_wait3A_202] : memref<100000x40xf32, #tpu.memory_space<hbm>> -> memref<100000x40xf32, #tpu.memory_space<hbm>>
        tpu.wait_indirect_dma semaphore(%arg22 : memref<!tpu.dma_semaphore, #tpu.memory_space<semaphore_mem>>) src(%dma_wait3A_203 : memref<100000x40xf32, #tpu.memory_space<hbm>>) dst(%arg15 : memref<32x40xf32, #tpu.memory_space<vmem>>)
        %dma_wait3A_204 = arith.constant 0 : i32
        %dma_wait3A_205 = arith.constant 0 : i32
        %dma_wait3A_206 = tpu.memref_slice %arg3[%dma_wait3A_204, %dma_wait3A_205] : memref<50000x8xf32, #tpu.memory_space<hbm>> -> memref<50000x8xf32, #tpu.memory_space<hbm>>
        tpu.wait_indirect_dma semaphore(%arg24 : memref<!tpu.dma_semaphore, #tpu.memory_space<semaphore_mem>>) src(%dma_wait3A_206 : memref<50000x8xf32, #tpu.memory_space<hbm>>) dst(%arg17 : memref<32x8xf32, #tpu.memory_space<vmem>>)
      } else {
      }
      %sub3A_181 = arith.constant 2 : i32
      %sub3A_182 = arith.subi %add3A_127, %sub3A_181 : i32
      %ge3A_183 = arith.constant 0 : i32
      %ge3A_184 = arith.cmpi sge, %sub3A_182, %ge3A_183 : i32
      %mul3A_185 = arith.constant 16 : i32
      %mul3A_186 = arith.muli %mul3A_185, %sub3A_182 : i32
      %add3A_187 = arith.addi %arg1, %mul3A_186 : i32
      %lt3A_188 = arith.constant 25000 : i32
      %lt3A_189 = arith.cmpi slt, %add3A_187, %lt3A_188 : i32
      %and3A_190 = arith.andi %ge3A_184, %lt3A_189 : i1
      %convert_element_type3A_191 = arith.extui %and3A_190 : i1 to i32
      %cond3A_192 = arith.constant 0 : i32
      %cond3A_193 = arith.cmpi ne, %convert_element_type3A_191, %cond3A_192 : i32
      scf.if %cond3A_193 {
        %dma_wait3A = arith.constant 0 : i32
        %dma_wait3A_202 = arith.constant 0 : i32
        %dma_wait3A_203 = tpu.memref_slice %arg9[%dma_wait3A, %dma_wait3A_202] : memref<50000x40xf32, #tpu.memory_space<vmem_shared>> -> memref<50000x40xf32, #tpu.memory_space<vmem_shared>>
        tpu.wait_indirect_dma semaphore(%arg26 : memref<!tpu.dma_semaphore, #tpu.memory_space<semaphore_mem>>) src(%arg19 : memref<32x40xf32, #tpu.memory_space<vmem>>) dst(%dma_wait3A_203 : memref<50000x40xf32, #tpu.memory_space<vmem_shared>>)
      } else {
      }
      %mul3A_194 = arith.constant 16 : i32
      %mul3A_195 = arith.muli %mul3A_194, %add3A_127 : i32
      %add3A_196 = arith.addi %arg1, %mul3A_195 : i32
      %lt3A_197 = arith.constant 25000 : i32
      %lt3A_198 = arith.cmpi slt, %add3A_196, %lt3A_197 : i32
      %convert_element_type3A_199 = arith.extui %lt3A_198 : i1 to i32
      %cond3A_200 = arith.constant 0 : i32
      %cond3A_201 = arith.cmpi ne, %convert_element_type3A_199, %cond3A_200 : i32
      scf.if %cond3A_201 {
        %scan3A_202 = arith.constant 0 : i32
        %scan3A_203 = arith.constant 0 : i32
        %scan3A_204 = arith.constant 2 : i32
        %scan3A_205 = arith.addi %scan3A_203, %scan3A_204 : i32
        %scan3A_206 = arith.constant 1 : i32
        scf.for %scan3A_210 = %scan3A_203 to %scan3A_205 step %scan3A_206  : i32 {
          %mul3A_211 = arith.constant 16 : i32
          %mul3A_212 = arith.muli %scan3A_210, %mul3A_211 : i32
          %add3A_213 = vector.broadcast %mul3A_212 : i32 to vector<16xi32>
          %add3A_214 = arith.addi %add3A_213, %iota3A : vector<16xi32>
          %broadcast_in_dim3A_215 = arith.constant 32 : i32
          %broadcast_in_dim3A_216 = vector.broadcast %broadcast_in_dim3A_215 : i32 to vector<16xi32>
          %gather3A = tpu.vector_load_idx %arg15[%add3A_214, %broadcast_in_dim3A_216] : memref<32x40xf32, #tpu.memory_space<vmem>>[vector<16xi32>, vector<16xi32>], vector<16xf32>,
          %add3A_217 = arith.constant 0 : i32
          %add3A_218 = arith.addi %mul3A_3, %add3A_217 : i32
          %broadcast_in_dim3A_219 = vector.broadcast %add3A_218 : i32 to vector<16xi32>
          %gather3A_220 = tpu.vector_load_idx %arg17[%add3A_214, %broadcast_in_dim3A_219] : memref<32x8xf32, #tpu.memory_space<vmem>>[vector<16xi32>, vector<16xi32>], vector<16xf32>,
          %add3A_221 = arith.addf %gather3A, %gather3A_220 : vector<16xf32>
          %ge3A_222 = arith.constant 0.000000e+00 : f32
          %ge3A_223 = vector.broadcast %ge3A_222 : f32 to vector<16xf32>
          %ge3A_224 = arith.cmpf oge, %add3A_221, %ge3A_223 : vector<16xf32>
          %mul3A_225 = arith.constant 2.000000e-01 : f32
          %mul3A_226 = vector.broadcast %mul3A_225 : f32 to vector<16xf32>
          %mul3A_227 = arith.mulf %add3A_221, %mul3A_226 : vector<16xf32>
          %select_n3A = arith.select %ge3A_224, %add3A_221, %mul3A_227 : vector<16xi1>, vector<16xf32>
          %sub3A_228 = arith.subf %select_n3A, %get3A_0 : vector<16xf32>
          %exp3A = math.exp %sub3A_228 : vector<16xf32>
          %broadcast_in_dim3A_229 = arith.constant 32 : i32
          %broadcast_in_dim3A_230 = vector.broadcast %broadcast_in_dim3A_229 : i32 to vector<16xi32>
          tpu.vector_store_idx %arg19[%add3A_214, %broadcast_in_dim3A_230], %exp3A : memref<32x40xf32, #tpu.memory_space<vmem>>[vector<16xi32>, vector<16xi32>], vector<16xf32>,
          %broadcast_in_dim3A_231 = arith.constant 0 : i32
          %broadcast_in_dim3A_232 = vector.broadcast %broadcast_in_dim3A_231 : i32 to vector<16xi32>
          %gather3A_233 = tpu.vector_load_idx %arg15[%add3A_214, %broadcast_in_dim3A_232] : memref<32x40xf32, #tpu.memory_space<vmem>>[vector<16xi32>, vector<16xi32>], vector<16xf32>,
          %mul3A_234 = arith.mulf %gather3A_233, %exp3A : vector<16xf32>
          tpu.vector_store_idx %arg19[%add3A_214, %broadcast_in_dim3A_232], %mul3A_234 : memref<32x40xf32, #tpu.memory_space<vmem>>[vector<16xi32>, vector<16xi32>], vector<16xf32>,
          %broadcast_in_dim3A_235 = arith.constant 1 : i32
          %broadcast_in_dim3A_236 = vector.broadcast %broadcast_in_dim3A_235 : i32 to vector<16xi32>
          %gather3A_237 = tpu.vector_load_idx %arg15[%add3A_214, %broadcast_in_dim3A_236] : memref<32x40xf32, #tpu.memory_space<vmem>>[vector<16xi32>, vector<16xi32>], vector<16xf32>,
          %mul3A_238 = arith.mulf %gather3A_237, %exp3A : vector<16xf32>
          tpu.vector_store_idx %arg19[%add3A_214, %broadcast_in_dim3A_236], %mul3A_238 : memref<32x40xf32, #tpu.memory_space<vmem>>[vector<16xi32>, vector<16xi32>], vector<16xf32>,
          %broadcast_in_dim3A_239 = arith.constant 2 : i32
          %broadcast_in_dim3A_240 = vector.broadcast %broadcast_in_dim3A_239 : i32 to vector<16xi32>
          %gather3A_241 = tpu.vector_load_idx %arg15[%add3A_214, %broadcast_in_dim3A_240] : memref<32x40xf32, #tpu.memory_space<vmem>>[vector<16xi32>, vector<16xi32>], vector<16xf32>,
          %mul3A_242 = arith.mulf %gather3A_241, %exp3A : vector<16xf32>
          tpu.vector_store_idx %arg19[%add3A_214, %broadcast_in_dim3A_240], %mul3A_242 : memref<32x40xf32, #tpu.memory_space<vmem>>[vector<16xi32>, vector<16xi32>], vector<16xf32>,
          %broadcast_in_dim3A_243 = arith.constant 3 : i32
          %broadcast_in_dim3A_244 = vector.broadcast %broadcast_in_dim3A_243 : i32 to vector<16xi32>
          %gather3A_245 = tpu.vector_load_idx %arg15[%add3A_214, %broadcast_in_dim3A_244] : memref<32x40xf32, #tpu.memory_space<vmem>>[vector<16xi32>, vector<16xi32>], vector<16xf32>,
          %mul3A_246 = arith.mulf %gather3A_245, %exp3A : vector<16xf32>
          tpu.vector_store_idx %arg19[%add3A_214, %broadcast_in_dim3A_244], %mul3A_246 : memref<32x40xf32, #tpu.memory_space<vmem>>[vector<16xi32>, vector<16xi32>], vector<16xf32>,
          %broadcast_in_dim3A_247 = arith.constant 4 : i32
          %broadcast_in_dim3A_248 = vector.broadcast %broadcast_in_dim3A_247 : i32 to vector<16xi32>
          %gather3A_249 = tpu.vector_load_idx %arg15[%add3A_214, %broadcast_in_dim3A_248] : memref<32x40xf32, #tpu.memory_space<vmem>>[vector<16xi32>, vector<16xi32>], vector<16xf32>,
          %mul3A_250 = arith.mulf %gather3A_249, %exp3A : vector<16xf32>
          tpu.vector_store_idx %arg19[%add3A_214, %broadcast_in_dim3A_248], %mul3A_250 : memref<32x40xf32, #tpu.memory_space<vmem>>[vector<16xi32>, vector<16xi32>], vector<16xf32>,
          %broadcast_in_dim3A_251 = arith.constant 5 : i32
          %broadcast_in_dim3A_252 = vector.broadcast %broadcast_in_dim3A_251 : i32 to vector<16xi32>
          %gather3A_253 = tpu.vector_load_idx %arg15[%add3A_214, %broadcast_in_dim3A_252] : memref<32x40xf32, #tpu.memory_space<vmem>>[vector<16xi32>, vector<16xi32>], vector<16xf32>,
          %mul3A_254 = arith.mulf %gather3A_253, %exp3A : vector<16xf32>
          tpu.vector_store_idx %arg19[%add3A_214, %broadcast_in_dim3A_252], %mul3A_254 : memref<32x40xf32, #tpu.memory_space<vmem>>[vector<16xi32>, vector<16xi32>], vector<16xf32>,
          %broadcast_in_dim3A_255 = arith.constant 6 : i32
          %broadcast_in_dim3A_256 = vector.broadcast %broadcast_in_dim3A_255 : i32 to vector<16xi32>
          %gather3A_257 = tpu.vector_load_idx %arg15[%add3A_214, %broadcast_in_dim3A_256] : memref<32x40xf32, #tpu.memory_space<vmem>>[vector<16xi32>, vector<16xi32>], vector<16xf32>,
          %mul3A_258 = arith.mulf %gather3A_257, %exp3A : vector<16xf32>
          tpu.vector_store_idx %arg19[%add3A_214, %broadcast_in_dim3A_256], %mul3A_258 : memref<32x40xf32, #tpu.memory_space<vmem>>[vector<16xi32>, vector<16xi32>], vector<16xf32>,
          %broadcast_in_dim3A_259 = arith.constant 7 : i32
          %broadcast_in_dim3A_260 = vector.broadcast %broadcast_in_dim3A_259 : i32 to vector<16xi32>
          %gather3A_261 = tpu.vector_load_idx %arg15[%add3A_214, %broadcast_in_dim3A_260] : memref<32x40xf32, #tpu.memory_space<vmem>>[vector<16xi32>, vector<16xi32>], vector<16xf32>,
          %mul3A_262 = arith.mulf %gather3A_261, %exp3A : vector<16xf32>
          tpu.vector_store_idx %arg19[%add3A_214, %broadcast_in_dim3A_260], %mul3A_262 : memref<32x40xf32, #tpu.memory_space<vmem>>[vector<16xi32>, vector<16xi32>], vector<16xf32>,
          %broadcast_in_dim3A_263 = arith.constant 33 : i32
          %broadcast_in_dim3A_264 = vector.broadcast %broadcast_in_dim3A_263 : i32 to vector<16xi32>
          %gather3A_265 = tpu.vector_load_idx %arg15[%add3A_214, %broadcast_in_dim3A_264] : memref<32x40xf32, #tpu.memory_space<vmem>>[vector<16xi32>, vector<16xi32>], vector<16xf32>,
          %add3A_266 = arith.constant 1 : i32
          %add3A_267 = arith.addi %mul3A_3, %add3A_266 : i32
          %broadcast_in_dim3A_268 = vector.broadcast %add3A_267 : i32 to vector<16xi32>
          %gather3A_269 = tpu.vector_load_idx %arg17[%add3A_214, %broadcast_in_dim3A_268] : memref<32x8xf32, #tpu.memory_space<vmem>>[vector<16xi32>, vector<16xi32>], vector<16xf32>,
          %add3A_270 = arith.addf %gather3A_265, %gather3A_269 : vector<16xf32>
          %ge3A_271 = arith.constant 0.000000e+00 : f32
          %ge3A_272 = vector.broadcast %ge3A_271 : f32 to vector<16xf32>
          %ge3A_273 = arith.cmpf oge, %add3A_270, %ge3A_272 : vector<16xf32>
          %mul3A_274 = arith.constant 2.000000e-01 : f32
          %mul3A_275 = vector.broadcast %mul3A_274 : f32 to vector<16xf32>
          %mul3A_276 = arith.mulf %add3A_270, %mul3A_275 : vector<16xf32>
          %select_n3A_277 = arith.select %ge3A_273, %add3A_270, %mul3A_276 : vector<16xi1>, vector<16xf32>
          %sub3A_278 = arith.subf %select_n3A_277, %get3A_0 : vector<16xf32>
          %exp3A_279 = math.exp %sub3A_278 : vector<16xf32>
          %broadcast_in_dim3A_280 = arith.constant 33 : i32
          %broadcast_in_dim3A_281 = vector.broadcast %broadcast_in_dim3A_280 : i32 to vector<16xi32>
          tpu.vector_store_idx %arg19[%add3A_214, %broadcast_in_dim3A_281], %exp3A_279 : memref<32x40xf32, #tpu.memory_space<vmem>>[vector<16xi32>, vector<16xi32>], vector<16xf32>,
          %broadcast_in_dim3A_282 = arith.constant 8 : i32
          %broadcast_in_dim3A_283 = vector.broadcast %broadcast_in_dim3A_282 : i32 to vector<16xi32>
          %gather3A_284 = tpu.vector_load_idx %arg15[%add3A_214, %broadcast_in_dim3A_283] : memref<32x40xf32, #tpu.memory_space<vmem>>[vector<16xi32>, vector<16xi32>], vector<16xf32>,
          %mul3A_285 = arith.mulf %gather3A_284, %exp3A_279 : vector<16xf32>
          tpu.vector_store_idx %arg19[%add3A_214, %broadcast_in_dim3A_283], %mul3A_285 : memref<32x40xf32, #tpu.memory_space<vmem>>[vector<16xi32>, vector<16xi32>], vector<16xf32>,
          %broadcast_in_dim3A_286 = arith.constant 9 : i32
          %broadcast_in_dim3A_287 = vector.broadcast %broadcast_in_dim3A_286 : i32 to vector<16xi32>
          %gather3A_288 = tpu.vector_load_idx %arg15[%add3A_214, %broadcast_in_dim3A_287] : memref<32x40xf32, #tpu.memory_space<vmem>>[vector<16xi32>, vector<16xi32>], vector<16xf32>,
          %mul3A_289 = arith.mulf %gather3A_288, %exp3A_279 : vector<16xf32>
          tpu.vector_store_idx %arg19[%add3A_214, %broadcast_in_dim3A_287], %mul3A_289 : memref<32x40xf32, #tpu.memory_space<vmem>>[vector<16xi32>, vector<16xi32>], vector<16xf32>,
          %broadcast_in_dim3A_290 = arith.constant 10 : i32
          %broadcast_in_dim3A_291 = vector.broadcast %broadcast_in_dim3A_290 : i32 to vector<16xi32>
          %gather3A_292 = tpu.vector_load_idx %arg15[%add3A_214, %broadcast_in_dim3A_291] : memref<32x40xf32, #tpu.memory_space<vmem>>[vector<16xi32>, vector<16xi32>], vector<16xf32>,
          %mul3A_293 = arith.mulf %gather3A_292, %exp3A_279 : vector<16xf32>
          tpu.vector_store_idx %arg19[%add3A_214, %broadcast_in_dim3A_291], %mul3A_293 : memref<32x40xf32, #tpu.memory_space<vmem>>[vector<16xi32>, vector<16xi32>], vector<16xf32>,
          %broadcast_in_dim3A_294 = arith.constant 11 : i32
          %broadcast_in_dim3A_295 = vector.broadcast %broadcast_in_dim3A_294 : i32 to vector<16xi32>
          %gather3A_296 = tpu.vector_load_idx %arg15[%add3A_214, %broadcast_in_dim3A_295] : memref<32x40xf32, #tpu.memory_space<vmem>>[vector<16xi32>, vector<16xi32>], vector<16xf32>,
          %mul3A_297 = arith.mulf %gather3A_296, %exp3A_279 : vector<16xf32>
          tpu.vector_store_idx %arg19[%add3A_214, %broadcast_in_dim3A_295], %mul3A_297 : memref<32x40xf32, #tpu.memory_space<vmem>>[vector<16xi32>, vector<16xi32>], vector<16xf32>,
          %broadcast_in_dim3A_298 = arith.constant 12 : i32
          %broadcast_in_dim3A_299 = vector.broadcast %broadcast_in_dim3A_298 : i32 to vector<16xi32>
          %gather3A_300 = tpu.vector_load_idx %arg15[%add3A_214, %broadcast_in_dim3A_299] : memref<32x40xf32, #tpu.memory_space<vmem>>[vector<16xi32>, vector<16xi32>], vector<16xf32>,
          %mul3A_301 = arith.mulf %gather3A_300, %exp3A_279 : vector<16xf32>
          tpu.vector_store_idx %arg19[%add3A_214, %broadcast_in_dim3A_299], %mul3A_301 : memref<32x40xf32, #tpu.memory_space<vmem>>[vector<16xi32>, vector<16xi32>], vector<16xf32>,
          %broadcast_in_dim3A_302 = arith.constant 13 : i32
          %broadcast_in_dim3A_303 = vector.broadcast %broadcast_in_dim3A_302 : i32 to vector<16xi32>
          %gather3A_304 = tpu.vector_load_idx %arg15[%add3A_214, %broadcast_in_dim3A_303] : memref<32x40xf32, #tpu.memory_space<vmem>>[vector<16xi32>, vector<16xi32>], vector<16xf32>,
          %mul3A_305 = arith.mulf %gather3A_304, %exp3A_279 : vector<16xf32>
          tpu.vector_store_idx %arg19[%add3A_214, %broadcast_in_dim3A_303], %mul3A_305 : memref<32x40xf32, #tpu.memory_space<vmem>>[vector<16xi32>, vector<16xi32>], vector<16xf32>,
          %broadcast_in_dim3A_306 = arith.constant 14 : i32
          %broadcast_in_dim3A_307 = vector.broadcast %broadcast_in_dim3A_306 : i32 to vector<16xi32>
          %gather3A_308 = tpu.vector_load_idx %arg15[%add3A_214, %broadcast_in_dim3A_307] : memref<32x40xf32, #tpu.memory_space<vmem>>[vector<16xi32>, vector<16xi32>], vector<16xf32>,
          %mul3A_309 = arith.mulf %gather3A_308, %exp3A_279 : vector<16xf32>
          tpu.vector_store_idx %arg19[%add3A_214, %broadcast_in_dim3A_307], %mul3A_309 : memref<32x40xf32, #tpu.memory_space<vmem>>[vector<16xi32>, vector<16xi32>], vector<16xf32>,
          %broadcast_in_dim3A_310 = arith.constant 15 : i32
          %broadcast_in_dim3A_311 = vector.broadcast %broadcast_in_dim3A_310 : i32 to vector<16xi32>
          %gather3A_312 = tpu.vector_load_idx %arg15[%add3A_214, %broadcast_in_dim3A_311] : memref<32x40xf32, #tpu.memory_space<vmem>>[vector<16xi32>, vector<16xi32>], vector<16xf32>,
          %mul3A_313 = arith.mulf %gather3A_312, %exp3A_279 : vector<16xf32>
          tpu.vector_store_idx %arg19[%add3A_214, %broadcast_in_dim3A_311], %mul3A_313 : memref<32x40xf32, #tpu.memory_space<vmem>>[vector<16xi32>, vector<16xi32>], vector<16xf32>,
          %broadcast_in_dim3A_314 = arith.constant 34 : i32
          %broadcast_in_dim3A_315 = vector.broadcast %broadcast_in_dim3A_314 : i32 to vector<16xi32>
          %gather3A_316 = tpu.vector_load_idx %arg15[%add3A_214, %broadcast_in_dim3A_315] : memref<32x40xf32, #tpu.memory_space<vmem>>[vector<16xi32>, vector<16xi32>], vector<16xf32>,
          %add3A_317 = arith.constant 2 : i32
          %add3A_318 = arith.addi %mul3A_3, %add3A_317 : i32
          %broadcast_in_dim3A_319 = vector.broadcast %add3A_318 : i32 to vector<16xi32>
          %gather3A_320 = tpu.vector_load_idx %arg17[%add3A_214, %broadcast_in_dim3A_319] : memref<32x8xf32, #tpu.memory_space<vmem>>[vector<16xi32>, vector<16xi32>], vector<16xf32>,
          %add3A_321 = arith.addf %gather3A_316, %gather3A_320 : vector<16xf32>
          %ge3A_322 = arith.constant 0.000000e+00 : f32
          %ge3A_323 = vector.broadcast %ge3A_322 : f32 to vector<16xf32>
          %ge3A_324 = arith.cmpf oge, %add3A_321, %ge3A_323 : vector<16xf32>
          %mul3A_325 = arith.constant 2.000000e-01 : f32
          %mul3A_326 = vector.broadcast %mul3A_325 : f32 to vector<16xf32>
          %mul3A_327 = arith.mulf %add3A_321, %mul3A_326 : vector<16xf32>
          %select_n3A_328 = arith.select %ge3A_324, %add3A_321, %mul3A_327 : vector<16xi1>, vector<16xf32>
          %sub3A_329 = arith.subf %select_n3A_328, %get3A_0 : vector<16xf32>
          %exp3A_330 = math.exp %sub3A_329 : vector<16xf32>
          %broadcast_in_dim3A_331 = arith.constant 34 : i32
          %broadcast_in_dim3A_332 = vector.broadcast %broadcast_in_dim3A_331 : i32 to vector<16xi32>
          tpu.vector_store_idx %arg19[%add3A_214, %broadcast_in_dim3A_332], %exp3A_330 : memref<32x40xf32, #tpu.memory_space<vmem>>[vector<16xi32>, vector<16xi32>], vector<16xf32>,
          %broadcast_in_dim3A_333 = arith.constant 16 : i32
          %broadcast_in_dim3A_334 = vector.broadcast %broadcast_in_dim3A_333 : i32 to vector<16xi32>
          %gather3A_335 = tpu.vector_load_idx %arg15[%add3A_214, %broadcast_in_dim3A_334] : memref<32x40xf32, #tpu.memory_space<vmem>>[vector<16xi32>, vector<16xi32>], vector<16xf32>,
          %mul3A_336 = arith.mulf %gather3A_335, %exp3A_330 : vector<16xf32>
          tpu.vector_store_idx %arg19[%add3A_214, %broadcast_in_dim3A_334], %mul3A_336 : memref<32x40xf32, #tpu.memory_space<vmem>>[vector<16xi32>, vector<16xi32>], vector<16xf32>,
          %broadcast_in_dim3A_337 = arith.constant 17 : i32
          %broadcast_in_dim3A_338 = vector.broadcast %broadcast_in_dim3A_337 : i32 to vector<16xi32>
          %gather3A_339 = tpu.vector_load_idx %arg15[%add3A_214, %broadcast_in_dim3A_338] : memref<32x40xf32, #tpu.memory_space<vmem>>[vector<16xi32>, vector<16xi32>], vector<16xf32>,
          %mul3A_340 = arith.mulf %gather3A_339, %exp3A_330 : vector<16xf32>
          tpu.vector_store_idx %arg19[%add3A_214, %broadcast_in_dim3A_338], %mul3A_340 : memref<32x40xf32, #tpu.memory_space<vmem>>[vector<16xi32>, vector<16xi32>], vector<16xf32>,
          %broadcast_in_dim3A_341 = arith.constant 18 : i32
          %broadcast_in_dim3A_342 = vector.broadcast %broadcast_in_dim3A_341 : i32 to vector<16xi32>
          %gather3A_343 = tpu.vector_load_idx %arg15[%add3A_214, %broadcast_in_dim3A_342] : memref<32x40xf32, #tpu.memory_space<vmem>>[vector<16xi32>, vector<16xi32>], vector<16xf32>,
          %mul3A_344 = arith.mulf %gather3A_343, %exp3A_330 : vector<16xf32>
          tpu.vector_store_idx %arg19[%add3A_214, %broadcast_in_dim3A_342], %mul3A_344 : memref<32x40xf32, #tpu.memory_space<vmem>>[vector<16xi32>, vector<16xi32>], vector<16xf32>,
          %broadcast_in_dim3A_345 = arith.constant 19 : i32
          %broadcast_in_dim3A_346 = vector.broadcast %broadcast_in_dim3A_345 : i32 to vector<16xi32>
          %gather3A_347 = tpu.vector_load_idx %arg15[%add3A_214, %broadcast_in_dim3A_346] : memref<32x40xf32, #tpu.memory_space<vmem>>[vector<16xi32>, vector<16xi32>], vector<16xf32>,
          %mul3A_348 = arith.mulf %gather3A_347, %exp3A_330 : vector<16xf32>
          tpu.vector_store_idx %arg19[%add3A_214, %broadcast_in_dim3A_346], %mul3A_348 : memref<32x40xf32, #tpu.memory_space<vmem>>[vector<16xi32>, vector<16xi32>], vector<16xf32>,
          %broadcast_in_dim3A_349 = arith.constant 20 : i32
          %broadcast_in_dim3A_350 = vector.broadcast %broadcast_in_dim3A_349 : i32 to vector<16xi32>
          %gather3A_351 = tpu.vector_load_idx %arg15[%add3A_214, %broadcast_in_dim3A_350] : memref<32x40xf32, #tpu.memory_space<vmem>>[vector<16xi32>, vector<16xi32>], vector<16xf32>,
          %mul3A_352 = arith.mulf %gather3A_351, %exp3A_330 : vector<16xf32>
          tpu.vector_store_idx %arg19[%add3A_214, %broadcast_in_dim3A_350], %mul3A_352 : memref<32x40xf32, #tpu.memory_space<vmem>>[vector<16xi32>, vector<16xi32>], vector<16xf32>,
          %broadcast_in_dim3A_353 = arith.constant 21 : i32
          %broadcast_in_dim3A_354 = vector.broadcast %broadcast_in_dim3A_353 : i32 to vector<16xi32>
          %gather3A_355 = tpu.vector_load_idx %arg15[%add3A_214, %broadcast_in_dim3A_354] : memref<32x40xf32, #tpu.memory_space<vmem>>[vector<16xi32>, vector<16xi32>], vector<16xf32>,
          %mul3A_356 = arith.mulf %gather3A_355, %exp3A_330 : vector<16xf32>
          tpu.vector_store_idx %arg19[%add3A_214, %broadcast_in_dim3A_354], %mul3A_356 : memref<32x40xf32, #tpu.memory_space<vmem>>[vector<16xi32>, vector<16xi32>], vector<16xf32>,
          %broadcast_in_dim3A_357 = arith.constant 22 : i32
          %broadcast_in_dim3A_358 = vector.broadcast %broadcast_in_dim3A_357 : i32 to vector<16xi32>
          %gather3A_359 = tpu.vector_load_idx %arg15[%add3A_214, %broadcast_in_dim3A_358] : memref<32x40xf32, #tpu.memory_space<vmem>>[vector<16xi32>, vector<16xi32>], vector<16xf32>,
          %mul3A_360 = arith.mulf %gather3A_359, %exp3A_330 : vector<16xf32>
          tpu.vector_store_idx %arg19[%add3A_214, %broadcast_in_dim3A_358], %mul3A_360 : memref<32x40xf32, #tpu.memory_space<vmem>>[vector<16xi32>, vector<16xi32>], vector<16xf32>,
          %broadcast_in_dim3A_361 = arith.constant 23 : i32
          %broadcast_in_dim3A_362 = vector.broadcast %broadcast_in_dim3A_361 : i32 to vector<16xi32>
          %gather3A_363 = tpu.vector_load_idx %arg15[%add3A_214, %broadcast_in_dim3A_362] : memref<32x40xf32, #tpu.memory_space<vmem>>[vector<16xi32>, vector<16xi32>], vector<16xf32>,
          %mul3A_364 = arith.mulf %gather3A_363, %exp3A_330 : vector<16xf32>
          tpu.vector_store_idx %arg19[%add3A_214, %broadcast_in_dim3A_362], %mul3A_364 : memref<32x40xf32, #tpu.memory_space<vmem>>[vector<16xi32>, vector<16xi32>], vector<16xf32>,
          %broadcast_in_dim3A_365 = arith.constant 35 : i32
          %broadcast_in_dim3A_366 = vector.broadcast %broadcast_in_dim3A_365 : i32 to vector<16xi32>
          %gather3A_367 = tpu.vector_load_idx %arg15[%add3A_214, %broadcast_in_dim3A_366] : memref<32x40xf32, #tpu.memory_space<vmem>>[vector<16xi32>, vector<16xi32>], vector<16xf32>,
          %add3A_368 = arith.constant 3 : i32
          %add3A_369 = arith.addi %mul3A_3, %add3A_368 : i32
          %broadcast_in_dim3A_370 = vector.broadcast %add3A_369 : i32 to vector<16xi32>
          %gather3A_371 = tpu.vector_load_idx %arg17[%add3A_214, %broadcast_in_dim3A_370] : memref<32x8xf32, #tpu.memory_space<vmem>>[vector<16xi32>, vector<16xi32>], vector<16xf32>,
          %add3A_372 = arith.addf %gather3A_367, %gather3A_371 : vector<16xf32>
          %ge3A_373 = arith.constant 0.000000e+00 : f32
          %ge3A_374 = vector.broadcast %ge3A_373 : f32 to vector<16xf32>
          %ge3A_375 = arith.cmpf oge, %add3A_372, %ge3A_374 : vector<16xf32>
          %mul3A_376 = arith.constant 2.000000e-01 : f32
          %mul3A_377 = vector.broadcast %mul3A_376 : f32 to vector<16xf32>
          %mul3A_378 = arith.mulf %add3A_372, %mul3A_377 : vector<16xf32>
          %select_n3A_379 = arith.select %ge3A_375, %add3A_372, %mul3A_378 : vector<16xi1>, vector<16xf32>
          %sub3A_380 = arith.subf %select_n3A_379, %get3A_0 : vector<16xf32>
          %exp3A_381 = math.exp %sub3A_380 : vector<16xf32>
          %broadcast_in_dim3A_382 = arith.constant 35 : i32
          %broadcast_in_dim3A_383 = vector.broadcast %broadcast_in_dim3A_382 : i32 to vector<16xi32>
          tpu.vector_store_idx %arg19[%add3A_214, %broadcast_in_dim3A_383], %exp3A_381 : memref<32x40xf32, #tpu.memory_space<vmem>>[vector<16xi32>, vector<16xi32>], vector<16xf32>,
          %broadcast_in_dim3A_384 = arith.constant 24 : i32
          %broadcast_in_dim3A_385 = vector.broadcast %broadcast_in_dim3A_384 : i32 to vector<16xi32>
          %gather3A_386 = tpu.vector_load_idx %arg15[%add3A_214, %broadcast_in_dim3A_385] : memref<32x40xf32, #tpu.memory_space<vmem>>[vector<16xi32>, vector<16xi32>], vector<16xf32>,
          %mul3A_387 = arith.mulf %gather3A_386, %exp3A_381 : vector<16xf32>
          tpu.vector_store_idx %arg19[%add3A_214, %broadcast_in_dim3A_385], %mul3A_387 : memref<32x40xf32, #tpu.memory_space<vmem>>[vector<16xi32>, vector<16xi32>], vector<16xf32>,
          %broadcast_in_dim3A_388 = arith.constant 25 : i32
          %broadcast_in_dim3A_389 = vector.broadcast %broadcast_in_dim3A_388 : i32 to vector<16xi32>
          %gather3A_390 = tpu.vector_load_idx %arg15[%add3A_214, %broadcast_in_dim3A_389] : memref<32x40xf32, #tpu.memory_space<vmem>>[vector<16xi32>, vector<16xi32>], vector<16xf32>,
          %mul3A_391 = arith.mulf %gather3A_390, %exp3A_381 : vector<16xf32>
          tpu.vector_store_idx %arg19[%add3A_214, %broadcast_in_dim3A_389], %mul3A_391 : memref<32x40xf32, #tpu.memory_space<vmem>>[vector<16xi32>, vector<16xi32>], vector<16xf32>,
          %broadcast_in_dim3A_392 = arith.constant 26 : i32
          %broadcast_in_dim3A_393 = vector.broadcast %broadcast_in_dim3A_392 : i32 to vector<16xi32>
          %gather3A_394 = tpu.vector_load_idx %arg15[%add3A_214, %broadcast_in_dim3A_393] : memref<32x40xf32, #tpu.memory_space<vmem>>[vector<16xi32>, vector<16xi32>], vector<16xf32>,
          %mul3A_395 = arith.mulf %gather3A_394, %exp3A_381 : vector<16xf32>
          tpu.vector_store_idx %arg19[%add3A_214, %broadcast_in_dim3A_393], %mul3A_395 : memref<32x40xf32, #tpu.memory_space<vmem>>[vector<16xi32>, vector<16xi32>], vector<16xf32>,
          %broadcast_in_dim3A_396 = arith.constant 27 : i32
          %broadcast_in_dim3A_397 = vector.broadcast %broadcast_in_dim3A_396 : i32 to vector<16xi32>
          %gather3A_398 = tpu.vector_load_idx %arg15[%add3A_214, %broadcast_in_dim3A_397] : memref<32x40xf32, #tpu.memory_space<vmem>>[vector<16xi32>, vector<16xi32>], vector<16xf32>,
          %mul3A_399 = arith.mulf %gather3A_398, %exp3A_381 : vector<16xf32>
          tpu.vector_store_idx %arg19[%add3A_214, %broadcast_in_dim3A_397], %mul3A_399 : memref<32x40xf32, #tpu.memory_space<vmem>>[vector<16xi32>, vector<16xi32>], vector<16xf32>,
          %broadcast_in_dim3A_400 = arith.constant 28 : i32
          %broadcast_in_dim3A_401 = vector.broadcast %broadcast_in_dim3A_400 : i32 to vector<16xi32>
          %gather3A_402 = tpu.vector_load_idx %arg15[%add3A_214, %broadcast_in_dim3A_401] : memref<32x40xf32, #tpu.memory_space<vmem>>[vector<16xi32>, vector<16xi32>], vector<16xf32>,
          %mul3A_403 = arith.mulf %gather3A_402, %exp3A_381 : vector<16xf32>
          tpu.vector_store_idx %arg19[%add3A_214, %broadcast_in_dim3A_401], %mul3A_403 : memref<32x40xf32, #tpu.memory_space<vmem>>[vector<16xi32>, vector<16xi32>], vector<16xf32>,
          %broadcast_in_dim3A_404 = arith.constant 29 : i32
          %broadcast_in_dim3A_405 = vector.broadcast %broadcast_in_dim3A_404 : i32 to vector<16xi32>
          %gather3A_406 = tpu.vector_load_idx %arg15[%add3A_214, %broadcast_in_dim3A_405] : memref<32x40xf32, #tpu.memory_space<vmem>>[vector<16xi32>, vector<16xi32>], vector<16xf32>,
          %mul3A_407 = arith.mulf %gather3A_406, %exp3A_381 : vector<16xf32>
          tpu.vector_store_idx %arg19[%add3A_214, %broadcast_in_dim3A_405], %mul3A_407 : memref<32x40xf32, #tpu.memory_space<vmem>>[vector<16xi32>, vector<16xi32>], vector<16xf32>,
          %broadcast_in_dim3A_408 = arith.constant 30 : i32
          %broadcast_in_dim3A_409 = vector.broadcast %broadcast_in_dim3A_408 : i32 to vector<16xi32>
          %gather3A_410 = tpu.vector_load_idx %arg15[%add3A_214, %broadcast_in_dim3A_409] : memref<32x40xf32, #tpu.memory_space<vmem>>[vector<16xi32>, vector<16xi32>], vector<16xf32>,
          %mul3A_411 = arith.mulf %gather3A_410, %exp3A_381 : vector<16xf32>
          tpu.vector_store_idx %arg19[%add3A_214, %broadcast_in_dim3A_409], %mul3A_411 : memref<32x40xf32, #tpu.memory_space<vmem>>[vector<16xi32>, vector<16xi32>], vector<16xf32>,
          %broadcast_in_dim3A_412 = arith.constant 31 : i32
          %broadcast_in_dim3A_413 = vector.broadcast %broadcast_in_dim3A_412 : i32 to vector<16xi32>
          %gather3A_414 = tpu.vector_load_idx %arg15[%add3A_214, %broadcast_in_dim3A_413] : memref<32x40xf32, #tpu.memory_space<vmem>>[vector<16xi32>, vector<16xi32>], vector<16xf32>,
          %mul3A_415 = arith.mulf %gather3A_414, %exp3A_381 : vector<16xf32>
          tpu.vector_store_idx %arg19[%add3A_214, %broadcast_in_dim3A_413], %mul3A_415 : memref<32x40xf32, #tpu.memory_space<vmem>>[vector<16xi32>, vector<16xi32>], vector<16xf32>,
        }
        %scan3A_207 = arith.constant 2 : i32
        %dma_start3A = arith.constant 0 : i32
        %dma_start3A_208 = arith.constant 0 : i32
        %dma_start3A_209 = tpu.memref_slice %arg9[%dma_start3A, %dma_start3A_208] : memref<50000x40xf32, #tpu.memory_space<vmem_shared>> -> memref<50000x40xf32, #tpu.memory_space<vmem_shared>>
        tpu.enqueue_indirect_dma source(%arg19 : memref<32x40xf32, #tpu.memory_space<vmem>>) target(%dma_start3A_209 : memref<50000x40xf32, #tpu.memory_space<vmem_shared>>) offsets(%arg13 : memref<32xi32, #tpu.memory_space<vmem>>) semaphore(%arg26 : memref<!tpu.dma_semaphore, #tpu.memory_space<semaphore_mem>>) {add = true}
      } else {
      }
    }
    %scan3A_98 = arith.constant 782 : i32
    %add3A_99 = arith.constant 24992 : i32
    %add3A_100 = arith.addi %arg1, %add3A_99 : i32
    %lt3A_101 = arith.constant 25000 : i32
    %lt3A_102 = arith.cmpi slt, %add3A_100, %lt3A_101 : i32
    %and3A = arith.constant true
    %and3A_103 = arith.andi %and3A, %lt3A_102 : i1
    %convert_element_type3A_104 = arith.extui %and3A_103 : i1 to i32
    %cond3A_105 = arith.constant 0 : i32
    %cond3A_106 = arith.cmpi ne, %convert_element_type3A_104, %cond3A_105 : i32
    scf.if %cond3A_106 {
      %dma_wait3A = arith.constant 0 : i32
      %dma_wait3A_123 = arith.constant 0 : i32
      %dma_wait3A_124 = tpu.memref_slice %arg9[%dma_wait3A, %dma_wait3A_123] : memref<50000x40xf32, #tpu.memory_space<vmem_shared>> -> memref<50000x40xf32, #tpu.memory_space<vmem_shared>>
      tpu.wait_indirect_dma semaphore(%arg25 : memref<!tpu.dma_semaphore, #tpu.memory_space<semaphore_mem>>) src(%arg18 : memref<32x40xf32, #tpu.memory_space<vmem>>) dst(%dma_wait3A_124 : memref<50000x40xf32, #tpu.memory_space<vmem_shared>>)
    } else {
    }
    %add3A_107 = arith.constant 25008 : i32
    %add3A_108 = arith.addi %arg1, %add3A_107 : i32
    %lt3A_109 = arith.constant 25000 : i32
    %lt3A_110 = arith.cmpi slt, %add3A_108, %lt3A_109 : i32
    %and3A_111 = arith.constant true
    %and3A_112 = arith.andi %and3A_111, %lt3A_110 : i1
    %convert_element_type3A_113 = arith.extui %and3A_112 : i1 to i32
    %cond3A_114 = arith.constant 0 : i32
    %cond3A_115 = arith.cmpi ne, %convert_element_type3A_113, %cond3A_114 : i32
    scf.if %cond3A_115 {
      %dma_wait3A = arith.constant 0 : i32
      %dma_wait3A_123 = arith.constant 0 : i32
      %dma_wait3A_124 = tpu.memref_slice %arg9[%dma_wait3A, %dma_wait3A_123] : memref<50000x40xf32, #tpu.memory_space<vmem_shared>> -> memref<50000x40xf32, #tpu.memory_space<vmem_shared>>
      tpu.wait_indirect_dma semaphore(%arg26 : memref<!tpu.dma_semaphore, #tpu.memory_space<semaphore_mem>>) src(%arg19 : memref<32x40xf32, #tpu.memory_space<vmem>>) dst(%dma_wait3A_124 : memref<50000x40xf32, #tpu.memory_space<vmem_shared>>)
    } else {
    }
    %barrier3A_116 = arith.constant 0 : index
    tpu.barrier barrier_id(%barrier3A_116)
    %scan3A_117 = arith.constant 0 : i32
    %scan3A_118 = arith.constant 0 : i32
    %scan3A_119 = arith.constant 7 : i32
    %scan3A_120 = arith.addi %scan3A_118, %scan3A_119 : i32
    %scan3A_121 = arith.constant 1 : i32
    scf.for %scan3A_123 = %scan3A_118 to %scan3A_120 step %scan3A_121  : i32 {
      %mul3A_124 = arith.constant 16 : i32
      %mul3A_125 = arith.muli %mul3A_124, %scan3A_123 : i32
      %add3A_126 = arith.addi %arg1, %mul3A_125 : i32
      %lt3A_127 = arith.constant 100 : i32
      %lt3A_128 = arith.cmpi slt, %add3A_126, %lt3A_127 : i32
      %convert_element_type3A_129 = arith.extui %lt3A_128 : i1 to i32
      %cond3A_130 = arith.constant 0 : i32
      %cond3A_131 = arith.cmpi ne, %convert_element_type3A_129, %cond3A_130 : i32
      scf.if %cond3A_131 {
        %mul3A_132 = arith.constant 50000 : i32
        %mul3A_133 = arith.muli %arg0, %mul3A_132 : i32
        %mul3A_134 = arith.constant 500 : i32
        %mul3A_135 = arith.muli %add3A_126, %mul3A_134 : i32
        %add3A_136 = arith.addi %mul3A_133, %mul3A_135 : i32
        %mul3A_137 = arith.constant 500 : i32
        %mul3A_138 = arith.muli %add3A_126, %mul3A_137 : i32
        "tpu.region"() ({
          %run_scoped3A = tpu.sem_alloc : memref<!tpu.dma_semaphore, #tpu.memory_space<semaphore_mem>>
          %dma_start3A = arith.constant 0 : i32
          %dma_start3A_139 = tpu.memref_slice %arg8[%add3A_136, %dma_start3A] : memref<100000x40xf32, #tpu.memory_space<hbm>> -> memref<500x40xf32, #tpu.memory_space<hbm>>
          %dma_start3A_140 = arith.constant 0 : i32
          %dma_start3A_141 = tpu.memref_slice %arg9[%mul3A_138, %dma_start3A_140] : memref<50000x40xf32, #tpu.memory_space<vmem_shared>> -> memref<500x40xf32, #tpu.memory_space<vmem_shared>>
          tpu.enqueue_dma source(%dma_start3A_141 : memref<500x40xf32, #tpu.memory_space<vmem_shared>>) target(%dma_start3A_139 : memref<500x40xf32, #tpu.memory_space<hbm>>) target_semaphore(%run_scoped3A : memref<!tpu.dma_semaphore, #tpu.memory_space<semaphore_mem>>)
          %dma_wait3A = arith.constant 0 : i32
          %dma_wait3A_142 = tpu.memref_slice %arg8[%add3A_136, %dma_wait3A] : memref<100000x40xf32, #tpu.memory_space<hbm>> -> memref<500x40xf32, #tpu.memory_space<hbm>>
          %dma_wait3A_143 = arith.constant 0 : i32
          %dma_wait3A_144 = tpu.memref_slice %arg9[%mul3A_138, %dma_wait3A_143] : memref<50000x40xf32, #tpu.memory_space<vmem_shared>> -> memref<500x40xf32, #tpu.memory_space<vmem_shared>>
          tpu.wait_dma2 semaphore(%run_scoped3A : memref<!tpu.dma_semaphore, #tpu.memory_space<semaphore_mem>>) src(%dma_wait3A_144 : memref<500x40xf32, #tpu.memory_space<vmem_shared>>) dst(%dma_wait3A_142 : memref<500x40xf32, #tpu.memory_space<hbm>>)
          tpu.yield
        }) : () -> ()
      } else {
      }
    }
    %scan3A_122 = arith.constant 7 : i32
    return
  }
}

#map = affine_map<(d0, d1) -> (0, 0)>
#map1 = affine_map<(d0, d1) -> (0)>
module attributes {stable_mosaic.version = 14 : i64} {
  func.func @_sc2_body(%arg0: i32, %arg1: i32, %arg2: memref<50000x16xf32, #tpu.memory_space<hbm>>, %arg3: memref<800000xi32, #tpu.memory_space<hbm>>, %arg4: memref<800000xi32, #tpu.memory_space<hbm>>, %arg5: memref<16xf32, #tpu.memory_space<hbm>>, %arg6: memref<400x16xf32, #tpu.memory_space<hbm>>, %arg7: memref<100000x16xf32, #tpu.memory_space<hbm>>, %arg8: memref<50000x16xf32, #tpu.memory_space<vmem_shared>>, %arg9: memref<128xi32, #tpu.memory_space<vmem>>, %arg10: memref<128xi32, #tpu.memory_space<vmem>>, %arg11: memref<128x16xf32, #tpu.memory_space<vmem>>, %arg12: memref<128x16xf32, #tpu.memory_space<vmem>>, %arg13: memref<128x16xf32, #tpu.memory_space<vmem>>, %arg14: memref<16xf32, #tpu.memory_space<vmem>>, %arg15: memref<!tpu.dma_semaphore, #tpu.memory_space<semaphore_mem>>, %arg16: memref<!tpu.dma_semaphore, #tpu.memory_space<semaphore_mem>>) attributes {dimension_semantics = [#tpu.dimension_semantics<core_parallel>, #tpu.dimension_semantics<subcore_parallel>], iteration_bounds = array<i64: 2, 16>, scalar_prefetch = 0 : i64, scratch_operands = 9 : i64, tpu.core_type = #tpu.core_type<sc_vector_subcore>, window_params = [{transform_indices = #map}, {transform_indices = #map1}, {transform_indices = #map1}, {transform_indices = #map1}, {transform_indices = #map}, {transform_indices = #map}]} {
    %mul3A = arith.constant 2 : i32
    %mul3A_0 = arith.muli %arg1, %mul3A : i32
    %add3A = arith.addi %mul3A_0, %arg0 : i32
    "tpu.region"() ({
      %run_scoped3A = tpu.sem_alloc : memref<!tpu.dma_semaphore, #tpu.memory_space<semaphore_mem>>
      tpu.enqueue_dma source(%arg5 : memref<16xf32, #tpu.memory_space<hbm>>) target(%arg14 : memref<16xf32, #tpu.memory_space<vmem>>) target_semaphore(%run_scoped3A : memref<!tpu.dma_semaphore, #tpu.memory_space<semaphore_mem>>)
      tpu.wait_dma2 semaphore(%run_scoped3A : memref<!tpu.dma_semaphore, #tpu.memory_space<semaphore_mem>>) src(%arg5 : memref<16xf32, #tpu.memory_space<hbm>>) dst(%arg14 : memref<16xf32, #tpu.memory_space<vmem>>)
      tpu.yield
    }) : () -> ()
    %get3A = arith.constant 0 : index
    %get3A_1 = tpu.vector_load %arg14[%get3A] {strides = array<i32>} : memref<16xf32, #tpu.memory_space<vmem>>, vector<16xf32>,
    %iota3A = tpu.iota {dimensions = array<i32: 0>} : vector<16xi32>
    %broadcast_in_dim3A = arith.constant 0.000000e+00 : f32
    %broadcast_in_dim3A_2 = vector.broadcast %broadcast_in_dim3A : f32 to vector<16xf32>
    %add3A_3 = arith.constant 0 : i32
    %add3A_4 = vector.broadcast %add3A_3 : i32 to vector<16xi32>
    %add3A_5 = arith.addi %add3A_4, %iota3A : vector<16xi32>
    %broadcast_in_dim3A_6 = arith.constant 11 : i32
    %broadcast_in_dim3A_7 = vector.broadcast %broadcast_in_dim3A_6 : i32 to vector<16xi32>
    tpu.vector_store_idx %arg13[%add3A_5, %broadcast_in_dim3A_7], %broadcast_in_dim3A_2 : memref<128x16xf32, #tpu.memory_space<vmem>>[vector<16xi32>, vector<16xi32>], vector<16xf32>,
    %add3A_8 = arith.constant 16 : i32
    %add3A_9 = vector.broadcast %add3A_8 : i32 to vector<16xi32>
    %add3A_10 = arith.addi %add3A_9, %iota3A : vector<16xi32>
    %broadcast_in_dim3A_11 = arith.constant 11 : i32
    %broadcast_in_dim3A_12 = vector.broadcast %broadcast_in_dim3A_11 : i32 to vector<16xi32>
    tpu.vector_store_idx %arg13[%add3A_10, %broadcast_in_dim3A_12], %broadcast_in_dim3A_2 : memref<128x16xf32, #tpu.memory_space<vmem>>[vector<16xi32>, vector<16xi32>], vector<16xf32>,
    %add3A_13 = arith.constant 32 : i32
    %add3A_14 = vector.broadcast %add3A_13 : i32 to vector<16xi32>
    %add3A_15 = arith.addi %add3A_14, %iota3A : vector<16xi32>
    %broadcast_in_dim3A_16 = arith.constant 11 : i32
    %broadcast_in_dim3A_17 = vector.broadcast %broadcast_in_dim3A_16 : i32 to vector<16xi32>
    tpu.vector_store_idx %arg13[%add3A_15, %broadcast_in_dim3A_17], %broadcast_in_dim3A_2 : memref<128x16xf32, #tpu.memory_space<vmem>>[vector<16xi32>, vector<16xi32>], vector<16xf32>,
    %add3A_18 = arith.constant 48 : i32
    %add3A_19 = vector.broadcast %add3A_18 : i32 to vector<16xi32>
    %add3A_20 = arith.addi %add3A_19, %iota3A : vector<16xi32>
    %broadcast_in_dim3A_21 = arith.constant 11 : i32
    %broadcast_in_dim3A_22 = vector.broadcast %broadcast_in_dim3A_21 : i32 to vector<16xi32>
    tpu.vector_store_idx %arg13[%add3A_20, %broadcast_in_dim3A_22], %broadcast_in_dim3A_2 : memref<128x16xf32, #tpu.memory_space<vmem>>[vector<16xi32>, vector<16xi32>], vector<16xf32>,
    %add3A_23 = arith.constant 64 : i32
    %add3A_24 = vector.broadcast %add3A_23 : i32 to vector<16xi32>
    %add3A_25 = arith.addi %add3A_24, %iota3A : vector<16xi32>
    %broadcast_in_dim3A_26 = arith.constant 11 : i32
    %broadcast_in_dim3A_27 = vector.broadcast %broadcast_in_dim3A_26 : i32 to vector<16xi32>
    tpu.vector_store_idx %arg13[%add3A_25, %broadcast_in_dim3A_27], %broadcast_in_dim3A_2 : memref<128x16xf32, #tpu.memory_space<vmem>>[vector<16xi32>, vector<16xi32>], vector<16xf32>,
    %add3A_28 = arith.constant 80 : i32
    %add3A_29 = vector.broadcast %add3A_28 : i32 to vector<16xi32>
    %add3A_30 = arith.addi %add3A_29, %iota3A : vector<16xi32>
    %broadcast_in_dim3A_31 = arith.constant 11 : i32
    %broadcast_in_dim3A_32 = vector.broadcast %broadcast_in_dim3A_31 : i32 to vector<16xi32>
    tpu.vector_store_idx %arg13[%add3A_30, %broadcast_in_dim3A_32], %broadcast_in_dim3A_2 : memref<128x16xf32, #tpu.memory_space<vmem>>[vector<16xi32>, vector<16xi32>], vector<16xf32>,
    %add3A_33 = arith.constant 96 : i32
    %add3A_34 = vector.broadcast %add3A_33 : i32 to vector<16xi32>
    %add3A_35 = arith.addi %add3A_34, %iota3A : vector<16xi32>
    %broadcast_in_dim3A_36 = arith.constant 11 : i32
    %broadcast_in_dim3A_37 = vector.broadcast %broadcast_in_dim3A_36 : i32 to vector<16xi32>
    tpu.vector_store_idx %arg13[%add3A_35, %broadcast_in_dim3A_37], %broadcast_in_dim3A_2 : memref<128x16xf32, #tpu.memory_space<vmem>>[vector<16xi32>, vector<16xi32>], vector<16xf32>,
    %add3A_38 = arith.constant 112 : i32
    %add3A_39 = vector.broadcast %add3A_38 : i32 to vector<16xi32>
    %add3A_40 = arith.addi %add3A_39, %iota3A : vector<16xi32>
    %broadcast_in_dim3A_41 = arith.constant 11 : i32
    %broadcast_in_dim3A_42 = vector.broadcast %broadcast_in_dim3A_41 : i32 to vector<16xi32>
    tpu.vector_store_idx %arg13[%add3A_40, %broadcast_in_dim3A_42], %broadcast_in_dim3A_2 : memref<128x16xf32, #tpu.memory_space<vmem>>[vector<16xi32>, vector<16xi32>], vector<16xf32>,
    %scan3A = arith.constant 0 : i32
    %scan3A_43 = arith.constant 0 : i32
    %scan3A_44 = arith.constant 8 : i32
    %scan3A_45 = arith.addi %scan3A_43, %scan3A_44 : i32
    %scan3A_46 = arith.constant 1 : i32
    scf.for %scan3A_61 = %scan3A_43 to %scan3A_45 step %scan3A_46  : i32 {
      %mul3A_62 = arith.constant 16 : i32
      %mul3A_63 = arith.muli %mul3A_62, %scan3A_61 : i32
      %add3A_64 = arith.addi %arg1, %mul3A_63 : i32
      %lt3A = arith.constant 125 : i32
      %lt3A_65 = arith.cmpi slt, %add3A_64, %lt3A : i32
      %convert_element_type3A = arith.extui %lt3A_65 : i1 to i32
      %cond3A = arith.constant 0 : i32
      %cond3A_66 = arith.cmpi ne, %convert_element_type3A, %cond3A : i32
      scf.if %cond3A_66 {
        %mul3A_67 = arith.constant 400 : i32
        %mul3A_68 = arith.muli %add3A_64, %mul3A_67 : i32
        "tpu.region"() ({
          %run_scoped3A = tpu.sem_alloc : memref<!tpu.dma_semaphore, #tpu.memory_space<semaphore_mem>>
          %dma_start3A = arith.constant 0 : i32
          %dma_start3A_69 = tpu.memref_slice %arg8[%mul3A_68, %dma_start3A] : memref<50000x16xf32, #tpu.memory_space<vmem_shared>> -> memref<400x16xf32, #tpu.memory_space<vmem_shared>>
          tpu.enqueue_dma source(%arg6 : memref<400x16xf32, #tpu.memory_space<hbm>>) target(%dma_start3A_69 : memref<400x16xf32, #tpu.memory_space<vmem_shared>>) target_semaphore(%run_scoped3A : memref<!tpu.dma_semaphore, #tpu.memory_space<semaphore_mem>>)
          %dma_wait3A = arith.constant 0 : i32
          %dma_wait3A_70 = tpu.memref_slice %arg8[%mul3A_68, %dma_wait3A] : memref<50000x16xf32, #tpu.memory_space<vmem_shared>> -> memref<400x16xf32, #tpu.memory_space<vmem_shared>>
          tpu.wait_dma2 semaphore(%run_scoped3A : memref<!tpu.dma_semaphore, #tpu.memory_space<semaphore_mem>>) src(%arg6 : memref<400x16xf32, #tpu.memory_space<hbm>>) dst(%dma_wait3A_70 : memref<400x16xf32, #tpu.memory_space<vmem_shared>>)
          tpu.yield
        }) : () -> ()
      } else {
      }
    }
    %scan3A_47 = arith.constant 8 : i32
    %barrier3A = arith.constant 0 : index
    tpu.barrier barrier_id(%barrier3A)
    %scan3A_48 = arith.constant 0 : i32
    %scan3A_49 = arith.constant 0 : i32
    %scan3A_50 = arith.constant 196 : i32
    %scan3A_51 = arith.addi %scan3A_49, %scan3A_50 : i32
    %scan3A_52 = arith.constant 1 : i32
    scf.for %scan3A_61 = %scan3A_49 to %scan3A_51 step %scan3A_52  : i32 {
      %mul3A_62 = arith.constant 32 : i32
      %mul3A_63 = arith.muli %mul3A_62, %scan3A_61 : i32
      %add3A_64 = arith.addi %add3A, %mul3A_63 : i32
      %lt3A = arith.constant 6250 : i32
      %lt3A_65 = arith.cmpi slt, %add3A_64, %lt3A : i32
      %convert_element_type3A = arith.extui %lt3A_65 : i1 to i32
      %cond3A = arith.constant 0 : i32
      %cond3A_66 = arith.cmpi ne, %convert_element_type3A, %cond3A : i32
      scf.if %cond3A_66 {
        %mul3A_67 = arith.constant 128 : i32
        %mul3A_68 = arith.muli %add3A_64, %mul3A_67 : i32
        %dma_start3A = tpu.memref_slice %arg3[%mul3A_68] : memref<800000xi32, #tpu.memory_space<hbm>> -> memref<128xi32, #tpu.memory_space<hbm>>
        %dma_start3A_69 = tpu.memref_slice %arg3[%mul3A_68] : memref<800000xi32, #tpu.memory_space<hbm>> -> memref<128xi32, #tpu.memory_space<hbm>>
        tpu.enqueue_dma source(%dma_start3A_69 : memref<128xi32, #tpu.memory_space<hbm>>) target(%arg9 : memref<128xi32, #tpu.memory_space<vmem>>) target_semaphore(%arg15 : memref<!tpu.dma_semaphore, #tpu.memory_space<semaphore_mem>>)
        %dma_start3A_70 = tpu.memref_slice %arg4[%mul3A_68] : memref<800000xi32, #tpu.memory_space<hbm>> -> memref<128xi32, #tpu.memory_space<hbm>>
        %dma_start3A_71 = tpu.memref_slice %arg4[%mul3A_68] : memref<800000xi32, #tpu.memory_space<hbm>> -> memref<128xi32, #tpu.memory_space<hbm>>
        tpu.enqueue_dma source(%dma_start3A_71 : memref<128xi32, #tpu.memory_space<hbm>>) target(%arg10 : memref<128xi32, #tpu.memory_space<vmem>>) target_semaphore(%arg16 : memref<!tpu.dma_semaphore, #tpu.memory_space<semaphore_mem>>)
        %dma_wait3A = tpu.memref_slice %arg3[%mul3A_68] : memref<800000xi32, #tpu.memory_space<hbm>> -> memref<128xi32, #tpu.memory_space<hbm>>
        %dma_wait3A_72 = tpu.memref_slice %arg3[%mul3A_68] : memref<800000xi32, #tpu.memory_space<hbm>> -> memref<128xi32, #tpu.memory_space<hbm>>
        tpu.wait_dma2 semaphore(%arg15 : memref<!tpu.dma_semaphore, #tpu.memory_space<semaphore_mem>>) src(%dma_wait3A_72 : memref<128xi32, #tpu.memory_space<hbm>>) dst(%arg9 : memref<128xi32, #tpu.memory_space<vmem>>)
        %dma_wait3A_73 = tpu.memref_slice %arg4[%mul3A_68] : memref<800000xi32, #tpu.memory_space<hbm>> -> memref<128xi32, #tpu.memory_space<hbm>>
        %dma_wait3A_74 = tpu.memref_slice %arg4[%mul3A_68] : memref<800000xi32, #tpu.memory_space<hbm>> -> memref<128xi32, #tpu.memory_space<hbm>>
        tpu.wait_dma2 semaphore(%arg16 : memref<!tpu.dma_semaphore, #tpu.memory_space<semaphore_mem>>) src(%dma_wait3A_74 : memref<128xi32, #tpu.memory_space<hbm>>) dst(%arg10 : memref<128xi32, #tpu.memory_space<vmem>>)
        %dma_start3A_75 = arith.constant 0 : i32
        %dma_start3A_76 = arith.constant 0 : i32
        %dma_start3A_77 = tpu.memref_slice %arg2[%dma_start3A_75, %dma_start3A_76] : memref<50000x16xf32, #tpu.memory_space<hbm>> -> memref<50000x16xf32, #tpu.memory_space<hbm>>
        tpu.enqueue_indirect_dma source(%dma_start3A_77 : memref<50000x16xf32, #tpu.memory_space<hbm>>) target(%arg11 : memref<128x16xf32, #tpu.memory_space<vmem>>) offsets(%arg9 : memref<128xi32, #tpu.memory_space<vmem>>) semaphore(%arg15 : memref<!tpu.dma_semaphore, #tpu.memory_space<semaphore_mem>>)
        %dma_start3A_78 = arith.constant 0 : i32
        %dma_start3A_79 = arith.constant 0 : i32
        %dma_start3A_80 = tpu.memref_slice %arg2[%dma_start3A_78, %dma_start3A_79] : memref<50000x16xf32, #tpu.memory_space<hbm>> -> memref<50000x16xf32, #tpu.memory_space<hbm>>
        tpu.enqueue_indirect_dma source(%dma_start3A_80 : memref<50000x16xf32, #tpu.memory_space<hbm>>) target(%arg12 : memref<128x16xf32, #tpu.memory_space<vmem>>) offsets(%arg10 : memref<128xi32, #tpu.memory_space<vmem>>) semaphore(%arg16 : memref<!tpu.dma_semaphore, #tpu.memory_space<semaphore_mem>>)
        %dma_wait3A_81 = arith.constant 0 : i32
        %dma_wait3A_82 = arith.constant 0 : i32
        %dma_wait3A_83 = tpu.memref_slice %arg2[%dma_wait3A_81, %dma_wait3A_82] : memref<50000x16xf32, #tpu.memory_space<hbm>> -> memref<50000x16xf32, #tpu.memory_space<hbm>>
        tpu.wait_indirect_dma semaphore(%arg15 : memref<!tpu.dma_semaphore, #tpu.memory_space<semaphore_mem>>) src(%dma_wait3A_83 : memref<50000x16xf32, #tpu.memory_space<hbm>>) dst(%arg11 : memref<128x16xf32, #tpu.memory_space<vmem>>)
        %dma_wait3A_84 = arith.constant 0 : i32
        %dma_wait3A_85 = arith.constant 0 : i32
        %dma_wait3A_86 = tpu.memref_slice %arg2[%dma_wait3A_84, %dma_wait3A_85] : memref<50000x16xf32, #tpu.memory_space<hbm>> -> memref<50000x16xf32, #tpu.memory_space<hbm>>
        tpu.wait_indirect_dma semaphore(%arg16 : memref<!tpu.dma_semaphore, #tpu.memory_space<semaphore_mem>>) src(%dma_wait3A_86 : memref<50000x16xf32, #tpu.memory_space<hbm>>) dst(%arg12 : memref<128x16xf32, #tpu.memory_space<vmem>>)
        %add3A_87 = arith.constant 0 : i32
        %add3A_88 = vector.broadcast %add3A_87 : i32 to vector<16xi32>
        %add3A_89 = arith.addi %add3A_88, %iota3A : vector<16xi32>
        %broadcast_in_dim3A_90 = arith.constant 10 : i32
        %broadcast_in_dim3A_91 = vector.broadcast %broadcast_in_dim3A_90 : i32 to vector<16xi32>
        %gather3A = tpu.vector_load_idx %arg11[%add3A_89, %broadcast_in_dim3A_91] : memref<128x16xf32, #tpu.memory_space<vmem>>[vector<16xi32>, vector<16xi32>], vector<16xf32>,
        %broadcast_in_dim3A_92 = arith.constant 11 : i32
        %broadcast_in_dim3A_93 = vector.broadcast %broadcast_in_dim3A_92 : i32 to vector<16xi32>
        %gather3A_94 = tpu.vector_load_idx %arg12[%add3A_89, %broadcast_in_dim3A_93] : memref<128x16xf32, #tpu.memory_space<vmem>>[vector<16xi32>, vector<16xi32>], vector<16xf32>,
        %add3A_95 = arith.addf %gather3A, %gather3A_94 : vector<16xf32>
        %ge3A = arith.constant 0.000000e+00 : f32
        %ge3A_96 = vector.broadcast %ge3A : f32 to vector<16xf32>
        %ge3A_97 = arith.cmpf oge, %add3A_95, %ge3A_96 : vector<16xf32>
        %mul3A_98 = arith.constant 2.000000e-01 : f32
        %mul3A_99 = vector.broadcast %mul3A_98 : f32 to vector<16xf32>
        %mul3A_100 = arith.mulf %add3A_95, %mul3A_99 : vector<16xf32>
        %select_n3A = arith.select %ge3A_97, %add3A_95, %mul3A_100 : vector<16xi1>, vector<16xf32>
        %sub3A = arith.subf %select_n3A, %get3A_1 : vector<16xf32>
        %exp3A = math.exp %sub3A : vector<16xf32>
        %broadcast_in_dim3A_101 = arith.constant 10 : i32
        %broadcast_in_dim3A_102 = vector.broadcast %broadcast_in_dim3A_101 : i32 to vector<16xi32>
        tpu.vector_store_idx %arg13[%add3A_89, %broadcast_in_dim3A_102], %exp3A : memref<128x16xf32, #tpu.memory_space<vmem>>[vector<16xi32>, vector<16xi32>], vector<16xf32>,
        %broadcast_in_dim3A_103 = arith.constant 0 : i32
        %broadcast_in_dim3A_104 = vector.broadcast %broadcast_in_dim3A_103 : i32 to vector<16xi32>
        %gather3A_105 = tpu.vector_load_idx %arg11[%add3A_89, %broadcast_in_dim3A_104] : memref<128x16xf32, #tpu.memory_space<vmem>>[vector<16xi32>, vector<16xi32>], vector<16xf32>,
        %broadcast_in_dim3A_106 = arith.constant 0 : i32
        %broadcast_in_dim3A_107 = vector.broadcast %broadcast_in_dim3A_106 : i32 to vector<16xi32>
        %mul3A_108 = arith.mulf %gather3A_105, %exp3A : vector<16xf32>
        tpu.vector_store_idx %arg13[%add3A_89, %broadcast_in_dim3A_107], %mul3A_108 : memref<128x16xf32, #tpu.memory_space<vmem>>[vector<16xi32>, vector<16xi32>], vector<16xf32>,
        %broadcast_in_dim3A_109 = arith.constant 1 : i32
        %broadcast_in_dim3A_110 = vector.broadcast %broadcast_in_dim3A_109 : i32 to vector<16xi32>
        %gather3A_111 = tpu.vector_load_idx %arg11[%add3A_89, %broadcast_in_dim3A_110] : memref<128x16xf32, #tpu.memory_space<vmem>>[vector<16xi32>, vector<16xi32>], vector<16xf32>,
        %broadcast_in_dim3A_112 = arith.constant 1 : i32
        %broadcast_in_dim3A_113 = vector.broadcast %broadcast_in_dim3A_112 : i32 to vector<16xi32>
        %mul3A_114 = arith.mulf %gather3A_111, %exp3A : vector<16xf32>
        tpu.vector_store_idx %arg13[%add3A_89, %broadcast_in_dim3A_113], %mul3A_114 : memref<128x16xf32, #tpu.memory_space<vmem>>[vector<16xi32>, vector<16xi32>], vector<16xf32>,
        %broadcast_in_dim3A_115 = arith.constant 2 : i32
        %broadcast_in_dim3A_116 = vector.broadcast %broadcast_in_dim3A_115 : i32 to vector<16xi32>
        %gather3A_117 = tpu.vector_load_idx %arg11[%add3A_89, %broadcast_in_dim3A_116] : memref<128x16xf32, #tpu.memory_space<vmem>>[vector<16xi32>, vector<16xi32>], vector<16xf32>,
        %broadcast_in_dim3A_118 = arith.constant 2 : i32
        %broadcast_in_dim3A_119 = vector.broadcast %broadcast_in_dim3A_118 : i32 to vector<16xi32>
        %mul3A_120 = arith.mulf %gather3A_117, %exp3A : vector<16xf32>
        tpu.vector_store_idx %arg13[%add3A_89, %broadcast_in_dim3A_119], %mul3A_120 : memref<128x16xf32, #tpu.memory_space<vmem>>[vector<16xi32>, vector<16xi32>], vector<16xf32>,
        %broadcast_in_dim3A_121 = arith.constant 3 : i32
        %broadcast_in_dim3A_122 = vector.broadcast %broadcast_in_dim3A_121 : i32 to vector<16xi32>
        %gather3A_123 = tpu.vector_load_idx %arg11[%add3A_89, %broadcast_in_dim3A_122] : memref<128x16xf32, #tpu.memory_space<vmem>>[vector<16xi32>, vector<16xi32>], vector<16xf32>,
        %broadcast_in_dim3A_124 = arith.constant 3 : i32
        %broadcast_in_dim3A_125 = vector.broadcast %broadcast_in_dim3A_124 : i32 to vector<16xi32>
        %mul3A_126 = arith.mulf %gather3A_123, %exp3A : vector<16xf32>
        tpu.vector_store_idx %arg13[%add3A_89, %broadcast_in_dim3A_125], %mul3A_126 : memref<128x16xf32, #tpu.memory_space<vmem>>[vector<16xi32>, vector<16xi32>], vector<16xf32>,
        %broadcast_in_dim3A_127 = arith.constant 4 : i32
        %broadcast_in_dim3A_128 = vector.broadcast %broadcast_in_dim3A_127 : i32 to vector<16xi32>
        %gather3A_129 = tpu.vector_load_idx %arg11[%add3A_89, %broadcast_in_dim3A_128] : memref<128x16xf32, #tpu.memory_space<vmem>>[vector<16xi32>, vector<16xi32>], vector<16xf32>,
        %broadcast_in_dim3A_130 = arith.constant 4 : i32
        %broadcast_in_dim3A_131 = vector.broadcast %broadcast_in_dim3A_130 : i32 to vector<16xi32>
        %mul3A_132 = arith.mulf %gather3A_129, %exp3A : vector<16xf32>
        tpu.vector_store_idx %arg13[%add3A_89, %broadcast_in_dim3A_131], %mul3A_132 : memref<128x16xf32, #tpu.memory_space<vmem>>[vector<16xi32>, vector<16xi32>], vector<16xf32>,
        %broadcast_in_dim3A_133 = arith.constant 5 : i32
        %broadcast_in_dim3A_134 = vector.broadcast %broadcast_in_dim3A_133 : i32 to vector<16xi32>
        %gather3A_135 = tpu.vector_load_idx %arg11[%add3A_89, %broadcast_in_dim3A_134] : memref<128x16xf32, #tpu.memory_space<vmem>>[vector<16xi32>, vector<16xi32>], vector<16xf32>,
        %broadcast_in_dim3A_136 = arith.constant 5 : i32
        %broadcast_in_dim3A_137 = vector.broadcast %broadcast_in_dim3A_136 : i32 to vector<16xi32>
        %mul3A_138 = arith.mulf %gather3A_135, %exp3A : vector<16xf32>
        tpu.vector_store_idx %arg13[%add3A_89, %broadcast_in_dim3A_137], %mul3A_138 : memref<128x16xf32, #tpu.memory_space<vmem>>[vector<16xi32>, vector<16xi32>], vector<16xf32>,
        %broadcast_in_dim3A_139 = arith.constant 6 : i32
        %broadcast_in_dim3A_140 = vector.broadcast %broadcast_in_dim3A_139 : i32 to vector<16xi32>
        %gather3A_141 = tpu.vector_load_idx %arg11[%add3A_89, %broadcast_in_dim3A_140] : memref<128x16xf32, #tpu.memory_space<vmem>>[vector<16xi32>, vector<16xi32>], vector<16xf32>,
        %broadcast_in_dim3A_142 = arith.constant 6 : i32
        %broadcast_in_dim3A_143 = vector.broadcast %broadcast_in_dim3A_142 : i32 to vector<16xi32>
        %mul3A_144 = arith.mulf %gather3A_141, %exp3A : vector<16xf32>
        tpu.vector_store_idx %arg13[%add3A_89, %broadcast_in_dim3A_143], %mul3A_144 : memref<128x16xf32, #tpu.memory_space<vmem>>[vector<16xi32>, vector<16xi32>], vector<16xf32>,
        %broadcast_in_dim3A_145 = arith.constant 7 : i32
        %broadcast_in_dim3A_146 = vector.broadcast %broadcast_in_dim3A_145 : i32 to vector<16xi32>
        %gather3A_147 = tpu.vector_load_idx %arg11[%add3A_89, %broadcast_in_dim3A_146] : memref<128x16xf32, #tpu.memory_space<vmem>>[vector<16xi32>, vector<16xi32>], vector<16xf32>,
        %broadcast_in_dim3A_148 = arith.constant 7 : i32
        %broadcast_in_dim3A_149 = vector.broadcast %broadcast_in_dim3A_148 : i32 to vector<16xi32>
        %mul3A_150 = arith.mulf %gather3A_147, %exp3A : vector<16xf32>
        tpu.vector_store_idx %arg13[%add3A_89, %broadcast_in_dim3A_149], %mul3A_150 : memref<128x16xf32, #tpu.memory_space<vmem>>[vector<16xi32>, vector<16xi32>], vector<16xf32>,
        %broadcast_in_dim3A_151 = arith.constant 8 : i32
        %broadcast_in_dim3A_152 = vector.broadcast %broadcast_in_dim3A_151 : i32 to vector<16xi32>
        %gather3A_153 = tpu.vector_load_idx %arg11[%add3A_89, %broadcast_in_dim3A_152] : memref<128x16xf32, #tpu.memory_space<vmem>>[vector<16xi32>, vector<16xi32>], vector<16xf32>,
        %broadcast_in_dim3A_154 = arith.constant 8 : i32
        %broadcast_in_dim3A_155 = vector.broadcast %broadcast_in_dim3A_154 : i32 to vector<16xi32>
        %mul3A_156 = arith.mulf %gather3A_153, %exp3A : vector<16xf32>
        tpu.vector_store_idx %arg13[%add3A_89, %broadcast_in_dim3A_155], %mul3A_156 : memref<128x16xf32, #tpu.memory_space<vmem>>[vector<16xi32>, vector<16xi32>], vector<16xf32>,
        %broadcast_in_dim3A_157 = arith.constant 9 : i32
        %broadcast_in_dim3A_158 = vector.broadcast %broadcast_in_dim3A_157 : i32 to vector<16xi32>
        %gather3A_159 = tpu.vector_load_idx %arg11[%add3A_89, %broadcast_in_dim3A_158] : memref<128x16xf32, #tpu.memory_space<vmem>>[vector<16xi32>, vector<16xi32>], vector<16xf32>,
        %broadcast_in_dim3A_160 = arith.constant 9 : i32
        %broadcast_in_dim3A_161 = vector.broadcast %broadcast_in_dim3A_160 : i32 to vector<16xi32>
        %mul3A_162 = arith.mulf %gather3A_159, %exp3A : vector<16xf32>
        tpu.vector_store_idx %arg13[%add3A_89, %broadcast_in_dim3A_161], %mul3A_162 : memref<128x16xf32, #tpu.memory_space<vmem>>[vector<16xi32>, vector<16xi32>], vector<16xf32>,
        %add3A_163 = arith.constant 16 : i32
        %add3A_164 = vector.broadcast %add3A_163 : i32 to vector<16xi32>
        %add3A_165 = arith.addi %add3A_164, %iota3A : vector<16xi32>
        %broadcast_in_dim3A_166 = arith.constant 10 : i32
        %broadcast_in_dim3A_167 = vector.broadcast %broadcast_in_dim3A_166 : i32 to vector<16xi32>
        %gather3A_168 = tpu.vector_load_idx %arg11[%add3A_165, %broadcast_in_dim3A_167] : memref<128x16xf32, #tpu.memory_space<vmem>>[vector<16xi32>, vector<16xi32>], vector<16xf32>,
        %broadcast_in_dim3A_169 = arith.constant 11 : i32
        %broadcast_in_dim3A_170 = vector.broadcast %broadcast_in_dim3A_169 : i32 to vector<16xi32>
        %gather3A_171 = tpu.vector_load_idx %arg12[%add3A_165, %broadcast_in_dim3A_170] : memref<128x16xf32, #tpu.memory_space<vmem>>[vector<16xi32>, vector<16xi32>], vector<16xf32>,
        %add3A_172 = arith.addf %gather3A_168, %gather3A_171 : vector<16xf32>
        %ge3A_173 = arith.constant 0.000000e+00 : f32
        %ge3A_174 = vector.broadcast %ge3A_173 : f32 to vector<16xf32>
        %ge3A_175 = arith.cmpf oge, %add3A_172, %ge3A_174 : vector<16xf32>
        %mul3A_176 = arith.constant 2.000000e-01 : f32
        %mul3A_177 = vector.broadcast %mul3A_176 : f32 to vector<16xf32>
        %mul3A_178 = arith.mulf %add3A_172, %mul3A_177 : vector<16xf32>
        %select_n3A_179 = arith.select %ge3A_175, %add3A_172, %mul3A_178 : vector<16xi1>, vector<16xf32>
        %sub3A_180 = arith.subf %select_n3A_179, %get3A_1 : vector<16xf32>
        %exp3A_181 = math.exp %sub3A_180 : vector<16xf32>
        %broadcast_in_dim3A_182 = arith.constant 10 : i32
        %broadcast_in_dim3A_183 = vector.broadcast %broadcast_in_dim3A_182 : i32 to vector<16xi32>
        tpu.vector_store_idx %arg13[%add3A_165, %broadcast_in_dim3A_183], %exp3A_181 : memref<128x16xf32, #tpu.memory_space<vmem>>[vector<16xi32>, vector<16xi32>], vector<16xf32>,
        %broadcast_in_dim3A_184 = arith.constant 0 : i32
        %broadcast_in_dim3A_185 = vector.broadcast %broadcast_in_dim3A_184 : i32 to vector<16xi32>
        %gather3A_186 = tpu.vector_load_idx %arg11[%add3A_165, %broadcast_in_dim3A_185] : memref<128x16xf32, #tpu.memory_space<vmem>>[vector<16xi32>, vector<16xi32>], vector<16xf32>,
        %broadcast_in_dim3A_187 = arith.constant 0 : i32
        %broadcast_in_dim3A_188 = vector.broadcast %broadcast_in_dim3A_187 : i32 to vector<16xi32>
        %mul3A_189 = arith.mulf %gather3A_186, %exp3A_181 : vector<16xf32>
        tpu.vector_store_idx %arg13[%add3A_165, %broadcast_in_dim3A_188], %mul3A_189 : memref<128x16xf32, #tpu.memory_space<vmem>>[vector<16xi32>, vector<16xi32>], vector<16xf32>,
        %broadcast_in_dim3A_190 = arith.constant 1 : i32
        %broadcast_in_dim3A_191 = vector.broadcast %broadcast_in_dim3A_190 : i32 to vector<16xi32>
        %gather3A_192 = tpu.vector_load_idx %arg11[%add3A_165, %broadcast_in_dim3A_191] : memref<128x16xf32, #tpu.memory_space<vmem>>[vector<16xi32>, vector<16xi32>], vector<16xf32>,
        %broadcast_in_dim3A_193 = arith.constant 1 : i32
        %broadcast_in_dim3A_194 = vector.broadcast %broadcast_in_dim3A_193 : i32 to vector<16xi32>
        %mul3A_195 = arith.mulf %gather3A_192, %exp3A_181 : vector<16xf32>
        tpu.vector_store_idx %arg13[%add3A_165, %broadcast_in_dim3A_194], %mul3A_195 : memref<128x16xf32, #tpu.memory_space<vmem>>[vector<16xi32>, vector<16xi32>], vector<16xf32>,
        %broadcast_in_dim3A_196 = arith.constant 2 : i32
        %broadcast_in_dim3A_197 = vector.broadcast %broadcast_in_dim3A_196 : i32 to vector<16xi32>
        %gather3A_198 = tpu.vector_load_idx %arg11[%add3A_165, %broadcast_in_dim3A_197] : memref<128x16xf32, #tpu.memory_space<vmem>>[vector<16xi32>, vector<16xi32>], vector<16xf32>,
        %broadcast_in_dim3A_199 = arith.constant 2 : i32
        %broadcast_in_dim3A_200 = vector.broadcast %broadcast_in_dim3A_199 : i32 to vector<16xi32>
        %mul3A_201 = arith.mulf %gather3A_198, %exp3A_181 : vector<16xf32>
        tpu.vector_store_idx %arg13[%add3A_165, %broadcast_in_dim3A_200], %mul3A_201 : memref<128x16xf32, #tpu.memory_space<vmem>>[vector<16xi32>, vector<16xi32>], vector<16xf32>,
        %broadcast_in_dim3A_202 = arith.constant 3 : i32
        %broadcast_in_dim3A_203 = vector.broadcast %broadcast_in_dim3A_202 : i32 to vector<16xi32>
        %gather3A_204 = tpu.vector_load_idx %arg11[%add3A_165, %broadcast_in_dim3A_203] : memref<128x16xf32, #tpu.memory_space<vmem>>[vector<16xi32>, vector<16xi32>], vector<16xf32>,
        %broadcast_in_dim3A_205 = arith.constant 3 : i32
        %broadcast_in_dim3A_206 = vector.broadcast %broadcast_in_dim3A_205 : i32 to vector<16xi32>
        %mul3A_207 = arith.mulf %gather3A_204, %exp3A_181 : vector<16xf32>
        tpu.vector_store_idx %arg13[%add3A_165, %broadcast_in_dim3A_206], %mul3A_207 : memref<128x16xf32, #tpu.memory_space<vmem>>[vector<16xi32>, vector<16xi32>], vector<16xf32>,
        %broadcast_in_dim3A_208 = arith.constant 4 : i32
        %broadcast_in_dim3A_209 = vector.broadcast %broadcast_in_dim3A_208 : i32 to vector<16xi32>
        %gather3A_210 = tpu.vector_load_idx %arg11[%add3A_165, %broadcast_in_dim3A_209] : memref<128x16xf32, #tpu.memory_space<vmem>>[vector<16xi32>, vector<16xi32>], vector<16xf32>,
        %broadcast_in_dim3A_211 = arith.constant 4 : i32
        %broadcast_in_dim3A_212 = vector.broadcast %broadcast_in_dim3A_211 : i32 to vector<16xi32>
        %mul3A_213 = arith.mulf %gather3A_210, %exp3A_181 : vector<16xf32>
        tpu.vector_store_idx %arg13[%add3A_165, %broadcast_in_dim3A_212], %mul3A_213 : memref<128x16xf32, #tpu.memory_space<vmem>>[vector<16xi32>, vector<16xi32>], vector<16xf32>,
        %broadcast_in_dim3A_214 = arith.constant 5 : i32
        %broadcast_in_dim3A_215 = vector.broadcast %broadcast_in_dim3A_214 : i32 to vector<16xi32>
        %gather3A_216 = tpu.vector_load_idx %arg11[%add3A_165, %broadcast_in_dim3A_215] : memref<128x16xf32, #tpu.memory_space<vmem>>[vector<16xi32>, vector<16xi32>], vector<16xf32>,
        %broadcast_in_dim3A_217 = arith.constant 5 : i32
        %broadcast_in_dim3A_218 = vector.broadcast %broadcast_in_dim3A_217 : i32 to vector<16xi32>
        %mul3A_219 = arith.mulf %gather3A_216, %exp3A_181 : vector<16xf32>
        tpu.vector_store_idx %arg13[%add3A_165, %broadcast_in_dim3A_218], %mul3A_219 : memref<128x16xf32, #tpu.memory_space<vmem>>[vector<16xi32>, vector<16xi32>], vector<16xf32>,
        %broadcast_in_dim3A_220 = arith.constant 6 : i32
        %broadcast_in_dim3A_221 = vector.broadcast %broadcast_in_dim3A_220 : i32 to vector<16xi32>
        %gather3A_222 = tpu.vector_load_idx %arg11[%add3A_165, %broadcast_in_dim3A_221] : memref<128x16xf32, #tpu.memory_space<vmem>>[vector<16xi32>, vector<16xi32>], vector<16xf32>,
        %broadcast_in_dim3A_223 = arith.constant 6 : i32
        %broadcast_in_dim3A_224 = vector.broadcast %broadcast_in_dim3A_223 : i32 to vector<16xi32>
        %mul3A_225 = arith.mulf %gather3A_222, %exp3A_181 : vector<16xf32>
        tpu.vector_store_idx %arg13[%add3A_165, %broadcast_in_dim3A_224], %mul3A_225 : memref<128x16xf32, #tpu.memory_space<vmem>>[vector<16xi32>, vector<16xi32>], vector<16xf32>,
        %broadcast_in_dim3A_226 = arith.constant 7 : i32
        %broadcast_in_dim3A_227 = vector.broadcast %broadcast_in_dim3A_226 : i32 to vector<16xi32>
        %gather3A_228 = tpu.vector_load_idx %arg11[%add3A_165, %broadcast_in_dim3A_227] : memref<128x16xf32, #tpu.memory_space<vmem>>[vector<16xi32>, vector<16xi32>], vector<16xf32>,
        %broadcast_in_dim3A_229 = arith.constant 7 : i32
        %broadcast_in_dim3A_230 = vector.broadcast %broadcast_in_dim3A_229 : i32 to vector<16xi32>
        %mul3A_231 = arith.mulf %gather3A_228, %exp3A_181 : vector<16xf32>
        tpu.vector_store_idx %arg13[%add3A_165, %broadcast_in_dim3A_230], %mul3A_231 : memref<128x16xf32, #tpu.memory_space<vmem>>[vector<16xi32>, vector<16xi32>], vector<16xf32>,
        %broadcast_in_dim3A_232 = arith.constant 8 : i32
        %broadcast_in_dim3A_233 = vector.broadcast %broadcast_in_dim3A_232 : i32 to vector<16xi32>
        %gather3A_234 = tpu.vector_load_idx %arg11[%add3A_165, %broadcast_in_dim3A_233] : memref<128x16xf32, #tpu.memory_space<vmem>>[vector<16xi32>, vector<16xi32>], vector<16xf32>,
        %broadcast_in_dim3A_235 = arith.constant 8 : i32
        %broadcast_in_dim3A_236 = vector.broadcast %broadcast_in_dim3A_235 : i32 to vector<16xi32>
        %mul3A_237 = arith.mulf %gather3A_234, %exp3A_181 : vector<16xf32>
        tpu.vector_store_idx %arg13[%add3A_165, %broadcast_in_dim3A_236], %mul3A_237 : memref<128x16xf32, #tpu.memory_space<vmem>>[vector<16xi32>, vector<16xi32>], vector<16xf32>,
        %broadcast_in_dim3A_238 = arith.constant 9 : i32
        %broadcast_in_dim3A_239 = vector.broadcast %broadcast_in_dim3A_238 : i32 to vector<16xi32>
        %gather3A_240 = tpu.vector_load_idx %arg11[%add3A_165, %broadcast_in_dim3A_239] : memref<128x16xf32, #tpu.memory_space<vmem>>[vector<16xi32>, vector<16xi32>], vector<16xf32>,
        %broadcast_in_dim3A_241 = arith.constant 9 : i32
        %broadcast_in_dim3A_242 = vector.broadcast %broadcast_in_dim3A_241 : i32 to vector<16xi32>
        %mul3A_243 = arith.mulf %gather3A_240, %exp3A_181 : vector<16xf32>
        tpu.vector_store_idx %arg13[%add3A_165, %broadcast_in_dim3A_242], %mul3A_243 : memref<128x16xf32, #tpu.memory_space<vmem>>[vector<16xi32>, vector<16xi32>], vector<16xf32>,
        %add3A_244 = arith.constant 32 : i32
        %add3A_245 = vector.broadcast %add3A_244 : i32 to vector<16xi32>
        %add3A_246 = arith.addi %add3A_245, %iota3A : vector<16xi32>
        %broadcast_in_dim3A_247 = arith.constant 10 : i32
        %broadcast_in_dim3A_248 = vector.broadcast %broadcast_in_dim3A_247 : i32 to vector<16xi32>
        %gather3A_249 = tpu.vector_load_idx %arg11[%add3A_246, %broadcast_in_dim3A_248] : memref<128x16xf32, #tpu.memory_space<vmem>>[vector<16xi32>, vector<16xi32>], vector<16xf32>,
        %broadcast_in_dim3A_250 = arith.constant 11 : i32
        %broadcast_in_dim3A_251 = vector.broadcast %broadcast_in_dim3A_250 : i32 to vector<16xi32>
        %gather3A_252 = tpu.vector_load_idx %arg12[%add3A_246, %broadcast_in_dim3A_251] : memref<128x16xf32, #tpu.memory_space<vmem>>[vector<16xi32>, vector<16xi32>], vector<16xf32>,
        %add3A_253 = arith.addf %gather3A_249, %gather3A_252 : vector<16xf32>
        %ge3A_254 = arith.constant 0.000000e+00 : f32
        %ge3A_255 = vector.broadcast %ge3A_254 : f32 to vector<16xf32>
        %ge3A_256 = arith.cmpf oge, %add3A_253, %ge3A_255 : vector<16xf32>
        %mul3A_257 = arith.constant 2.000000e-01 : f32
        %mul3A_258 = vector.broadcast %mul3A_257 : f32 to vector<16xf32>
        %mul3A_259 = arith.mulf %add3A_253, %mul3A_258 : vector<16xf32>
        %select_n3A_260 = arith.select %ge3A_256, %add3A_253, %mul3A_259 : vector<16xi1>, vector<16xf32>
        %sub3A_261 = arith.subf %select_n3A_260, %get3A_1 : vector<16xf32>
        %exp3A_262 = math.exp %sub3A_261 : vector<16xf32>
        %broadcast_in_dim3A_263 = arith.constant 10 : i32
        %broadcast_in_dim3A_264 = vector.broadcast %broadcast_in_dim3A_263 : i32 to vector<16xi32>
        tpu.vector_store_idx %arg13[%add3A_246, %broadcast_in_dim3A_264], %exp3A_262 : memref<128x16xf32, #tpu.memory_space<vmem>>[vector<16xi32>, vector<16xi32>], vector<16xf32>,
        %broadcast_in_dim3A_265 = arith.constant 0 : i32
        %broadcast_in_dim3A_266 = vector.broadcast %broadcast_in_dim3A_265 : i32 to vector<16xi32>
        %gather3A_267 = tpu.vector_load_idx %arg11[%add3A_246, %broadcast_in_dim3A_266] : memref<128x16xf32, #tpu.memory_space<vmem>>[vector<16xi32>, vector<16xi32>], vector<16xf32>,
        %broadcast_in_dim3A_268 = arith.constant 0 : i32
        %broadcast_in_dim3A_269 = vector.broadcast %broadcast_in_dim3A_268 : i32 to vector<16xi32>
        %mul3A_270 = arith.mulf %gather3A_267, %exp3A_262 : vector<16xf32>
        tpu.vector_store_idx %arg13[%add3A_246, %broadcast_in_dim3A_269], %mul3A_270 : memref<128x16xf32, #tpu.memory_space<vmem>>[vector<16xi32>, vector<16xi32>], vector<16xf32>,
        %broadcast_in_dim3A_271 = arith.constant 1 : i32
        %broadcast_in_dim3A_272 = vector.broadcast %broadcast_in_dim3A_271 : i32 to vector<16xi32>
        %gather3A_273 = tpu.vector_load_idx %arg11[%add3A_246, %broadcast_in_dim3A_272] : memref<128x16xf32, #tpu.memory_space<vmem>>[vector<16xi32>, vector<16xi32>], vector<16xf32>,
        %broadcast_in_dim3A_274 = arith.constant 1 : i32
        %broadcast_in_dim3A_275 = vector.broadcast %broadcast_in_dim3A_274 : i32 to vector<16xi32>
        %mul3A_276 = arith.mulf %gather3A_273, %exp3A_262 : vector<16xf32>
        tpu.vector_store_idx %arg13[%add3A_246, %broadcast_in_dim3A_275], %mul3A_276 : memref<128x16xf32, #tpu.memory_space<vmem>>[vector<16xi32>, vector<16xi32>], vector<16xf32>,
        %broadcast_in_dim3A_277 = arith.constant 2 : i32
        %broadcast_in_dim3A_278 = vector.broadcast %broadcast_in_dim3A_277 : i32 to vector<16xi32>
        %gather3A_279 = tpu.vector_load_idx %arg11[%add3A_246, %broadcast_in_dim3A_278] : memref<128x16xf32, #tpu.memory_space<vmem>>[vector<16xi32>, vector<16xi32>], vector<16xf32>,
        %broadcast_in_dim3A_280 = arith.constant 2 : i32
        %broadcast_in_dim3A_281 = vector.broadcast %broadcast_in_dim3A_280 : i32 to vector<16xi32>
        %mul3A_282 = arith.mulf %gather3A_279, %exp3A_262 : vector<16xf32>
        tpu.vector_store_idx %arg13[%add3A_246, %broadcast_in_dim3A_281], %mul3A_282 : memref<128x16xf32, #tpu.memory_space<vmem>>[vector<16xi32>, vector<16xi32>], vector<16xf32>,
        %broadcast_in_dim3A_283 = arith.constant 3 : i32
        %broadcast_in_dim3A_284 = vector.broadcast %broadcast_in_dim3A_283 : i32 to vector<16xi32>
        %gather3A_285 = tpu.vector_load_idx %arg11[%add3A_246, %broadcast_in_dim3A_284] : memref<128x16xf32, #tpu.memory_space<vmem>>[vector<16xi32>, vector<16xi32>], vector<16xf32>,
        %broadcast_in_dim3A_286 = arith.constant 3 : i32
        %broadcast_in_dim3A_287 = vector.broadcast %broadcast_in_dim3A_286 : i32 to vector<16xi32>
        %mul3A_288 = arith.mulf %gather3A_285, %exp3A_262 : vector<16xf32>
        tpu.vector_store_idx %arg13[%add3A_246, %broadcast_in_dim3A_287], %mul3A_288 : memref<128x16xf32, #tpu.memory_space<vmem>>[vector<16xi32>, vector<16xi32>], vector<16xf32>,
        %broadcast_in_dim3A_289 = arith.constant 4 : i32
        %broadcast_in_dim3A_290 = vector.broadcast %broadcast_in_dim3A_289 : i32 to vector<16xi32>
        %gather3A_291 = tpu.vector_load_idx %arg11[%add3A_246, %broadcast_in_dim3A_290] : memref<128x16xf32, #tpu.memory_space<vmem>>[vector<16xi32>, vector<16xi32>], vector<16xf32>,
        %broadcast_in_dim3A_292 = arith.constant 4 : i32
        %broadcast_in_dim3A_293 = vector.broadcast %broadcast_in_dim3A_292 : i32 to vector<16xi32>
        %mul3A_294 = arith.mulf %gather3A_291, %exp3A_262 : vector<16xf32>
        tpu.vector_store_idx %arg13[%add3A_246, %broadcast_in_dim3A_293], %mul3A_294 : memref<128x16xf32, #tpu.memory_space<vmem>>[vector<16xi32>, vector<16xi32>], vector<16xf32>,
        %broadcast_in_dim3A_295 = arith.constant 5 : i32
        %broadcast_in_dim3A_296 = vector.broadcast %broadcast_in_dim3A_295 : i32 to vector<16xi32>
        %gather3A_297 = tpu.vector_load_idx %arg11[%add3A_246, %broadcast_in_dim3A_296] : memref<128x16xf32, #tpu.memory_space<vmem>>[vector<16xi32>, vector<16xi32>], vector<16xf32>,
        %broadcast_in_dim3A_298 = arith.constant 5 : i32
        %broadcast_in_dim3A_299 = vector.broadcast %broadcast_in_dim3A_298 : i32 to vector<16xi32>
        %mul3A_300 = arith.mulf %gather3A_297, %exp3A_262 : vector<16xf32>
        tpu.vector_store_idx %arg13[%add3A_246, %broadcast_in_dim3A_299], %mul3A_300 : memref<128x16xf32, #tpu.memory_space<vmem>>[vector<16xi32>, vector<16xi32>], vector<16xf32>,
        %broadcast_in_dim3A_301 = arith.constant 6 : i32
        %broadcast_in_dim3A_302 = vector.broadcast %broadcast_in_dim3A_301 : i32 to vector<16xi32>
        %gather3A_303 = tpu.vector_load_idx %arg11[%add3A_246, %broadcast_in_dim3A_302] : memref<128x16xf32, #tpu.memory_space<vmem>>[vector<16xi32>, vector<16xi32>], vector<16xf32>,
        %broadcast_in_dim3A_304 = arith.constant 6 : i32
        %broadcast_in_dim3A_305 = vector.broadcast %broadcast_in_dim3A_304 : i32 to vector<16xi32>
        %mul3A_306 = arith.mulf %gather3A_303, %exp3A_262 : vector<16xf32>
        tpu.vector_store_idx %arg13[%add3A_246, %broadcast_in_dim3A_305], %mul3A_306 : memref<128x16xf32, #tpu.memory_space<vmem>>[vector<16xi32>, vector<16xi32>], vector<16xf32>,
        %broadcast_in_dim3A_307 = arith.constant 7 : i32
        %broadcast_in_dim3A_308 = vector.broadcast %broadcast_in_dim3A_307 : i32 to vector<16xi32>
        %gather3A_309 = tpu.vector_load_idx %arg11[%add3A_246, %broadcast_in_dim3A_308] : memref<128x16xf32, #tpu.memory_space<vmem>>[vector<16xi32>, vector<16xi32>], vector<16xf32>,
        %broadcast_in_dim3A_310 = arith.constant 7 : i32
        %broadcast_in_dim3A_311 = vector.broadcast %broadcast_in_dim3A_310 : i32 to vector<16xi32>
        %mul3A_312 = arith.mulf %gather3A_309, %exp3A_262 : vector<16xf32>
        tpu.vector_store_idx %arg13[%add3A_246, %broadcast_in_dim3A_311], %mul3A_312 : memref<128x16xf32, #tpu.memory_space<vmem>>[vector<16xi32>, vector<16xi32>], vector<16xf32>,
        %broadcast_in_dim3A_313 = arith.constant 8 : i32
        %broadcast_in_dim3A_314 = vector.broadcast %broadcast_in_dim3A_313 : i32 to vector<16xi32>
        %gather3A_315 = tpu.vector_load_idx %arg11[%add3A_246, %broadcast_in_dim3A_314] : memref<128x16xf32, #tpu.memory_space<vmem>>[vector<16xi32>, vector<16xi32>], vector<16xf32>,
        %broadcast_in_dim3A_316 = arith.constant 8 : i32
        %broadcast_in_dim3A_317 = vector.broadcast %broadcast_in_dim3A_316 : i32 to vector<16xi32>
        %mul3A_318 = arith.mulf %gather3A_315, %exp3A_262 : vector<16xf32>
        tpu.vector_store_idx %arg13[%add3A_246, %broadcast_in_dim3A_317], %mul3A_318 : memref<128x16xf32, #tpu.memory_space<vmem>>[vector<16xi32>, vector<16xi32>], vector<16xf32>,
        %broadcast_in_dim3A_319 = arith.constant 9 : i32
        %broadcast_in_dim3A_320 = vector.broadcast %broadcast_in_dim3A_319 : i32 to vector<16xi32>
        %gather3A_321 = tpu.vector_load_idx %arg11[%add3A_246, %broadcast_in_dim3A_320] : memref<128x16xf32, #tpu.memory_space<vmem>>[vector<16xi32>, vector<16xi32>], vector<16xf32>,
        %broadcast_in_dim3A_322 = arith.constant 9 : i32
        %broadcast_in_dim3A_323 = vector.broadcast %broadcast_in_dim3A_322 : i32 to vector<16xi32>
        %mul3A_324 = arith.mulf %gather3A_321, %exp3A_262 : vector<16xf32>
        tpu.vector_store_idx %arg13[%add3A_246, %broadcast_in_dim3A_323], %mul3A_324 : memref<128x16xf32, #tpu.memory_space<vmem>>[vector<16xi32>, vector<16xi32>], vector<16xf32>,
        %add3A_325 = arith.constant 48 : i32
        %add3A_326 = vector.broadcast %add3A_325 : i32 to vector<16xi32>
        %add3A_327 = arith.addi %add3A_326, %iota3A : vector<16xi32>
        %broadcast_in_dim3A_328 = arith.constant 10 : i32
        %broadcast_in_dim3A_329 = vector.broadcast %broadcast_in_dim3A_328 : i32 to vector<16xi32>
        %gather3A_330 = tpu.vector_load_idx %arg11[%add3A_327, %broadcast_in_dim3A_329] : memref<128x16xf32, #tpu.memory_space<vmem>>[vector<16xi32>, vector<16xi32>], vector<16xf32>,
        %broadcast_in_dim3A_331 = arith.constant 11 : i32
        %broadcast_in_dim3A_332 = vector.broadcast %broadcast_in_dim3A_331 : i32 to vector<16xi32>
        %gather3A_333 = tpu.vector_load_idx %arg12[%add3A_327, %broadcast_in_dim3A_332] : memref<128x16xf32, #tpu.memory_space<vmem>>[vector<16xi32>, vector<16xi32>], vector<16xf32>,
        %add3A_334 = arith.addf %gather3A_330, %gather3A_333 : vector<16xf32>
        %ge3A_335 = arith.constant 0.000000e+00 : f32
        %ge3A_336 = vector.broadcast %ge3A_335 : f32 to vector<16xf32>
        %ge3A_337 = arith.cmpf oge, %add3A_334, %ge3A_336 : vector<16xf32>
        %mul3A_338 = arith.constant 2.000000e-01 : f32
        %mul3A_339 = vector.broadcast %mul3A_338 : f32 to vector<16xf32>
        %mul3A_340 = arith.mulf %add3A_334, %mul3A_339 : vector<16xf32>
        %select_n3A_341 = arith.select %ge3A_337, %add3A_334, %mul3A_340 : vector<16xi1>, vector<16xf32>
        %sub3A_342 = arith.subf %select_n3A_341, %get3A_1 : vector<16xf32>
        %exp3A_343 = math.exp %sub3A_342 : vector<16xf32>
        %broadcast_in_dim3A_344 = arith.constant 10 : i32
        %broadcast_in_dim3A_345 = vector.broadcast %broadcast_in_dim3A_344 : i32 to vector<16xi32>
        tpu.vector_store_idx %arg13[%add3A_327, %broadcast_in_dim3A_345], %exp3A_343 : memref<128x16xf32, #tpu.memory_space<vmem>>[vector<16xi32>, vector<16xi32>], vector<16xf32>,
        %broadcast_in_dim3A_346 = arith.constant 0 : i32
        %broadcast_in_dim3A_347 = vector.broadcast %broadcast_in_dim3A_346 : i32 to vector<16xi32>
        %gather3A_348 = tpu.vector_load_idx %arg11[%add3A_327, %broadcast_in_dim3A_347] : memref<128x16xf32, #tpu.memory_space<vmem>>[vector<16xi32>, vector<16xi32>], vector<16xf32>,
        %broadcast_in_dim3A_349 = arith.constant 0 : i32
        %broadcast_in_dim3A_350 = vector.broadcast %broadcast_in_dim3A_349 : i32 to vector<16xi32>
        %mul3A_351 = arith.mulf %gather3A_348, %exp3A_343 : vector<16xf32>
        tpu.vector_store_idx %arg13[%add3A_327, %broadcast_in_dim3A_350], %mul3A_351 : memref<128x16xf32, #tpu.memory_space<vmem>>[vector<16xi32>, vector<16xi32>], vector<16xf32>,
        %broadcast_in_dim3A_352 = arith.constant 1 : i32
        %broadcast_in_dim3A_353 = vector.broadcast %broadcast_in_dim3A_352 : i32 to vector<16xi32>
        %gather3A_354 = tpu.vector_load_idx %arg11[%add3A_327, %broadcast_in_dim3A_353] : memref<128x16xf32, #tpu.memory_space<vmem>>[vector<16xi32>, vector<16xi32>], vector<16xf32>,
        %broadcast_in_dim3A_355 = arith.constant 1 : i32
        %broadcast_in_dim3A_356 = vector.broadcast %broadcast_in_dim3A_355 : i32 to vector<16xi32>
        %mul3A_357 = arith.mulf %gather3A_354, %exp3A_343 : vector<16xf32>
        tpu.vector_store_idx %arg13[%add3A_327, %broadcast_in_dim3A_356], %mul3A_357 : memref<128x16xf32, #tpu.memory_space<vmem>>[vector<16xi32>, vector<16xi32>], vector<16xf32>,
        %broadcast_in_dim3A_358 = arith.constant 2 : i32
        %broadcast_in_dim3A_359 = vector.broadcast %broadcast_in_dim3A_358 : i32 to vector<16xi32>
        %gather3A_360 = tpu.vector_load_idx %arg11[%add3A_327, %broadcast_in_dim3A_359] : memref<128x16xf32, #tpu.memory_space<vmem>>[vector<16xi32>, vector<16xi32>], vector<16xf32>,
        %broadcast_in_dim3A_361 = arith.constant 2 : i32
        %broadcast_in_dim3A_362 = vector.broadcast %broadcast_in_dim3A_361 : i32 to vector<16xi32>
        %mul3A_363 = arith.mulf %gather3A_360, %exp3A_343 : vector<16xf32>
        tpu.vector_store_idx %arg13[%add3A_327, %broadcast_in_dim3A_362], %mul3A_363 : memref<128x16xf32, #tpu.memory_space<vmem>>[vector<16xi32>, vector<16xi32>], vector<16xf32>,
        %broadcast_in_dim3A_364 = arith.constant 3 : i32
        %broadcast_in_dim3A_365 = vector.broadcast %broadcast_in_dim3A_364 : i32 to vector<16xi32>
        %gather3A_366 = tpu.vector_load_idx %arg11[%add3A_327, %broadcast_in_dim3A_365] : memref<128x16xf32, #tpu.memory_space<vmem>>[vector<16xi32>, vector<16xi32>], vector<16xf32>,
        %broadcast_in_dim3A_367 = arith.constant 3 : i32
        %broadcast_in_dim3A_368 = vector.broadcast %broadcast_in_dim3A_367 : i32 to vector<16xi32>
        %mul3A_369 = arith.mulf %gather3A_366, %exp3A_343 : vector<16xf32>
        tpu.vector_store_idx %arg13[%add3A_327, %broadcast_in_dim3A_368], %mul3A_369 : memref<128x16xf32, #tpu.memory_space<vmem>>[vector<16xi32>, vector<16xi32>], vector<16xf32>,
        %broadcast_in_dim3A_370 = arith.constant 4 : i32
        %broadcast_in_dim3A_371 = vector.broadcast %broadcast_in_dim3A_370 : i32 to vector<16xi32>
        %gather3A_372 = tpu.vector_load_idx %arg11[%add3A_327, %broadcast_in_dim3A_371] : memref<128x16xf32, #tpu.memory_space<vmem>>[vector<16xi32>, vector<16xi32>], vector<16xf32>,
        %broadcast_in_dim3A_373 = arith.constant 4 : i32
        %broadcast_in_dim3A_374 = vector.broadcast %broadcast_in_dim3A_373 : i32 to vector<16xi32>
        %mul3A_375 = arith.mulf %gather3A_372, %exp3A_343 : vector<16xf32>
        tpu.vector_store_idx %arg13[%add3A_327, %broadcast_in_dim3A_374], %mul3A_375 : memref<128x16xf32, #tpu.memory_space<vmem>>[vector<16xi32>, vector<16xi32>], vector<16xf32>,
        %broadcast_in_dim3A_376 = arith.constant 5 : i32
        %broadcast_in_dim3A_377 = vector.broadcast %broadcast_in_dim3A_376 : i32 to vector<16xi32>
        %gather3A_378 = tpu.vector_load_idx %arg11[%add3A_327, %broadcast_in_dim3A_377] : memref<128x16xf32, #tpu.memory_space<vmem>>[vector<16xi32>, vector<16xi32>], vector<16xf32>,
        %broadcast_in_dim3A_379 = arith.constant 5 : i32
        %broadcast_in_dim3A_380 = vector.broadcast %broadcast_in_dim3A_379 : i32 to vector<16xi32>
        %mul3A_381 = arith.mulf %gather3A_378, %exp3A_343 : vector<16xf32>
        tpu.vector_store_idx %arg13[%add3A_327, %broadcast_in_dim3A_380], %mul3A_381 : memref<128x16xf32, #tpu.memory_space<vmem>>[vector<16xi32>, vector<16xi32>], vector<16xf32>,
        %broadcast_in_dim3A_382 = arith.constant 6 : i32
        %broadcast_in_dim3A_383 = vector.broadcast %broadcast_in_dim3A_382 : i32 to vector<16xi32>
        %gather3A_384 = tpu.vector_load_idx %arg11[%add3A_327, %broadcast_in_dim3A_383] : memref<128x16xf32, #tpu.memory_space<vmem>>[vector<16xi32>, vector<16xi32>], vector<16xf32>,
        %broadcast_in_dim3A_385 = arith.constant 6 : i32
        %broadcast_in_dim3A_386 = vector.broadcast %broadcast_in_dim3A_385 : i32 to vector<16xi32>
        %mul3A_387 = arith.mulf %gather3A_384, %exp3A_343 : vector<16xf32>
        tpu.vector_store_idx %arg13[%add3A_327, %broadcast_in_dim3A_386], %mul3A_387 : memref<128x16xf32, #tpu.memory_space<vmem>>[vector<16xi32>, vector<16xi32>], vector<16xf32>,
        %broadcast_in_dim3A_388 = arith.constant 7 : i32
        %broadcast_in_dim3A_389 = vector.broadcast %broadcast_in_dim3A_388 : i32 to vector<16xi32>
        %gather3A_390 = tpu.vector_load_idx %arg11[%add3A_327, %broadcast_in_dim3A_389] : memref<128x16xf32, #tpu.memory_space<vmem>>[vector<16xi32>, vector<16xi32>], vector<16xf32>,
        %broadcast_in_dim3A_391 = arith.constant 7 : i32
        %broadcast_in_dim3A_392 = vector.broadcast %broadcast_in_dim3A_391 : i32 to vector<16xi32>
        %mul3A_393 = arith.mulf %gather3A_390, %exp3A_343 : vector<16xf32>
        tpu.vector_store_idx %arg13[%add3A_327, %broadcast_in_dim3A_392], %mul3A_393 : memref<128x16xf32, #tpu.memory_space<vmem>>[vector<16xi32>, vector<16xi32>], vector<16xf32>,
        %broadcast_in_dim3A_394 = arith.constant 8 : i32
        %broadcast_in_dim3A_395 = vector.broadcast %broadcast_in_dim3A_394 : i32 to vector<16xi32>
        %gather3A_396 = tpu.vector_load_idx %arg11[%add3A_327, %broadcast_in_dim3A_395] : memref<128x16xf32, #tpu.memory_space<vmem>>[vector<16xi32>, vector<16xi32>], vector<16xf32>,
        %broadcast_in_dim3A_397 = arith.constant 8 : i32
        %broadcast_in_dim3A_398 = vector.broadcast %broadcast_in_dim3A_397 : i32 to vector<16xi32>
        %mul3A_399 = arith.mulf %gather3A_396, %exp3A_343 : vector<16xf32>
        tpu.vector_store_idx %arg13[%add3A_327, %broadcast_in_dim3A_398], %mul3A_399 : memref<128x16xf32, #tpu.memory_space<vmem>>[vector<16xi32>, vector<16xi32>], vector<16xf32>,
        %broadcast_in_dim3A_400 = arith.constant 9 : i32
        %broadcast_in_dim3A_401 = vector.broadcast %broadcast_in_dim3A_400 : i32 to vector<16xi32>
        %gather3A_402 = tpu.vector_load_idx %arg11[%add3A_327, %broadcast_in_dim3A_401] : memref<128x16xf32, #tpu.memory_space<vmem>>[vector<16xi32>, vector<16xi32>], vector<16xf32>,
        %broadcast_in_dim3A_403 = arith.constant 9 : i32
        %broadcast_in_dim3A_404 = vector.broadcast %broadcast_in_dim3A_403 : i32 to vector<16xi32>
        %mul3A_405 = arith.mulf %gather3A_402, %exp3A_343 : vector<16xf32>
        tpu.vector_store_idx %arg13[%add3A_327, %broadcast_in_dim3A_404], %mul3A_405 : memref<128x16xf32, #tpu.memory_space<vmem>>[vector<16xi32>, vector<16xi32>], vector<16xf32>,
        %add3A_406 = arith.constant 64 : i32
        %add3A_407 = vector.broadcast %add3A_406 : i32 to vector<16xi32>
        %add3A_408 = arith.addi %add3A_407, %iota3A : vector<16xi32>
        %broadcast_in_dim3A_409 = arith.constant 10 : i32
        %broadcast_in_dim3A_410 = vector.broadcast %broadcast_in_dim3A_409 : i32 to vector<16xi32>
        %gather3A_411 = tpu.vector_load_idx %arg11[%add3A_408, %broadcast_in_dim3A_410] : memref<128x16xf32, #tpu.memory_space<vmem>>[vector<16xi32>, vector<16xi32>], vector<16xf32>,
        %broadcast_in_dim3A_412 = arith.constant 11 : i32
        %broadcast_in_dim3A_413 = vector.broadcast %broadcast_in_dim3A_412 : i32 to vector<16xi32>
        %gather3A_414 = tpu.vector_load_idx %arg12[%add3A_408, %broadcast_in_dim3A_413] : memref<128x16xf32, #tpu.memory_space<vmem>>[vector<16xi32>, vector<16xi32>], vector<16xf32>,
        %add3A_415 = arith.addf %gather3A_411, %gather3A_414 : vector<16xf32>
        %ge3A_416 = arith.constant 0.000000e+00 : f32
        %ge3A_417 = vector.broadcast %ge3A_416 : f32 to vector<16xf32>
        %ge3A_418 = arith.cmpf oge, %add3A_415, %ge3A_417 : vector<16xf32>
        %mul3A_419 = arith.constant 2.000000e-01 : f32
        %mul3A_420 = vector.broadcast %mul3A_419 : f32 to vector<16xf32>
        %mul3A_421 = arith.mulf %add3A_415, %mul3A_420 : vector<16xf32>
        %select_n3A_422 = arith.select %ge3A_418, %add3A_415, %mul3A_421 : vector<16xi1>, vector<16xf32>
        %sub3A_423 = arith.subf %select_n3A_422, %get3A_1 : vector<16xf32>
        %exp3A_424 = math.exp %sub3A_423 : vector<16xf32>
        %broadcast_in_dim3A_425 = arith.constant 10 : i32
        %broadcast_in_dim3A_426 = vector.broadcast %broadcast_in_dim3A_425 : i32 to vector<16xi32>
        tpu.vector_store_idx %arg13[%add3A_408, %broadcast_in_dim3A_426], %exp3A_424 : memref<128x16xf32, #tpu.memory_space<vmem>>[vector<16xi32>, vector<16xi32>], vector<16xf32>,
        %broadcast_in_dim3A_427 = arith.constant 0 : i32
        %broadcast_in_dim3A_428 = vector.broadcast %broadcast_in_dim3A_427 : i32 to vector<16xi32>
        %gather3A_429 = tpu.vector_load_idx %arg11[%add3A_408, %broadcast_in_dim3A_428] : memref<128x16xf32, #tpu.memory_space<vmem>>[vector<16xi32>, vector<16xi32>], vector<16xf32>,
        %broadcast_in_dim3A_430 = arith.constant 0 : i32
        %broadcast_in_dim3A_431 = vector.broadcast %broadcast_in_dim3A_430 : i32 to vector<16xi32>
        %mul3A_432 = arith.mulf %gather3A_429, %exp3A_424 : vector<16xf32>
        tpu.vector_store_idx %arg13[%add3A_408, %broadcast_in_dim3A_431], %mul3A_432 : memref<128x16xf32, #tpu.memory_space<vmem>>[vector<16xi32>, vector<16xi32>], vector<16xf32>,
        %broadcast_in_dim3A_433 = arith.constant 1 : i32
        %broadcast_in_dim3A_434 = vector.broadcast %broadcast_in_dim3A_433 : i32 to vector<16xi32>
        %gather3A_435 = tpu.vector_load_idx %arg11[%add3A_408, %broadcast_in_dim3A_434] : memref<128x16xf32, #tpu.memory_space<vmem>>[vector<16xi32>, vector<16xi32>], vector<16xf32>,
        %broadcast_in_dim3A_436 = arith.constant 1 : i32
        %broadcast_in_dim3A_437 = vector.broadcast %broadcast_in_dim3A_436 : i32 to vector<16xi32>
        %mul3A_438 = arith.mulf %gather3A_435, %exp3A_424 : vector<16xf32>
        tpu.vector_store_idx %arg13[%add3A_408, %broadcast_in_dim3A_437], %mul3A_438 : memref<128x16xf32, #tpu.memory_space<vmem>>[vector<16xi32>, vector<16xi32>], vector<16xf32>,
        %broadcast_in_dim3A_439 = arith.constant 2 : i32
        %broadcast_in_dim3A_440 = vector.broadcast %broadcast_in_dim3A_439 : i32 to vector<16xi32>
        %gather3A_441 = tpu.vector_load_idx %arg11[%add3A_408, %broadcast_in_dim3A_440] : memref<128x16xf32, #tpu.memory_space<vmem>>[vector<16xi32>, vector<16xi32>], vector<16xf32>,
        %broadcast_in_dim3A_442 = arith.constant 2 : i32
        %broadcast_in_dim3A_443 = vector.broadcast %broadcast_in_dim3A_442 : i32 to vector<16xi32>
        %mul3A_444 = arith.mulf %gather3A_441, %exp3A_424 : vector<16xf32>
        tpu.vector_store_idx %arg13[%add3A_408, %broadcast_in_dim3A_443], %mul3A_444 : memref<128x16xf32, #tpu.memory_space<vmem>>[vector<16xi32>, vector<16xi32>], vector<16xf32>,
        %broadcast_in_dim3A_445 = arith.constant 3 : i32
        %broadcast_in_dim3A_446 = vector.broadcast %broadcast_in_dim3A_445 : i32 to vector<16xi32>
        %gather3A_447 = tpu.vector_load_idx %arg11[%add3A_408, %broadcast_in_dim3A_446] : memref<128x16xf32, #tpu.memory_space<vmem>>[vector<16xi32>, vector<16xi32>], vector<16xf32>,
        %broadcast_in_dim3A_448 = arith.constant 3 : i32
        %broadcast_in_dim3A_449 = vector.broadcast %broadcast_in_dim3A_448 : i32 to vector<16xi32>
        %mul3A_450 = arith.mulf %gather3A_447, %exp3A_424 : vector<16xf32>
        tpu.vector_store_idx %arg13[%add3A_408, %broadcast_in_dim3A_449], %mul3A_450 : memref<128x16xf32, #tpu.memory_space<vmem>>[vector<16xi32>, vector<16xi32>], vector<16xf32>,
        %broadcast_in_dim3A_451 = arith.constant 4 : i32
        %broadcast_in_dim3A_452 = vector.broadcast %broadcast_in_dim3A_451 : i32 to vector<16xi32>
        %gather3A_453 = tpu.vector_load_idx %arg11[%add3A_408, %broadcast_in_dim3A_452] : memref<128x16xf32, #tpu.memory_space<vmem>>[vector<16xi32>, vector<16xi32>], vector<16xf32>,
        %broadcast_in_dim3A_454 = arith.constant 4 : i32
        %broadcast_in_dim3A_455 = vector.broadcast %broadcast_in_dim3A_454 : i32 to vector<16xi32>
        %mul3A_456 = arith.mulf %gather3A_453, %exp3A_424 : vector<16xf32>
        tpu.vector_store_idx %arg13[%add3A_408, %broadcast_in_dim3A_455], %mul3A_456 : memref<128x16xf32, #tpu.memory_space<vmem>>[vector<16xi32>, vector<16xi32>], vector<16xf32>,
        %broadcast_in_dim3A_457 = arith.constant 5 : i32
        %broadcast_in_dim3A_458 = vector.broadcast %broadcast_in_dim3A_457 : i32 to vector<16xi32>
        %gather3A_459 = tpu.vector_load_idx %arg11[%add3A_408, %broadcast_in_dim3A_458] : memref<128x16xf32, #tpu.memory_space<vmem>>[vector<16xi32>, vector<16xi32>], vector<16xf32>,
        %broadcast_in_dim3A_460 = arith.constant 5 : i32
        %broadcast_in_dim3A_461 = vector.broadcast %broadcast_in_dim3A_460 : i32 to vector<16xi32>
        %mul3A_462 = arith.mulf %gather3A_459, %exp3A_424 : vector<16xf32>
        tpu.vector_store_idx %arg13[%add3A_408, %broadcast_in_dim3A_461], %mul3A_462 : memref<128x16xf32, #tpu.memory_space<vmem>>[vector<16xi32>, vector<16xi32>], vector<16xf32>,
        %broadcast_in_dim3A_463 = arith.constant 6 : i32
        %broadcast_in_dim3A_464 = vector.broadcast %broadcast_in_dim3A_463 : i32 to vector<16xi32>
        %gather3A_465 = tpu.vector_load_idx %arg11[%add3A_408, %broadcast_in_dim3A_464] : memref<128x16xf32, #tpu.memory_space<vmem>>[vector<16xi32>, vector<16xi32>], vector<16xf32>,
        %broadcast_in_dim3A_466 = arith.constant 6 : i32
        %broadcast_in_dim3A_467 = vector.broadcast %broadcast_in_dim3A_466 : i32 to vector<16xi32>
        %mul3A_468 = arith.mulf %gather3A_465, %exp3A_424 : vector<16xf32>
        tpu.vector_store_idx %arg13[%add3A_408, %broadcast_in_dim3A_467], %mul3A_468 : memref<128x16xf32, #tpu.memory_space<vmem>>[vector<16xi32>, vector<16xi32>], vector<16xf32>,
        %broadcast_in_dim3A_469 = arith.constant 7 : i32
        %broadcast_in_dim3A_470 = vector.broadcast %broadcast_in_dim3A_469 : i32 to vector<16xi32>
        %gather3A_471 = tpu.vector_load_idx %arg11[%add3A_408, %broadcast_in_dim3A_470] : memref<128x16xf32, #tpu.memory_space<vmem>>[vector<16xi32>, vector<16xi32>], vector<16xf32>,
        %broadcast_in_dim3A_472 = arith.constant 7 : i32
        %broadcast_in_dim3A_473 = vector.broadcast %broadcast_in_dim3A_472 : i32 to vector<16xi32>
        %mul3A_474 = arith.mulf %gather3A_471, %exp3A_424 : vector<16xf32>
        tpu.vector_store_idx %arg13[%add3A_408, %broadcast_in_dim3A_473], %mul3A_474 : memref<128x16xf32, #tpu.memory_space<vmem>>[vector<16xi32>, vector<16xi32>], vector<16xf32>,
        %broadcast_in_dim3A_475 = arith.constant 8 : i32
        %broadcast_in_dim3A_476 = vector.broadcast %broadcast_in_dim3A_475 : i32 to vector<16xi32>
        %gather3A_477 = tpu.vector_load_idx %arg11[%add3A_408, %broadcast_in_dim3A_476] : memref<128x16xf32, #tpu.memory_space<vmem>>[vector<16xi32>, vector<16xi32>], vector<16xf32>,
        %broadcast_in_dim3A_478 = arith.constant 8 : i32
        %broadcast_in_dim3A_479 = vector.broadcast %broadcast_in_dim3A_478 : i32 to vector<16xi32>
        %mul3A_480 = arith.mulf %gather3A_477, %exp3A_424 : vector<16xf32>
        tpu.vector_store_idx %arg13[%add3A_408, %broadcast_in_dim3A_479], %mul3A_480 : memref<128x16xf32, #tpu.memory_space<vmem>>[vector<16xi32>, vector<16xi32>], vector<16xf32>,
        %broadcast_in_dim3A_481 = arith.constant 9 : i32
        %broadcast_in_dim3A_482 = vector.broadcast %broadcast_in_dim3A_481 : i32 to vector<16xi32>
        %gather3A_483 = tpu.vector_load_idx %arg11[%add3A_408, %broadcast_in_dim3A_482] : memref<128x16xf32, #tpu.memory_space<vmem>>[vector<16xi32>, vector<16xi32>], vector<16xf32>,
        %broadcast_in_dim3A_484 = arith.constant 9 : i32
        %broadcast_in_dim3A_485 = vector.broadcast %broadcast_in_dim3A_484 : i32 to vector<16xi32>
        %mul3A_486 = arith.mulf %gather3A_483, %exp3A_424 : vector<16xf32>
        tpu.vector_store_idx %arg13[%add3A_408, %broadcast_in_dim3A_485], %mul3A_486 : memref<128x16xf32, #tpu.memory_space<vmem>>[vector<16xi32>, vector<16xi32>], vector<16xf32>,
        %add3A_487 = arith.constant 80 : i32
        %add3A_488 = vector.broadcast %add3A_487 : i32 to vector<16xi32>
        %add3A_489 = arith.addi %add3A_488, %iota3A : vector<16xi32>
        %broadcast_in_dim3A_490 = arith.constant 10 : i32
        %broadcast_in_dim3A_491 = vector.broadcast %broadcast_in_dim3A_490 : i32 to vector<16xi32>
        %gather3A_492 = tpu.vector_load_idx %arg11[%add3A_489, %broadcast_in_dim3A_491] : memref<128x16xf32, #tpu.memory_space<vmem>>[vector<16xi32>, vector<16xi32>], vector<16xf32>,
        %broadcast_in_dim3A_493 = arith.constant 11 : i32
        %broadcast_in_dim3A_494 = vector.broadcast %broadcast_in_dim3A_493 : i32 to vector<16xi32>
        %gather3A_495 = tpu.vector_load_idx %arg12[%add3A_489, %broadcast_in_dim3A_494] : memref<128x16xf32, #tpu.memory_space<vmem>>[vector<16xi32>, vector<16xi32>], vector<16xf32>,
        %add3A_496 = arith.addf %gather3A_492, %gather3A_495 : vector<16xf32>
        %ge3A_497 = arith.constant 0.000000e+00 : f32
        %ge3A_498 = vector.broadcast %ge3A_497 : f32 to vector<16xf32>
        %ge3A_499 = arith.cmpf oge, %add3A_496, %ge3A_498 : vector<16xf32>
        %mul3A_500 = arith.constant 2.000000e-01 : f32
        %mul3A_501 = vector.broadcast %mul3A_500 : f32 to vector<16xf32>
        %mul3A_502 = arith.mulf %add3A_496, %mul3A_501 : vector<16xf32>
        %select_n3A_503 = arith.select %ge3A_499, %add3A_496, %mul3A_502 : vector<16xi1>, vector<16xf32>
        %sub3A_504 = arith.subf %select_n3A_503, %get3A_1 : vector<16xf32>
        %exp3A_505 = math.exp %sub3A_504 : vector<16xf32>
        %broadcast_in_dim3A_506 = arith.constant 10 : i32
        %broadcast_in_dim3A_507 = vector.broadcast %broadcast_in_dim3A_506 : i32 to vector<16xi32>
        tpu.vector_store_idx %arg13[%add3A_489, %broadcast_in_dim3A_507], %exp3A_505 : memref<128x16xf32, #tpu.memory_space<vmem>>[vector<16xi32>, vector<16xi32>], vector<16xf32>,
        %broadcast_in_dim3A_508 = arith.constant 0 : i32
        %broadcast_in_dim3A_509 = vector.broadcast %broadcast_in_dim3A_508 : i32 to vector<16xi32>
        %gather3A_510 = tpu.vector_load_idx %arg11[%add3A_489, %broadcast_in_dim3A_509] : memref<128x16xf32, #tpu.memory_space<vmem>>[vector<16xi32>, vector<16xi32>], vector<16xf32>,
        %broadcast_in_dim3A_511 = arith.constant 0 : i32
        %broadcast_in_dim3A_512 = vector.broadcast %broadcast_in_dim3A_511 : i32 to vector<16xi32>
        %mul3A_513 = arith.mulf %gather3A_510, %exp3A_505 : vector<16xf32>
        tpu.vector_store_idx %arg13[%add3A_489, %broadcast_in_dim3A_512], %mul3A_513 : memref<128x16xf32, #tpu.memory_space<vmem>>[vector<16xi32>, vector<16xi32>], vector<16xf32>,
        %broadcast_in_dim3A_514 = arith.constant 1 : i32
        %broadcast_in_dim3A_515 = vector.broadcast %broadcast_in_dim3A_514 : i32 to vector<16xi32>
        %gather3A_516 = tpu.vector_load_idx %arg11[%add3A_489, %broadcast_in_dim3A_515] : memref<128x16xf32, #tpu.memory_space<vmem>>[vector<16xi32>, vector<16xi32>], vector<16xf32>,
        %broadcast_in_dim3A_517 = arith.constant 1 : i32
        %broadcast_in_dim3A_518 = vector.broadcast %broadcast_in_dim3A_517 : i32 to vector<16xi32>
        %mul3A_519 = arith.mulf %gather3A_516, %exp3A_505 : vector<16xf32>
        tpu.vector_store_idx %arg13[%add3A_489, %broadcast_in_dim3A_518], %mul3A_519 : memref<128x16xf32, #tpu.memory_space<vmem>>[vector<16xi32>, vector<16xi32>], vector<16xf32>,
        %broadcast_in_dim3A_520 = arith.constant 2 : i32
        %broadcast_in_dim3A_521 = vector.broadcast %broadcast_in_dim3A_520 : i32 to vector<16xi32>
        %gather3A_522 = tpu.vector_load_idx %arg11[%add3A_489, %broadcast_in_dim3A_521] : memref<128x16xf32, #tpu.memory_space<vmem>>[vector<16xi32>, vector<16xi32>], vector<16xf32>,
        %broadcast_in_dim3A_523 = arith.constant 2 : i32
        %broadcast_in_dim3A_524 = vector.broadcast %broadcast_in_dim3A_523 : i32 to vector<16xi32>
        %mul3A_525 = arith.mulf %gather3A_522, %exp3A_505 : vector<16xf32>
        tpu.vector_store_idx %arg13[%add3A_489, %broadcast_in_dim3A_524], %mul3A_525 : memref<128x16xf32, #tpu.memory_space<vmem>>[vector<16xi32>, vector<16xi32>], vector<16xf32>,
        %broadcast_in_dim3A_526 = arith.constant 3 : i32
        %broadcast_in_dim3A_527 = vector.broadcast %broadcast_in_dim3A_526 : i32 to vector<16xi32>
        %gather3A_528 = tpu.vector_load_idx %arg11[%add3A_489, %broadcast_in_dim3A_527] : memref<128x16xf32, #tpu.memory_space<vmem>>[vector<16xi32>, vector<16xi32>], vector<16xf32>,
        %broadcast_in_dim3A_529 = arith.constant 3 : i32
        %broadcast_in_dim3A_530 = vector.broadcast %broadcast_in_dim3A_529 : i32 to vector<16xi32>
        %mul3A_531 = arith.mulf %gather3A_528, %exp3A_505 : vector<16xf32>
        tpu.vector_store_idx %arg13[%add3A_489, %broadcast_in_dim3A_530], %mul3A_531 : memref<128x16xf32, #tpu.memory_space<vmem>>[vector<16xi32>, vector<16xi32>], vector<16xf32>,
        %broadcast_in_dim3A_532 = arith.constant 4 : i32
        %broadcast_in_dim3A_533 = vector.broadcast %broadcast_in_dim3A_532 : i32 to vector<16xi32>
        %gather3A_534 = tpu.vector_load_idx %arg11[%add3A_489, %broadcast_in_dim3A_533] : memref<128x16xf32, #tpu.memory_space<vmem>>[vector<16xi32>, vector<16xi32>], vector<16xf32>,
        %broadcast_in_dim3A_535 = arith.constant 4 : i32
        %broadcast_in_dim3A_536 = vector.broadcast %broadcast_in_dim3A_535 : i32 to vector<16xi32>
        %mul3A_537 = arith.mulf %gather3A_534, %exp3A_505 : vector<16xf32>
        tpu.vector_store_idx %arg13[%add3A_489, %broadcast_in_dim3A_536], %mul3A_537 : memref<128x16xf32, #tpu.memory_space<vmem>>[vector<16xi32>, vector<16xi32>], vector<16xf32>,
        %broadcast_in_dim3A_538 = arith.constant 5 : i32
        %broadcast_in_dim3A_539 = vector.broadcast %broadcast_in_dim3A_538 : i32 to vector<16xi32>
        %gather3A_540 = tpu.vector_load_idx %arg11[%add3A_489, %broadcast_in_dim3A_539] : memref<128x16xf32, #tpu.memory_space<vmem>>[vector<16xi32>, vector<16xi32>], vector<16xf32>,
        %broadcast_in_dim3A_541 = arith.constant 5 : i32
        %broadcast_in_dim3A_542 = vector.broadcast %broadcast_in_dim3A_541 : i32 to vector<16xi32>
        %mul3A_543 = arith.mulf %gather3A_540, %exp3A_505 : vector<16xf32>
        tpu.vector_store_idx %arg13[%add3A_489, %broadcast_in_dim3A_542], %mul3A_543 : memref<128x16xf32, #tpu.memory_space<vmem>>[vector<16xi32>, vector<16xi32>], vector<16xf32>,
        %broadcast_in_dim3A_544 = arith.constant 6 : i32
        %broadcast_in_dim3A_545 = vector.broadcast %broadcast_in_dim3A_544 : i32 to vector<16xi32>
        %gather3A_546 = tpu.vector_load_idx %arg11[%add3A_489, %broadcast_in_dim3A_545] : memref<128x16xf32, #tpu.memory_space<vmem>>[vector<16xi32>, vector<16xi32>], vector<16xf32>,
        %broadcast_in_dim3A_547 = arith.constant 6 : i32
        %broadcast_in_dim3A_548 = vector.broadcast %broadcast_in_dim3A_547 : i32 to vector<16xi32>
        %mul3A_549 = arith.mulf %gather3A_546, %exp3A_505 : vector<16xf32>
        tpu.vector_store_idx %arg13[%add3A_489, %broadcast_in_dim3A_548], %mul3A_549 : memref<128x16xf32, #tpu.memory_space<vmem>>[vector<16xi32>, vector<16xi32>], vector<16xf32>,
        %broadcast_in_dim3A_550 = arith.constant 7 : i32
        %broadcast_in_dim3A_551 = vector.broadcast %broadcast_in_dim3A_550 : i32 to vector<16xi32>
        %gather3A_552 = tpu.vector_load_idx %arg11[%add3A_489, %broadcast_in_dim3A_551] : memref<128x16xf32, #tpu.memory_space<vmem>>[vector<16xi32>, vector<16xi32>], vector<16xf32>,
        %broadcast_in_dim3A_553 = arith.constant 7 : i32
        %broadcast_in_dim3A_554 = vector.broadcast %broadcast_in_dim3A_553 : i32 to vector<16xi32>
        %mul3A_555 = arith.mulf %gather3A_552, %exp3A_505 : vector<16xf32>
        tpu.vector_store_idx %arg13[%add3A_489, %broadcast_in_dim3A_554], %mul3A_555 : memref<128x16xf32, #tpu.memory_space<vmem>>[vector<16xi32>, vector<16xi32>], vector<16xf32>,
        %broadcast_in_dim3A_556 = arith.constant 8 : i32
        %broadcast_in_dim3A_557 = vector.broadcast %broadcast_in_dim3A_556 : i32 to vector<16xi32>
        %gather3A_558 = tpu.vector_load_idx %arg11[%add3A_489, %broadcast_in_dim3A_557] : memref<128x16xf32, #tpu.memory_space<vmem>>[vector<16xi32>, vector<16xi32>], vector<16xf32>,
        %broadcast_in_dim3A_559 = arith.constant 8 : i32
        %broadcast_in_dim3A_560 = vector.broadcast %broadcast_in_dim3A_559 : i32 to vector<16xi32>
        %mul3A_561 = arith.mulf %gather3A_558, %exp3A_505 : vector<16xf32>
        tpu.vector_store_idx %arg13[%add3A_489, %broadcast_in_dim3A_560], %mul3A_561 : memref<128x16xf32, #tpu.memory_space<vmem>>[vector<16xi32>, vector<16xi32>], vector<16xf32>,
        %broadcast_in_dim3A_562 = arith.constant 9 : i32
        %broadcast_in_dim3A_563 = vector.broadcast %broadcast_in_dim3A_562 : i32 to vector<16xi32>
        %gather3A_564 = tpu.vector_load_idx %arg11[%add3A_489, %broadcast_in_dim3A_563] : memref<128x16xf32, #tpu.memory_space<vmem>>[vector<16xi32>, vector<16xi32>], vector<16xf32>,
        %broadcast_in_dim3A_565 = arith.constant 9 : i32
        %broadcast_in_dim3A_566 = vector.broadcast %broadcast_in_dim3A_565 : i32 to vector<16xi32>
        %mul3A_567 = arith.mulf %gather3A_564, %exp3A_505 : vector<16xf32>
        tpu.vector_store_idx %arg13[%add3A_489, %broadcast_in_dim3A_566], %mul3A_567 : memref<128x16xf32, #tpu.memory_space<vmem>>[vector<16xi32>, vector<16xi32>], vector<16xf32>,
        %add3A_568 = arith.constant 96 : i32
        %add3A_569 = vector.broadcast %add3A_568 : i32 to vector<16xi32>
        %add3A_570 = arith.addi %add3A_569, %iota3A : vector<16xi32>
        %broadcast_in_dim3A_571 = arith.constant 10 : i32
        %broadcast_in_dim3A_572 = vector.broadcast %broadcast_in_dim3A_571 : i32 to vector<16xi32>
        %gather3A_573 = tpu.vector_load_idx %arg11[%add3A_570, %broadcast_in_dim3A_572] : memref<128x16xf32, #tpu.memory_space<vmem>>[vector<16xi32>, vector<16xi32>], vector<16xf32>,
        %broadcast_in_dim3A_574 = arith.constant 11 : i32
        %broadcast_in_dim3A_575 = vector.broadcast %broadcast_in_dim3A_574 : i32 to vector<16xi32>
        %gather3A_576 = tpu.vector_load_idx %arg12[%add3A_570, %broadcast_in_dim3A_575] : memref<128x16xf32, #tpu.memory_space<vmem>>[vector<16xi32>, vector<16xi32>], vector<16xf32>,
        %add3A_577 = arith.addf %gather3A_573, %gather3A_576 : vector<16xf32>
        %ge3A_578 = arith.constant 0.000000e+00 : f32
        %ge3A_579 = vector.broadcast %ge3A_578 : f32 to vector<16xf32>
        %ge3A_580 = arith.cmpf oge, %add3A_577, %ge3A_579 : vector<16xf32>
        %mul3A_581 = arith.constant 2.000000e-01 : f32
        %mul3A_582 = vector.broadcast %mul3A_581 : f32 to vector<16xf32>
        %mul3A_583 = arith.mulf %add3A_577, %mul3A_582 : vector<16xf32>
        %select_n3A_584 = arith.select %ge3A_580, %add3A_577, %mul3A_583 : vector<16xi1>, vector<16xf32>
        %sub3A_585 = arith.subf %select_n3A_584, %get3A_1 : vector<16xf32>
        %exp3A_586 = math.exp %sub3A_585 : vector<16xf32>
        %broadcast_in_dim3A_587 = arith.constant 10 : i32
        %broadcast_in_dim3A_588 = vector.broadcast %broadcast_in_dim3A_587 : i32 to vector<16xi32>
        tpu.vector_store_idx %arg13[%add3A_570, %broadcast_in_dim3A_588], %exp3A_586 : memref<128x16xf32, #tpu.memory_space<vmem>>[vector<16xi32>, vector<16xi32>], vector<16xf32>,
        %broadcast_in_dim3A_589 = arith.constant 0 : i32
        %broadcast_in_dim3A_590 = vector.broadcast %broadcast_in_dim3A_589 : i32 to vector<16xi32>
        %gather3A_591 = tpu.vector_load_idx %arg11[%add3A_570, %broadcast_in_dim3A_590] : memref<128x16xf32, #tpu.memory_space<vmem>>[vector<16xi32>, vector<16xi32>], vector<16xf32>,
        %broadcast_in_dim3A_592 = arith.constant 0 : i32
        %broadcast_in_dim3A_593 = vector.broadcast %broadcast_in_dim3A_592 : i32 to vector<16xi32>
        %mul3A_594 = arith.mulf %gather3A_591, %exp3A_586 : vector<16xf32>
        tpu.vector_store_idx %arg13[%add3A_570, %broadcast_in_dim3A_593], %mul3A_594 : memref<128x16xf32, #tpu.memory_space<vmem>>[vector<16xi32>, vector<16xi32>], vector<16xf32>,
        %broadcast_in_dim3A_595 = arith.constant 1 : i32
        %broadcast_in_dim3A_596 = vector.broadcast %broadcast_in_dim3A_595 : i32 to vector<16xi32>
        %gather3A_597 = tpu.vector_load_idx %arg11[%add3A_570, %broadcast_in_dim3A_596] : memref<128x16xf32, #tpu.memory_space<vmem>>[vector<16xi32>, vector<16xi32>], vector<16xf32>,
        %broadcast_in_dim3A_598 = arith.constant 1 : i32
        %broadcast_in_dim3A_599 = vector.broadcast %broadcast_in_dim3A_598 : i32 to vector<16xi32>
        %mul3A_600 = arith.mulf %gather3A_597, %exp3A_586 : vector<16xf32>
        tpu.vector_store_idx %arg13[%add3A_570, %broadcast_in_dim3A_599], %mul3A_600 : memref<128x16xf32, #tpu.memory_space<vmem>>[vector<16xi32>, vector<16xi32>], vector<16xf32>,
        %broadcast_in_dim3A_601 = arith.constant 2 : i32
        %broadcast_in_dim3A_602 = vector.broadcast %broadcast_in_dim3A_601 : i32 to vector<16xi32>
        %gather3A_603 = tpu.vector_load_idx %arg11[%add3A_570, %broadcast_in_dim3A_602] : memref<128x16xf32, #tpu.memory_space<vmem>>[vector<16xi32>, vector<16xi32>], vector<16xf32>,
        %broadcast_in_dim3A_604 = arith.constant 2 : i32
        %broadcast_in_dim3A_605 = vector.broadcast %broadcast_in_dim3A_604 : i32 to vector<16xi32>
        %mul3A_606 = arith.mulf %gather3A_603, %exp3A_586 : vector<16xf32>
        tpu.vector_store_idx %arg13[%add3A_570, %broadcast_in_dim3A_605], %mul3A_606 : memref<128x16xf32, #tpu.memory_space<vmem>>[vector<16xi32>, vector<16xi32>], vector<16xf32>,
        %broadcast_in_dim3A_607 = arith.constant 3 : i32
        %broadcast_in_dim3A_608 = vector.broadcast %broadcast_in_dim3A_607 : i32 to vector<16xi32>
        %gather3A_609 = tpu.vector_load_idx %arg11[%add3A_570, %broadcast_in_dim3A_608] : memref<128x16xf32, #tpu.memory_space<vmem>>[vector<16xi32>, vector<16xi32>], vector<16xf32>,
        %broadcast_in_dim3A_610 = arith.constant 3 : i32
        %broadcast_in_dim3A_611 = vector.broadcast %broadcast_in_dim3A_610 : i32 to vector<16xi32>
        %mul3A_612 = arith.mulf %gather3A_609, %exp3A_586 : vector<16xf32>
        tpu.vector_store_idx %arg13[%add3A_570, %broadcast_in_dim3A_611], %mul3A_612 : memref<128x16xf32, #tpu.memory_space<vmem>>[vector<16xi32>, vector<16xi32>], vector<16xf32>,
        %broadcast_in_dim3A_613 = arith.constant 4 : i32
        %broadcast_in_dim3A_614 = vector.broadcast %broadcast_in_dim3A_613 : i32 to vector<16xi32>
        %gather3A_615 = tpu.vector_load_idx %arg11[%add3A_570, %broadcast_in_dim3A_614] : memref<128x16xf32, #tpu.memory_space<vmem>>[vector<16xi32>, vector<16xi32>], vector<16xf32>,
        %broadcast_in_dim3A_616 = arith.constant 4 : i32
        %broadcast_in_dim3A_617 = vector.broadcast %broadcast_in_dim3A_616 : i32 to vector<16xi32>
        %mul3A_618 = arith.mulf %gather3A_615, %exp3A_586 : vector<16xf32>
        tpu.vector_store_idx %arg13[%add3A_570, %broadcast_in_dim3A_617], %mul3A_618 : memref<128x16xf32, #tpu.memory_space<vmem>>[vector<16xi32>, vector<16xi32>], vector<16xf32>,
        %broadcast_in_dim3A_619 = arith.constant 5 : i32
        %broadcast_in_dim3A_620 = vector.broadcast %broadcast_in_dim3A_619 : i32 to vector<16xi32>
        %gather3A_621 = tpu.vector_load_idx %arg11[%add3A_570, %broadcast_in_dim3A_620] : memref<128x16xf32, #tpu.memory_space<vmem>>[vector<16xi32>, vector<16xi32>], vector<16xf32>,
        %broadcast_in_dim3A_622 = arith.constant 5 : i32
        %broadcast_in_dim3A_623 = vector.broadcast %broadcast_in_dim3A_622 : i32 to vector<16xi32>
        %mul3A_624 = arith.mulf %gather3A_621, %exp3A_586 : vector<16xf32>
        tpu.vector_store_idx %arg13[%add3A_570, %broadcast_in_dim3A_623], %mul3A_624 : memref<128x16xf32, #tpu.memory_space<vmem>>[vector<16xi32>, vector<16xi32>], vector<16xf32>,
        %broadcast_in_dim3A_625 = arith.constant 6 : i32
        %broadcast_in_dim3A_626 = vector.broadcast %broadcast_in_dim3A_625 : i32 to vector<16xi32>
        %gather3A_627 = tpu.vector_load_idx %arg11[%add3A_570, %broadcast_in_dim3A_626] : memref<128x16xf32, #tpu.memory_space<vmem>>[vector<16xi32>, vector<16xi32>], vector<16xf32>,
        %broadcast_in_dim3A_628 = arith.constant 6 : i32
        %broadcast_in_dim3A_629 = vector.broadcast %broadcast_in_dim3A_628 : i32 to vector<16xi32>
        %mul3A_630 = arith.mulf %gather3A_627, %exp3A_586 : vector<16xf32>
        tpu.vector_store_idx %arg13[%add3A_570, %broadcast_in_dim3A_629], %mul3A_630 : memref<128x16xf32, #tpu.memory_space<vmem>>[vector<16xi32>, vector<16xi32>], vector<16xf32>,
        %broadcast_in_dim3A_631 = arith.constant 7 : i32
        %broadcast_in_dim3A_632 = vector.broadcast %broadcast_in_dim3A_631 : i32 to vector<16xi32>
        %gather3A_633 = tpu.vector_load_idx %arg11[%add3A_570, %broadcast_in_dim3A_632] : memref<128x16xf32, #tpu.memory_space<vmem>>[vector<16xi32>, vector<16xi32>], vector<16xf32>,
        %broadcast_in_dim3A_634 = arith.constant 7 : i32
        %broadcast_in_dim3A_635 = vector.broadcast %broadcast_in_dim3A_634 : i32 to vector<16xi32>
        %mul3A_636 = arith.mulf %gather3A_633, %exp3A_586 : vector<16xf32>
        tpu.vector_store_idx %arg13[%add3A_570, %broadcast_in_dim3A_635], %mul3A_636 : memref<128x16xf32, #tpu.memory_space<vmem>>[vector<16xi32>, vector<16xi32>], vector<16xf32>,
        %broadcast_in_dim3A_637 = arith.constant 8 : i32
        %broadcast_in_dim3A_638 = vector.broadcast %broadcast_in_dim3A_637 : i32 to vector<16xi32>
        %gather3A_639 = tpu.vector_load_idx %arg11[%add3A_570, %broadcast_in_dim3A_638] : memref<128x16xf32, #tpu.memory_space<vmem>>[vector<16xi32>, vector<16xi32>], vector<16xf32>,
        %broadcast_in_dim3A_640 = arith.constant 8 : i32
        %broadcast_in_dim3A_641 = vector.broadcast %broadcast_in_dim3A_640 : i32 to vector<16xi32>
        %mul3A_642 = arith.mulf %gather3A_639, %exp3A_586 : vector<16xf32>
        tpu.vector_store_idx %arg13[%add3A_570, %broadcast_in_dim3A_641], %mul3A_642 : memref<128x16xf32, #tpu.memory_space<vmem>>[vector<16xi32>, vector<16xi32>], vector<16xf32>,
        %broadcast_in_dim3A_643 = arith.constant 9 : i32
        %broadcast_in_dim3A_644 = vector.broadcast %broadcast_in_dim3A_643 : i32 to vector<16xi32>
        %gather3A_645 = tpu.vector_load_idx %arg11[%add3A_570, %broadcast_in_dim3A_644] : memref<128x16xf32, #tpu.memory_space<vmem>>[vector<16xi32>, vector<16xi32>], vector<16xf32>,
        %broadcast_in_dim3A_646 = arith.constant 9 : i32
        %broadcast_in_dim3A_647 = vector.broadcast %broadcast_in_dim3A_646 : i32 to vector<16xi32>
        %mul3A_648 = arith.mulf %gather3A_645, %exp3A_586 : vector<16xf32>
        tpu.vector_store_idx %arg13[%add3A_570, %broadcast_in_dim3A_647], %mul3A_648 : memref<128x16xf32, #tpu.memory_space<vmem>>[vector<16xi32>, vector<16xi32>], vector<16xf32>,
        %add3A_649 = arith.constant 112 : i32
        %add3A_650 = vector.broadcast %add3A_649 : i32 to vector<16xi32>
        %add3A_651 = arith.addi %add3A_650, %iota3A : vector<16xi32>
        %broadcast_in_dim3A_652 = arith.constant 10 : i32
        %broadcast_in_dim3A_653 = vector.broadcast %broadcast_in_dim3A_652 : i32 to vector<16xi32>
        %gather3A_654 = tpu.vector_load_idx %arg11[%add3A_651, %broadcast_in_dim3A_653] : memref<128x16xf32, #tpu.memory_space<vmem>>[vector<16xi32>, vector<16xi32>], vector<16xf32>,
        %broadcast_in_dim3A_655 = arith.constant 11 : i32
        %broadcast_in_dim3A_656 = vector.broadcast %broadcast_in_dim3A_655 : i32 to vector<16xi32>
        %gather3A_657 = tpu.vector_load_idx %arg12[%add3A_651, %broadcast_in_dim3A_656] : memref<128x16xf32, #tpu.memory_space<vmem>>[vector<16xi32>, vector<16xi32>], vector<16xf32>,
        %add3A_658 = arith.addf %gather3A_654, %gather3A_657 : vector<16xf32>
        %ge3A_659 = arith.constant 0.000000e+00 : f32
        %ge3A_660 = vector.broadcast %ge3A_659 : f32 to vector<16xf32>
        %ge3A_661 = arith.cmpf oge, %add3A_658, %ge3A_660 : vector<16xf32>
        %mul3A_662 = arith.constant 2.000000e-01 : f32
        %mul3A_663 = vector.broadcast %mul3A_662 : f32 to vector<16xf32>
        %mul3A_664 = arith.mulf %add3A_658, %mul3A_663 : vector<16xf32>
        %select_n3A_665 = arith.select %ge3A_661, %add3A_658, %mul3A_664 : vector<16xi1>, vector<16xf32>
        %sub3A_666 = arith.subf %select_n3A_665, %get3A_1 : vector<16xf32>
        %exp3A_667 = math.exp %sub3A_666 : vector<16xf32>
        %broadcast_in_dim3A_668 = arith.constant 10 : i32
        %broadcast_in_dim3A_669 = vector.broadcast %broadcast_in_dim3A_668 : i32 to vector<16xi32>
        tpu.vector_store_idx %arg13[%add3A_651, %broadcast_in_dim3A_669], %exp3A_667 : memref<128x16xf32, #tpu.memory_space<vmem>>[vector<16xi32>, vector<16xi32>], vector<16xf32>,
        %broadcast_in_dim3A_670 = arith.constant 0 : i32
        %broadcast_in_dim3A_671 = vector.broadcast %broadcast_in_dim3A_670 : i32 to vector<16xi32>
        %gather3A_672 = tpu.vector_load_idx %arg11[%add3A_651, %broadcast_in_dim3A_671] : memref<128x16xf32, #tpu.memory_space<vmem>>[vector<16xi32>, vector<16xi32>], vector<16xf32>,
        %broadcast_in_dim3A_673 = arith.constant 0 : i32
        %broadcast_in_dim3A_674 = vector.broadcast %broadcast_in_dim3A_673 : i32 to vector<16xi32>
        %mul3A_675 = arith.mulf %gather3A_672, %exp3A_667 : vector<16xf32>
        tpu.vector_store_idx %arg13[%add3A_651, %broadcast_in_dim3A_674], %mul3A_675 : memref<128x16xf32, #tpu.memory_space<vmem>>[vector<16xi32>, vector<16xi32>], vector<16xf32>,
        %broadcast_in_dim3A_676 = arith.constant 1 : i32
        %broadcast_in_dim3A_677 = vector.broadcast %broadcast_in_dim3A_676 : i32 to vector<16xi32>
        %gather3A_678 = tpu.vector_load_idx %arg11[%add3A_651, %broadcast_in_dim3A_677] : memref<128x16xf32, #tpu.memory_space<vmem>>[vector<16xi32>, vector<16xi32>], vector<16xf32>,
        %broadcast_in_dim3A_679 = arith.constant 1 : i32
        %broadcast_in_dim3A_680 = vector.broadcast %broadcast_in_dim3A_679 : i32 to vector<16xi32>
        %mul3A_681 = arith.mulf %gather3A_678, %exp3A_667 : vector<16xf32>
        tpu.vector_store_idx %arg13[%add3A_651, %broadcast_in_dim3A_680], %mul3A_681 : memref<128x16xf32, #tpu.memory_space<vmem>>[vector<16xi32>, vector<16xi32>], vector<16xf32>,
        %broadcast_in_dim3A_682 = arith.constant 2 : i32
        %broadcast_in_dim3A_683 = vector.broadcast %broadcast_in_dim3A_682 : i32 to vector<16xi32>
        %gather3A_684 = tpu.vector_load_idx %arg11[%add3A_651, %broadcast_in_dim3A_683] : memref<128x16xf32, #tpu.memory_space<vmem>>[vector<16xi32>, vector<16xi32>], vector<16xf32>,
        %broadcast_in_dim3A_685 = arith.constant 2 : i32
        %broadcast_in_dim3A_686 = vector.broadcast %broadcast_in_dim3A_685 : i32 to vector<16xi32>
        %mul3A_687 = arith.mulf %gather3A_684, %exp3A_667 : vector<16xf32>
        tpu.vector_store_idx %arg13[%add3A_651, %broadcast_in_dim3A_686], %mul3A_687 : memref<128x16xf32, #tpu.memory_space<vmem>>[vector<16xi32>, vector<16xi32>], vector<16xf32>,
        %broadcast_in_dim3A_688 = arith.constant 3 : i32
        %broadcast_in_dim3A_689 = vector.broadcast %broadcast_in_dim3A_688 : i32 to vector<16xi32>
        %gather3A_690 = tpu.vector_load_idx %arg11[%add3A_651, %broadcast_in_dim3A_689] : memref<128x16xf32, #tpu.memory_space<vmem>>[vector<16xi32>, vector<16xi32>], vector<16xf32>,
        %broadcast_in_dim3A_691 = arith.constant 3 : i32
        %broadcast_in_dim3A_692 = vector.broadcast %broadcast_in_dim3A_691 : i32 to vector<16xi32>
        %mul3A_693 = arith.mulf %gather3A_690, %exp3A_667 : vector<16xf32>
        tpu.vector_store_idx %arg13[%add3A_651, %broadcast_in_dim3A_692], %mul3A_693 : memref<128x16xf32, #tpu.memory_space<vmem>>[vector<16xi32>, vector<16xi32>], vector<16xf32>,
        %broadcast_in_dim3A_694 = arith.constant 4 : i32
        %broadcast_in_dim3A_695 = vector.broadcast %broadcast_in_dim3A_694 : i32 to vector<16xi32>
        %gather3A_696 = tpu.vector_load_idx %arg11[%add3A_651, %broadcast_in_dim3A_695] : memref<128x16xf32, #tpu.memory_space<vmem>>[vector<16xi32>, vector<16xi32>], vector<16xf32>,
        %broadcast_in_dim3A_697 = arith.constant 4 : i32
        %broadcast_in_dim3A_698 = vector.broadcast %broadcast_in_dim3A_697 : i32 to vector<16xi32>
        %mul3A_699 = arith.mulf %gather3A_696, %exp3A_667 : vector<16xf32>
        tpu.vector_store_idx %arg13[%add3A_651, %broadcast_in_dim3A_698], %mul3A_699 : memref<128x16xf32, #tpu.memory_space<vmem>>[vector<16xi32>, vector<16xi32>], vector<16xf32>,
        %broadcast_in_dim3A_700 = arith.constant 5 : i32
        %broadcast_in_dim3A_701 = vector.broadcast %broadcast_in_dim3A_700 : i32 to vector<16xi32>
        %gather3A_702 = tpu.vector_load_idx %arg11[%add3A_651, %broadcast_in_dim3A_701] : memref<128x16xf32, #tpu.memory_space<vmem>>[vector<16xi32>, vector<16xi32>], vector<16xf32>,
        %broadcast_in_dim3A_703 = arith.constant 5 : i32
        %broadcast_in_dim3A_704 = vector.broadcast %broadcast_in_dim3A_703 : i32 to vector<16xi32>
        %mul3A_705 = arith.mulf %gather3A_702, %exp3A_667 : vector<16xf32>
        tpu.vector_store_idx %arg13[%add3A_651, %broadcast_in_dim3A_704], %mul3A_705 : memref<128x16xf32, #tpu.memory_space<vmem>>[vector<16xi32>, vector<16xi32>], vector<16xf32>,
        %broadcast_in_dim3A_706 = arith.constant 6 : i32
        %broadcast_in_dim3A_707 = vector.broadcast %broadcast_in_dim3A_706 : i32 to vector<16xi32>
        %gather3A_708 = tpu.vector_load_idx %arg11[%add3A_651, %broadcast_in_dim3A_707] : memref<128x16xf32, #tpu.memory_space<vmem>>[vector<16xi32>, vector<16xi32>], vector<16xf32>,
        %broadcast_in_dim3A_709 = arith.constant 6 : i32
        %broadcast_in_dim3A_710 = vector.broadcast %broadcast_in_dim3A_709 : i32 to vector<16xi32>
        %mul3A_711 = arith.mulf %gather3A_708, %exp3A_667 : vector<16xf32>
        tpu.vector_store_idx %arg13[%add3A_651, %broadcast_in_dim3A_710], %mul3A_711 : memref<128x16xf32, #tpu.memory_space<vmem>>[vector<16xi32>, vector<16xi32>], vector<16xf32>,
        %broadcast_in_dim3A_712 = arith.constant 7 : i32
        %broadcast_in_dim3A_713 = vector.broadcast %broadcast_in_dim3A_712 : i32 to vector<16xi32>
        %gather3A_714 = tpu.vector_load_idx %arg11[%add3A_651, %broadcast_in_dim3A_713] : memref<128x16xf32, #tpu.memory_space<vmem>>[vector<16xi32>, vector<16xi32>], vector<16xf32>,
        %broadcast_in_dim3A_715 = arith.constant 7 : i32
        %broadcast_in_dim3A_716 = vector.broadcast %broadcast_in_dim3A_715 : i32 to vector<16xi32>
        %mul3A_717 = arith.mulf %gather3A_714, %exp3A_667 : vector<16xf32>
        tpu.vector_store_idx %arg13[%add3A_651, %broadcast_in_dim3A_716], %mul3A_717 : memref<128x16xf32, #tpu.memory_space<vmem>>[vector<16xi32>, vector<16xi32>], vector<16xf32>,
        %broadcast_in_dim3A_718 = arith.constant 8 : i32
        %broadcast_in_dim3A_719 = vector.broadcast %broadcast_in_dim3A_718 : i32 to vector<16xi32>
        %gather3A_720 = tpu.vector_load_idx %arg11[%add3A_651, %broadcast_in_dim3A_719] : memref<128x16xf32, #tpu.memory_space<vmem>>[vector<16xi32>, vector<16xi32>], vector<16xf32>,
        %broadcast_in_dim3A_721 = arith.constant 8 : i32
        %broadcast_in_dim3A_722 = vector.broadcast %broadcast_in_dim3A_721 : i32 to vector<16xi32>
        %mul3A_723 = arith.mulf %gather3A_720, %exp3A_667 : vector<16xf32>
        tpu.vector_store_idx %arg13[%add3A_651, %broadcast_in_dim3A_722], %mul3A_723 : memref<128x16xf32, #tpu.memory_space<vmem>>[vector<16xi32>, vector<16xi32>], vector<16xf32>,
        %broadcast_in_dim3A_724 = arith.constant 9 : i32
        %broadcast_in_dim3A_725 = vector.broadcast %broadcast_in_dim3A_724 : i32 to vector<16xi32>
        %gather3A_726 = tpu.vector_load_idx %arg11[%add3A_651, %broadcast_in_dim3A_725] : memref<128x16xf32, #tpu.memory_space<vmem>>[vector<16xi32>, vector<16xi32>], vector<16xf32>,
        %broadcast_in_dim3A_727 = arith.constant 9 : i32
        %broadcast_in_dim3A_728 = vector.broadcast %broadcast_in_dim3A_727 : i32 to vector<16xi32>
        %mul3A_729 = arith.mulf %gather3A_726, %exp3A_667 : vector<16xf32>
        tpu.vector_store_idx %arg13[%add3A_651, %broadcast_in_dim3A_728], %mul3A_729 : memref<128x16xf32, #tpu.memory_space<vmem>>[vector<16xi32>, vector<16xi32>], vector<16xf32>,
        "tpu.region"() ({
          %run_scoped3A = tpu.sem_alloc : memref<!tpu.dma_semaphore, #tpu.memory_space<semaphore_mem>>
          %dma_start3A_730 = arith.constant 0 : i32
          %dma_start3A_731 = arith.constant 0 : i32
          %dma_start3A_732 = tpu.memref_slice %arg8[%dma_start3A_730, %dma_start3A_731] : memref<50000x16xf32, #tpu.memory_space<vmem_shared>> -> memref<50000x16xf32, #tpu.memory_space<vmem_shared>>
          tpu.enqueue_indirect_dma source(%arg13 : memref<128x16xf32, #tpu.memory_space<vmem>>) target(%dma_start3A_732 : memref<50000x16xf32, #tpu.memory_space<vmem_shared>>) offsets(%arg10 : memref<128xi32, #tpu.memory_space<vmem>>) semaphore(%run_scoped3A : memref<!tpu.dma_semaphore, #tpu.memory_space<semaphore_mem>>) {add = true}
          %dma_wait3A_733 = arith.constant 0 : i32
          %dma_wait3A_734 = arith.constant 0 : i32
          %dma_wait3A_735 = tpu.memref_slice %arg8[%dma_wait3A_733, %dma_wait3A_734] : memref<50000x16xf32, #tpu.memory_space<vmem_shared>> -> memref<50000x16xf32, #tpu.memory_space<vmem_shared>>
          tpu.wait_indirect_dma semaphore(%run_scoped3A : memref<!tpu.dma_semaphore, #tpu.memory_space<semaphore_mem>>) src(%arg13 : memref<128x16xf32, #tpu.memory_space<vmem>>) dst(%dma_wait3A_735 : memref<50000x16xf32, #tpu.memory_space<vmem_shared>>)
          tpu.yield
        }) : () -> ()
      } else {
      }
    }
    %scan3A_53 = arith.constant 196 : i32
    %barrier3A_54 = arith.constant 0 : index
    tpu.barrier barrier_id(%barrier3A_54)
    %scan3A_55 = arith.constant 0 : i32
    %scan3A_56 = arith.constant 0 : i32
    %scan3A_57 = arith.constant 8 : i32
    %scan3A_58 = arith.addi %scan3A_56, %scan3A_57 : i32
    %scan3A_59 = arith.constant 1 : i32
    scf.for %scan3A_61 = %scan3A_56 to %scan3A_58 step %scan3A_59  : i32 {
      %mul3A_62 = arith.constant 16 : i32
      %mul3A_63 = arith.muli %mul3A_62, %scan3A_61 : i32
      %add3A_64 = arith.addi %arg1, %mul3A_63 : i32
      %lt3A = arith.constant 125 : i32
      %lt3A_65 = arith.cmpi slt, %add3A_64, %lt3A : i32
      %convert_element_type3A = arith.extui %lt3A_65 : i1 to i32
      %cond3A = arith.constant 0 : i32
      %cond3A_66 = arith.cmpi ne, %convert_element_type3A, %cond3A : i32
      scf.if %cond3A_66 {
        %mul3A_67 = arith.constant 50000 : i32
        %mul3A_68 = arith.muli %arg0, %mul3A_67 : i32
        %mul3A_69 = arith.constant 400 : i32
        %mul3A_70 = arith.muli %add3A_64, %mul3A_69 : i32
        %add3A_71 = arith.addi %mul3A_68, %mul3A_70 : i32
        %mul3A_72 = arith.constant 400 : i32
        %mul3A_73 = arith.muli %add3A_64, %mul3A_72 : i32
        "tpu.region"() ({
          %run_scoped3A = tpu.sem_alloc : memref<!tpu.dma_semaphore, #tpu.memory_space<semaphore_mem>>
          %dma_start3A = arith.constant 0 : i32
          %dma_start3A_74 = tpu.memref_slice %arg7[%add3A_71, %dma_start3A] : memref<100000x16xf32, #tpu.memory_space<hbm>> -> memref<400x16xf32, #tpu.memory_space<hbm>>
          %dma_start3A_75 = arith.constant 0 : i32
          %dma_start3A_76 = tpu.memref_slice %arg8[%mul3A_73, %dma_start3A_75] : memref<50000x16xf32, #tpu.memory_space<vmem_shared>> -> memref<400x16xf32, #tpu.memory_space<vmem_shared>>
          tpu.enqueue_dma source(%dma_start3A_76 : memref<400x16xf32, #tpu.memory_space<vmem_shared>>) target(%dma_start3A_74 : memref<400x16xf32, #tpu.memory_space<hbm>>) target_semaphore(%run_scoped3A : memref<!tpu.dma_semaphore, #tpu.memory_space<semaphore_mem>>)
          %dma_wait3A = arith.constant 0 : i32
          %dma_wait3A_77 = tpu.memref_slice %arg7[%add3A_71, %dma_wait3A] : memref<100000x16xf32, #tpu.memory_space<hbm>> -> memref<400x16xf32, #tpu.memory_space<hbm>>
          %dma_wait3A_78 = arith.constant 0 : i32
          %dma_wait3A_79 = tpu.memref_slice %arg8[%mul3A_73, %dma_wait3A_78] : memref<50000x16xf32, #tpu.memory_space<vmem_shared>> -> memref<400x16xf32, #tpu.memory_space<vmem_shared>>
          tpu.wait_dma2 semaphore(%run_scoped3A : memref<!tpu.dma_semaphore, #tpu.memory_space<semaphore_mem>>) src(%dma_wait3A_79 : memref<400x16xf32, #tpu.memory_space<vmem_shared>>) dst(%dma_wait3A_77 : memref<400x16xf32, #tpu.memory_space<hbm>>)
          tpu.yield
        }) : () -> ()
      } else {
      }
    }
    %scan3A_60 = arith.constant 8 : i32
    return
  }
}

module attributes {stable_mosaic.version = 14 : i64} {
  func.func @_tc_a_body(%arg0: i32, %arg1: memref<1000x768xf32, #tpu.memory_space<vmem>>, %arg2: memref<768x64xf32, #tpu.memory_space<vmem>>, %arg3: memref<8x8xf32, #tpu.memory_space<vmem>>, %arg4: memref<8x8xf32, #tpu.memory_space<vmem>>, %arg5: memref<2x1000x40xf32, #tpu.memory_space<vmem>>, %arg6: memref<1000x8xf32, #tpu.memory_space<vmem>>, %arg7: memref<1x8xf32, #tpu.memory_space<vmem>>, %arg8: memref<1x8xf32, #tpu.memory_space<vmem>>) attributes {dimension_semantics = [#tpu.dimension_semantics<arbitrary>], iteration_bounds = array<i64: 50>, scalar_prefetch = 0 : i64, scratch_operands = 0 : i64, tpu.core_type = #tpu.core_type<tc>, window_params = [{transform_indices = @transform_0, window_bounds = array<i64: 1000, 768>}, {pipeline_mode = #tpu.pipeline_mode<synchronous>, transform_indices = @transform_1, window_bounds = array<i64: 768, 64>}, {pipeline_mode = #tpu.pipeline_mode<synchronous>, transform_indices = @transform_2, window_bounds = array<i64: 8, 8>}, {pipeline_mode = #tpu.pipeline_mode<synchronous>, transform_indices = @transform_3, window_bounds = array<i64: 8, 8>}, {transform_indices = @transform_4, window_bounds = array<i64: 2, 1000, 40>}, {transform_indices = @transform_5, window_bounds = array<i64: 1000, 8>}, {pipeline_mode = #tpu.pipeline_mode<synchronous>, transform_indices = @transform_6, window_bounds = array<i64: 1, 8>}, {pipeline_mode = #tpu.pipeline_mode<synchronous>, transform_indices = @transform_7, window_bounds = array<i64: 1, 8>}]} {
    %get3A = arith.constant 0 : index
    %get3A_0 = arith.constant 0 : index
    %get3A_1 = vector.load %arg1[%get3A, %get3A_0] : memref<1000x768xf32, #tpu.memory_space<vmem>>, vector<1000x768xf32>
    %get3A_2 = arith.constant 0 : index
    %get3A_3 = arith.constant 0 : index
    %get3A_4 = vector.load %arg2[%get3A_2, %get3A_3] : memref<768x64xf32, #tpu.memory_space<vmem>>, vector<768x64xf32>
    %dot_general3A = arith.constant dense<0.000000e+00> : vector<1000x64xf32>
    %dot_general3A_5 = tpu.matmul %get3A_1, %get3A_4, %dot_general3A {dimension_numbers = #tpu.dot_dimension_numbers<[1], [0], [0], [1], [0, 0, 1, 1], [], []>, transpose_lhs_hint = false} : vector<1000x768xf32>, vector<768x64xf32>, vector<1000x64xf32> -> vector<1000x64xf32>
    %reshape3A = vector.shape_cast %dot_general3A_5 : vector<1000x64xf32> to vector<1000x8x8xf32>
    %get3A_6 = arith.constant 0 : index
    %get3A_7 = arith.constant 0 : index
    %get3A_8 = vector.load %arg3[%get3A_6, %get3A_7] : memref<8x8xf32, #tpu.memory_space<vmem>>, vector<8x8xf32>
    %broadcast_in_dim3A = vector.shape_cast %get3A_8 : vector<8x8xf32> to vector<1x8x8xf32>
    %mul3A = vector.broadcast %broadcast_in_dim3A : vector<1x8x8xf32> to vector<1000x8x8xf32>
    %mul3A_9 = arith.mulf %reshape3A, %mul3A : vector<1000x8x8xf32>
    %reduce_sum3A = arith.constant dense<0.000000e+00> : vector<1000x8xf32>
    %reduce_sum3A_10 = vector.multi_reduction <add>, %mul3A_9, %reduce_sum3A [2] : vector<1000x8x8xf32> to vector<1000x8xf32>
    %get3A_11 = arith.constant 0 : index
    %get3A_12 = arith.constant 0 : index
    %get3A_13 = vector.load %arg4[%get3A_11, %get3A_12] : memref<8x8xf32, #tpu.memory_space<vmem>>, vector<8x8xf32>
    %broadcast_in_dim3A_14 = vector.shape_cast %get3A_13 : vector<8x8xf32> to vector<1x8x8xf32>
    %mul3A_15 = vector.broadcast %broadcast_in_dim3A_14 : vector<1x8x8xf32> to vector<1000x8x8xf32>
    %mul3A_16 = arith.mulf %reshape3A, %mul3A_15 : vector<1000x8x8xf32>
    %reduce_sum3A_17 = arith.constant dense<0.000000e+00> : vector<1000x8xf32>
    %reduce_sum3A_18 = vector.multi_reduction <add>, %mul3A_16, %reduce_sum3A_17 [2] : vector<1000x8x8xf32> to vector<1000x8xf32>
    %broadcast_in_dim3A_19 = arith.constant 0.000000e+00 : f32
    %broadcast_in_dim3A_20 = vector.broadcast %broadcast_in_dim3A_19 : f32 to vector<1000x4xf32>
    %slice3A = vector.extract_strided_slice %dot_general3A_5 {offsets = [0, 0], sizes = [1000, 32], strides = [1, 1]} : vector<1000x64xf32> to vector<1000x32xf32>
    %slice3A_21 = vector.extract_strided_slice %reduce_sum3A_10 {offsets = [0, 0], sizes = [1000, 4], strides = [1, 1]} : vector<1000x8xf32> to vector<1000x4xf32>
    %concatenate3A = tpu.concatenate %slice3A, %slice3A_21, %broadcast_in_dim3A_20 in 1 : vector<1000x32xf32>, vector<1000x4xf32>, vector<1000x4xf32> -> vector<1000x40xf32>
    %slice3A_22 = vector.extract_strided_slice %dot_general3A_5 {offsets = [0, 32], sizes = [1000, 32], strides = [1, 1]} : vector<1000x64xf32> to vector<1000x32xf32>
    %slice3A_23 = vector.extract_strided_slice %reduce_sum3A_10 {offsets = [0, 4], sizes = [1000, 4], strides = [1, 1]} : vector<1000x8xf32> to vector<1000x4xf32>
    %concatenate3A_24 = tpu.concatenate %slice3A_22, %slice3A_23, %broadcast_in_dim3A_20 in 1 : vector<1000x32xf32>, vector<1000x4xf32>, vector<1000x4xf32> -> vector<1000x40xf32>
    %stack3A = vector.shape_cast %concatenate3A : vector<1000x40xf32> to vector<1x1000x40xf32>
    %stack3A_25 = vector.shape_cast %concatenate3A_24 : vector<1000x40xf32> to vector<1x1000x40xf32>
    %stack3A_26 = tpu.concatenate %stack3A, %stack3A_25 in 0 : vector<1x1000x40xf32>, vector<1x1000x40xf32> -> vector<2x1000x40xf32>
    %swap3A = arith.constant 0 : index
    %swap3A_27 = arith.constant 0 : index
    %swap3A_28 = arith.constant 0 : index
    %swap3A_29 = vector.load %arg5[%swap3A, %swap3A_27, %swap3A_28] : memref<2x1000x40xf32, #tpu.memory_space<vmem>>, vector<2x1000x40xf32>
    tpu.vector_store %arg5[%swap3A, %swap3A_27, %swap3A_28], %stack3A_26 {strides = array<i32>} : memref<2x1000x40xf32, #tpu.memory_space<vmem>>, vector<2x1000x40xf32>,
    %swap3A_30 = arith.constant 0 : index
    %swap3A_31 = arith.constant 0 : index
    %swap3A_32 = vector.load %arg6[%swap3A_30, %swap3A_31] : memref<1000x8xf32, #tpu.memory_space<vmem>>, vector<1000x8xf32>
    tpu.vector_store %arg6[%swap3A_30, %swap3A_31], %reduce_sum3A_18 {strides = array<i32>} : memref<1000x8xf32, #tpu.memory_space<vmem>>, vector<1000x8xf32>,
    %reduce_max3A = arith.constant dense<0xFF800000> : vector<8xf32>
    %reduce_max3A_33 = vector.multi_reduction <maximumf>, %reduce_sum3A_10, %reduce_max3A [0] : vector<1000x8xf32> to vector<8xf32>
    %broadcast_in_dim3A_34 = vector.shape_cast %reduce_max3A_33 : vector<8xf32> to vector<1x8xf32>
    %reduce_max3A_35 = arith.constant dense<0xFF800000> : vector<8xf32>
    %reduce_max3A_36 = vector.multi_reduction <maximumf>, %reduce_sum3A_18, %reduce_max3A_35 [0] : vector<1000x8xf32> to vector<8xf32>
    %broadcast_in_dim3A_37 = vector.shape_cast %reduce_max3A_36 : vector<8xf32> to vector<1x8xf32>
    %eq3A = arith.constant 0 : i32
    %eq3A_38 = arith.cmpi eq, %arg0, %eq3A : i32
    %convert_element_type3A = arith.extui %eq3A_38 : i1 to i32
    %cond3A = arith.constant 0 : i32
    %cond3A_39 = arith.cmpi ne, %convert_element_type3A, %cond3A : i32
    scf.if %cond3A_39 {
      %swap3A_44 = arith.constant 0 : index
      %swap3A_45 = arith.constant 0 : index
      %swap3A_46 = vector.load %arg7[%swap3A_44, %swap3A_45] : memref<1x8xf32, #tpu.memory_space<vmem>>, vector<1x8xf32>
      tpu.vector_store %arg7[%swap3A_44, %swap3A_45], %broadcast_in_dim3A_34 {strides = array<i32>} : memref<1x8xf32, #tpu.memory_space<vmem>>, vector<1x8xf32>,
      %swap3A_47 = arith.constant 0 : index
      %swap3A_48 = arith.constant 0 : index
      %swap3A_49 = vector.load %arg8[%swap3A_47, %swap3A_48] : memref<1x8xf32, #tpu.memory_space<vmem>>, vector<1x8xf32>
      tpu.vector_store %arg8[%swap3A_47, %swap3A_48], %broadcast_in_dim3A_37 {strides = array<i32>} : memref<1x8xf32, #tpu.memory_space<vmem>>, vector<1x8xf32>,
    } else {
    }
    %ne3A = arith.constant 0 : i32
    %ne3A_40 = arith.cmpi ne, %arg0, %ne3A : i32
    %convert_element_type3A_41 = arith.extui %ne3A_40 : i1 to i32
    %cond3A_42 = arith.constant 0 : i32
    %cond3A_43 = arith.cmpi ne, %convert_element_type3A_41, %cond3A_42 : i32
    scf.if %cond3A_43 {
      %get3A_44 = arith.constant 0 : index
      %get3A_45 = arith.constant 0 : index
      %get3A_46 = vector.load %arg7[%get3A_44, %get3A_45] : memref<1x8xf32, #tpu.memory_space<vmem>>, vector<1x8xf32>
      %max3A = arith.maximumf %get3A_46, %broadcast_in_dim3A_34 : vector<1x8xf32>
      %swap3A_47 = arith.constant 0 : index
      %swap3A_48 = arith.constant 0 : index
      %swap3A_49 = vector.load %arg7[%swap3A_47, %swap3A_48] : memref<1x8xf32, #tpu.memory_space<vmem>>, vector<1x8xf32>
      tpu.vector_store %arg7[%swap3A_47, %swap3A_48], %max3A {strides = array<i32>} : memref<1x8xf32, #tpu.memory_space<vmem>>, vector<1x8xf32>,
      %get3A_50 = arith.constant 0 : index
      %get3A_51 = arith.constant 0 : index
      %get3A_52 = vector.load %arg8[%get3A_50, %get3A_51] : memref<1x8xf32, #tpu.memory_space<vmem>>, vector<1x8xf32>
      %max3A_53 = arith.maximumf %get3A_52, %broadcast_in_dim3A_37 : vector<1x8xf32>
      %swap3A_54 = arith.constant 0 : index
      %swap3A_55 = arith.constant 0 : index
      %swap3A_56 = vector.load %arg8[%swap3A_54, %swap3A_55] : memref<1x8xf32, #tpu.memory_space<vmem>>, vector<1x8xf32>
      tpu.vector_store %arg8[%swap3A_54, %swap3A_55], %max3A_53 {strides = array<i32>} : memref<1x8xf32, #tpu.memory_space<vmem>>, vector<1x8xf32>,
    } else {
    }
    return
  }
  func.func @transform_0(%arg0: i32) -> (i32, i32) {
    %c0_i32 = arith.constant 0 : i32
    %c0_i32_0 = arith.constant 0 : i32
    return %arg0, %c0_i32 : i32, i32
  }
  func.func @transform_1(%arg0: i32) -> (i32, i32) {
    %c0_i32 = arith.constant 0 : i32
    %c0_i32_0 = arith.constant 0 : i32
    %c0_i32_1 = arith.constant 0 : i32
    return %c0_i32, %c0_i32_0 : i32, i32
  }
  func.func @transform_2(%arg0: i32) -> (i32, i32) {
    %c0_i32 = arith.constant 0 : i32
    %c0_i32_0 = arith.constant 0 : i32
    %c0_i32_1 = arith.constant 0 : i32
    return %c0_i32, %c0_i32_0 : i32, i32
  }
  func.func @transform_3(%arg0: i32) -> (i32, i32) {
    %c0_i32 = arith.constant 0 : i32
    %c0_i32_0 = arith.constant 0 : i32
    %c0_i32_1 = arith.constant 0 : i32
    return %c0_i32, %c0_i32_0 : i32, i32
  }
  func.func @transform_4(%arg0: i32) -> (i32, i32, i32) {
    %c0_i32 = arith.constant 0 : i32
    %c0_i32_0 = arith.constant 0 : i32
    %c0_i32_1 = arith.constant 0 : i32
    return %c0_i32, %arg0, %c0_i32_0 : i32, i32, i32
  }
  func.func @transform_5(%arg0: i32) -> (i32, i32) {
    %c0_i32 = arith.constant 0 : i32
    %c0_i32_0 = arith.constant 0 : i32
    return %arg0, %c0_i32 : i32, i32
  }
  func.func @transform_6(%arg0: i32) -> (i32, i32) {
    %c0_i32 = arith.constant 0 : i32
    %c0_i32_0 = arith.constant 0 : i32
    %c0_i32_1 = arith.constant 0 : i32
    return %c0_i32, %c0_i32_0 : i32, i32
  }
  func.func @transform_7(%arg0: i32) -> (i32, i32) {
    %c0_i32 = arith.constant 0 : i32
    %c0_i32_0 = arith.constant 0 : i32
    %c0_i32_1 = arith.constant 0 : i32
    return %c0_i32, %c0_i32_0 : i32, i32
  }
}

module attributes {stable_mosaic.version = 14 : i64} {
  func.func @_tc_b_body(%arg0: i32, %arg1: memref<2x1000x40xf32, #tpu.memory_space<vmem>>, %arg2: memref<1x64xf32, #tpu.memory_space<vmem>>, %arg3: memref<64x16xf32, #tpu.memory_space<vmem>>, %arg4: memref<1x16xf32, #tpu.memory_space<vmem>>, %arg5: memref<1x16xf32, #tpu.memory_space<vmem>>, %arg6: memref<1000x16xf32, #tpu.memory_space<vmem>>, %arg7: memref<1x8xf32, #tpu.memory_space<vmem>>, %arg8: memref<1x8xf32, #tpu.memory_space<vmem>>) attributes {dimension_semantics = [#tpu.dimension_semantics<arbitrary>], iteration_bounds = array<i64: 50>, scalar_prefetch = 0 : i64, scratch_operands = 0 : i64, tpu.core_type = #tpu.core_type<tc>, window_params = [{transform_indices = @transform_0, window_bounds = array<i64: 2, 1000, 40>}, {pipeline_mode = #tpu.pipeline_mode<synchronous>, transform_indices = @transform_1, window_bounds = array<i64: 1, 64>}, {pipeline_mode = #tpu.pipeline_mode<synchronous>, transform_indices = @transform_2, window_bounds = array<i64: 64, 16>}, {pipeline_mode = #tpu.pipeline_mode<synchronous>, transform_indices = @transform_3, window_bounds = array<i64: 1, 16>}, {pipeline_mode = #tpu.pipeline_mode<synchronous>, transform_indices = @transform_4, window_bounds = array<i64: 1, 16>}, {transform_indices = @transform_5, window_bounds = array<i64: 1000, 16>}, {pipeline_mode = #tpu.pipeline_mode<synchronous>, transform_indices = @transform_6, window_bounds = array<i64: 1, 8>}, {pipeline_mode = #tpu.pipeline_mode<synchronous>, transform_indices = @transform_7, window_bounds = array<i64: 1, 8>}]} {
    %get3A = arith.constant 0 : index
    %get3A_0 = arith.constant 0 : index
    %get3A_1 = arith.constant 0 : index
    %get3A_2 = vector.load %arg1[%get3A, %get3A_0, %get3A_1] : memref<2x1000x40xf32, #tpu.memory_space<vmem>>, vector<2x1000x40xf32>
    %slice3A = vector.extract_strided_slice %get3A_2 {offsets = [0, 0, 0], sizes = [1, 1000, 32], strides = [1, 1, 1]} : vector<2x1000x40xf32> to vector<1x1000x32xf32>
    %squeeze3A = vector.shape_cast %slice3A : vector<1x1000x32xf32> to vector<1000x32xf32>
    %slice3A_3 = vector.extract_strided_slice %get3A_2 {offsets = [1, 0, 0], sizes = [1, 1000, 32], strides = [1, 1, 1]} : vector<2x1000x40xf32> to vector<1x1000x32xf32>
    %squeeze3A_4 = vector.shape_cast %slice3A_3 : vector<1x1000x32xf32> to vector<1000x32xf32>
    %concatenate3A = tpu.concatenate %squeeze3A, %squeeze3A_4 in 1 : vector<1000x32xf32>, vector<1000x32xf32> -> vector<1000x64xf32>
    %reshape3A = vector.shape_cast %concatenate3A : vector<1000x64xf32> to vector<1000x8x8xf32>
    %slice3A_5 = vector.extract_strided_slice %get3A_2 {offsets = [0, 0, 32], sizes = [1, 1000, 4], strides = [1, 1, 1]} : vector<2x1000x40xf32> to vector<1x1000x4xf32>
    %squeeze3A_6 = vector.shape_cast %slice3A_5 : vector<1x1000x4xf32> to vector<1000x4xf32>
    %slice3A_7 = vector.extract_strided_slice %get3A_2 {offsets = [1, 0, 32], sizes = [1, 1000, 4], strides = [1, 1, 1]} : vector<2x1000x40xf32> to vector<1x1000x4xf32>
    %squeeze3A_8 = vector.shape_cast %slice3A_7 : vector<1x1000x4xf32> to vector<1000x4xf32>
    %concatenate3A_9 = tpu.concatenate %squeeze3A_6, %squeeze3A_8 in 1 : vector<1000x4xf32>, vector<1000x4xf32> -> vector<1000x8xf32>
    %broadcast_in_dim3A = vector.shape_cast %concatenate3A_9 : vector<1000x8xf32> to vector<1000x8x1xf32>
    %add3A = arith.constant 1.000000e-16 : f32
    %add3A_10 = vector.broadcast %add3A : f32 to vector<1000x8x1xf32>
    %add3A_11 = arith.addf %broadcast_in_dim3A, %add3A_10 : vector<1000x8x1xf32>
    %div3A = vector.broadcast %add3A_11 : vector<1000x8x1xf32> to vector<1000x8x8xf32>
    %div3A_12 = arith.divf %reshape3A, %div3A : vector<1000x8x8xf32>
    %reshape3A_13 = vector.shape_cast %div3A_12 : vector<1000x8x8xf32> to vector<1000x64xf32>
    %get3A_14 = arith.constant 0 : index
    %get3A_15 = arith.constant 0 : index
    %get3A_16 = vector.load %arg2[%get3A_14, %get3A_15] : memref<1x64xf32, #tpu.memory_space<vmem>>, vector<1x64xf32>
    %add3A_17 = vector.broadcast %get3A_16 : vector<1x64xf32> to vector<1000x64xf32>
    %add3A_18 = arith.addf %reshape3A_13, %add3A_17 : vector<1000x64xf32>
    %gt3A = arith.constant 0.000000e+00 : f32
    %gt3A_19 = vector.broadcast %gt3A : f32 to vector<1000x64xf32>
    %gt3A_20 = arith.cmpf ogt, %add3A_18, %gt3A_19 : vector<1000x64xf32>
    %min3A = arith.constant 0.000000e+00 : f32
    %min3A_21 = vector.broadcast %min3A : f32 to vector<1000x64xf32>
    %min3A_22 = arith.minimumf %add3A_18, %min3A_21 : vector<1000x64xf32>
    %exp3A = math.exp %min3A_22 : vector<1000x64xf32>
    %sub3A = arith.constant 1.000000e+00 : f32
    %sub3A_23 = vector.broadcast %sub3A : f32 to vector<1000x64xf32>
    %sub3A_24 = arith.subf %exp3A, %sub3A_23 : vector<1000x64xf32>
    %select_n3A = arith.select %gt3A_20, %add3A_18, %sub3A_24 : vector<1000x64xi1>, vector<1000x64xf32>
    %get3A_25 = arith.constant 0 : index
    %get3A_26 = arith.constant 0 : index
    %get3A_27 = vector.load %arg3[%get3A_25, %get3A_26] : memref<64x16xf32, #tpu.memory_space<vmem>>, vector<64x16xf32>
    %dot_general3A = arith.constant dense<0.000000e+00> : vector<1000x16xf32>
    %dot_general3A_28 = tpu.matmul %select_n3A, %get3A_27, %dot_general3A {dimension_numbers = #tpu.dot_dimension_numbers<[1], [0], [0], [1], [0, 0, 1, 1], [], []>, transpose_lhs_hint = false} : vector<1000x64xf32>, vector<64x16xf32>, vector<1000x16xf32> -> vector<1000x16xf32>
    %get3A_29 = arith.constant 0 : index
    %get3A_30 = arith.constant 0 : index
    %get3A_31 = vector.load %arg4[%get3A_29, %get3A_30] : memref<1x16xf32, #tpu.memory_space<vmem>>, vector<1x16xf32>
    %mul3A = vector.broadcast %get3A_31 : vector<1x16xf32> to vector<1000x16xf32>
    %mul3A_32 = arith.mulf %dot_general3A_28, %mul3A : vector<1000x16xf32>
    %reduce_sum3A = arith.constant dense<0.000000e+00> : vector<1000xf32>
    %reduce_sum3A_33 = vector.multi_reduction <add>, %mul3A_32, %reduce_sum3A [1] : vector<1000x16xf32> to vector<1000xf32>
    %broadcast_in_dim3A_34 = vector.shape_cast %reduce_sum3A_33 : vector<1000xf32> to vector<1000x1xf32>
    %get3A_35 = arith.constant 0 : index
    %get3A_36 = arith.constant 0 : index
    %get3A_37 = vector.load %arg5[%get3A_35, %get3A_36] : memref<1x16xf32, #tpu.memory_space<vmem>>, vector<1x16xf32>
    %mul3A_38 = vector.broadcast %get3A_37 : vector<1x16xf32> to vector<1000x16xf32>
    %mul3A_39 = arith.mulf %dot_general3A_28, %mul3A_38 : vector<1000x16xf32>
    %reduce_sum3A_40 = arith.constant dense<0.000000e+00> : vector<1000xf32>
    %reduce_sum3A_41 = vector.multi_reduction <add>, %mul3A_39, %reduce_sum3A_40 [1] : vector<1000x16xf32> to vector<1000xf32>
    %broadcast_in_dim3A_42 = vector.shape_cast %reduce_sum3A_41 : vector<1000xf32> to vector<1000x1xf32>
    %slice3A_43 = vector.extract_strided_slice %dot_general3A_28 {offsets = [0, 0], sizes = [1000, 10], strides = [1, 1]} : vector<1000x16xf32> to vector<1000x10xf32>
    %broadcast_in_dim3A_44 = arith.constant 0.000000e+00 : f32
    %broadcast_in_dim3A_45 = vector.broadcast %broadcast_in_dim3A_44 : f32 to vector<1000x4xf32>
    %concatenate3A_46 = tpu.concatenate %slice3A_43, %broadcast_in_dim3A_34, %broadcast_in_dim3A_42, %broadcast_in_dim3A_45 in 1 : vector<1000x10xf32>, vector<1000x1xf32>, vector<1000x1xf32>, vector<1000x4xf32> -> vector<1000x16xf32>
    %swap3A = arith.constant 0 : index
    %swap3A_47 = arith.constant 0 : index
    %swap3A_48 = vector.load %arg6[%swap3A, %swap3A_47] : memref<1000x16xf32, #tpu.memory_space<vmem>>, vector<1000x16xf32>
    tpu.vector_store %arg6[%swap3A, %swap3A_47], %concatenate3A_46 {strides = array<i32>} : memref<1000x16xf32, #tpu.memory_space<vmem>>, vector<1000x16xf32>,
    %reduce_max3A = vector.shape_cast %broadcast_in_dim3A_34 : vector<1000x1xf32> to vector<1x1000x1xf32>
    %reduce_max3A_49 = arith.constant dense<0xFF800000> : vector<1xf32>
    %reduce_max3A_50 = vector.multi_reduction <maximumf>, %reduce_max3A, %reduce_max3A_49 [1, 2] : vector<1x1000x1xf32> to vector<1xf32>
    %reduce_max3A_51 = vector.shape_cast %reduce_max3A_50 : vector<1xf32> to vector<1x1x1xf32>
    %reduce_max3A_52 = vector.extract %reduce_max3A_51[0, 0, 0] : f32 from vector<1x1x1xf32>
    %broadcast_in_dim3A_53 = vector.broadcast %reduce_max3A_52 : f32 to vector<1x8xf32>
    %reduce_max3A_54 = vector.shape_cast %broadcast_in_dim3A_42 : vector<1000x1xf32> to vector<1x1000x1xf32>
    %reduce_max3A_55 = arith.constant dense<0xFF800000> : vector<1xf32>
    %reduce_max3A_56 = vector.multi_reduction <maximumf>, %reduce_max3A_54, %reduce_max3A_55 [1, 2] : vector<1x1000x1xf32> to vector<1xf32>
    %reduce_max3A_57 = vector.shape_cast %reduce_max3A_56 : vector<1xf32> to vector<1x1x1xf32>
    %reduce_max3A_58 = vector.extract %reduce_max3A_57[0, 0, 0] : f32 from vector<1x1x1xf32>
    %broadcast_in_dim3A_59 = vector.broadcast %reduce_max3A_58 : f32 to vector<1x8xf32>
    %eq3A = arith.constant 0 : i32
    %eq3A_60 = arith.cmpi eq, %arg0, %eq3A : i32
    %convert_element_type3A = arith.extui %eq3A_60 : i1 to i32
    %cond3A = arith.constant 0 : i32
    %cond3A_61 = arith.cmpi ne, %convert_element_type3A, %cond3A : i32
    scf.if %cond3A_61 {
      %swap3A_66 = arith.constant 0 : index
      %swap3A_67 = arith.constant 0 : index
      %swap3A_68 = vector.load %arg7[%swap3A_66, %swap3A_67] : memref<1x8xf32, #tpu.memory_space<vmem>>, vector<1x8xf32>
      tpu.vector_store %arg7[%swap3A_66, %swap3A_67], %broadcast_in_dim3A_53 {strides = array<i32>} : memref<1x8xf32, #tpu.memory_space<vmem>>, vector<1x8xf32>,
      %swap3A_69 = arith.constant 0 : index
      %swap3A_70 = arith.constant 0 : index
      %swap3A_71 = vector.load %arg8[%swap3A_69, %swap3A_70] : memref<1x8xf32, #tpu.memory_space<vmem>>, vector<1x8xf32>
      tpu.vector_store %arg8[%swap3A_69, %swap3A_70], %broadcast_in_dim3A_59 {strides = array<i32>} : memref<1x8xf32, #tpu.memory_space<vmem>>, vector<1x8xf32>,
    } else {
    }
    %ne3A = arith.constant 0 : i32
    %ne3A_62 = arith.cmpi ne, %arg0, %ne3A : i32
    %convert_element_type3A_63 = arith.extui %ne3A_62 : i1 to i32
    %cond3A_64 = arith.constant 0 : i32
    %cond3A_65 = arith.cmpi ne, %convert_element_type3A_63, %cond3A_64 : i32
    scf.if %cond3A_65 {
      %get3A_66 = arith.constant 0 : index
      %get3A_67 = arith.constant 0 : index
      %get3A_68 = vector.load %arg7[%get3A_66, %get3A_67] : memref<1x8xf32, #tpu.memory_space<vmem>>, vector<1x8xf32>
      %max3A = arith.maximumf %get3A_68, %broadcast_in_dim3A_53 : vector<1x8xf32>
      %swap3A_69 = arith.constant 0 : index
      %swap3A_70 = arith.constant 0 : index
      %swap3A_71 = vector.load %arg7[%swap3A_69, %swap3A_70] : memref<1x8xf32, #tpu.memory_space<vmem>>, vector<1x8xf32>
      tpu.vector_store %arg7[%swap3A_69, %swap3A_70], %max3A {strides = array<i32>} : memref<1x8xf32, #tpu.memory_space<vmem>>, vector<1x8xf32>,
      %get3A_72 = arith.constant 0 : index
      %get3A_73 = arith.constant 0 : index
      %get3A_74 = vector.load %arg8[%get3A_72, %get3A_73] : memref<1x8xf32, #tpu.memory_space<vmem>>, vector<1x8xf32>
      %max3A_75 = arith.maximumf %get3A_74, %broadcast_in_dim3A_59 : vector<1x8xf32>
      %swap3A_76 = arith.constant 0 : index
      %swap3A_77 = arith.constant 0 : index
      %swap3A_78 = vector.load %arg8[%swap3A_76, %swap3A_77] : memref<1x8xf32, #tpu.memory_space<vmem>>, vector<1x8xf32>
      tpu.vector_store %arg8[%swap3A_76, %swap3A_77], %max3A_75 {strides = array<i32>} : memref<1x8xf32, #tpu.memory_space<vmem>>, vector<1x8xf32>,
    } else {
    }
    return
  }
  func.func @transform_0(%arg0: i32) -> (i32, i32, i32) {
    %c0_i32 = arith.constant 0 : i32
    %c0_i32_0 = arith.constant 0 : i32
    %c0_i32_1 = arith.constant 0 : i32
    return %c0_i32, %arg0, %c0_i32_0 : i32, i32, i32
  }
  func.func @transform_1(%arg0: i32) -> (i32, i32) {
    %c0_i32 = arith.constant 0 : i32
    %c0_i32_0 = arith.constant 0 : i32
    %c0_i32_1 = arith.constant 0 : i32
    return %c0_i32, %c0_i32_0 : i32, i32
  }
  func.func @transform_2(%arg0: i32) -> (i32, i32) {
    %c0_i32 = arith.constant 0 : i32
    %c0_i32_0 = arith.constant 0 : i32
    %c0_i32_1 = arith.constant 0 : i32
    return %c0_i32, %c0_i32_0 : i32, i32
  }
  func.func @transform_3(%arg0: i32) -> (i32, i32) {
    %c0_i32 = arith.constant 0 : i32
    %c0_i32_0 = arith.constant 0 : i32
    %c0_i32_1 = arith.constant 0 : i32
    return %c0_i32, %c0_i32_0 : i32, i32
  }
  func.func @transform_4(%arg0: i32) -> (i32, i32) {
    %c0_i32 = arith.constant 0 : i32
    %c0_i32_0 = arith.constant 0 : i32
    %c0_i32_1 = arith.constant 0 : i32
    return %c0_i32, %c0_i32_0 : i32, i32
  }
  func.func @transform_5(%arg0: i32) -> (i32, i32) {
    %c0_i32 = arith.constant 0 : i32
    %c0_i32_0 = arith.constant 0 : i32
    return %arg0, %c0_i32 : i32, i32
  }
  func.func @transform_6(%arg0: i32) -> (i32, i32) {
    %c0_i32 = arith.constant 0 : i32
    %c0_i32_0 = arith.constant 0 : i32
    %c0_i32_1 = arith.constant 0 : i32
    return %c0_i32, %c0_i32_0 : i32, i32
  }
  func.func @transform_7(%arg0: i32) -> (i32, i32) {
    %c0_i32 = arith.constant 0 : i32
    %c0_i32_0 = arith.constant 0 : i32
    %c0_i32_1 = arith.constant 0 : i32
    return %c0_i32, %c0_i32_0 : i32, i32
  }
}

module attributes {stable_mosaic.version = 14 : i64} {
  func.func @_tc_c_body(%arg0: i32, %arg1: memref<2x1000x16xf32, #tpu.memory_space<vmem>>, %arg2: memref<1x10xf32, #tpu.memory_space<vmem>>, %arg3: memref<1000x10xf32, #tpu.memory_space<vmem>>) attributes {dimension_semantics = [#tpu.dimension_semantics<arbitrary>], iteration_bounds = array<i64: 50>, scalar_prefetch = 0 : i64, scratch_operands = 0 : i64, tpu.core_type = #tpu.core_type<tc>, window_params = [{transform_indices = @transform_0, window_bounds = array<i64: 2, 1000, 16>}, {pipeline_mode = #tpu.pipeline_mode<synchronous>, transform_indices = @transform_1, window_bounds = array<i64: 1, 10>}, {transform_indices = @transform_2, window_bounds = array<i64: 1000, 10>}]} {
    %get3A = arith.constant 0 : index
    %get3A_0 = arith.constant 0 : index
    %get3A_1 = arith.constant 0 : index
    %get3A_2 = vector.load %arg1[%get3A, %get3A_0, %get3A_1] : memref<2x1000x16xf32, #tpu.memory_space<vmem>>, vector<2x1000x16xf32>
    %slice3A = vector.extract_strided_slice %get3A_2 {offsets = [0, 0, 0], sizes = [1, 1000, 16], strides = [1, 1, 1]} : vector<2x1000x16xf32> to vector<1x1000x16xf32>
    %squeeze3A = vector.shape_cast %slice3A : vector<1x1000x16xf32> to vector<1000x16xf32>
    %slice3A_3 = vector.extract_strided_slice %get3A_2 {offsets = [1, 0, 0], sizes = [1, 1000, 16], strides = [1, 1, 1]} : vector<2x1000x16xf32> to vector<1x1000x16xf32>
    %squeeze3A_4 = vector.shape_cast %slice3A_3 : vector<1x1000x16xf32> to vector<1000x16xf32>
    %add3A = arith.addf %squeeze3A, %squeeze3A_4 : vector<1000x16xf32>
    %slice3A_5 = vector.extract_strided_slice %add3A {offsets = [0, 0], sizes = [1000, 10], strides = [1, 1]} : vector<1000x16xf32> to vector<1000x10xf32>
    %slice3A_6 = vector.extract_strided_slice %add3A {offsets = [0, 10], sizes = [1000, 1], strides = [1, 1]} : vector<1000x16xf32> to vector<1000x1xf32>
    %add3A_7 = arith.constant 1.000000e-16 : f32
    %add3A_8 = vector.broadcast %add3A_7 : f32 to vector<1000x1xf32>
    %add3A_9 = arith.addf %slice3A_6, %add3A_8 : vector<1000x1xf32>
    %div3A = vector.broadcast %add3A_9 : vector<1000x1xf32> to vector<1000x10xf32>
    %div3A_10 = arith.divf %slice3A_5, %div3A : vector<1000x10xf32>
    %get3A_11 = arith.constant 0 : index
    %get3A_12 = arith.constant 0 : index
    %get3A_13 = vector.load %arg2[%get3A_11, %get3A_12] : memref<1x10xf32, #tpu.memory_space<vmem>>, vector<1x10xf32>
    %add3A_14 = vector.broadcast %get3A_13 : vector<1x10xf32> to vector<1000x10xf32>
    %add3A_15 = arith.addf %div3A_10, %add3A_14 : vector<1000x10xf32>
    %swap3A = arith.constant 0 : index
    %swap3A_16 = arith.constant 0 : index
    %swap3A_17 = vector.load %arg3[%swap3A, %swap3A_16] : memref<1000x10xf32, #tpu.memory_space<vmem>>, vector<1000x10xf32>
    tpu.vector_store %arg3[%swap3A, %swap3A_16], %add3A_15 {strides = array<i32>} : memref<1000x10xf32, #tpu.memory_space<vmem>>, vector<1000x10xf32>,
    return
  }
  func.func @transform_0(%arg0: i32) -> (i32, i32, i32) {
    %c0_i32 = arith.constant 0 : i32
    %c0_i32_0 = arith.constant 0 : i32
    %c0_i32_1 = arith.constant 0 : i32
    return %c0_i32, %arg0, %c0_i32_0 : i32, i32, i32
  }
  func.func @transform_1(%arg0: i32) -> (i32, i32) {
    %c0_i32 = arith.constant 0 : i32
    %c0_i32_0 = arith.constant 0 : i32
    %c0_i32_1 = arith.constant 0 : i32
    return %c0_i32, %c0_i32_0 : i32, i32
  }
  func.func @transform_2(%arg0: i32) -> (i32, i32) {
    %c0_i32 = arith.constant 0 : i32
    %c0_i32_0 = arith.constant 0 : i32
    return %arg0, %c0_i32 : i32, i32
  }
}

</mosaic_0001>

<sc_bundles>
// kernel: kernel.10.cloned.1.call-start
scs
__scs_entry_jumppad:
0x0: {  	(pc) =	sbr.rel $0x88, $3  }
0x1: {  	(tag) =	ssettag $0x0;
	lr =	simm.s32 $0x1  }
0x2: {  	[smem:$0x3F97] =	sst lr;
	_ =	strace $0xD0000000  }
0x3: {  	_ = 	snop  }
0x4: {  	_ = 	snop  }
0x5: {  	_ = 	snop  }
0x6: {  	_ = 	snop  }
0x7: {  	_ = 	snop  }
__scs_overlays_trampoline_lowered:
0x8: {  	[smem:$0x3FA6] =	sst s0  }
0x9: {  	[smem:$0x3FA7] =	sst s1  }
0xa: {  	[smem:$0x3FA8] =	sst s2  }
0xb: {  	[smem:$0x3FA9] =	sst s3  }
0xc: {  	[smem:$0x3FAA] =	sst s4  }
0xd: {  	[smem:$0x3FAB] =	sst s5  }
0xe: {  	[smem:$0x3FAC] =	sst s6  }
0xf: {  	[smem:$0x3FAD] =	sst s7  }
0x10: {  	[smem:$0x3FAE] =	sst s8  }
0x11: {  	[smem:$0x3FAF] =	sst s9;
	s0 =	simm.s32 @!p0 $0x0  }
0x12: {  	s1 =	sld [smem:$0x3F95];
	s0 =	simm.s32 @p0 $0x1  }
0x13: {  	[smem:$0x3FB0] =	sst s0;
	s0 =	simm.s32 @!p1 $0x0  }
0x14: {  	s2 =	sld [smem:$0x3F94];
	s0 =	simm.s32 @p1 $0x1  }
0x15: {  	[smem:$0x3FB1] =	sst s0;
	s0 =	simm.s32 @!p2 $0x0  }
0x16: {  	s3 =	sld [smem:$0x3FDB];
	s0 =	simm.s32 @p2 $0x1  }
0x17: {  	s4 =	simm.s32 $0x1BF5;
	[smem:$0x3FB3] =	sst s0  }
0x18: {  	s0 =	sld [smem:$0x3F96];
	_ =	swait.ge [sflag:s4], $0x0  }
0x19: {  	s7 =	sld [smem:$0x3F97]  }
0x1a: {  	s8 =	sadd.s32 $0xFFFFE003, lr  }
0x1b: {  	s9 =	sadd.s32 $0xFFFFFEF7, lr;
	s5 =	simm.s32 $0xFFFFFFFF;
	p2 =	slt.u32 s8, $0xFFFFF086  }
0x1c: {  	p1 =	slt.u32 s9, $0xF7A;
	s5 =	simm.s32 @!p2 $0x0  }
0x1d: {  	s5 =	simm.s32 @p1 $0x1;
	p0 =	seq.s32 s7, s2  }
0x1e: {  	s7 =	smul.u32 @!p0 $0xF7A, s2;
	p2 =	seq.s32 @!p0 s5, $0x0  }
0x1f: {  	s9 =	smul.u32 $0xF7A, s1;
	s8 =	simm.s32 @!p0 $0x1BF5;
	p2 =	por !p2, p0  }
0x20: {  	[sflag:s8] =	ssyncset.s32 @!p0 $0xFFFFF086;
	s6 =	sadd.s32 @!p0 s3, s7;
	s7 =	simm.s32 @!p0 $0x108  }
0x21: {  	s3 =	sadd.s32 s3, s9;
	s6 =	sadd.s32 @!p0 $0x88, s6;
	s7 =	simm.s32 @p2 $0x1082  }
0x22: {  	[simem:s7], [sflag:s8] =	dma.local @!p0 [hbm:s6], $0xF7A  }
0x23: {  	s9 =	sor.u32 $0xD0000000, s2;
	s6 =	simm.s32 $0x108;
	_ =	swait.ge @!p0 [sflag:s8], $0x0  }
0x24: {  	s3 =	sadd.s32 $0x88, s3;
	s6 =	simm.s32 @!p1 $0x1082;
	[sflag:s4] =	ssyncset.s32 $0xFFFFF086  }
0x25: {  	[simem:s6], [sflag:s4] =	dma.local [hbm:s3], $0xF7A  }
0x26: {  	[smem:$0x3F97] =	sst s1;
	(tag) =	ssettag s2;
	_ =	strace s9  }
0x27: {  	s1 =	sld [smem:$0x3FA7]  }
0x28: {  	s2 =	sld [smem:$0x3FA8]  }
0x29: {  	s4 =	sld [smem:$0x3FAA]  }
0x2a: {  	p0 =	seq.s32 s5, $0x0;
	s5 =	sld [smem:$0x3FAB]  }
0x2b: {  	s6 =	sld [smem:$0x3FAC]  }
0x2c: {  	s7 =	sld [smem:$0x3FAD]  }
0x2d: {  	s3 =	simm.s32 $0x108;
	s8 =	sld [smem:$0x3FAE]  }
0x2e: {  	s3 =	simm.s32 @!p0 $0x1082;
	s9 =	sld [smem:$0x3FAF]  }
0x2f: {  	lr =	sadd.s32 s0, s3;
	s0 =	sld [smem:$0x3FA6]  }
0x30: {  	s3 =	sld [smem:$0x3FA9]  }
0x31: {  	[smem:$0x3FB2] =	sst s10  }
0x32: {  	s10 =	sld [smem:$0x3FB0];
	_ =	sdelay $0x3  }
0x33: {  	p0 =	seq.s32 s10, $0x1;
	s10 =	sld [smem:$0x3FB2];
	_ =	sdelay $0x3  }
0x34: {  	[smem:$0x3FB2] =	sst s10  }
0x35: {  	s10 =	sld [smem:$0x3FB1];
	_ =	sdelay $0x3  }
0x36: {  	p1 =	seq.s32 s10, $0x1;
	s10 =	sld [smem:$0x3FB2];
	_ =	sdelay $0x3  }
0x37: {  	[smem:$0x3FB2] =	sst s10  }
0x38: {  	s10 =	sld [smem:$0x3FB3]  }
0x39: {  	_ = 	snop;
	(pc) =	sbr.ind lr, $3  }
0x3a: {  	_ = 	snop  }
0x3b: {  	_ = 	snop  }
0x3c: {  	p2 =	seq.s32 s10, $0x1;
	s10 =	sld [smem:$0x3FB2]  }
0x3d: {  	_ =	shalt  }
0x3e: {  	_ =	shalt  }
0x3f: {  	_ =	shalt  }
0x40: {  	_ =	shalt  }
0x41: {  	_ =	shalt  }
0x42: {  	_ =	shalt  }
0x43: {  	_ =	shalt  }
0x44: {  	_ =	shalt  }
0x45: {  	_ =	shalt  }
0x46: {  	_ =	shalt  }
0x47: {  	_ =	shalt  }
0x48: {  	_ =	shalt  }
0x49: {  	_ =	shalt  }
0x4a: {  	_ =	shalt  }
0x4b: {  	_ =	shalt  }
0x4c: {  	_ =	shalt  }
0x4d: {  	_ =	shalt  }
0x4e: {  	_ =	shalt  }
0x4f: {  	_ =	shalt  }
0x50: {  	_ =	shalt  }
0x51: {  	_ =	shalt  }
0x52: {  	_ =	shalt  }
0x53: {  	_ =	shalt  }
0x54: {  	_ =	shalt  }
0x55: {  	_ =	shalt  }
0x56: {  	_ =	shalt  }
0x57: {  	_ =	shalt  }
0x58: {  	_ =	shalt  }
0x59: {  	_ =	shalt  }
0x5a: {  	_ =	shalt  }
0x5b: {  	_ =	shalt  }
0x5c: {  	_ =	shalt  }
0x5d: {  	_ =	shalt  }
0x5e: {  	_ =	shalt  }
0x5f: {  	_ =	shalt  }
0x60: {  	_ =	shalt  }
0x61: {  	_ =	shalt  }
0x62: {  	_ =	shalt  }
0x63: {  	_ =	shalt  }
0x64: {  	_ =	shalt  }
0x65: {  	_ =	shalt  }
0x66: {  	_ =	shalt  }
0x67: {  	_ =	shalt  }
0x68: {  	_ =	shalt  }
0x69: {  	_ =	shalt  }
0x6a: {  	_ =	shalt  }
0x6b: {  	_ =	shalt  }
0x6c: {  	_ =	shalt  }
0x6d: {  	_ =	shalt  }
0x6e: {  	_ =	shalt  }
0x6f: {  	_ =	shalt  }
0x70: {  	_ =	shalt  }
0x71: {  	_ =	shalt  }
0x72: {  	_ =	shalt  }
0x73: {  	_ =	shalt  }
0x74: {  	_ =	shalt  }
0x75: {  	_ =	shalt  }
0x76: {  	_ =	shalt  }
0x77: {  	_ =	shalt  }
0x78: {  	_ =	shalt  }
0x79: {  	_ =	shalt  }
0x7a: {  	_ =	shalt  }
0x7b: {  	_ =	shalt  }
0x7c: {  	_ =	shalt  }
0x7d: {  	_ =	shalt  }
0x7e: {  	_ =	shalt  }
0x7f: {  	_ =	shalt  }
0x80: {  	_ =	shalt  }
0x81: {  	_ =	shalt  }
0x82: {  	_ =	shalt  }
0x83: {  	_ =	shalt  }
0x84: {  	_ =	shalt  }
0x85: {  	_ =	shalt  }
0x86: {  	_ =	shalt  }
0x87: {  	_ =	shalt  }
.Lfunc_end0:
.L_simem_size_0:
called_computation.1_lowered:
.L_overlay_start_0:
0x88: {  	s2 =	sld [smem:$0x3FD9]  }
0x89: {  	s3 =	sld [smem:$0x3FFE];
	_ =	sdelay $0x1  }
0x8a: {  	s1 =	srdreg.scid  }
0x8b: {  	s0 =	sand.u32 $0x1, s1  }
0x8c: {  	s17 =	sshll.u32 s0, $0xA;
	s2 =	sadd.s32 s3, s2  }
0x8d: {  	s2 =	sadd.s32 s2, s17  }
0x8e: {  	[smem:$0x3FBE] =	sst s2  }
0x8f: {  	_ = 	snop  }
0x90: {  	s2 =	sld [smem:$0x3FD0];
	(tm) =	ssettm $0x1  }
0x91: {  	s18 =	sld [smem:$0x3FFB];
	_ =	sdelay $0x3  }
0x92: {  	_ =	strace s18  }
0x93: {  	s3 =	sld [smem:$0x3FFC];
	_ =	sdelay $0x3  }
0x94: {  	_ =	strace s3  }
0x95: {  	s3 =	sld [smem:$0x3FFD];
	_ =	sdelay $0x3  }
0x96: {  	_ =	strace s3  }
0x97: {  	_ =	strace $0x8FFFFFFF  }
0x98: {  	s19 =	sld [smem:$0x3FDB];
	_ =	sdelay $0x1  }
0x99: {  	s4 =	simm.s32 $_scs_section_size  }
0x9a: {  	s5 =	simm.s32 $_size__tile_overlayer_lowered;
	s6 =	simm.s32 $_tile_overlayer_lowered  }
0x9b: {  	s22 =	simm.s32 $0x1BFF;
	s21 =	sshll.u32 s6, $0x1;
	s3 =	sadd.s32 s4, s19  }
0x9c: {  	s7 =	simm.s32 $0x0;
	s20 =	sshll.u32 s5, $0x1;
	s5 =	sadd.s32 s21, s3  }
0x9d: {  	[timem:s7], [sflag:s22] =	dma.local [hbm:s5], s20  }
0x9e: {  	_ =	swait.ge [sflag:s22], s20  }
0x9f: {  	s4 =	ssub.s32 $0x0, s20;
	[sflag:s22] =	ssyncset.done $0x0  }
0xa0: {  	[sflag:s22] =	ssyncadd.s32 s4;
	_ =	sdelay $0x1  }
0xa1: {  	s23 =	simm.s32 $0x1B8B  }
0xa2: {  	_ =	swait.ge [sflag:s23], $0x1  }
0xa3: {  	[sflag:s23] =	ssyncset.done $0x0  }
0xa4: {  	s25 =	simm.s32 $0x1B8E;
	s24 =	sld [smem:$0x3FFE];
	[sflag:s23] =	ssyncadd.s32 $0xFFFFFFFF  }
0xa5: {  	s26 =	simm.s32 $execute0_lowered;
	[smem:$0x3FD2] =	sst s25  }
0xa6: {  	s5 =	sshll.u32 s26, $0x1;
	_ =	strace $0x80000049;
	[dreg:$0x1] =	wrdreg $0xFFFFFFFF  }
0xa7: {  	s28 =	simm.s32 $_size_execute0_lowered;
	s3 =	sadd.s32 s3, s5;
	[dreg:$0x0] =	wrdreg $0x0  }
0xa8: {  	s5 =	sshll.u32 s28, $0x1;
	[dreg:$0x2] =	wrdreg s3  }
0xa9: {  	[dreg:$0x3] =	wrdreg s5  }
0xaa: {  	[dreg:$0x4] =	wrdreg $0xC0  }
0xab: {  	_ =	task [dreg:s7], $0x5FFFF  }
0xac: {  	[dreg:$0x1] =	wrdreg $0xFFFFFFFF  }
0xad: {  	[dreg:$0x0] =	wrdreg $0x60  }
0xae: {  	[dreg:$0x2] =	wrdreg s24  }
0xaf: {  	[dreg:$0x3] =	wrdreg s2  }
0xb0: {  	[dreg:$0x4] =	wrdreg $0x0  }
0xb1: {  	[dreg:$0x5] =	wrdreg $0x9  }
0xb2: {  	_ =	task.clear_ibuf [dreg:s7], $0x6FFFF;
	_ =	strace $0x90000049  }
0xb3: {  	s29 =	simm.s32 $0x9;
	_ =	strace $0x8000004B  }
0xb4: {  	_ =	swait.ge [sflag:s29], $0x1  }
0xb5: {  	[sflag:s29] =	ssyncadd.s32 $0xFFFFFFFF  }
0xb6: {  	_ =	strace $0x9000004B  }
0xb7: {  	_ =	sfence  }
0xb8: {  	s30 =	sld [smem:$0x0];
	_ =	sdelay $0x2  }
0xb9: {  	s31 =	sshll.u32 s1, $0xD;
	s1 =	sshrl.u32 s1, $0x2  }
0xba: {  	s3 =	sand.u32 $0x4000, s31;
	s1 =	sadd.s32 s1, s30  }
0xbb: {  	s0 =	sor.u32 s3, s0;
	s1 =	sshll.u32 s1, $0x11  }
0xbc: {  	s0 =	sor.u32 s1, s0  }
0xbd: {  	s0 =	sadd.s32 $0x8F2B, s0  }
0xbe: {  	[sflag:s0] =	ssyncadd.remote.s32 $0x1  }
0xbf: {  	_ =	sfence.sel $0xFFFF  }
0xc0: {  	[dreg:$0x0] =	wrdreg $0xFFFFFFFF;
	(pc) =	sbr.abs _section_cstart, $3  }
0xc1: {  	[dreg:$0x1] =	wrdreg $0xFFFFFFFF  }
0xc2: {  	_ =	task.clear_ibuf [dreg:s7], $0x2FFFF;
	_ =	strace $0x9FFFFFFF  }
0xc3: {  	(tm) =	ssettm $0x7FFFFFFF  }
tec
execute0_lowered:
.L_overlay_start_1:
0x0: {  	(tag) =	ssettag $0x1  }
0x1: {  	s1 =	rddreg [dreg:$0x0]  }
0x2: {  	s7 =	rddreg [dreg:$0x1]  }
0x3: {  	s2 =	rddreg [dreg:$0x2]  }
0x4: {  	s0 =	srdreg.scid;
	s26 =	stileid.u32  }
0x5: {  	s3 =	simm.s32 $0x0;
	s8 =	sand.u32 $0x1, s0;
	s11 =	smul.u32 $0x320, s26  }
0x6: {  	s29 =	simm.s32 $0x3;
	s10 =	sor.u32 $0x10, s26;
	s0 =	smul.u32 $0x186A0, s8  }
0x7: {  	s30 =	simm.s32 $0xD450;
	s13 =	sor.u32 $0x20, s26;
	s14 =	smul.u32 $0x320, s10  }
0x8: {  	s31 =	simm.s32 $0xC350;
	s16 =	sor.u32 $0x30, s26;
	s15 =	smul.u32 $0x320, s13  }
0x9: {  	s28 =	simm.s32 $0x1;
	s6 =	sor.u32 $0x40, s26;
	s17 =	smul.u32 $0x320, s16  }
0xa: {  	[smem:$0x7FF] =	sst s3;
	s4 =	sor.u32 $0x50, s26;
	s19 =	smul.u32 $0x320, s6  }
0xb: {  	s9 =	sshll.u32 s26, $0x5;
	_ =	strace $0x8000004A;
	s20 =	smul.u32 $0x320, s4  }
0xc: {  	s12 =	sadd.s32 s9, s1;
	s5 =	ssub.s32 $0x2, s8;
	s6 =	smul.u32 $0x6400, s6  }
0xd: {  	v0 =	vlaneseq.u32;
	s7 =	sadd.s32 s9, s7;
	s4 =	smul.u32 $0x6400, s4;
	s18 =	sshrl.u32 s5, $0x1  }
0xe: {  	v0 =	vmul.u32 $0x10, v0;
	s8 =	sshll.u32 s8, $0x4;
	s0 =	sadd.s32 s0, s1;
	s18 =	ssub.s32 s5, s18  }
0xf: {  	s5 =	sor.u32 $0x60, s26;
	s6 =	sshrl.u32 s6, $0x2;
	s4 =	sshrl.u32 s4, $0x2  }
0x10: {  	v1 =	vor.u32 $0xB, v0;
	v6 =	vor.u32 $0x40B, v0;
	s21 =	sadd.s32 $0x18E00, s0;
	s0 =	sor.u32 $0x70, s26;
	s22 =	smul.u32 $0x320, s5  }
0x11: {  	v7 =	vor.u32 $0x50B, v0;
	v8 =	vor.u32 $0x60B, v0;
	v9 =	vor.u32 $0x70B, v0;
	s5 =	smul.u32 $0x6400, s5;
	s6 =	sadd.s32 s6, s2;
	s4 =	sadd.s32 s4, s2  }
0x12: {  	v10 =	vor.u32 $0xA, v0;
	v11 =	vor.u32 $0x1, v0;
	v12 =	vor.u32 $0x2, v0;
	s11 =	sadd.s32 s21, s11;
	s24 =	sadd.s32 s21, s14;
	[dreg:$0x12] =	wrdreg s6  }
0x13: {  	v13 =	vor.u32 $0x3, v0;
	v14 =	vor.u32 $0x4, v0;
	v15 =	vor.u32 $0x5, v0;
	s25 =	smul.u32 $0x320, s0;
	s15 =	sadd.s32 s21, s15;
	[dreg:$0x13] =	wrdreg s4  }
0x14: {  	v16 =	vor.u32 $0x6, v0;
	v17 =	vor.u32 $0x7, v0;
	v18 =	vor.u32 $0x8, v0;
	s17 =	sadd.s32 s21, s17;
	s19 =	sadd.s32 s21, s19;
	[dreg:$0x4] =	wrdreg s11  }
0x15: {  	v19 =	vor.u32 $0x9, v0;
	v20 =	vor.u32 $0x10A, v0;
	v21 =	vor.u32 $0x100, v0;
	s23 =	sadd.s32 s21, s20;
	s14 =	sadd.s32 s8, s7;
	[dreg:$0x5] =	wrdreg s24  }
0x16: {  	v22 =	vor.u32 $0x101, v0;
	v23 =	vor.u32 $0x102, v0;
	v24 =	vor.u32 $0x103, v0;
	s20 =	smul.u32 $0x6400, s13;
	p0 =	sgt.u32 s0, $0x7C;
	[dreg:$0x6] =	wrdreg s15  }
0x17: {  	v25 =	vor.u32 $0x104, v0;
	v26 =	vor.u32 $0x105, v0;
	v27 =	vor.u32 $0x106, v0;
	s0 =	smul.u32 $0x6400, s0;
	s4 =	simm.s32 $0x2;
	[dreg:$0x7] =	wrdreg s17  }
0x18: {  	v28 =	vor.u32 $0x107, v0;
	v29 =	vor.u32 $0x108, v0;
	v30 =	vor.u32 $0x109, v0;
	s6 =	simm.s32 $0xC450;
	s7 =	simm.s32 $0xCC50;
	[dreg:$0x8] =	wrdreg s19  }
0x19: {  	v31 =	vor.u32 $0x20A, v0;
	v32 =	vor.u32 $0x200, v0;
	v33 =	vor.u32 $0x201, v0;
	[dreg:$0x9] =	wrdreg s23;
	s24 =	sadd.s32 s21, s22;
	s17 =	smul.u32 $0x6400, s10  }
0x1a: {  	v34 =	vor.u32 $0x202, v0;
	v35 =	vor.u32 $0x203, v0;
	v36 =	vor.u32 $0x204, v0;
	s15 =	sadd.s32 $0x18800, s1;
	s19 =	sadd.s32 s8, s12;
	s23 =	smul.u32 $0x6400, s16  }
0x1b: {  	v37 =	vor.u32 $0x205, v0;
	v38 =	vor.u32 $0x206, v0;
	v39 =	vor.u32 $0x207, v0;
	[dreg:$0xa] =	wrdreg s24;
	s11 =	sadd.s32 s21, s25;
	s25 =	smul.u32 $0x6400, s26  }
0x1c: {  	v40 =	vor.u32 $0x208, v0;
	v41 =	vor.u32 $0x209, v0;
	v42 =	vor.u32 $0x30A, v0;
	[dreg:$0xc] =	wrdreg s15;
	s15 =	sadd.s32 $0x18A00, s1;
	s21 =	smax.u32 s18, $0x1  }
0x1d: {  	v43 =	vor.u32 $0x300, v0;
	v44 =	vor.u32 $0x301, v0;
	v45 =	vor.u32 $0x302, v0;
	s8 =	sshrl.u32 s20, $0x2;
	s0 =	sshrl.u32 s0, $0x2;
	[dreg:$0xb] =	wrdreg s11  }
0x1e: {  	v46 =	vor.u32 $0x303, v0;
	v47 =	vor.u32 $0x304, v0;
	v48 =	vor.u32 $0x305, v0;
	s20 =	sshll.u32 s26, $0x1;
	[dreg:$0xd] =	wrdreg s21;
	s9 =	sshrl.u32 s17, $0x2  }
0x1f: {  	v49 =	vor.u32 $0x306, v0;
	v50 =	vor.u32 $0x307, v0;
	v51 =	vor.u32 $0x308, v0;
	s8 =	sadd.s32 s8, s2;
	s24 =	sshrl.u32 s23, $0x2;
	s22 =	sshrl.u32 s25, $0x2  }
.Ltmp0:
0x20: {  	v52 =	vor.u32 $0x309, v0;
	v53 =	vor.u32 $0x40A, v0;
	v54 =	vor.u32 $0x400, v0;
	s9 =	sadd.s32 s9, s2;
	[dreg:$0x10] =	wrdreg s8;
	(pc) =	sbr.rel .LBB2_1-.Ltmp0, $4  }
0x21: {  	v55 =	vor.u32 $0x401, v0;
	v56 =	vor.u32 $0x402, v0;
	[tilespmem:$0x1FFC0] =	vst v1;
	v1 =	vor.u32 $0x10B, v0;
	s8 =	sadd.s32 s24, s2;
	s25 =	sshrl.u32 s5, $0x2;
	s24 =	sadd.s32 s0, s2  }
0x22: {  	v57 =	vor.u32 $0x403, v0;
	v58 =	vor.u32 $0x404, v0;
	[tilespmem:$0x1FFD0] =	vst v1;
	v1 =	vor.u32 $0x20B, v0;
	s0 =	simm.s32 $0xC3D0;
	s5 =	simm.s32 $0x80;
	[dreg:$0xf] =	wrdreg s9  }
0x23: {  	v59 =	vor.u32 $0x405, v0;
	v60 =	vor.u32 $0x406, v0;
	[tilespmem:$0x1FFE0] =	vst v1;
	v1 =	vor.u32 $0x30B, v0;
	s10 =	sadd.s32 s22, s2;
	[dreg:$0x11] =	wrdreg s8;
	s23 =	sadd.s32 s25, s2  }
0x24: {  	v61 =	vor.u32 $0x407, v0;
	v62 =	vor.u32 $0x408, v0;
	v63 =	vor.u32 $0x409, v0;
	[tilespmem:$0x1FFF0] =	vst v1;
	s25 =	sadd.s32 $0x86600, s19;
	s8 =	simm.s32 $0x0;
	[dreg:$0xe] =	wrdreg s10  }
.LBB2_5:
0x25: {  	[bflag:$0x0] =	sbarrier.arrive $0xFFFF  }
0x26: {  	s21 =	rddreg [dreg:$0x4]  }
0x27: {  	[hbm:s21], [sflag:s9] =	dma.local [spmem:s10], $0x320  }
0x28: {  	_ =	swait.ge [sflag:s29], $0x320  }
0x29: {  	[sflag:s29] =	ssyncset.done $0x0  }
0x2a: {  	s26 =	rddreg [dreg:$0x5];
	[sflag:s29] =	ssyncadd.s32 $0xFFFFFCE0  }
0x2b: {  	[hbm:s26], [sflag:s9] =	dma.local [spmem:s11], $0x320  }
0x2c: {  	_ =	swait.ge [sflag:s29], $0x320  }
0x2d: {  	[sflag:s29] =	ssyncset.done $0x0  }
0x2e: {  	s11 =	rddreg [dreg:$0x6];
	[sflag:s29] =	ssyncadd.s32 $0xFFFFFCE0  }
0x2f: {  	[hbm:s11], [sflag:s9] =	dma.local [spmem:s12], $0x320  }
0x30: {  	_ =	swait.ge [sflag:s29], $0x320  }
0x31: {  	[sflag:s29] =	ssyncset.done $0x0  }
0x32: {  	s12 =	rddreg [dreg:$0x7];
	[sflag:s29] =	ssyncadd.s32 $0xFFFFFCE0  }
0x33: {  	[hbm:s12], [sflag:s9] =	dma.local [spmem:s13], $0x320  }
0x34: {  	_ =	swait.ge [sflag:s29], $0x320  }
0x35: {  	[sflag:s29] =	ssyncset.done $0x0  }
0x36: {  	s13 =	rddreg [dreg:$0x8];
	[sflag:s29] =	ssyncadd.s32 $0xFFFFFCE0  }
0x37: {  	[hbm:s13], [sflag:s9] =	dma.local [spmem:s16], $0x320  }
0x38: {  	_ =	swait.ge [sflag:s29], $0x320  }
0x39: {  	[sflag:s29] =	ssyncset.done $0x0  }
0x3a: {  	s21 =	rddreg [dreg:$0x9];
	[sflag:s29] =	ssyncadd.s32 $0xFFFFFCE0  }
0x3b: {  	[hbm:s21], [sflag:s9] =	dma.local [spmem:s17], $0x320  }
0x3c: {  	_ =	swait.ge [sflag:s29], $0x320  }
0x3d: {  	[sflag:s29] =	ssyncset.done $0x0  }
0x3e: {  	s22 =	rddreg [dreg:$0xa];
	[sflag:s29] =	ssyncadd.s32 $0xFFFFFCE0  }
0x3f: {  	[hbm:s22], [sflag:s9] =	dma.local [spmem:s18], $0x320  }
0x40: {  	_ =	swait.ge [sflag:s29], $0x320  }
0x41: {  	[sflag:s29] =	ssyncset.done $0x0  }
0x42: {  	s10 =	rddreg [dreg:$0xb];
	[sflag:s29] =	ssyncadd.s32 $0xFFFFFCE0  }
0x43: {  	[hbm:s10], [sflag:s9] =	dma.local @!p0 [spmem:s19], $0x320  }
0x44: {  	s9 =	simm.s32 @!p0 $0x3  }
0x45: {  	_ =	swait.ge @!p0 [sflag:s9], $0x320  }
0x46: {  	s8 =	sadd.s32 $0x1, s8;
	s26 =	rddreg [dreg:$0xd]  }
0x47: {  	p1 =	sne.s32 s8, s26  }
.Ltmp1:
0x48: {  	_ = 	snop;
	(pc) =	sbr.rel @!p1 .LBB2_6-.Ltmp1, $3  }
0x49: {  	_ =	sdelay $0x1  }
0x4a: {  	[sflag:s9] =	ssyncset.done @!p0 $0x0  }
0x4b: {  	[sflag:s9] =	ssyncadd.s32 @!p0 $0xFFFFFCE0  }
.LBB2_1:
0x4c: {  	s9 =	rddreg [dreg:$0xc];
	s10 =	simm.s32 $0xDC50  }
0x4d: {  	[tilespmem:s10], [sflag:$0x3] =	stream.linear.gather [hbm4b:s9+s3], $0x10, $0x38;
	[tilespmem:$0xDC60] =	vst v63  }
0x4e: {  	_ =	swait.ge [sflag:s29], $0x10  }
0x4f: {  	v1 =	vld [tilespmem:$0x1FFC0];
	_ =	sdelay $0x4  }
0x50: {  	[sflag:s29] =	ssyncset.done $0x0  }
0x51: {  	[sflag:s29] =	ssyncadd.s32 $0xFFFFFFF0  }
0x52: {  	v3 =	vimm.f32 $0.0e+00;
	v2 =	vld [tilespmem:$0xDC50]  }
0x53: {  	[tilespmem:v1+s30+$0x0] =	vst.idx.msk $0xffff, v3;
	v1 =	vld [tilespmem:$0x1FFD0];
	_ =	sdelay $0x7  }
0x54: {  	[tilespmem:v1+s30+$0x0] =	vst.idx.msk $0xffff, v3;
	v1 =	vld [tilespmem:$0x1FFE0];
	_ =	sdelay $0x7  }
0x55: {  	[tilespmem:v1+s30+$0x0] =	vst.idx.msk $0xffff, v3;
	v1 =	vld [tilespmem:$0x1FFF0];
	_ =	sdelay $0x7  }
0x56: {  	[tilespmem:v1+s30+$0x0] =	vst.idx.msk $0xffff, v3  }
0x57: {  	[tilespmem:v6+s30+$0x0] =	vst.idx.msk $0xffff, v3  }
0x58: {  	s22 =	stileid.u32;
	[tilespmem:v7+s30+$0x0] =	vst.idx.msk $0xffff, v3  }
0x59: {  	s9 =	sshll.u32 s22, $0x6;
	s26 =	rddreg [dreg:$0xe];
	[tilespmem:v8+s30+$0x0] =	vst.idx.msk $0xffff, v3  }
0x5a: {  	s9 =	sor.u32 $0x1C03, s9;
	s10 =	sshrl.u32 s26, $0x3;
	[tilespmem:v9+s30+$0x0] =	vst.idx.msk $0xffff, v3  }
0x5b: {  	[spmem:s10], [sflag:s9] =	dma.local [hbm:s15], $0x320  }
0x5c: {  	_ =	swait.ge [sflag:s29], $0x320  }
0x5d: {  	[sflag:s29] =	ssyncset.done $0x0;
	s11 =	rddreg [dreg:$0xf]  }
0x5e: {  	[sflag:s29] =	ssyncadd.s32 $0xFFFFFCE0;
	s11 =	sshrl.u32 s11, $0x3  }
0x5f: {  	[spmem:s11], [sflag:s9] =	dma.local [hbm:s15], $0x320  }
0x60: {  	_ =	swait.ge [sflag:s29], $0x320  }
0x61: {  	[sflag:s29] =	ssyncset.done $0x0;
	s12 =	rddreg [dreg:$0x10]  }
0x62: {  	[sflag:s29] =	ssyncadd.s32 $0xFFFFFCE0;
	s12 =	sshrl.u32 s12, $0x3  }
0x63: {  	[spmem:s12], [sflag:s9] =	dma.local [hbm:s15], $0x320  }
0x64: {  	_ =	swait.ge [sflag:s29], $0x320  }
0x65: {  	[sflag:s29] =	ssyncset.done $0x0;
	s13 =	rddreg [dreg:$0x11]  }
0x66: {  	[sflag:s29] =	ssyncadd.s32 $0xFFFFFCE0;
	s13 =	sshrl.u32 s13, $0x3  }
0x67: {  	[spmem:s13], [sflag:s9] =	dma.local [hbm:s15], $0x320  }
0x68: {  	_ =	swait.ge [sflag:s29], $0x320  }
0x69: {  	[sflag:s29] =	ssyncset.done $0x0;
	s16 =	rddreg [dreg:$0x12]  }
0x6a: {  	[sflag:s29] =	ssyncadd.s32 $0xFFFFFCE0;
	s16 =	sshrl.u32 s16, $0x3  }
0x6b: {  	[spmem:s16], [sflag:s9] =	dma.local [hbm:s15], $0x320  }
0x6c: {  	_ =	swait.ge [sflag:s29], $0x320  }
0x6d: {  	[sflag:s29] =	ssyncset.done $0x0;
	s17 =	rddreg [dreg:$0x13]  }
0x6e: {  	[sflag:s29] =	ssyncadd.s32 $0xFFFFFCE0;
	s17 =	sshrl.u32 s17, $0x3  }
0x6f: {  	[spmem:s17], [sflag:s9] =	dma.local [hbm:s15], $0x320  }
0x70: {  	_ =	swait.ge [sflag:s29], $0x320  }
0x71: {  	[sflag:s29] =	ssyncset.done $0x0  }
0x72: {  	s18 =	sshrl.u32 s23, $0x3;
	[sflag:s29] =	ssyncadd.s32 $0xFFFFFCE0  }
0x73: {  	[spmem:s18], [sflag:s9] =	dma.local [hbm:s15], $0x320  }
0x74: {  	_ =	swait.ge [sflag:s29], $0x320  }
0x75: {  	[sflag:s29] =	ssyncset.done $0x0  }
0x76: {  	s19 =	sshrl.u32 @!p0 s24, $0x3;
	s21 =	simm.s32 @!p0 $0x3;
	[sflag:s29] =	ssyncadd.s32 $0xFFFFFCE0  }
0x77: {  	[spmem:s19], [sflag:s9] =	dma.local @!p0 [hbm:s15], $0x320  }
.Ltmp2:
0x78: {  	_ =	swait.ge @!p0 [sflag:s21], $0x320;
	(pc) =	sbr.rel .LBB2_2-.Ltmp2, $4  }
0x79: {  	[sflag:s21] =	ssyncset.done @!p0 $0x0  }
0x7a: {  	[sflag:s21] =	ssyncadd.s32 @!p0 $0xFFFFFCE0  }
0x7b: {  	[bflag:$0x0] =	sbarrier.arrive $0xFFFF  }
0x7c: {  	s26 =	smov.u32 s20;
	s21 =	simm.s32 $0x0  }
.LBB2_4:
0x7d: {  	s21 =	sadd.s32 $0x200, s21  }
0x7e: {  	p1 =	sne.s32 s21, $0x18800  }
.Ltmp3:
0x7f: {  	_ = 	snop;
	(pc) =	sbr.rel @!p1 .LBB2_5-.Ltmp3, $2  }
0x80: {  	_ =	sdelay $0x2  }
0x81: {  	s26 =	sadd.s32 $0x20, s26  }
.LBB2_2:
0x82: {  	p1 =	sgt.u32 s26, $0x1869  }
.Ltmp4:
0x83: {  	_ = 	snop;
	(pc) =	sbr.rel @p1 .LBB2_4-.Ltmp4, $1  }
0x84: {  	_ =	sdelay $0x3  }
0x85: {  	s22 =	sadd.s32 s21, s25  }
0x86: {  	[tilespmem:s31], [sflag:$0x1] =	stream.linear.gather [hbm4b:s22+s3], $0x80, $0x38;
	[tilespmem:$0xDC60] =	vst v63  }
0x87: {  	s22 =	sadd.s32 s21, s14  }
0x88: {  	[tilespmem:s0], [sflag:$0x2] =	stream.linear.gather [hbm4b:s22+s3], $0x80, $0x38;
	[tilespmem:$0xDC60] =	vst v63  }
0x89: {  	_ =	swait.ge [sflag:s28], $0x80  }
0x8a: {  	[sflag:s28] =	ssyncset.done $0x0  }
0x8b: {  	[sflag:s28] =	ssyncadd.s32 $0xFFFFFF80  }
0x8c: {  	_ =	swait.ge [sflag:s4], $0x80  }
0x8d: {  	[sflag:s4] =	ssyncset.done $0x0  }
0x8e: {  	[sflag:s4] =	ssyncadd.s32 $0xFFFFFF80  }
0x8f: {  	[tilespmem:s6], [sflag:$0x1] =	stream.indirect.gather [hbm4b:s1+s5], $0x10, s31, s5, $0xb8;
	[tilespmem:$0xDC60] =	vst v63  }
0x90: {  	_ = 	snop  }
0x91: {  	[tilespmem:s7], [sflag:$0x2] =	stream.indirect.gather [hbm4b:s1+s5], $0x10, s0, s5, $0xb8;
	[tilespmem:$0xDC60] =	vst v63  }
0x92: {  	_ =	swait.ge [sflag:s28], $0x800  }
0x93: {  	[sflag:s28] =	ssyncset.done $0x0  }
0x94: {  	[sflag:s28] =	ssyncadd.s32 $0xFFFFF800  }
0x95: {  	_ =	swait.ge [sflag:s4], $0x800  }
0x96: {  	v3 =	vld [tilespmem:$0x1FFC0];
	_ =	sdelay $0x4  }
0x97: {  	[sflag:s4] =	ssyncset.done $0x0  }
0x98: {  	[sflag:s4] =	ssyncadd.s32 $0xFFFFF800  }
0x99: {  	v1 =	vld.idx.msk [tilespmem:v10+s6+$0x0], $0xffff  }
0x9a: {  	v3 =	vld.idx.msk [tilespmem:v3+s7+$0x0], $0xffff;
	_ =	sdelay $0x4  }
0x9b: {  	v1 =	vadd.f32 v3, v1;
	_ =	sdelay $0x1  }
0x9c: {  	v3 =	vmul.f32 $2.000000030e-01, v1  }
0x9d: {  	vm0 =	vge.f32 v1, $0.0e+00  }
0x9e: {  	v1 =	vsel vm0, v1, v3  }
0x9f: {  	v1 =	vsub.f32 v1, v2;
	_ =	sdelay $0x1  }
0xa0: {  	v1 =	vmul.f32 $1.442695020e+00, v1;
	_ =	sdelay $0x1  }
0xa1: {  	(erf) = vpow2.f32 v1;
	_ =	sdelay $0x8  }
0xa2: {  	v1 =	vpop (erf)  }
0xa3: {  	[tilespmem:v10+s30+$0x0] =	vst.idx.msk $0xffff, v1  }
0xa4: {  	v3 =	vld.idx.msk [tilespmem:v0+s6+$0x0], $0xffff;
	_ =	sdelay $0x4  }
0xa5: {  	v3 =	vmul.f32 v1, v3;
	_ =	sdelay $0x1  }
0xa6: {  	[tilespmem:v0+s30+$0x0] =	vst.idx.msk $0xffff, v3  }
0xa7: {  	v3 =	vld.idx.msk [tilespmem:v11+s6+$0x0], $0xffff;
	_ =	sdelay $0x4  }
0xa8: {  	v3 =	vmul.f32 v1, v3;
	_ =	sdelay $0x1  }
0xa9: {  	[tilespmem:v11+s30+$0x0] =	vst.idx.msk $0xffff, v3  }
0xaa: {  	v3 =	vld.idx.msk [tilespmem:v12+s6+$0x0], $0xffff;
	_ =	sdelay $0x4  }
0xab: {  	v3 =	vmul.f32 v1, v3;
	_ =	sdelay $0x1  }
0xac: {  	[tilespmem:v12+s30+$0x0] =	vst.idx.msk $0xffff, v3  }
0xad: {  	v3 =	vld.idx.msk [tilespmem:v13+s6+$0x0], $0xffff;
	_ =	sdelay $0x4  }
0xae: {  	v3 =	vmul.f32 v3, v1;
	_ =	sdelay $0x1  }
0xaf: {  	[tilespmem:v13+s30+$0x0] =	vst.idx.msk $0xffff, v3  }
0xb0: {  	v3 =	vld.idx.msk [tilespmem:v14+s6+$0x0], $0xffff;
	_ =	sdelay $0x4  }
0xb1: {  	v3 =	vmul.f32 v3, v1;
	_ =	sdelay $0x1  }
0xb2: {  	[tilespmem:v14+s30+$0x0] =	vst.idx.msk $0xffff, v3  }
0xb3: {  	v3 =	vld.idx.msk [tilespmem:v15+s6+$0x0], $0xffff;
	_ =	sdelay $0x4  }
0xb4: {  	v3 =	vmul.f32 v3, v1;
	_ =	sdelay $0x1  }
0xb5: {  	[tilespmem:v15+s30+$0x0] =	vst.idx.msk $0xffff, v3  }
0xb6: {  	v3 =	vld.idx.msk [tilespmem:v16+s6+$0x0], $0xffff;
	_ =	sdelay $0x4  }
0xb7: {  	v3 =	vmul.f32 v3, v1;
	_ =	sdelay $0x1  }
0xb8: {  	[tilespmem:v16+s30+$0x0] =	vst.idx.msk $0xffff, v3  }
0xb9: {  	v3 =	vld.idx.msk [tilespmem:v17+s6+$0x0], $0xffff;
	_ =	sdelay $0x4  }
0xba: {  	v3 =	vmul.f32 v3, v1;
	_ =	sdelay $0x1  }
0xbb: {  	[tilespmem:v17+s30+$0x0] =	vst.idx.msk $0xffff, v3  }
0xbc: {  	v3 =	vld.idx.msk [tilespmem:v18+s6+$0x0], $0xffff;
	_ =	sdelay $0x4  }
0xbd: {  	v3 =	vmul.f32 v3, v1;
	_ =	sdelay $0x1  }
0xbe: {  	[tilespmem:v18+s30+$0x0] =	vst.idx.msk $0xffff, v3  }
0xbf: {  	v3 =	vld.idx.msk [tilespmem:v19+s6+$0x0], $0xffff;
	_ =	sdelay $0x4  }
0xc0: {  	v1 =	vmul.f32 v3, v1;
	v3 =	vld [tilespmem:$0x1FFD0];
	_ =	sdelay $0x5  }
0xc1: {  	[tilespmem:v19+s30+$0x0] =	vst.idx.msk $0xffff, v1  }
0xc2: {  	v1 =	vld.idx.msk [tilespmem:v20+s6+$0x0], $0xffff  }
0xc3: {  	v3 =	vld.idx.msk [tilespmem:v3+s7+$0x0], $0xffff;
	_ =	sdelay $0x4  }
0xc4: {  	v1 =	vadd.f32 v3, v1;
	_ =	sdelay $0x1  }
0xc5: {  	v3 =	vmul.f32 $2.000000030e-01, v1  }
0xc6: {  	vm9 =	vge.f32 v1, $0.0e+00  }
0xc7: {  	v1 =	vsel vm9, v1, v3  }
0xc8: {  	v1 =	vsub.f32 v1, v2;
	_ =	sdelay $0x1  }
0xc9: {  	v1 =	vmul.f32 $1.442695020e+00, v1;
	_ =	sdelay $0x1  }
0xca: {  	(erf) = vpow2.f32 v1;
	_ =	sdelay $0x8  }
0xcb: {  	v1 =	vpop (erf)  }
0xcc: {  	[tilespmem:v20+s30+$0x0] =	vst.idx.msk $0xffff, v1  }
0xcd: {  	v3 =	vld.idx.msk [tilespmem:v21+s6+$0x0], $0xffff;
	_ =	sdelay $0x4  }
0xce: {  	v3 =	vmul.f32 v1, v3;
	_ =	sdelay $0x1  }
0xcf: {  	[tilespmem:v21+s30+$0x0] =	vst.idx.msk $0xffff, v3  }
0xd0: {  	v3 =	vld.idx.msk [tilespmem:v22+s6+$0x0], $0xffff;
	_ =	sdelay $0x4  }
0xd1: {  	v3 =	vmul.f32 v1, v3;
	_ =	sdelay $0x1  }
0xd2: {  	[tilespmem:v22+s30+$0x0] =	vst.idx.msk $0xffff, v3  }
0xd3: {  	v3 =	vld.idx.msk [tilespmem:v23+s6+$0x0], $0xffff;
	_ =	sdelay $0x4  }
0xd4: {  	v3 =	vmul.f32 v1, v3;
	_ =	sdelay $0x1  }
0xd5: {  	[tilespmem:v23+s30+$0x0] =	vst.idx.msk $0xffff, v3  }
0xd6: {  	v3 =	vld.idx.msk [tilespmem:v24+s6+$0x0], $0xffff;
	_ =	sdelay $0x4  }
0xd7: {  	v3 =	vmul.f32 v3, v1;
	_ =	sdelay $0x1  }
0xd8: {  	[tilespmem:v24+s30+$0x0] =	vst.idx.msk $0xffff, v3  }
0xd9: {  	v3 =	vld.idx.msk [tilespmem:v25+s6+$0x0], $0xffff;
	_ =	sdelay $0x4  }
0xda: {  	v3 =	vmul.f32 v3, v1;
	_ =	sdelay $0x1  }
0xdb: {  	[tilespmem:v25+s30+$0x0] =	vst.idx.msk $0xffff, v3  }
0xdc: {  	v3 =	vld.idx.msk [tilespmem:v26+s6+$0x0], $0xffff;
	_ =	sdelay $0x4  }
0xdd: {  	v3 =	vmul.f32 v3, v1;
	_ =	sdelay $0x1  }
0xde: {  	[tilespmem:v26+s30+$0x0] =	vst.idx.msk $0xffff, v3  }
0xdf: {  	v3 =	vld.idx.msk [tilespmem:v27+s6+$0x0], $0xffff;
	_ =	sdelay $0x4  }
0xe0: {  	v3 =	vmul.f32 v3, v1;
	_ =	sdelay $0x1  }
0xe1: {  	[tilespmem:v27+s30+$0x0] =	vst.idx.msk $0xffff, v3  }
0xe2: {  	v3 =	vld.idx.msk [tilespmem:v28+s6+$0x0], $0xffff;
	_ =	sdelay $0x4  }
0xe3: {  	v3 =	vmul.f32 v3, v1;
	_ =	sdelay $0x1  }
0xe4: {  	[tilespmem:v28+s30+$0x0] =	vst.idx.msk $0xffff, v3  }
0xe5: {  	v3 =	vld.idx.msk [tilespmem:v29+s6+$0x0], $0xffff;
	_ =	sdelay $0x4  }
0xe6: {  	v3 =	vmul.f32 v3, v1;
	_ =	sdelay $0x1  }
0xe7: {  	[tilespmem:v29+s30+$0x0] =	vst.idx.msk $0xffff, v3  }
0xe8: {  	v3 =	vld.idx.msk [tilespmem:v30+s6+$0x0], $0xffff;
	_ =	sdelay $0x4  }
0xe9: {  	v1 =	vmul.f32 v3, v1;
	v3 =	vld [tilespmem:$0x1FFE0];
	_ =	sdelay $0x5  }
0xea: {  	[tilespmem:v30+s30+$0x0] =	vst.idx.msk $0xffff, v1  }
0xeb: {  	v1 =	vld.idx.msk [tilespmem:v31+s6+$0x0], $0xffff  }
0xec: {  	v3 =	vld.idx.msk [tilespmem:v3+s7+$0x0], $0xffff;
	_ =	sdelay $0x4  }
0xed: {  	v1 =	vadd.f32 v3, v1;
	_ =	sdelay $0x1  }
0xee: {  	v3 =	vmul.f32 $2.000000030e-01, v1  }
0xef: {  	vm10 =	vge.f32 v1, $0.0e+00  }
0xf0: {  	v1 =	vsel vm10, v1, v3  }
0xf1: {  	v1 =	vsub.f32 v1, v2;
	_ =	sdelay $0x1  }
0xf2: {  	v1 =	vmul.f32 $1.442695020e+00, v1;
	_ =	sdelay $0x1  }
0xf3: {  	(erf) = vpow2.f32 v1;
	_ =	sdelay $0x8  }
0xf4: {  	v1 =	vpop (erf)  }
0xf5: {  	[tilespmem:v31+s30+$0x0] =	vst.idx.msk $0xffff, v1  }
0xf6: {  	v3 =	vld.idx.msk [tilespmem:v32+s6+$0x0], $0xffff;
	_ =	sdelay $0x4  }
0xf7: {  	v3 =	vmul.f32 v1, v3;
	_ =	sdelay $0x1  }
0xf8: {  	[tilespmem:v32+s30+$0x0] =	vst.idx.msk $0xffff, v3  }
0xf9: {  	v3 =	vld.idx.msk [tilespmem:v33+s6+$0x0], $0xffff;
	_ =	sdelay $0x4  }
0xfa: {  	v3 =	vmul.f32 v1, v3;
	_ =	sdelay $0x1  }
0xfb: {  	[tilespmem:v33+s30+$0x0] =	vst.idx.msk $0xffff, v3  }
0xfc: {  	v3 =	vld.idx.msk [tilespmem:v34+s6+$0x0], $0xffff;
	_ =	sdelay $0x4  }
0xfd: {  	v3 =	vmul.f32 v1, v3;
	_ =	sdelay $0x1  }
0xfe: {  	[tilespmem:v34+s30+$0x0] =	vst.idx.msk $0xffff, v3  }
0xff: {  	v3 =	vld.idx.msk [tilespmem:v35+s6+$0x0], $0xffff;
	_ =	sdelay $0x4  }
0x100: {  	v3 =	vmul.f32 v3, v1;
	_ =	sdelay $0x1  }
0x101: {  	[tilespmem:v35+s30+$0x0] =	vst.idx.msk $0xffff, v3  }
0x102: {  	v3 =	vld.idx.msk [tilespmem:v36+s6+$0x0], $0xffff;
	_ =	sdelay $0x4  }
0x103: {  	v3 =	vmul.f32 v3, v1;
	_ =	sdelay $0x1  }
0x104: {  	[tilespmem:v36+s30+$0x0] =	vst.idx.msk $0xffff, v3  }
0x105: {  	v3 =	vld.idx.msk [tilespmem:v37+s6+$0x0], $0xffff;
	_ =	sdelay $0x4  }
0x106: {  	v3 =	vmul.f32 v3, v1;
	_ =	sdelay $0x1  }
0x107: {  	[tilespmem:v37+s30+$0x0] =	vst.idx.msk $0xffff, v3  }
0x108: {  	v3 =	vld.idx.msk [tilespmem:v38+s6+$0x0], $0xffff;
	_ =	sdelay $0x4  }
0x109: {  	v3 =	vmul.f32 v3, v1;
	_ =	sdelay $0x1  }
0x10a: {  	[tilespmem:v38+s30+$0x0] =	vst.idx.msk $0xffff, v3  }
0x10b: {  	v3 =	vld.idx.msk [tilespmem:v39+s6+$0x0], $0xffff;
	_ =	sdelay $0x4  }
0x10c: {  	v3 =	vmul.f32 v3, v1;
	_ =	sdelay $0x1  }
0x10d: {  	[tilespmem:v39+s30+$0x0] =	vst.idx.msk $0xffff, v3  }
0x10e: {  	v3 =	vld.idx.msk [tilespmem:v40+s6+$0x0], $0xffff;
	_ =	sdelay $0x4  }
0x10f: {  	v3 =	vmul.f32 v3, v1;
	_ =	sdelay $0x1  }
0x110: {  	[tilespmem:v40+s30+$0x0] =	vst.idx.msk $0xffff, v3  }
0x111: {  	v3 =	vld.idx.msk [tilespmem:v41+s6+$0x0], $0xffff;
	_ =	sdelay $0x4  }
0x112: {  	v1 =	vmul.f32 v3, v1;
	v3 =	vld [tilespmem:$0x1FFF0];
	_ =	sdelay $0x5  }
0x113: {  	[tilespmem:v41+s30+$0x0] =	vst.idx.msk $0xffff, v1  }
0x114: {  	v1 =	vld.idx.msk [tilespmem:v42+s6+$0x0], $0xffff  }
0x115: {  	v3 =	vld.idx.msk [tilespmem:v3+s7+$0x0], $0xffff;
	_ =	sdelay $0x4  }
0x116: {  	v1 =	vadd.f32 v3, v1;
	_ =	sdelay $0x1  }
0x117: {  	v3 =	vmul.f32 $2.000000030e-01, v1  }
0x118: {  	vm11 =	vge.f32 v1, $0.0e+00  }
0x119: {  	v1 =	vsel vm11, v1, v3  }
0x11a: {  	v1 =	vsub.f32 v1, v2;
	_ =	sdelay $0x1  }
0x11b: {  	v1 =	vmul.f32 $1.442695020e+00, v1;
	_ =	sdelay $0x1  }
0x11c: {  	(erf) = vpow2.f32 v1;
	_ =	sdelay $0x8  }
0x11d: {  	v1 =	vpop (erf)  }
0x11e: {  	[tilespmem:v42+s30+$0x0] =	vst.idx.msk $0xffff, v1  }
0x11f: {  	v3 =	vld.idx.msk [tilespmem:v43+s6+$0x0], $0xffff;
	_ =	sdelay $0x4  }
0x120: {  	v3 =	vmul.f32 v1, v3;
	_ =	sdelay $0x1  }
0x121: {  	[tilespmem:v43+s30+$0x0] =	vst.idx.msk $0xffff, v3  }
0x122: {  	v3 =	vld.idx.msk [tilespmem:v44+s6+$0x0], $0xffff;
	_ =	sdelay $0x4  }
0x123: {  	v3 =	vmul.f32 v1, v3;
	_ =	sdelay $0x1  }
0x124: {  	[tilespmem:v44+s30+$0x0] =	vst.idx.msk $0xffff, v3  }
0x125: {  	v3 =	vld.idx.msk [tilespmem:v45+s6+$0x0], $0xffff;
	_ =	sdelay $0x4  }
0x126: {  	v3 =	vmul.f32 v1, v3;
	_ =	sdelay $0x1  }
0x127: {  	[tilespmem:v45+s30+$0x0] =	vst.idx.msk $0xffff, v3  }
0x128: {  	v3 =	vld.idx.msk [tilespmem:v46+s6+$0x0], $0xffff;
	_ =	sdelay $0x4  }
0x129: {  	v3 =	vmul.f32 v3, v1;
	_ =	sdelay $0x1  }
0x12a: {  	[tilespmem:v46+s30+$0x0] =	vst.idx.msk $0xffff, v3  }
0x12b: {  	v3 =	vld.idx.msk [tilespmem:v47+s6+$0x0], $0xffff;
	_ =	sdelay $0x4  }
0x12c: {  	v3 =	vmul.f32 v3, v1;
	_ =	sdelay $0x1  }
0x12d: {  	[tilespmem:v47+s30+$0x0] =	vst.idx.msk $0xffff, v3  }
0x12e: {  	v3 =	vld.idx.msk [tilespmem:v48+s6+$0x0], $0xffff;
	_ =	sdelay $0x4  }
0x12f: {  	v3 =	vmul.f32 v3, v1;
	_ =	sdelay $0x1  }
0x130: {  	[tilespmem:v48+s30+$0x0] =	vst.idx.msk $0xffff, v3  }
0x131: {  	v3 =	vld.idx.msk [tilespmem:v49+s6+$0x0], $0xffff;
	_ =	sdelay $0x4  }
0x132: {  	v3 =	vmul.f32 v3, v1;
	_ =	sdelay $0x1  }
0x133: {  	[tilespmem:v49+s30+$0x0] =	vst.idx.msk $0xffff, v3  }
0x134: {  	v3 =	vld.idx.msk [tilespmem:v50+s6+$0x0], $0xffff;
	_ =	sdelay $0x4  }
0x135: {  	v3 =	vmul.f32 v3, v1;
	_ =	sdelay $0x1  }
0x136: {  	[tilespmem:v50+s30+$0x0] =	vst.idx.msk $0xffff, v3  }
0x137: {  	v3 =	vld.idx.msk [tilespmem:v51+s6+$0x0], $0xffff;
	_ =	sdelay $0x4  }
0x138: {  	v3 =	vmul.f32 v3, v1;
	_ =	sdelay $0x1  }
0x139: {  	[tilespmem:v51+s30+$0x0] =	vst.idx.msk $0xffff, v3  }
0x13a: {  	v3 =	vld.idx.msk [tilespmem:v52+s6+$0x0], $0xffff;
	_ =	sdelay $0x4  }
0x13b: {  	v1 =	vmul.f32 v3, v1;
	_ =	sdelay $0x1  }
0x13c: {  	[tilespmem:v52+s30+$0x0] =	vst.idx.msk $0xffff, v1  }
0x13d: {  	v1 =	vld.idx.msk [tilespmem:v53+s6+$0x0], $0xffff  }
0x13e: {  	v3 =	vld.idx.msk [tilespmem:v6+s7+$0x0], $0xffff;
	_ =	sdelay $0x4  }
0x13f: {  	v1 =	vadd.f32 v3, v1;
	_ =	sdelay $0x1  }
0x140: {  	v3 =	vmul.f32 $2.000000030e-01, v1  }
0x141: {  	vm12 =	vge.f32 v1, $0.0e+00  }
0x142: {  	v1 =	vsel vm12, v1, v3  }
0x143: {  	v1 =	vsub.f32 v1, v2;
	_ =	sdelay $0x1  }
0x144: {  	v1 =	vmul.f32 $1.442695020e+00, v1;
	_ =	sdelay $0x1  }
0x145: {  	(erf) = vpow2.f32 v1;
	_ =	sdelay $0x8  }
0x146: {  	v1 =	vpop (erf)  }
0x147: {  	[tilespmem:v53+s30+$0x0] =	vst.idx.msk $0xffff, v1  }
0x148: {  	v3 =	vld.idx.msk [tilespmem:v54+s6+$0x0], $0xffff;
	_ =	sdelay $0x4  }
0x149: {  	v3 =	vmul.f32 v1, v3;
	_ =	sdelay $0x1  }
0x14a: {  	[tilespmem:v54+s30+$0x0] =	vst.idx.msk $0xffff, v3  }
0x14b: {  	v3 =	vld.idx.msk [tilespmem:v55+s6+$0x0], $0xffff;
	_ =	sdelay $0x4  }
0x14c: {  	v3 =	vmul.f32 v1, v3;
	_ =	sdelay $0x1  }
0x14d: {  	[tilespmem:v55+s30+$0x0] =	vst.idx.msk $0xffff, v3  }
0x14e: {  	v3 =	vld.idx.msk [tilespmem:v56+s6+$0x0], $0xffff;
	_ =	sdelay $0x4  }
0x14f: {  	v3 =	vmul.f32 v1, v3;
	_ =	sdelay $0x1  }
0x150: {  	[tilespmem:v56+s30+$0x0] =	vst.idx.msk $0xffff, v3  }
0x151: {  	v3 =	vld.idx.msk [tilespmem:v57+s6+$0x0], $0xffff;
	_ =	sdelay $0x4  }
0x152: {  	v3 =	vmul.f32 v3, v1;
	_ =	sdelay $0x1  }
0x153: {  	[tilespmem:v57+s30+$0x0] =	vst.idx.msk $0xffff, v3  }
0x154: {  	v3 =	vld.idx.msk [tilespmem:v58+s6+$0x0], $0xffff;
	_ =	sdelay $0x4  }
0x155: {  	v3 =	vmul.f32 v3, v1;
	_ =	sdelay $0x1  }
0x156: {  	[tilespmem:v58+s30+$0x0] =	vst.idx.msk $0xffff, v3  }
0x157: {  	v3 =	vld.idx.msk [tilespmem:v59+s6+$0x0], $0xffff;
	_ =	sdelay $0x4  }
0x158: {  	v3 =	vmul.f32 v3, v1;
	_ =	sdelay $0x1  }
0x159: {  	[tilespmem:v59+s30+$0x0] =	vst.idx.msk $0xffff, v3  }
0x15a: {  	v3 =	vld.idx.msk [tilespmem:v60+s6+$0x0], $0xffff;
	_ =	sdelay $0x4  }
0x15b: {  	v3 =	vmul.f32 v3, v1;
	_ =	sdelay $0x1  }
0x15c: {  	[tilespmem:v60+s30+$0x0] =	vst.idx.msk $0xffff, v3  }
0x15d: {  	v3 =	vld.idx.msk [tilespmem:v61+s6+$0x0], $0xffff;
	_ =	sdelay $0x4  }
0x15e: {  	v3 =	vmul.f32 v3, v1;
	_ =	sdelay $0x1  }
0x15f: {  	[tilespmem:v61+s30+$0x0] =	vst.idx.msk $0xffff, v3  }
0x160: {  	v3 =	vld.idx.msk [tilespmem:v62+s6+$0x0], $0xffff;
	_ =	sdelay $0x4  }
0x161: {  	v3 =	vmul.f32 v3, v1;
	_ =	sdelay $0x1  }
0x162: {  	[tilespmem:v62+s30+$0x0] =	vst.idx.msk $0xffff, v3  }
0x163: {  	v3 =	vld.idx.msk [tilespmem:v63+s6+$0x0], $0xffff;
	_ =	sdelay $0x2  }
0x164: {  	v4 =	vor.u32 $0x50A, v0;
	_ =	sdelay $0x1  }
0x165: {  	v1 =	vmul.f32 v3, v1;
	_ =	sdelay $0x1  }
0x166: {  	[tilespmem:v63+s30+$0x0] =	vst.idx.msk $0xffff, v1  }
0x167: {  	v1 =	vld.idx.msk [tilespmem:v4+s6+$0x0], $0xffff  }
0x168: {  	v3 =	vld.idx.msk [tilespmem:v7+s7+$0x0], $0xffff;
	_ =	sdelay $0x4  }
0x169: {  	v1 =	vadd.f32 v3, v1;
	_ =	sdelay $0x1  }
0x16a: {  	v3 =	vmul.f32 $2.000000030e-01, v1  }
0x16b: {  	vm13 =	vge.f32 v1, $0.0e+00  }
0x16c: {  	v1 =	vsel vm13, v1, v3  }
0x16d: {  	v1 =	vsub.f32 v1, v2;
	_ =	sdelay $0x1  }
0x16e: {  	v1 =	vmul.f32 $1.442695020e+00, v1;
	_ =	sdelay $0x1  }
0x16f: {  	(erf) = vpow2.f32 v1;
	_ =	sdelay $0x5  }
0x170: {  	v1 =	vor.u32 $0x500, v0;
	_ =	sdelay $0x2  }
0x171: {  	v3 =	vpop (erf)  }
0x172: {  	[tilespmem:v4+s30+$0x0] =	vst.idx.msk $0xffff, v3  }
0x173: {  	v4 =	vld.idx.msk [tilespmem:v1+s6+$0x0], $0xffff;
	_ =	sdelay $0x2  }
0x174: {  	v5 =	vor.u32 $0x501, v0;
	_ =	sdelay $0x1  }
0x175: {  	v4 =	vmul.f32 v3, v4;
	_ =	sdelay $0x1  }
0x176: {  	[tilespmem:v1+s30+$0x0] =	vst.idx.msk $0xffff, v4  }
0x177: {  	v1 =	vld.idx.msk [tilespmem:v5+s6+$0x0], $0xffff;
	_ =	sdelay $0x2  }
0x178: {  	v4 =	vor.u32 $0x502, v0;
	_ =	sdelay $0x1  }
0x179: {  	v1 =	vmul.f32 v3, v1;
	_ =	sdelay $0x1  }
0x17a: {  	[tilespmem:v5+s30+$0x0] =	vst.idx.msk $0xffff, v1  }
0x17b: {  	v1 =	vld.idx.msk [tilespmem:v4+s6+$0x0], $0xffff;
	_ =	sdelay $0x2  }
0x17c: {  	v5 =	vor.u32 $0x503, v0;
	_ =	sdelay $0x1  }
0x17d: {  	v1 =	vmul.f32 v3, v1;
	_ =	sdelay $0x1  }
0x17e: {  	[tilespmem:v4+s30+$0x0] =	vst.idx.msk $0xffff, v1  }
0x17f: {  	v1 =	vld.idx.msk [tilespmem:v5+s6+$0x0], $0xffff;
	_ =	sdelay $0x2  }
0x180: {  	v4 =	vor.u32 $0x504, v0;
	_ =	sdelay $0x1  }
0x181: {  	v1 =	vmul.f32 v1, v3;
	_ =	sdelay $0x1  }
0x182: {  	[tilespmem:v5+s30+$0x0] =	vst.idx.msk $0xffff, v1  }
0x183: {  	v1 =	vld.idx.msk [tilespmem:v4+s6+$0x0], $0xffff;
	_ =	sdelay $0x2  }
0x184: {  	v5 =	vor.u32 $0x505, v0;
	_ =	sdelay $0x1  }
0x185: {  	v1 =	vmul.f32 v1, v3;
	_ =	sdelay $0x1  }
0x186: {  	[tilespmem:v4+s30+$0x0] =	vst.idx.msk $0xffff, v1  }
0x187: {  	v1 =	vld.idx.msk [tilespmem:v5+s6+$0x0], $0xffff;
	_ =	sdelay $0x2  }
0x188: {  	v4 =	vor.u32 $0x506, v0;
	_ =	sdelay $0x1  }
0x189: {  	v1 =	vmul.f32 v1, v3;
	_ =	sdelay $0x1  }
0x18a: {  	[tilespmem:v5+s30+$0x0] =	vst.idx.msk $0xffff, v1  }
0x18b: {  	v1 =	vld.idx.msk [tilespmem:v4+s6+$0x0], $0xffff;
	_ =	sdelay $0x2  }
0x18c: {  	v5 =	vor.u32 $0x507, v0;
	_ =	sdelay $0x1  }
0x18d: {  	v1 =	vmul.f32 v1, v3;
	_ =	sdelay $0x1  }
0x18e: {  	[tilespmem:v4+s30+$0x0] =	vst.idx.msk $0xffff, v1  }
0x18f: {  	v1 =	vld.idx.msk [tilespmem:v5+s6+$0x0], $0xffff;
	_ =	sdelay $0x2  }
0x190: {  	v4 =	vor.u32 $0x508, v0;
	_ =	sdelay $0x1  }
0x191: {  	v1 =	vmul.f32 v1, v3;
	_ =	sdelay $0x1  }
0x192: {  	[tilespmem:v5+s30+$0x0] =	vst.idx.msk $0xffff, v1  }
0x193: {  	v1 =	vld.idx.msk [tilespmem:v4+s6+$0x0], $0xffff;
	_ =	sdelay $0x2  }
0x194: {  	v5 =	vor.u32 $0x509, v0;
	_ =	sdelay $0x1  }
0x195: {  	v1 =	vmul.f32 v1, v3;
	_ =	sdelay $0x1  }
0x196: {  	[tilespmem:v4+s30+$0x0] =	vst.idx.msk $0xffff, v1  }
0x197: {  	v1 =	vld.idx.msk [tilespmem:v5+s6+$0x0], $0xffff;
	_ =	sdelay $0x2  }
0x198: {  	v4 =	vor.u32 $0x60A, v0;
	_ =	sdelay $0x1  }
0x199: {  	v1 =	vmul.f32 v1, v3;
	_ =	sdelay $0x1  }
0x19a: {  	[tilespmem:v5+s30+$0x0] =	vst.idx.msk $0xffff, v1  }
0x19b: {  	v1 =	vld.idx.msk [tilespmem:v4+s6+$0x0], $0xffff  }
0x19c: {  	v3 =	vld.idx.msk [tilespmem:v8+s7+$0x0], $0xffff;
	_ =	sdelay $0x4  }
0x19d: {  	v1 =	vadd.f32 v3, v1;
	_ =	sdelay $0x1  }
0x19e: {  	v3 =	vmul.f32 $2.000000030e-01, v1  }
0x19f: {  	vm14 =	vge.f32 v1, $0.0e+00  }
0x1a0: {  	v1 =	vsel vm14, v1, v3  }
0x1a1: {  	v1 =	vsub.f32 v1, v2;
	_ =	sdelay $0x1  }
0x1a2: {  	v1 =	vmul.f32 $1.442695020e+00, v1;
	_ =	sdelay $0x1  }
0x1a3: {  	(erf) = vpow2.f32 v1;
	_ =	sdelay $0x5  }
0x1a4: {  	v1 =	vor.u32 $0x600, v0;
	_ =	sdelay $0x2  }
0x1a5: {  	v3 =	vpop (erf)  }
0x1a6: {  	[tilespmem:v4+s30+$0x0] =	vst.idx.msk $0xffff, v3  }
0x1a7: {  	v4 =	vld.idx.msk [tilespmem:v1+s6+$0x0], $0xffff;
	_ =	sdelay $0x2  }
0x1a8: {  	v5 =	vor.u32 $0x601, v0;
	_ =	sdelay $0x1  }
0x1a9: {  	v4 =	vmul.f32 v3, v4;
	_ =	sdelay $0x1  }
0x1aa: {  	[tilespmem:v1+s30+$0x0] =	vst.idx.msk $0xffff, v4  }
0x1ab: {  	v1 =	vld.idx.msk [tilespmem:v5+s6+$0x0], $0xffff;
	_ =	sdelay $0x2  }
0x1ac: {  	v4 =	vor.u32 $0x602, v0;
	_ =	sdelay $0x1  }
0x1ad: {  	v1 =	vmul.f32 v3, v1;
	_ =	sdelay $0x1  }
0x1ae: {  	[tilespmem:v5+s30+$0x0] =	vst.idx.msk $0xffff, v1  }
0x1af: {  	v1 =	vld.idx.msk [tilespmem:v4+s6+$0x0], $0xffff;
	_ =	sdelay $0x2  }
0x1b0: {  	v5 =	vor.u32 $0x603, v0;
	_ =	sdelay $0x1  }
0x1b1: {  	v1 =	vmul.f32 v3, v1;
	_ =	sdelay $0x1  }
0x1b2: {  	[tilespmem:v4+s30+$0x0] =	vst.idx.msk $0xffff, v1  }
0x1b3: {  	v1 =	vld.idx.msk [tilespmem:v5+s6+$0x0], $0xffff;
	_ =	sdelay $0x2  }
0x1b4: {  	v4 =	vor.u32 $0x604, v0;
	_ =	sdelay $0x1  }
0x1b5: {  	v1 =	vmul.f32 v1, v3;
	_ =	sdelay $0x1  }
0x1b6: {  	[tilespmem:v5+s30+$0x0] =	vst.idx.msk $0xffff, v1  }
0x1b7: {  	v1 =	vld.idx.msk [tilespmem:v4+s6+$0x0], $0xffff;
	_ =	sdelay $0x2  }
0x1b8: {  	v5 =	vor.u32 $0x605, v0;
	_ =	sdelay $0x1  }
0x1b9: {  	v1 =	vmul.f32 v1, v3;
	_ =	sdelay $0x1  }
0x1ba: {  	[tilespmem:v4+s30+$0x0] =	vst.idx.msk $0xffff, v1  }
0x1bb: {  	v1 =	vld.idx.msk [tilespmem:v5+s6+$0x0], $0xffff;
	_ =	sdelay $0x2  }
0x1bc: {  	v4 =	vor.u32 $0x606, v0;
	_ =	sdelay $0x1  }
0x1bd: {  	v1 =	vmul.f32 v1, v3;
	_ =	sdelay $0x1  }
0x1be: {  	[tilespmem:v5+s30+$0x0] =	vst.idx.msk $0xffff, v1  }
0x1bf: {  	v1 =	vld.idx.msk [tilespmem:v4+s6+$0x0], $0xffff;
	_ =	sdelay $0x2  }
0x1c0: {  	v5 =	vor.u32 $0x607, v0;
	_ =	sdelay $0x1  }
0x1c1: {  	v1 =	vmul.f32 v1, v3;
	_ =	sdelay $0x1  }
0x1c2: {  	[tilespmem:v4+s30+$0x0] =	vst.idx.msk $0xffff, v1  }
0x1c3: {  	v1 =	vld.idx.msk [tilespmem:v5+s6+$0x0], $0xffff;
	_ =	sdelay $0x2  }
0x1c4: {  	v4 =	vor.u32 $0x608, v0;
	_ =	sdelay $0x1  }
0x1c5: {  	v1 =	vmul.f32 v1, v3;
	_ =	sdelay $0x1  }
0x1c6: {  	[tilespmem:v5+s30+$0x0] =	vst.idx.msk $0xffff, v1  }
0x1c7: {  	v1 =	vld.idx.msk [tilespmem:v4+s6+$0x0], $0xffff;
	_ =	sdelay $0x2  }
0x1c8: {  	v5 =	vor.u32 $0x609, v0;
	_ =	sdelay $0x1  }
0x1c9: {  	v1 =	vmul.f32 v1, v3;
	_ =	sdelay $0x1  }
0x1ca: {  	[tilespmem:v4+s30+$0x0] =	vst.idx.msk $0xffff, v1  }
0x1cb: {  	v1 =	vld.idx.msk [tilespmem:v5+s6+$0x0], $0xffff;
	_ =	sdelay $0x2  }
0x1cc: {  	v4 =	vor.u32 $0x70A, v0;
	_ =	sdelay $0x1  }
0x1cd: {  	v1 =	vmul.f32 v1, v3;
	_ =	sdelay $0x1  }
0x1ce: {  	[tilespmem:v5+s30+$0x0] =	vst.idx.msk $0xffff, v1  }
0x1cf: {  	v1 =	vld.idx.msk [tilespmem:v4+s6+$0x0], $0xffff  }
0x1d0: {  	v3 =	vld.idx.msk [tilespmem:v9+s7+$0x0], $0xffff;
	_ =	sdelay $0x4  }
0x1d1: {  	v1 =	vadd.f32 v3, v1;
	_ =	sdelay $0x1  }
0x1d2: {  	v3 =	vmul.f32 $2.000000030e-01, v1  }
0x1d3: {  	vm15 =	vge.f32 v1, $0.0e+00  }
0x1d4: {  	v1 =	vsel vm15, v1, v3  }
0x1d5: {  	v1 =	vsub.f32 v1, v2;
	_ =	sdelay $0x1  }
0x1d6: {  	v1 =	vmul.f32 $1.442695020e+00, v1;
	_ =	sdelay $0x1  }
0x1d7: {  	(erf) = vpow2.f32 v1;
	_ =	sdelay $0x5  }
0x1d8: {  	v1 =	vor.u32 $0x700, v0;
	_ =	sdelay $0x2  }
0x1d9: {  	v3 =	vpop (erf)  }
0x1da: {  	[tilespmem:v4+s30+$0x0] =	vst.idx.msk $0xffff, v3  }
0x1db: {  	v4 =	vld.idx.msk [tilespmem:v1+s6+$0x0], $0xffff;
	_ =	sdelay $0x2  }
0x1dc: {  	v5 =	vor.u32 $0x701, v0;
	_ =	sdelay $0x1  }
0x1dd: {  	v4 =	vmul.f32 v3, v4;
	_ =	sdelay $0x1  }
0x1de: {  	[tilespmem:v1+s30+$0x0] =	vst.idx.msk $0xffff, v4  }
0x1df: {  	v1 =	vld.idx.msk [tilespmem:v5+s6+$0x0], $0xffff;
	_ =	sdelay $0x2  }
0x1e0: {  	v4 =	vor.u32 $0x702, v0;
	_ =	sdelay $0x1  }
0x1e1: {  	v1 =	vmul.f32 v3, v1;
	_ =	sdelay $0x1  }
0x1e2: {  	[tilespmem:v5+s30+$0x0] =	vst.idx.msk $0xffff, v1  }
0x1e3: {  	v1 =	vld.idx.msk [tilespmem:v4+s6+$0x0], $0xffff;
	_ =	sdelay $0x2  }
0x1e4: {  	v5 =	vor.u32 $0x703, v0;
	_ =	sdelay $0x1  }
0x1e5: {  	v1 =	vmul.f32 v3, v1;
	_ =	sdelay $0x1  }
0x1e6: {  	[tilespmem:v4+s30+$0x0] =	vst.idx.msk $0xffff, v1  }
0x1e7: {  	v1 =	vld.idx.msk [tilespmem:v5+s6+$0x0], $0xffff;
	_ =	sdelay $0x2  }
0x1e8: {  	v4 =	vor.u32 $0x704, v0;
	_ =	sdelay $0x1  }
0x1e9: {  	v1 =	vmul.f32 v1, v3;
	_ =	sdelay $0x1  }
0x1ea: {  	[tilespmem:v5+s30+$0x0] =	vst.idx.msk $0xffff, v1  }
0x1eb: {  	v1 =	vld.idx.msk [tilespmem:v4+s6+$0x0], $0xffff;
	_ =	sdelay $0x2  }
0x1ec: {  	v5 =	vor.u32 $0x705, v0;
	_ =	sdelay $0x1  }
0x1ed: {  	v1 =	vmul.f32 v1, v3;
	_ =	sdelay $0x1  }
0x1ee: {  	[tilespmem:v4+s30+$0x0] =	vst.idx.msk $0xffff, v1  }
0x1ef: {  	v1 =	vld.idx.msk [tilespmem:v5+s6+$0x0], $0xffff;
	_ =	sdelay $0x2  }
0x1f0: {  	v4 =	vor.u32 $0x706, v0;
	_ =	sdelay $0x1  }
0x1f1: {  	v1 =	vmul.f32 v1, v3;
	_ =	sdelay $0x1  }
0x1f2: {  	[tilespmem:v5+s30+$0x0] =	vst.idx.msk $0xffff, v1  }
0x1f3: {  	v1 =	vld.idx.msk [tilespmem:v4+s6+$0x0], $0xffff;
	_ =	sdelay $0x2  }
0x1f4: {  	v5 =	vor.u32 $0x707, v0;
	_ =	sdelay $0x1  }
0x1f5: {  	v1 =	vmul.f32 v1, v3;
	_ =	sdelay $0x1  }
0x1f6: {  	[tilespmem:v4+s30+$0x0] =	vst.idx.msk $0xffff, v1  }
0x1f7: {  	v1 =	vld.idx.msk [tilespmem:v5+s6+$0x0], $0xffff;
	_ =	sdelay $0x2  }
0x1f8: {  	v4 =	vor.u32 $0x708, v0;
	_ =	sdelay $0x1  }
0x1f9: {  	v1 =	vmul.f32 v1, v3;
	_ =	sdelay $0x1  }
0x1fa: {  	[tilespmem:v5+s30+$0x0] =	vst.idx.msk $0xffff, v1  }
0x1fb: {  	v1 =	vld.idx.msk [tilespmem:v4+s6+$0x0], $0xffff;
	_ =	sdelay $0x2  }
0x1fc: {  	v5 =	vor.u32 $0x709, v0;
	_ =	sdelay $0x1  }
0x1fd: {  	v1 =	vmul.f32 v1, v3;
	_ =	sdelay $0x1  }
0x1fe: {  	[tilespmem:v4+s30+$0x0] =	vst.idx.msk $0xffff, v1  }
0x1ff: {  	v1 =	vld.idx.msk [tilespmem:v5+s6+$0x0], $0xffff;
	_ =	sdelay $0x4  }
0x200: {  	v1 =	vmul.f32 v1, v3;
	_ =	sdelay $0x1  }
.Ltmp5:
0x201: {  	[tilespmem:v5+s30+$0x0] =	vst.idx.msk $0xffff, v1;
	(pc) =	sbr.rel .LBB2_4-.Ltmp5, $4  }
0x202: {  	[spmem:s2] =	stream.indirect.scatter.add.f32 [tilespmem:s30], [sflag:$0x3], $0x10, s0, s5, $0xb8;
	[tilespmem:$0xDC60] =	vst v63  }
0x203: {  	_ =	swait.ge [sflag:s29], $0x800  }
0x204: {  	[sflag:s29] =	ssyncset.done $0x0  }
0x205: {  	[sflag:s29] =	ssyncadd.s32 $0xFFFFF800  }
.LBB2_6:
0x206: {  	_ =	sfence.sel $0x180000  }
0x207: {  	[bflag:$0x0] =	sbarrier.arrive $0xFFFF  }
0x208: {  	_ =	strace $0x9000004A  }
0x209: {  	s0 =	stileid.u32;
	[bflag:$0x2] =	sbarrier.arrive $0xFFFF  }
0x20a: {  	p0 =	sne.s32 s0, $0x0;
	s0 =	rddreg [dreg:$0x3]  }
0x20b: {  	s0 =	sadd.s32 @!p0 $0x100000, s0  }
0x20c: {  	[sflag:s0] =	ssyncadd.tile.s32 @!p0 $0x1;
	_ =	shalt  }
.Lfunc_end2:
_tile_overlayer_lowered:
.L_overlay_start_2:
0x20d: {  	(tag) =	ssettag $0x2  }
0x20e: {  	s0 =	rddreg [dreg:$0x0];
	s2 =	stileid.u32  }
0x20f: {  	s1 =	rddreg [dreg:$0x1];
	p0 =	sne.s32 s2, $0x0  }
0x210: {  	s3 =	rddreg [dreg:$0x2];
	[bflag:$0x3] =	sbarrier.arrive $0xFFFF;
	s2 =	simm.s32 @!p0 $0x1C03  }
0x211: {  	[timem:s3], [sflag:s2] =	dma.local @!p0 [hbm:s0], s1  }
0x212: {  	s0 =	simm.s32 @!p0 $0x3  }
0x213: {  	_ =	swait.ge @!p0 [sflag:s0], s1  }
0x214: {  	s1 =	ssub.s32 @!p0 $0x0, s1;
	[sflag:s0] =	ssyncset.done @!p0 $0x0  }
0x215: {  	[sflag:s0] =	ssyncadd.s32 @!p0 s1  }
0x216: {  	[bflag:$0x3] =	sbarrier.arrive $0xFFFF  }
0x217: {  	_ =	shalt  }

// kernel: kernel.7.cloned.1.call-start
scs
__scs_entry_jumppad:
0x0: {  	(pc) =	sbr.rel $0x88, $3  }
0x1: {  	(tag) =	ssettag $0x0;
	lr =	simm.s32 $0x1  }
0x2: {  	[smem:$0x3F97] =	sst lr;
	_ =	strace $0xD0000000  }
0x3: {  	_ = 	snop  }
0x4: {  	_ = 	snop  }
0x5: {  	_ = 	snop  }
0x6: {  	_ = 	snop  }
0x7: {  	_ = 	snop  }
__scs_overlays_trampoline_lowered:
0x8: {  	[smem:$0x3FA6] =	sst s0  }
0x9: {  	[smem:$0x3FA7] =	sst s1  }
0xa: {  	[smem:$0x3FA8] =	sst s2  }
0xb: {  	[smem:$0x3FA9] =	sst s3  }
0xc: {  	[smem:$0x3FAA] =	sst s4  }
0xd: {  	[smem:$0x3FAB] =	sst s5  }
0xe: {  	[smem:$0x3FAC] =	sst s6  }
0xf: {  	[smem:$0x3FAD] =	sst s7  }
0x10: {  	[smem:$0x3FAE] =	sst s8  }
0x11: {  	[smem:$0x3FAF] =	sst s9;
	s0 =	simm.s32 @!p0 $0x0  }
0x12: {  	s1 =	sld [smem:$0x3F95];
	s0 =	simm.s32 @p0 $0x1  }
0x13: {  	[smem:$0x3FB0] =	sst s0;
	s0 =	simm.s32 @!p1 $0x0  }
0x14: {  	s2 =	sld [smem:$0x3F94];
	s0 =	simm.s32 @p1 $0x1  }
0x15: {  	[smem:$0x3FB1] =	sst s0;
	s0 =	simm.s32 @!p2 $0x0  }
0x16: {  	s3 =	sld [smem:$0x3FDB];
	s0 =	simm.s32 @p2 $0x1  }
0x17: {  	s4 =	simm.s32 $0x1BF5;
	[smem:$0x3FB3] =	sst s0  }
0x18: {  	s0 =	sld [smem:$0x3F96];
	_ =	swait.ge [sflag:s4], $0x0  }
0x19: {  	s7 =	sld [smem:$0x3F97]  }
0x1a: {  	s8 =	sadd.s32 $0xFFFFE003, lr  }
0x1b: {  	s9 =	sadd.s32 $0xFFFFFEF7, lr;
	s5 =	simm.s32 $0xFFFFFFFF;
	p2 =	slt.u32 s8, $0xFFFFF086  }
0x1c: {  	p1 =	slt.u32 s9, $0xF7A;
	s5 =	simm.s32 @!p2 $0x0  }
0x1d: {  	s5 =	simm.s32 @p1 $0x1;
	p0 =	seq.s32 s7, s2  }
0x1e: {  	s7 =	smul.u32 @!p0 $0xF7A, s2;
	p2 =	seq.s32 @!p0 s5, $0x0  }
0x1f: {  	s9 =	smul.u32 $0xF7A, s1;
	s8 =	simm.s32 @!p0 $0x1BF5;
	p2 =	por !p2, p0  }
0x20: {  	[sflag:s8] =	ssyncset.s32 @!p0 $0xFFFFF086;
	s6 =	sadd.s32 @!p0 s3, s7;
	s7 =	simm.s32 @!p0 $0x108  }
0x21: {  	s3 =	sadd.s32 s3, s9;
	s6 =	sadd.s32 @!p0 $0x88, s6;
	s7 =	simm.s32 @p2 $0x1082  }
0x22: {  	[simem:s7], [sflag:s8] =	dma.local @!p0 [hbm:s6], $0xF7A  }
0x23: {  	s9 =	sor.u32 $0xD0000000, s2;
	s6 =	simm.s32 $0x108;
	_ =	swait.ge @!p0 [sflag:s8], $0x0  }
0x24: {  	s3 =	sadd.s32 $0x88, s3;
	s6 =	simm.s32 @!p1 $0x1082;
	[sflag:s4] =	ssyncset.s32 $0xFFFFF086  }
0x25: {  	[simem:s6], [sflag:s4] =	dma.local [hbm:s3], $0xF7A  }
0x26: {  	[smem:$0x3F97] =	sst s1;
	(tag) =	ssettag s2;
	_ =	strace s9  }
0x27: {  	s1 =	sld [smem:$0x3FA7]  }
0x28: {  	s2 =	sld [smem:$0x3FA8]  }
0x29: {  	s4 =	sld [smem:$0x3FAA]  }
0x2a: {  	p0 =	seq.s32 s5, $0x0;
	s5 =	sld [smem:$0x3FAB]  }
0x2b: {  	s6 =	sld [smem:$0x3FAC]  }
0x2c: {  	s7 =	sld [smem:$0x3FAD]  }
0x2d: {  	s3 =	simm.s32 $0x108;
	s8 =	sld [smem:$0x3FAE]  }
0x2e: {  	s3 =	simm.s32 @!p0 $0x1082;
	s9 =	sld [smem:$0x3FAF]  }
0x2f: {  	lr =	sadd.s32 s0, s3;
	s0 =	sld [smem:$0x3FA6]  }
0x30: {  	s3 =	sld [smem:$0x3FA9]  }
0x31: {  	[smem:$0x3FB2] =	sst s10  }
0x32: {  	s10 =	sld [smem:$0x3FB0];
	_ =	sdelay $0x3  }
0x33: {  	p0 =	seq.s32 s10, $0x1;
	s10 =	sld [smem:$0x3FB2];
	_ =	sdelay $0x3  }
0x34: {  	[smem:$0x3FB2] =	sst s10  }
0x35: {  	s10 =	sld [smem:$0x3FB1];
	_ =	sdelay $0x3  }
0x36: {  	p1 =	seq.s32 s10, $0x1;
	s10 =	sld [smem:$0x3FB2];
	_ =	sdelay $0x3  }
0x37: {  	[smem:$0x3FB2] =	sst s10  }
0x38: {  	s10 =	sld [smem:$0x3FB3]  }
0x39: {  	_ = 	snop;
	(pc) =	sbr.ind lr, $3  }
0x3a: {  	_ = 	snop  }
0x3b: {  	_ = 	snop  }
0x3c: {  	p2 =	seq.s32 s10, $0x1;
	s10 =	sld [smem:$0x3FB2]  }
0x3d: {  	_ =	shalt  }
0x3e: {  	_ =	shalt  }
0x3f: {  	_ =	shalt  }
0x40: {  	_ =	shalt  }
0x41: {  	_ =	shalt  }
0x42: {  	_ =	shalt  }
0x43: {  	_ =	shalt  }
0x44: {  	_ =	shalt  }
0x45: {  	_ =	shalt  }
0x46: {  	_ =	shalt  }
0x47: {  	_ =	shalt  }
0x48: {  	_ =	shalt  }
0x49: {  	_ =	shalt  }
0x4a: {  	_ =	shalt  }
0x4b: {  	_ =	shalt  }
0x4c: {  	_ =	shalt  }
0x4d: {  	_ =	shalt  }
0x4e: {  	_ =	shalt  }
0x4f: {  	_ =	shalt  }
0x50: {  	_ =	shalt  }
0x51: {  	_ =	shalt  }
0x52: {  	_ =	shalt  }
0x53: {  	_ =	shalt  }
0x54: {  	_ =	shalt  }
0x55: {  	_ =	shalt  }
0x56: {  	_ =	shalt  }
0x57: {  	_ =	shalt  }
0x58: {  	_ =	shalt  }
0x59: {  	_ =	shalt  }
0x5a: {  	_ =	shalt  }
0x5b: {  	_ =	shalt  }
0x5c: {  	_ =	shalt  }
0x5d: {  	_ =	shalt  }
0x5e: {  	_ =	shalt  }
0x5f: {  	_ =	shalt  }
0x60: {  	_ =	shalt  }
0x61: {  	_ =	shalt  }
0x62: {  	_ =	shalt  }
0x63: {  	_ =	shalt  }
0x64: {  	_ =	shalt  }
0x65: {  	_ =	shalt  }
0x66: {  	_ =	shalt  }
0x67: {  	_ =	shalt  }
0x68: {  	_ =	shalt  }
0x69: {  	_ =	shalt  }
0x6a: {  	_ =	shalt  }
0x6b: {  	_ =	shalt  }
0x6c: {  	_ =	shalt  }
0x6d: {  	_ =	shalt  }
0x6e: {  	_ =	shalt  }
0x6f: {  	_ =	shalt  }
0x70: {  	_ =	shalt  }
0x71: {  	_ =	shalt  }
0x72: {  	_ =	shalt  }
0x73: {  	_ =	shalt  }
0x74: {  	_ =	shalt  }
0x75: {  	_ =	shalt  }
0x76: {  	_ =	shalt  }
0x77: {  	_ =	shalt  }
0x78: {  	_ =	shalt  }
0x79: {  	_ =	shalt  }
0x7a: {  	_ =	shalt  }
0x7b: {  	_ =	shalt  }
0x7c: {  	_ =	shalt  }
0x7d: {  	_ =	shalt  }
0x7e: {  	_ =	shalt  }
0x7f: {  	_ =	shalt  }
0x80: {  	_ =	shalt  }
0x81: {  	_ =	shalt  }
0x82: {  	_ =	shalt  }
0x83: {  	_ =	shalt  }
0x84: {  	_ =	shalt  }
0x85: {  	_ =	shalt  }
0x86: {  	_ =	shalt  }
0x87: {  	_ =	shalt  }
.Lfunc_end0:
.L_simem_size_0:
called_computation_lowered:
.L_overlay_start_0:
0x88: {  	s2 =	sld [smem:$0x3FD9]  }
0x89: {  	s3 =	sld [smem:$0x3FFE];
	_ =	sdelay $0x1  }
0x8a: {  	s1 =	srdreg.scid  }
0x8b: {  	s0 =	sand.u32 $0x1, s1  }
0x8c: {  	s17 =	sshll.u32 s0, $0xA;
	s2 =	sadd.s32 s3, s2  }
0x8d: {  	s2 =	sadd.s32 s2, s17  }
0x8e: {  	[smem:$0x3FBE] =	sst s2  }
0x8f: {  	_ = 	snop  }
0x90: {  	s2 =	sld [smem:$0x3FD0];
	(tm) =	ssettm $0x1  }
0x91: {  	s18 =	sld [smem:$0x3FFB];
	_ =	sdelay $0x3  }
0x92: {  	_ =	strace s18  }
0x93: {  	s3 =	sld [smem:$0x3FFC];
	_ =	sdelay $0x3  }
0x94: {  	_ =	strace s3  }
0x95: {  	s3 =	sld [smem:$0x3FFD];
	_ =	sdelay $0x3  }
0x96: {  	_ =	strace s3  }
0x97: {  	_ =	strace $0x8FFFFFFF  }
0x98: {  	s19 =	sld [smem:$0x3FDB];
	_ =	sdelay $0x1  }
0x99: {  	s4 =	simm.s32 $_scs_section_size  }
0x9a: {  	s5 =	simm.s32 $_size__tile_overlayer_lowered;
	s6 =	simm.s32 $_tile_overlayer_lowered  }
0x9b: {  	s22 =	simm.s32 $0x1BFF;
	s21 =	sshll.u32 s6, $0x1;
	s3 =	sadd.s32 s4, s19  }
0x9c: {  	s7 =	simm.s32 $0x0;
	s20 =	sshll.u32 s5, $0x1;
	s5 =	sadd.s32 s21, s3  }
0x9d: {  	[timem:s7], [sflag:s22] =	dma.local [hbm:s5], s20  }
0x9e: {  	_ =	swait.ge [sflag:s22], s20  }
0x9f: {  	s4 =	ssub.s32 $0x0, s20;
	[sflag:s22] =	ssyncset.done $0x0  }
0xa0: {  	[sflag:s22] =	ssyncadd.s32 s4;
	_ =	sdelay $0x1  }
0xa1: {  	s23 =	simm.s32 $0x1B8B  }
0xa2: {  	_ =	swait.ge [sflag:s23], $0x1  }
0xa3: {  	[sflag:s23] =	ssyncset.done $0x0  }
0xa4: {  	s25 =	simm.s32 $0x1B8E;
	s24 =	sld [smem:$0x3FFE];
	[sflag:s23] =	ssyncadd.s32 $0xFFFFFFFF  }
0xa5: {  	s26 =	simm.s32 $execute0_lowered;
	[smem:$0x3FD2] =	sst s25  }
0xa6: {  	s5 =	sshll.u32 s26, $0x1;
	_ =	strace $0x80000046;
	[dreg:$0x1] =	wrdreg $0xFFFFFFFF  }
0xa7: {  	s28 =	simm.s32 $_size_execute0_lowered;
	s3 =	sadd.s32 s3, s5;
	[dreg:$0x0] =	wrdreg $0x0  }
0xa8: {  	s5 =	sshll.u32 s28, $0x1;
	[dreg:$0x2] =	wrdreg s3  }
0xa9: {  	[dreg:$0x3] =	wrdreg s5  }
0xaa: {  	[dreg:$0x4] =	wrdreg $0xC0  }
0xab: {  	_ =	task [dreg:s7], $0x5FFFF  }
0xac: {  	[dreg:$0x1] =	wrdreg $0xFFFFFFFF  }
0xad: {  	[dreg:$0x0] =	wrdreg $0x60  }
0xae: {  	[dreg:$0x2] =	wrdreg s24  }
0xaf: {  	[dreg:$0x3] =	wrdreg s2  }
0xb0: {  	[dreg:$0x4] =	wrdreg $0x0  }
0xb1: {  	[dreg:$0x5] =	wrdreg $0x9  }
0xb2: {  	_ =	task.clear_ibuf [dreg:s7], $0x6FFFF;
	_ =	strace $0x90000046  }
0xb3: {  	s29 =	simm.s32 $0x9;
	_ =	strace $0x80000048  }
0xb4: {  	_ =	swait.ge [sflag:s29], $0x1  }
0xb5: {  	[sflag:s29] =	ssyncadd.s32 $0xFFFFFFFF  }
0xb6: {  	_ =	strace $0x90000048  }
0xb7: {  	_ =	sfence  }
0xb8: {  	s30 =	sld [smem:$0x0];
	_ =	sdelay $0x2  }
0xb9: {  	s31 =	sshll.u32 s1, $0xD;
	s1 =	sshrl.u32 s1, $0x2  }
0xba: {  	s3 =	sand.u32 $0x4000, s31;
	s1 =	sadd.s32 s1, s30  }
0xbb: {  	s0 =	sor.u32 s3, s0;
	s1 =	sshll.u32 s1, $0x11  }
0xbc: {  	s0 =	sor.u32 s1, s0  }
0xbd: {  	s0 =	sadd.s32 $0x8F2B, s0  }
0xbe: {  	[sflag:s0] =	ssyncadd.remote.s32 $0x1  }
0xbf: {  	_ =	sfence.sel $0xFFFF  }
0xc0: {  	[dreg:$0x0] =	wrdreg $0xFFFFFFFF;
	(pc) =	sbr.abs _section_cstart, $3  }
0xc1: {  	[dreg:$0x1] =	wrdreg $0xFFFFFFFF  }
0xc2: {  	_ =	task.clear_ibuf [dreg:s7], $0x2FFFF;
	_ =	strace $0x9FFFFFFF  }
0xc3: {  	(tm) =	ssettm $0x7FFFFFFF  }
tec
execute0_lowered:
.L_overlay_start_1:
0x0: {  	(tag) =	ssettag $0x1  }
0x1: {  	s0 =	srdreg.scid  }
0x2: {  	s22 =	stileid.u32;
	s2 =	rddreg [dreg:$0x0]  }
0x3: {  	s3 =	rddreg [dreg:$0x1];
	s1 =	sand.u32 $0x1, s0;
	s4 =	smul.u32 $0x1F4, s22  }
0x4: {  	s11 =	simm.s32 $0x0;
	s5 =	sor.u32 $0x10, s22;
	s0 =	smul.u32 $0xC350, s1  }
0x5: {  	s31 =	simm.s32 $0x1F4C8;
	s9 =	sor.u32 $0x30, s22;
	s8 =	smul.u32 $0x1F4, s5  }
0x6: {  	[smem:$0x7FF] =	sst s11;
	s14 =	sor.u32 $0x40, s22;
	s24 =	smul.u32 $0x1F4, s9  }
0x7: {  	s13 =	sadd.s32 $0x9FA00, s2;
	s16 =	sor.u32 $0x50, s22;
	s17 =	smul.u32 $0x1F4, s14  }
0x8: {  	s19 =	sor.u32 $0x60, s22;
	s21 =	sshll.u32 s22, $0x2;
	s20 =	smul.u32 $0x1F4, s16  }
0x9: {  	p1 =	sgt.u32 s22, $0x7;
	s29 =	sadd.s32 $0x9F000, s2;
	s25 =	smul.u32 $0x1F4, s19  }
0xa: {  	s6 =	sadd.s32 s0, s4;
	s11 =	sadd.s32 s0, s24;
	s24 =	smul.u32 $0x13880, s5  }
0xb: {  	s30 =	ssub.s32 $0x61A8, s22;
	s8 =	sadd.s32 s0, s8;
	s7 =	smul.u32 $0x5, s6  }
0xc: {  	s15 =	ssub.s32 $0x2, s1;
	p0 =	sgt.u32 s19, $0x63;
	s12 =	smul.u32 $0x5, s8  }
0xd: {  	s18 =	sshrl.u32 s15, $0x1;
	s17 =	sadd.s32 s0, s17;
	s11 =	smul.u32 $0x5, s11  }
0xe: {  	s4 =	rddreg [dreg:$0x2];
	s20 =	sadd.s32 s0, s20;
	s17 =	smul.u32 $0x5, s17  }
0xf: {  	s15 =	ssub.s32 s15, s18;
	s18 =	sadd.s32 s0, s25;
	s20 =	smul.u32 $0x5, s20  }
0x10: {  	s6 =	sor.u32 $0x20, s22;
	s8 =	sadd.s32 $0x86600, s2;
	s28 =	smul.u32 $0x5, s18  }
0x11: {  	_ =	strace $0x80000047;
	s10 =	smul.u32 $0x1F4, s6;
	s23 =	sadd.s32 s8, s21  }
0x12: {  	s25 =	smul.u32 $0x13880, s6;
	[dreg:$0x4] =	wrdreg s23;
	s7 =	sadd.s32 s13, s7  }
0x13: {  	s26 =	sadd.s32 s13, s12;
	s12 =	sadd.s32 s13, s11;
	[dreg:$0x5] =	wrdreg s7  }
0x14: {  	s17 =	sadd.s32 s13, s17;
	s18 =	sadd.s32 s13, s20;
	[dreg:$0x6] =	wrdreg s26  }
0x15: {  	s20 =	smul.u32 $0x13880, s22;
	s23 =	sadd.s32 s3, s21;
	[dreg:$0x8] =	wrdreg s12  }
0x16: {  	s11 =	sshrl.u32 s24, $0x2;
	s10 =	sadd.s32 s0, s10;
	[dreg:$0x9] =	wrdreg s17  }
0x17: {  	[dreg:$0xa] =	wrdreg s18;
	s7 =	sadd.s32 s13, s28;
	s28 =	smul.u32 $0x13880, s9  }
0x18: {  	[dreg:$0xc] =	wrdreg s23;
	s26 =	smax.u32 s15, $0x1;
	s15 =	smul.u32 $0x13880, s14  }
0x19: {  	v3 =	vmov s0;
	s9 =	sadd.s32 s11, s4;
	s18 =	smul.u32 $0x13880, s16;
	s0 =	simm.s32 $0x1F9C8  }
0x1a: {  	s12 =	simm.s32 $0x1E8C8;
	s14 =	simm.s32 $0x1EDC8;
	[dreg:$0xb] =	wrdreg s7  }
0x1b: {  	s16 =	simm.s32 $0x1E8A8;
	s10 =	smul.u32 $0x5, s10;
	[dreg:$0xd] =	wrdreg s26  }
0x1c: {  	s7 =	sshrl.u32 s20, $0x2;
	[dreg:$0xf] =	wrdreg s9;
	s20 =	smul.u32 $0x13880, s19  }
0x1d: {  	s7 =	sadd.s32 s7, s4;
	s21 =	sshrl.u32 s15, $0x2;
	s9 =	sshrl.u32 s18, $0x2  }
0x1e: {  	s15 =	simm.s32 $0x1F3C8;
	s10 =	sadd.s32 s13, s10;
	[dreg:$0xe] =	wrdreg s7  }
0x1f: {  	v0 =	vlaneseq.u32;
	s13 =	sshrl.u32 s25, $0x2;
	s7 =	sshrl.u32 s28, $0x2;
	s11 =	sshrl.u32 s20, $0x2  }
0x20: {  	v14 =	vmul.u32 $0x28, v0;
	s25 =	sadd.s32 s9, s4;
	s28 =	sadd.s32 $0x9EE00, s2;
	[dreg:$0x7] =	wrdreg s10  }
0x21: {  	s10 =	sshll.u32 s1, $0x2;
	s1 =	sshllo.u32 s1, $0x2;
	s17 =	sadd.s32 s13, s4  }
0x22: {  	v7 =	vimm.f32 $0.0e+00;
	v6 =	vadd.s32 $0x24, v14;
	s7 =	sadd.s32 s7, s4;
	[dreg:$0x13] =	wrdreg s25;
	s26 =	sadd.s32 s11, s4  }
.Ltmp0:
0x23: {  	v8 =	vadd.s32 $0x25, v14;
	v9 =	vadd.s32 $0x26, v14;
	v10 =	vadd.s32 $0x27, v14;
	[dreg:$0x15] =	wrdreg s28;
	s11 =	simm.s32 $0x20;
	(pc) =	sbr.rel .LBB2_1-.Ltmp0, $4  }
0x24: {  	v11 =	vadd.s32 $0x2A4, v14;
	v12 =	vadd.s32 $0x2A5, v14;
	v13 =	vadd.s32 $0x2A6, v14;
	s13 =	simm.s32 $0x1F2C8;
	[dreg:$0x10] =	wrdreg s17;
	s23 =	sor.u32 $0x1, s10  }
0x25: {  	[dreg:$0x11] =	wrdreg s7;
	s24 =	sor.u32 $0x2, s10;
	v1 =	vmov s10;
	s7 =	sadd.s32 s21, s4;
	v5 =	vmov s1;
	v2 =	vmov s23  }
0x26: {  	[dreg:$0x14] =	wrdreg s26;
	s26 =	sadd.s32 $0x7A200, s2;
	s1 =	simm.s32 $0x7;
	v4 =	vmov s24;
	v1 =	vbroadcast v1, $0x0;
	v5 =	vbroadcast v5, $0x0  }
0x27: {  	v14 =	vadd.s32 $0x2A7, v14;
	s10 =	simm.s32 $0x1E888;
	s17 =	simm.s32 $0x0;
	[dreg:$0x12] =	wrdreg s7;
	v2 =	vbroadcast v2, $0x0;
	v4 =	vbroadcast v4, $0x0  }
.LBB2_11:
0x28: {  	s7 =	simm.s32 @!p1 $0x5  }
0x29: {  	_ =	swait.ge @!p1 [sflag:s7], $0x500  }
0x2a: {  	[sflag:s7] =	ssyncset.done @!p1 $0x0  }
0x2b: {  	[sflag:s7] =	ssyncadd.s32 @!p1 $0xFFFFFB00  }
0x2c: {  	[bflag:$0x0] =	sbarrier.arrive $0xFFFF  }
0x2d: {  	s21 =	rddreg [dreg:$0x5]  }
0x2e: {  	s9 =	rddreg [dreg:$0x16]  }
0x2f: {  	[hbm:s21], [sflag:s18] =	dma.local [spmem:s9], $0x9C4  }
0x30: {  	_ =	swait.ge [sflag:s1], $0x9C4  }
0x31: {  	[sflag:s1] =	ssyncset.done $0x0;
	s22 =	rddreg [dreg:$0x6]  }
0x32: {  	s28 =	rddreg [dreg:$0x17];
	[sflag:s1] =	ssyncadd.s32 $0xFFFFF63C  }
0x33: {  	[hbm:s22], [sflag:s18] =	dma.local [spmem:s28], $0x9C4  }
0x34: {  	_ =	swait.ge [sflag:s1], $0x9C4  }
0x35: {  	[sflag:s1] =	ssyncset.done $0x0;
	s9 =	rddreg [dreg:$0x7]  }
0x36: {  	s19 =	rddreg [dreg:$0x18];
	[sflag:s1] =	ssyncadd.s32 $0xFFFFF63C  }
0x37: {  	[hbm:s9], [sflag:s18] =	dma.local [spmem:s19], $0x9C4  }
0x38: {  	_ =	swait.ge [sflag:s1], $0x9C4  }
0x39: {  	[sflag:s1] =	ssyncset.done $0x0;
	s20 =	rddreg [dreg:$0x8]  }
0x3a: {  	s21 =	rddreg [dreg:$0x19];
	[sflag:s1] =	ssyncadd.s32 $0xFFFFF63C  }
0x3b: {  	[hbm:s20], [sflag:s18] =	dma.local [spmem:s21], $0x9C4  }
0x3c: {  	_ =	swait.ge [sflag:s1], $0x9C4  }
0x3d: {  	[sflag:s1] =	ssyncset.done $0x0  }
0x3e: {  	s22 =	rddreg [dreg:$0x9];
	[sflag:s1] =	ssyncadd.s32 $0xFFFFF63C  }
0x3f: {  	[hbm:s22], [sflag:s18] =	dma.local [spmem:s23], $0x9C4  }
0x40: {  	_ =	swait.ge [sflag:s1], $0x9C4  }
0x41: {  	[sflag:s1] =	ssyncset.done $0x0  }
0x42: {  	s23 =	rddreg [dreg:$0xa];
	[sflag:s1] =	ssyncadd.s32 $0xFFFFF63C  }
0x43: {  	[hbm:s23], [sflag:s18] =	dma.local [spmem:s24], $0x9C4  }
0x44: {  	_ =	swait.ge [sflag:s1], $0x9C4  }
0x45: {  	[sflag:s1] =	ssyncset.done $0x0  }
0x46: {  	s7 =	rddreg [dreg:$0xb];
	[sflag:s1] =	ssyncadd.s32 $0xFFFFF63C  }
0x47: {  	[hbm:s7], [sflag:s18] =	dma.local @!p0 [spmem:s25], $0x9C4  }
0x48: {  	s7 =	simm.s32 @!p0 $0x7  }
0x49: {  	_ =	swait.ge @!p0 [sflag:s7], $0x9C4  }
0x4a: {  	s17 =	sadd.s32 $0x1, s17;
	s28 =	rddreg [dreg:$0xd]  }
0x4b: {  	p2 =	sne.s32 s17, s28  }
.Ltmp1:
0x4c: {  	_ = 	snop;
	(pc) =	sbr.rel @!p2 .LBB2_12-.Ltmp1, $3  }
0x4d: {  	_ =	sdelay $0x1  }
0x4e: {  	[sflag:s7] =	ssyncset.done @!p0 $0x0  }
0x4f: {  	[sflag:s7] =	ssyncadd.s32 @!p0 $0xFFFFF63C  }
.LBB2_1:
0x50: {  	s9 =	simm.s32 $0x0;
	s7 =	rddreg [dreg:$0x15];
	s18 =	simm.s32 $0x1FEC8  }
0x51: {  	[tilespmem:s18], [sflag:$0x7] =	stream.linear.gather [hbm4b:s7+s9], $0x10, $0x38;
	[tilespmem:$0x1FED8] =	vst v63  }
0x52: {  	_ =	swait.ge [sflag:s1], $0x10  }
0x53: {  	[sflag:s1] =	ssyncset.done $0x0  }
0x54: {  	[sflag:s1] =	ssyncadd.s32 $0xFFFFFFF0  }
0x55: {  	v15 =	vld [tilespmem:$0x1FEC8];
	[tilespmem:v6+s31+$0x0] =	vst.idx.msk $0xffff, v7  }
0x56: {  	[tilespmem:v8+s31+$0x0] =	vst.idx.msk $0xffff, v7  }
0x57: {  	[tilespmem:v9+s31+$0x0] =	vst.idx.msk $0xffff, v7  }
0x58: {  	[tilespmem:v10+s31+$0x0] =	vst.idx.msk $0xffff, v7  }
0x59: {  	[tilespmem:v11+s31+$0x0] =	vst.idx.msk $0xffff, v7  }
0x5a: {  	[tilespmem:v12+s31+$0x0] =	vst.idx.msk $0xffff, v7  }
0x5b: {  	[tilespmem:v13+s31+$0x0] =	vst.idx.msk $0xffff, v7  }
0x5c: {  	[tilespmem:v14+s31+$0x0] =	vst.idx.msk $0xffff, v7  }
0x5d: {  	[tilespmem:v6+s0+$0x0] =	vst.idx.msk $0xffff, v7  }
0x5e: {  	[tilespmem:v8+s0+$0x0] =	vst.idx.msk $0xffff, v7  }
0x5f: {  	[tilespmem:v9+s0+$0x0] =	vst.idx.msk $0xffff, v7  }
0x60: {  	[tilespmem:v10+s0+$0x0] =	vst.idx.msk $0xffff, v7  }
0x61: {  	s21 =	stileid.u32;
	[tilespmem:v11+s0+$0x0] =	vst.idx.msk $0xffff, v7  }
0x62: {  	s7 =	sshll.u32 s21, $0x6;
	s22 =	rddreg [dreg:$0xe];
	[tilespmem:v12+s0+$0x0] =	vst.idx.msk $0xffff, v7  }
0x63: {  	s18 =	sor.u32 $0x1C07, s7;
	s7 =	sshrl.u32 s22, $0x3;
	[tilespmem:v13+s0+$0x0] =	vst.idx.msk $0xffff, v7  }
0x64: {  	[dreg:$0x16] =	wrdreg s7;
	[tilespmem:v14+s0+$0x0] =	vst.idx.msk $0xffff, v7  }
0x65: {  	[spmem:s7], [sflag:s18] =	dma.local [hbm:s29], $0x9C4  }
0x66: {  	_ =	swait.ge [sflag:s1], $0x9C4  }
0x67: {  	s23 =	rddreg [dreg:$0xf]  }
0x68: {  	[sflag:s1] =	ssyncset.done $0x0;
	s7 =	sshrl.u32 s23, $0x3  }
0x69: {  	[sflag:s1] =	ssyncadd.s32 $0xFFFFF63C;
	[dreg:$0x17] =	wrdreg s7  }
0x6a: {  	[spmem:s7], [sflag:s18] =	dma.local [hbm:s29], $0x9C4  }
0x6b: {  	_ =	swait.ge [sflag:s1], $0x9C4  }
0x6c: {  	s24 =	rddreg [dreg:$0x10]  }
0x6d: {  	[sflag:s1] =	ssyncset.done $0x0;
	s7 =	sshrl.u32 s24, $0x3  }
0x6e: {  	[sflag:s1] =	ssyncadd.s32 $0xFFFFF63C;
	[dreg:$0x18] =	wrdreg s7  }
0x6f: {  	[spmem:s7], [sflag:s18] =	dma.local [hbm:s29], $0x9C4  }
0x70: {  	_ =	swait.ge [sflag:s1], $0x9C4  }
0x71: {  	s25 =	rddreg [dreg:$0x11]  }
0x72: {  	[sflag:s1] =	ssyncset.done $0x0;
	s7 =	sshrl.u32 s25, $0x3  }
0x73: {  	[sflag:s1] =	ssyncadd.s32 $0xFFFFF63C;
	[dreg:$0x19] =	wrdreg s7  }
0x74: {  	[spmem:s7], [sflag:s18] =	dma.local [hbm:s29], $0x9C4  }
0x75: {  	_ =	swait.ge [sflag:s1], $0x9C4  }
0x76: {  	[sflag:s1] =	ssyncset.done $0x0;
	s19 =	rddreg [dreg:$0x12]  }
0x77: {  	[sflag:s1] =	ssyncadd.s32 $0xFFFFF63C;
	s23 =	sshrl.u32 s19, $0x3  }
0x78: {  	[spmem:s23], [sflag:s18] =	dma.local [hbm:s29], $0x9C4  }
0x79: {  	_ =	swait.ge [sflag:s1], $0x9C4  }
0x7a: {  	[sflag:s1] =	ssyncset.done $0x0;
	s20 =	rddreg [dreg:$0x13]  }
0x7b: {  	[sflag:s1] =	ssyncadd.s32 $0xFFFFF63C;
	s24 =	sshrl.u32 s20, $0x3  }
0x7c: {  	[spmem:s24], [sflag:s18] =	dma.local [hbm:s29], $0x9C4  }
0x7d: {  	_ =	swait.ge [sflag:s1], $0x9C4  }
0x7e: {  	[sflag:s1] =	ssyncset.done $0x0;
	s7 =	rddreg [dreg:$0x14]  }
0x7f: {  	[sflag:s1] =	ssyncadd.s32 $0xFFFFF63C;
	s25 =	sshrl.u32 @!p0 s7, $0x3;
	s7 =	simm.s32 @!p0 $0x7  }
0x80: {  	[spmem:s25], [sflag:s18] =	dma.local @!p0 [hbm:s29], $0x9C4  }
0x81: {  	_ =	swait.ge @!p0 [sflag:s7], $0x9C4  }
0x82: {  	[sflag:s7] =	ssyncset.done @!p0 $0x0  }
0x83: {  	[sflag:s7] =	ssyncadd.s32 @!p0 $0xFFFFF63C  }
0x84: {  	[bflag:$0x0] =	sbarrier.arrive $0xFFFF  }
0x85: {  	s19 =	simm.s32 $0x1E848;
	s21 =	rddreg [dreg:$0x4]  }
0x86: {  	[tilespmem:s19], [sflag:$0x7] =	stream.linear.gather [hbm4b:s21+s9], $0x20, $0x38;
	[tilespmem:$0x1FED8] =	vst v63  }
0x87: {  	_ =	swait.ge [sflag:s1], $0x20  }
0x88: {  	[sflag:s1] =	ssyncset.done $0x0  }
0x89: {  	s22 =	rddreg [dreg:$0xc];
	[sflag:s1] =	ssyncadd.s32 $0xFFFFFFE0  }
0x8a: {  	[tilespmem:s10], [sflag:$0x7] =	stream.linear.gather [hbm4b:s22+s9], $0x20, $0x38;
	[tilespmem:$0x1FED8] =	vst v63  }
0x8b: {  	_ =	swait.ge [sflag:s1], $0x20  }
0x8c: {  	[sflag:s1] =	ssyncset.done $0x0  }
0x8d: {  	[sflag:s1] =	ssyncadd.s32 $0xFFFFFFE0  }
0x8e: {  	v16 =	vld [tilespmem:$0x1E848]  }
0x8f: {  	v17 =	vld [tilespmem:$0x1E858];
	_ =	sdelay $0x3  }
0x90: {  	v16 =	vadd.s32 v3, v16  }
.Ltmp2:
0x91: {  	[tilespmem:$0x1E848] =	vst v16;
	v16 =	vadd.s32 v3, v17;
	(pc) =	sbr.rel .LBB2_2-.Ltmp2, $4  }
0x92: {  	[tilespmem:$0x1E858] =	vst v16  }
0x93: {  	[tilespmem:s12], [sflag:$0x1] =	stream.indirect.gather [hbm4b:s2+s11], $0x28, s19, s11, $0xb8;
	[tilespmem:$0x1FED8] =	vst v63  }
0x94: {  	s28 =	simm.s32 $0x0  }
0x95: {  	[tilespmem:s13], [sflag:$0x3] =	stream.indirect.gather [hbm4b:s26+s11], $0x8, s10, s11, $0xb8;
	[tilespmem:$0x1FED8] =	vst v63  }
.LBB2_10:
0x96: {  	s28 =	sadd.s32 $0x1, s28  }
0x97: {  	p2 =	sne.s32 s28, $0x30E  }
.Ltmp3:
0x98: {  	_ = 	snop;
	(pc) =	sbr.rel @!p2 .LBB2_11-.Ltmp3, $1  }
0x99: {  	_ =	sdelay $0x3  }
.LBB2_2:
0x9a: {  	s9 =	sshll.u32 s28, $0x5  }
0x9b: {  	s7 =	sor.u32 s5, s9  }
0x9c: {  	p2 =	sgt.u32 s7, $0x61A7  }
0x9d: {  	s7 =	sshll.u32 @!p2 s7, $0x2  }
0x9e: {  	s20 =	simm.s32 @!p2 $0x0;
	s21 =	simm.s32 @!p2 $0x1E868;
	s19 =	sadd.s32 @!p2 s8, s7  }
0x9f: {  	[tilespmem:s21], [sflag:$0x7] =	stream.linear.gather @!p2 [hbm4b:s19+s20], $0x20, $0x38;
	[tilespmem:$0x1FED8] =	vst v63  }
0xa0: {  	s19 =	simm.s32 @!p2 $0x7  }
0xa1: {  	_ =	swait.ge @!p2 [sflag:s19], $0x20  }
0xa2: {  	[sflag:s19] =	ssyncset.done @!p2 $0x0  }
0xa3: {  	s22 =	simm.s32 @!p2 $0x1E8A8;
	s7 =	sadd.s32 @!p2 s3, s7;
	[sflag:s19] =	ssyncadd.s32 @!p2 $0xFFFFFFE0  }
0xa4: {  	[tilespmem:s22], [sflag:$0x7] =	stream.linear.gather @!p2 [hbm4b:s7+s20], $0x20, $0x38;
	[tilespmem:$0x1FED8] =	vst v63  }
0xa5: {  	_ =	swait.ge @!p2 [sflag:s19], $0x20  }
0xa6: {  	[sflag:s19] =	ssyncset.done @!p2 $0x0  }
0xa7: {  	[sflag:s19] =	ssyncadd.s32 @!p2 $0xFFFFFFE0  }
0xa8: {  	v16 =	vld @!p2 [tilespmem:$0x1E868]  }
0xa9: {  	v17 =	vld @!p2 [tilespmem:$0x1E878];
	_ =	sdelay $0x3  }
0xaa: {  	v16 =	vadd.s32 @!p2 v3, v16  }
0xab: {  	[tilespmem:$0x1E868] =	vst @!p2 v16;
	v16 =	vadd.s32 @!p2 v3, v17  }
0xac: {  	s7 =	simm.s32 @!p2 $0x20;
	s19 =	simm.s32 @!p2 $0x1EDC8;
	[tilespmem:$0x1E878] =	vst @!p2 v16  }
0xad: {  	[tilespmem:s19], [sflag:$0x2] =	stream.indirect.gather @!p2 [hbm4b:s2+s7], $0x28, s21, s7, $0xb8;
	[tilespmem:$0x1FED8] =	vst v63  }
0xae: {  	p4 =	sge.u32 s9, s30;
	s19 =	simm.s32 @!p2 $0x1F3C8  }
0xaf: {  	[tilespmem:s19], [sflag:$0x4] =	stream.indirect.gather @!p2 [hbm4b:s26+s7], $0x8, s22, s7, $0xb8;
	[tilespmem:$0x1FED8] =	vst v63  }
0xb0: {  	s7 =	simm.s32 @!p4 $0x1  }
0xb1: {  	_ =	swait.ge @!p4 [sflag:s7], $0x500  }
0xb2: {  	[sflag:s7] =	ssyncset.done @!p4 $0x0  }
0xb3: {  	[sflag:s7] =	ssyncadd.s32 @!p4 $0xFFFFFB00;
	s7 =	simm.s32 @!p4 $0x3  }
0xb4: {  	_ =	swait.ge @!p4 [sflag:s7], $0x100  }
.Ltmp4:
0xb5: {  	p3 =	seq.s32 s28, $0x0;
	[sflag:s7] =	ssyncset.done @!p4 $0x0;
	(pc) =	sbr.rel @p4 .LBB2_6-.Ltmp4, $4  }
0xb6: {  	[sflag:s7] =	ssyncadd.s32 @!p4 $0xFFFFFF00;
	s7 =	simm.s32 @!p3 $0x5  }
0xb7: {  	_ =	swait.ge @!p3 [sflag:s7], $0x500  }
0xb8: {  	[sflag:s7] =	ssyncset.done @!p3 $0x0  }
0xb9: {  	[sflag:s7] =	ssyncadd.s32 @!p3 $0xFFFFFB00  }
0xba: {  	s7 =	simm.s32 $0x0;
	p4 =	por $0x1, $0x1  }
.LBB2_4:
0xbb: {  	v17 =	vor.u32 s7, v0  }
0xbc: {  	v16 =	vmul.u32 $0x28, v17;
	v17 =	vshll.u32 v17, $0x3  }
0xbd: {  	v19 =	vor.u32 v1, v17  }
0xbe: {  	v18 =	vadd.s32 $0x20, v16;
	_ =	sdelay $0x3  }
0xbf: {  	v19 =	vld.idx.msk [tilespmem:v19+s13+$0x0], $0xffff  }
0xc0: {  	v20 =	vld.idx.msk [tilespmem:v18+s12+$0x0], $0xffff;
	_ =	sdelay $0x4  }
0xc1: {  	v19 =	vadd.f32 v19, v20;
	_ =	sdelay $0x1  }
0xc2: {  	v20 =	vmul.f32 $2.000000030e-01, v19  }
0xc3: {  	vm0 =	vge.f32 v19, $0.0e+00  }
0xc4: {  	v19 =	vsel vm0, v19, v20  }
0xc5: {  	v19 =	vsub.f32 v19, v15;
	_ =	sdelay $0x1  }
0xc6: {  	v19 =	vmul.f32 $1.442695020e+00, v19;
	_ =	sdelay $0x1  }
0xc7: {  	(erf) = vpow2.f32 v19;
	_ =	sdelay $0x8  }
0xc8: {  	v19 =	vpop (erf)  }
0xc9: {  	[tilespmem:v18+s31+$0x0] =	vst.idx.msk $0xffff, v19  }
0xca: {  	v18 =	vld.idx.msk [tilespmem:v16+s12+$0x0], $0xffff;
	_ =	sdelay $0x2  }
0xcb: {  	v26 =	vor.u32 $0x1, v16;
	_ =	sdelay $0x1  }
0xcc: {  	v18 =	vmul.f32 v19, v18;
	_ =	sdelay $0x1  }
0xcd: {  	[tilespmem:v16+s31+$0x0] =	vst.idx.msk $0xffff, v18  }
0xce: {  	v18 =	vld.idx.msk [tilespmem:v26+s12+$0x0], $0xffff;
	_ =	sdelay $0x2  }
0xcf: {  	v21 =	vor.u32 $0x2, v16;
	_ =	sdelay $0x1  }
0xd0: {  	v18 =	vmul.f32 v19, v18;
	_ =	sdelay $0x1  }
0xd1: {  	[tilespmem:v26+s31+$0x0] =	vst.idx.msk $0xffff, v18  }
0xd2: {  	v18 =	vld.idx.msk [tilespmem:v21+s12+$0x0], $0xffff;
	_ =	sdelay $0x2  }
0xd3: {  	v27 =	vor.u32 $0x3, v16;
	_ =	sdelay $0x1  }
0xd4: {  	v18 =	vmul.f32 v19, v18;
	_ =	sdelay $0x1  }
0xd5: {  	[tilespmem:v21+s31+$0x0] =	vst.idx.msk $0xffff, v18  }
0xd6: {  	v18 =	vld.idx.msk [tilespmem:v27+s12+$0x0], $0xffff;
	_ =	sdelay $0x2  }
0xd7: {  	v28 =	vor.u32 $0x4, v16;
	_ =	sdelay $0x1  }
0xd8: {  	v18 =	vmul.f32 v18, v19;
	_ =	sdelay $0x1  }
0xd9: {  	[tilespmem:v27+s31+$0x0] =	vst.idx.msk $0xffff, v18  }
0xda: {  	v18 =	vld.idx.msk [tilespmem:v28+s12+$0x0], $0xffff;
	_ =	sdelay $0x2  }
0xdb: {  	v29 =	vor.u32 $0x5, v16;
	_ =	sdelay $0x1  }
0xdc: {  	v18 =	vmul.f32 v18, v19;
	_ =	sdelay $0x1  }
0xdd: {  	[tilespmem:v28+s31+$0x0] =	vst.idx.msk $0xffff, v18  }
0xde: {  	v18 =	vld.idx.msk [tilespmem:v29+s12+$0x0], $0xffff;
	_ =	sdelay $0x2  }
0xdf: {  	v30 =	vor.u32 $0x6, v16;
	_ =	sdelay $0x1  }
0xe0: {  	v18 =	vmul.f32 v18, v19;
	_ =	sdelay $0x1  }
0xe1: {  	[tilespmem:v29+s31+$0x0] =	vst.idx.msk $0xffff, v18  }
0xe2: {  	v18 =	vld.idx.msk [tilespmem:v30+s12+$0x0], $0xffff;
	_ =	sdelay $0x2  }
0xe3: {  	v31 =	vor.u32 $0x7, v16;
	_ =	sdelay $0x1  }
0xe4: {  	v18 =	vmul.f32 v18, v19;
	_ =	sdelay $0x1  }
0xe5: {  	[tilespmem:v30+s31+$0x0] =	vst.idx.msk $0xffff, v18  }
0xe6: {  	v18 =	vld.idx.msk [tilespmem:v31+s12+$0x0], $0xffff;
	_ =	sdelay $0x2  }
0xe7: {  	v32 =	vadd.s32 $0x21, v16  }
0xe8: {  	v22 =	vor.u32 v2, v17  }
0xe9: {  	v18 =	vmul.f32 v18, v19;
	_ =	sdelay $0x1  }
0xea: {  	[tilespmem:v31+s31+$0x0] =	vst.idx.msk $0xffff, v18  }
0xeb: {  	v18 =	vld.idx.msk [tilespmem:v32+s12+$0x0], $0xffff  }
0xec: {  	v33 =	vld.idx.msk [tilespmem:v22+s13+$0x0], $0xffff;
	_ =	sdelay $0x4  }
0xed: {  	v18 =	vadd.f32 v33, v18;
	_ =	sdelay $0x1  }
0xee: {  	v19 =	vmul.f32 $2.000000030e-01, v18  }
0xef: {  	vm13 =	vge.f32 v18, $0.0e+00  }
0xf0: {  	v18 =	vsel vm13, v18, v19  }
0xf1: {  	v18 =	vsub.f32 v18, v15;
	_ =	sdelay $0x1  }
0xf2: {  	v18 =	vmul.f32 $1.442695020e+00, v18;
	_ =	sdelay $0x1  }
0xf3: {  	(erf) = vpow2.f32 v18;
	_ =	sdelay $0x5  }
0xf4: {  	v34 =	vadd.s32 $0x8, v16;
	_ =	sdelay $0x2  }
0xf5: {  	v35 =	vpop (erf)  }
0xf6: {  	[tilespmem:v32+s31+$0x0] =	vst.idx.msk $0xffff, v35  }
0xf7: {  	v20 =	vld.idx.msk [tilespmem:v34+s12+$0x0], $0xffff;
	_ =	sdelay $0x2  }
0xf8: {  	v36 =	vadd.s32 $0x9, v16;
	_ =	sdelay $0x1  }
0xf9: {  	v20 =	vmul.f32 v35, v20;
	_ =	sdelay $0x1  }
0xfa: {  	[tilespmem:v34+s31+$0x0] =	vst.idx.msk $0xffff, v20  }
0xfb: {  	v18 =	vld.idx.msk [tilespmem:v36+s12+$0x0], $0xffff;
	_ =	sdelay $0x2  }
0xfc: {  	v37 =	vadd.s32 $0xA, v16;
	_ =	sdelay $0x1  }
0xfd: {  	v18 =	vmul.f32 v35, v18;
	_ =	sdelay $0x1  }
0xfe: {  	[tilespmem:v36+s31+$0x0] =	vst.idx.msk $0xffff, v18  }
0xff: {  	v18 =	vld.idx.msk [tilespmem:v37+s12+$0x0], $0xffff;
	_ =	sdelay $0x2  }
0x100: {  	v38 =	vadd.s32 $0xB, v16;
	_ =	sdelay $0x1  }
0x101: {  	v18 =	vmul.f32 v35, v18;
	_ =	sdelay $0x1  }
0x102: {  	[tilespmem:v37+s31+$0x0] =	vst.idx.msk $0xffff, v18  }
0x103: {  	v18 =	vld.idx.msk [tilespmem:v38+s12+$0x0], $0xffff;
	_ =	sdelay $0x2  }
0x104: {  	v39 =	vadd.s32 $0xC, v16;
	_ =	sdelay $0x1  }
0x105: {  	v18 =	vmul.f32 v18, v35;
	_ =	sdelay $0x1  }
0x106: {  	[tilespmem:v38+s31+$0x0] =	vst.idx.msk $0xffff, v18  }
0x107: {  	v18 =	vld.idx.msk [tilespmem:v39+s12+$0x0], $0xffff;
	_ =	sdelay $0x2  }
0x108: {  	v40 =	vadd.s32 $0xD, v16;
	_ =	sdelay $0x1  }
0x109: {  	v18 =	vmul.f32 v18, v35;
	_ =	sdelay $0x1  }
0x10a: {  	[tilespmem:v39+s31+$0x0] =	vst.idx.msk $0xffff, v18  }
0x10b: {  	v18 =	vld.idx.msk [tilespmem:v40+s12+$0x0], $0xffff;
	_ =	sdelay $0x2  }
0x10c: {  	v41 =	vadd.s32 $0xE, v16;
	_ =	sdelay $0x1  }
0x10d: {  	v18 =	vmul.f32 v18, v35;
	_ =	sdelay $0x1  }
0x10e: {  	[tilespmem:v40+s31+$0x0] =	vst.idx.msk $0xffff, v18  }
0x10f: {  	v18 =	vld.idx.msk [tilespmem:v41+s12+$0x0], $0xffff;
	_ =	sdelay $0x2  }
0x110: {  	v42 =	vadd.s32 $0xF, v16;
	_ =	sdelay $0x1  }
0x111: {  	v18 =	vmul.f32 v18, v35;
	_ =	sdelay $0x1  }
0x112: {  	[tilespmem:v41+s31+$0x0] =	vst.idx.msk $0xffff, v18  }
0x113: {  	v18 =	vld.idx.msk [tilespmem:v42+s12+$0x0], $0xffff;
	_ =	sdelay $0x2  }
0x114: {  	v43 =	vadd.s32 $0x22, v16  }
0x115: {  	v44 =	vor.u32 v4, v17  }
0x116: {  	v18 =	vmul.f32 v18, v35;
	_ =	sdelay $0x1  }
0x117: {  	[tilespmem:v42+s31+$0x0] =	vst.idx.msk $0xffff, v18  }
0x118: {  	v18 =	vld.idx.msk [tilespmem:v43+s12+$0x0], $0xffff  }
0x119: {  	v45 =	vld.idx.msk [tilespmem:v44+s13+$0x0], $0xffff;
	_ =	sdelay $0x4  }
0x11a: {  	v18 =	vadd.f32 v45, v18;
	_ =	sdelay $0x1  }
0x11b: {  	v19 =	vmul.f32 $2.000000030e-01, v18  }
0x11c: {  	vm14 =	vge.f32 v18, $0.0e+00  }
0x11d: {  	v18 =	vsel vm14, v18, v19  }
0x11e: {  	v18 =	vsub.f32 v18, v15;
	_ =	sdelay $0x1  }
0x11f: {  	v18 =	vmul.f32 $1.442695020e+00, v18;
	_ =	sdelay $0x1  }
0x120: {  	(erf) = vpow2.f32 v18;
	_ =	sdelay $0x5  }
0x121: {  	v46 =	vadd.s32 $0x10, v16;
	_ =	sdelay $0x2  }
0x122: {  	v47 =	vpop (erf)  }
0x123: {  	[tilespmem:v43+s31+$0x0] =	vst.idx.msk $0xffff, v47  }
0x124: {  	v20 =	vld.idx.msk [tilespmem:v46+s12+$0x0], $0xffff;
	_ =	sdelay $0x2  }
0x125: {  	v48 =	vadd.s32 $0x11, v16;
	_ =	sdelay $0x1  }
0x126: {  	v20 =	vmul.f32 v47, v20;
	_ =	sdelay $0x1  }
0x127: {  	[tilespmem:v46+s31+$0x0] =	vst.idx.msk $0xffff, v20  }
0x128: {  	v18 =	vld.idx.msk [tilespmem:v48+s12+$0x0], $0xffff;
	_ =	sdelay $0x2  }
0x129: {  	v49 =	vadd.s32 $0x12, v16;
	_ =	sdelay $0x1  }
0x12a: {  	v18 =	vmul.f32 v47, v18;
	_ =	sdelay $0x1  }
0x12b: {  	[tilespmem:v48+s31+$0x0] =	vst.idx.msk $0xffff, v18  }
0x12c: {  	v18 =	vld.idx.msk [tilespmem:v49+s12+$0x0], $0xffff;
	_ =	sdelay $0x2  }
0x12d: {  	v50 =	vadd.s32 $0x13, v16;
	_ =	sdelay $0x1  }
0x12e: {  	v18 =	vmul.f32 v47, v18;
	_ =	sdelay $0x1  }
0x12f: {  	[tilespmem:v49+s31+$0x0] =	vst.idx.msk $0xffff, v18  }
0x130: {  	v18 =	vld.idx.msk [tilespmem:v50+s12+$0x0], $0xffff;
	_ =	sdelay $0x2  }
0x131: {  	v51 =	vadd.s32 $0x14, v16;
	_ =	sdelay $0x1  }
0x132: {  	v18 =	vmul.f32 v18, v47;
	_ =	sdelay $0x1  }
0x133: {  	[tilespmem:v50+s31+$0x0] =	vst.idx.msk $0xffff, v18  }
0x134: {  	v18 =	vld.idx.msk [tilespmem:v51+s12+$0x0], $0xffff;
	_ =	sdelay $0x2  }
0x135: {  	v52 =	vadd.s32 $0x15, v16;
	_ =	sdelay $0x1  }
0x136: {  	v18 =	vmul.f32 v18, v47;
	_ =	sdelay $0x1  }
0x137: {  	[tilespmem:v51+s31+$0x0] =	vst.idx.msk $0xffff, v18  }
0x138: {  	v18 =	vld.idx.msk [tilespmem:v52+s12+$0x0], $0xffff;
	_ =	sdelay $0x2  }
0x139: {  	v53 =	vadd.s32 $0x16, v16;
	_ =	sdelay $0x1  }
0x13a: {  	v18 =	vmul.f32 v18, v47;
	_ =	sdelay $0x1  }
0x13b: {  	[tilespmem:v52+s31+$0x0] =	vst.idx.msk $0xffff, v18  }
0x13c: {  	v18 =	vld.idx.msk [tilespmem:v53+s12+$0x0], $0xffff;
	_ =	sdelay $0x2  }
0x13d: {  	v54 =	vadd.s32 $0x17, v16;
	_ =	sdelay $0x1  }
0x13e: {  	v18 =	vmul.f32 v18, v47;
	_ =	sdelay $0x1  }
0x13f: {  	[tilespmem:v53+s31+$0x0] =	vst.idx.msk $0xffff, v18  }
0x140: {  	v18 =	vld.idx.msk [tilespmem:v54+s12+$0x0], $0xffff;
	_ =	sdelay $0x2  }
0x141: {  	v55 =	vadd.s32 $0x23, v16  }
0x142: {  	v17 =	vor.u32 v5, v17  }
0x143: {  	v18 =	vmul.f32 v18, v47;
	_ =	sdelay $0x1  }
0x144: {  	[tilespmem:v54+s31+$0x0] =	vst.idx.msk $0xffff, v18  }
0x145: {  	v18 =	vld.idx.msk [tilespmem:v55+s12+$0x0], $0xffff  }
0x146: {  	v17 =	vld.idx.msk [tilespmem:v17+s13+$0x0], $0xffff;
	_ =	sdelay $0x4  }
0x147: {  	v17 =	vadd.f32 v17, v18;
	_ =	sdelay $0x1  }
0x148: {  	v18 =	vmul.f32 $2.000000030e-01, v17  }
0x149: {  	vm15 =	vge.f32 v17, $0.0e+00  }
0x14a: {  	v17 =	vsel vm15, v17, v18  }
0x14b: {  	v17 =	vsub.f32 v17, v15;
	_ =	sdelay $0x1  }
0x14c: {  	v17 =	vmul.f32 $1.442695020e+00, v17;
	_ =	sdelay $0x1  }
0x14d: {  	(erf) = vpow2.f32 v17;
	_ =	sdelay $0x5  }
0x14e: {  	v17 =	vadd.s32 $0x18, v16;
	_ =	sdelay $0x2  }
0x14f: {  	v56 =	vpop (erf)  }
0x150: {  	[tilespmem:v55+s31+$0x0] =	vst.idx.msk $0xffff, v56  }
0x151: {  	v57 =	vld.idx.msk [tilespmem:v17+s12+$0x0], $0xffff;
	_ =	sdelay $0x2  }
0x152: {  	v58 =	vadd.s32 $0x19, v16;
	_ =	sdelay $0x1  }
0x153: {  	v19 =	vmul.f32 v56, v57;
	_ =	sdelay $0x1  }
0x154: {  	[tilespmem:v17+s31+$0x0] =	vst.idx.msk $0xffff, v19  }
0x155: {  	v17 =	vld.idx.msk [tilespmem:v58+s12+$0x0], $0xffff;
	_ =	sdelay $0x2  }
0x156: {  	v59 =	vadd.s32 $0x1A, v16;
	_ =	sdelay $0x1  }
0x157: {  	v17 =	vmul.f32 v56, v17;
	_ =	sdelay $0x1  }
0x158: {  	[tilespmem:v58+s31+$0x0] =	vst.idx.msk $0xffff, v17  }
0x159: {  	v17 =	vld.idx.msk [tilespmem:v59+s12+$0x0], $0xffff;
	_ =	sdelay $0x2  }
0x15a: {  	v60 =	vadd.s32 $0x1B, v16;
	_ =	sdelay $0x1  }
0x15b: {  	v17 =	vmul.f32 v56, v17;
	_ =	sdelay $0x1  }
0x15c: {  	[tilespmem:v59+s31+$0x0] =	vst.idx.msk $0xffff, v17  }
0x15d: {  	v17 =	vld.idx.msk [tilespmem:v60+s12+$0x0], $0xffff;
	_ =	sdelay $0x2  }
0x15e: {  	v61 =	vadd.s32 $0x1C, v16;
	_ =	sdelay $0x1  }
0x15f: {  	v17 =	vmul.f32 v17, v56;
	_ =	sdelay $0x1  }
0x160: {  	[tilespmem:v60+s31+$0x0] =	vst.idx.msk $0xffff, v17  }
0x161: {  	v17 =	vld.idx.msk [tilespmem:v61+s12+$0x0], $0xffff;
	_ =	sdelay $0x2  }
0x162: {  	v62 =	vadd.s32 $0x1D, v16;
	_ =	sdelay $0x1  }
0x163: {  	v17 =	vmul.f32 v17, v56;
	_ =	sdelay $0x1  }
0x164: {  	[tilespmem:v61+s31+$0x0] =	vst.idx.msk $0xffff, v17  }
0x165: {  	v17 =	vld.idx.msk [tilespmem:v62+s12+$0x0], $0xffff;
	_ =	sdelay $0x2  }
0x166: {  	v63 =	vadd.s32 $0x1E, v16;
	_ =	sdelay $0x1  }
0x167: {  	v17 =	vmul.f32 v17, v56;
	_ =	sdelay $0x1  }
0x168: {  	[tilespmem:v62+s31+$0x0] =	vst.idx.msk $0xffff, v17  }
0x169: {  	v17 =	vld.idx.msk [tilespmem:v63+s12+$0x0], $0xffff;
	_ =	sdelay $0x2  }
0x16a: {  	v16 =	vadd.s32 $0x1F, v16;
	_ =	sdelay $0x1  }
0x16b: {  	v17 =	vmul.f32 v17, v56;
	_ =	sdelay $0x1  }
0x16c: {  	[tilespmem:v63+s31+$0x0] =	vst.idx.msk $0xffff, v17  }
0x16d: {  	v17 =	vld.idx.msk [tilespmem:v16+s12+$0x0], $0xffff;
	_ =	sdelay $0x1  }
0x16e: {  	p5 =	por p4, p4  }
.Ltmp5:
0x16f: {  	_ = 	snop;
	(pc) =	sbr.rel @p5 .LBB2_4-.Ltmp5, $3  }
0x170: {  	_ = 	snop  }
0x171: {  	v17 =	vmul.f32 v17, v56;
	_ =	sdelay $0x1  }
0x172: {  	s7 =	simm.s32 $0x10;
	p4 =	por $0x0, $0x0;
	[tilespmem:v16+s31+$0x0] =	vst.idx.msk $0xffff, v17  }
0x173: {  	[spmem:s4] =	stream.indirect.scatter.add.f32 [tilespmem:s31], [sflag:$0x5], $0x28, s10, s11, $0xb8;
	[tilespmem:$0x1FED8] =	vst v63  }
.LBB2_6:
0x174: {  	s7 =	sadd.s32 s6, s9  }
0x175: {  	p4 =	sgt.u32 s7, $0x61A7  }
0x176: {  	s7 =	sshll.u32 @!p4 s7, $0x2  }
0x177: {  	s19 =	simm.s32 @!p4 $0x0;
	s20 =	simm.s32 @!p4 $0x1E848;
	s9 =	sadd.s32 @!p4 s8, s7  }
0x178: {  	[tilespmem:s20], [sflag:$0x7] =	stream.linear.gather @!p4 [hbm4b:s9+s19], $0x20, $0x38;
	[tilespmem:$0x1FED8] =	vst v63  }
0x179: {  	s9 =	simm.s32 @!p4 $0x7  }
0x17a: {  	_ =	swait.ge @!p4 [sflag:s9], $0x20  }
0x17b: {  	[sflag:s9] =	ssyncset.done @!p4 $0x0  }
0x17c: {  	s21 =	simm.s32 @!p4 $0x1E888;
	s7 =	sadd.s32 @!p4 s3, s7;
	[sflag:s9] =	ssyncadd.s32 @!p4 $0xFFFFFFE0  }
0x17d: {  	[tilespmem:s21], [sflag:$0x7] =	stream.linear.gather @!p4 [hbm4b:s7+s19], $0x20, $0x38;
	[tilespmem:$0x1FED8] =	vst v63  }
0x17e: {  	_ =	swait.ge @!p4 [sflag:s9], $0x20  }
0x17f: {  	[sflag:s9] =	ssyncset.done @!p4 $0x0  }
0x180: {  	[sflag:s9] =	ssyncadd.s32 @!p4 $0xFFFFFFE0  }
0x181: {  	v16 =	vld @!p4 [tilespmem:$0x1E848]  }
0x182: {  	v17 =	vld @!p4 [tilespmem:$0x1E858];
	_ =	sdelay $0x3  }
0x183: {  	v16 =	vadd.s32 @!p4 v3, v16  }
0x184: {  	[tilespmem:$0x1E848] =	vst @!p4 v16;
	v16 =	vadd.s32 @!p4 v3, v17  }
0x185: {  	s7 =	simm.s32 @!p4 $0x20;
	s9 =	simm.s32 @!p4 $0x1E8C8;
	[tilespmem:$0x1E858] =	vst @!p4 v16  }
0x186: {  	[tilespmem:s9], [sflag:$0x1] =	stream.indirect.gather @!p4 [hbm4b:s2+s7], $0x28, s20, s7, $0xb8;
	[tilespmem:$0x1FED8] =	vst v63  }
0x187: {  	s9 =	simm.s32 @!p4 $0x1F2C8  }
0x188: {  	[tilespmem:s9], [sflag:$0x3] =	stream.indirect.gather @!p4 [hbm4b:s26+s7], $0x8, s21, s7, $0xb8;
	[tilespmem:$0x1FED8] =	vst v63  }
0x189: {  	s7 =	simm.s32 @!p2 $0x2  }
0x18a: {  	_ =	swait.ge @!p2 [sflag:s7], $0x500  }
0x18b: {  	[sflag:s7] =	ssyncset.done @!p2 $0x0  }
0x18c: {  	[sflag:s7] =	ssyncadd.s32 @!p2 $0xFFFFFB00;
	s7 =	simm.s32 @!p2 $0x4  }
0x18d: {  	_ =	swait.ge @!p2 [sflag:s7], $0x100  }
.Ltmp6:
0x18e: {  	[sflag:s7] =	ssyncset.done @!p2 $0x0;
	(pc) =	sbr.rel @p2 .LBB2_10-.Ltmp6, $4  }
0x18f: {  	[sflag:s7] =	ssyncadd.s32 @!p2 $0xFFFFFF00;
	s7 =	simm.s32 @!p3 $0x6  }
0x190: {  	_ =	swait.ge @!p3 [sflag:s7], $0x500  }
0x191: {  	[sflag:s7] =	ssyncset.done @!p3 $0x0  }
0x192: {  	[sflag:s7] =	ssyncadd.s32 @!p3 $0xFFFFFB00  }
0x193: {  	s7 =	simm.s32 $0x0;
	p2 =	por $0x1, $0x1  }
.LBB2_8:
0x194: {  	v17 =	vor.u32 s7, v0  }
0x195: {  	v16 =	vmul.u32 $0x28, v17;
	v17 =	vshll.u32 v17, $0x3  }
0x196: {  	v19 =	vor.u32 v1, v17  }
0x197: {  	v18 =	vadd.s32 $0x20, v16;
	_ =	sdelay $0x3  }
0x198: {  	v19 =	vld.idx.msk [tilespmem:v19+s15+$0x0], $0xffff  }
0x199: {  	v20 =	vld.idx.msk [tilespmem:v18+s14+$0x0], $0xffff;
	_ =	sdelay $0x4  }
0x19a: {  	v19 =	vadd.f32 v19, v20;
	_ =	sdelay $0x1  }
0x19b: {  	v20 =	vmul.f32 $2.000000030e-01, v19  }
0x19c: {  	vm0 =	vge.f32 v19, $0.0e+00  }
0x19d: {  	v19 =	vsel vm0, v19, v20  }
0x19e: {  	v19 =	vsub.f32 v19, v15;
	_ =	sdelay $0x1  }
0x19f: {  	v19 =	vmul.f32 $1.442695020e+00, v19;
	_ =	sdelay $0x1  }
0x1a0: {  	(erf) = vpow2.f32 v19;
	_ =	sdelay $0x8  }
0x1a1: {  	v19 =	vpop (erf)  }
0x1a2: {  	[tilespmem:v18+s0+$0x0] =	vst.idx.msk $0xffff, v19  }
0x1a3: {  	v18 =	vld.idx.msk [tilespmem:v16+s14+$0x0], $0xffff;
	_ =	sdelay $0x2  }
0x1a4: {  	v26 =	vor.u32 $0x1, v16;
	_ =	sdelay $0x1  }
0x1a5: {  	v18 =	vmul.f32 v19, v18;
	_ =	sdelay $0x1  }
0x1a6: {  	[tilespmem:v16+s0+$0x0] =	vst.idx.msk $0xffff, v18  }
0x1a7: {  	v18 =	vld.idx.msk [tilespmem:v26+s14+$0x0], $0xffff;
	_ =	sdelay $0x2  }
0x1a8: {  	v21 =	vor.u32 $0x2, v16;
	_ =	sdelay $0x1  }
0x1a9: {  	v18 =	vmul.f32 v19, v18;
	_ =	sdelay $0x1  }
0x1aa: {  	[tilespmem:v26+s0+$0x0] =	vst.idx.msk $0xffff, v18  }
0x1ab: {  	v18 =	vld.idx.msk [tilespmem:v21+s14+$0x0], $0xffff;
	_ =	sdelay $0x2  }
0x1ac: {  	v27 =	vor.u32 $0x3, v16;
	_ =	sdelay $0x1  }
0x1ad: {  	v18 =	vmul.f32 v19, v18;
	_ =	sdelay $0x1  }
0x1ae: {  	[tilespmem:v21+s0+$0x0] =	vst.idx.msk $0xffff, v18  }
0x1af: {  	v18 =	vld.idx.msk [tilespmem:v27+s14+$0x0], $0xffff;
	_ =	sdelay $0x2  }
0x1b0: {  	v28 =	vor.u32 $0x4, v16;
	_ =	sdelay $0x1  }
0x1b1: {  	v18 =	vmul.f32 v18, v19;
	_ =	sdelay $0x1  }
0x1b2: {  	[tilespmem:v27+s0+$0x0] =	vst.idx.msk $0xffff, v18  }
0x1b3: {  	v18 =	vld.idx.msk [tilespmem:v28+s14+$0x0], $0xffff;
	_ =	sdelay $0x2  }
0x1b4: {  	v29 =	vor.u32 $0x5, v16;
	_ =	sdelay $0x1  }
0x1b5: {  	v18 =	vmul.f32 v18, v19;
	_ =	sdelay $0x1  }
0x1b6: {  	[tilespmem:v28+s0+$0x0] =	vst.idx.msk $0xffff, v18  }
0x1b7: {  	v18 =	vld.idx.msk [tilespmem:v29+s14+$0x0], $0xffff;
	_ =	sdelay $0x2  }
0x1b8: {  	v30 =	vor.u32 $0x6, v16;
	_ =	sdelay $0x1  }
0x1b9: {  	v18 =	vmul.f32 v18, v19;
	_ =	sdelay $0x1  }
0x1ba: {  	[tilespmem:v29+s0+$0x0] =	vst.idx.msk $0xffff, v18  }
0x1bb: {  	v18 =	vld.idx.msk [tilespmem:v30+s14+$0x0], $0xffff;
	_ =	sdelay $0x2  }
0x1bc: {  	v31 =	vor.u32 $0x7, v16;
	_ =	sdelay $0x1  }
0x1bd: {  	v18 =	vmul.f32 v18, v19;
	_ =	sdelay $0x1  }
0x1be: {  	[tilespmem:v30+s0+$0x0] =	vst.idx.msk $0xffff, v18  }
0x1bf: {  	v18 =	vld.idx.msk [tilespmem:v31+s14+$0x0], $0xffff;
	_ =	sdelay $0x2  }
0x1c0: {  	v32 =	vadd.s32 $0x21, v16  }
0x1c1: {  	v22 =	vor.u32 v2, v17  }
0x1c2: {  	v18 =	vmul.f32 v18, v19;
	_ =	sdelay $0x1  }
0x1c3: {  	[tilespmem:v31+s0+$0x0] =	vst.idx.msk $0xffff, v18  }
0x1c4: {  	v18 =	vld.idx.msk [tilespmem:v32+s14+$0x0], $0xffff  }
0x1c5: {  	v33 =	vld.idx.msk [tilespmem:v22+s15+$0x0], $0xffff;
	_ =	sdelay $0x4  }
0x1c6: {  	v18 =	vadd.f32 v33, v18;
	_ =	sdelay $0x1  }
0x1c7: {  	v19 =	vmul.f32 $2.000000030e-01, v18  }
0x1c8: {  	vm13 =	vge.f32 v18, $0.0e+00  }
0x1c9: {  	v18 =	vsel vm13, v18, v19  }
0x1ca: {  	v18 =	vsub.f32 v18, v15;
	_ =	sdelay $0x1  }
0x1cb: {  	v18 =	vmul.f32 $1.442695020e+00, v18;
	_ =	sdelay $0x1  }
0x1cc: {  	(erf) = vpow2.f32 v18;
	_ =	sdelay $0x5  }
0x1cd: {  	v34 =	vadd.s32 $0x8, v16;
	_ =	sdelay $0x2  }
0x1ce: {  	v35 =	vpop (erf)  }
0x1cf: {  	[tilespmem:v32+s0+$0x0] =	vst.idx.msk $0xffff, v35  }
0x1d0: {  	v20 =	vld.idx.msk [tilespmem:v34+s14+$0x0], $0xffff;
	_ =	sdelay $0x2  }
0x1d1: {  	v36 =	vadd.s32 $0x9, v16;
	_ =	sdelay $0x1  }
0x1d2: {  	v20 =	vmul.f32 v35, v20;
	_ =	sdelay $0x1  }
0x1d3: {  	[tilespmem:v34+s0+$0x0] =	vst.idx.msk $0xffff, v20  }
0x1d4: {  	v18 =	vld.idx.msk [tilespmem:v36+s14+$0x0], $0xffff;
	_ =	sdelay $0x2  }
0x1d5: {  	v37 =	vadd.s32 $0xA, v16;
	_ =	sdelay $0x1  }
0x1d6: {  	v18 =	vmul.f32 v35, v18;
	_ =	sdelay $0x1  }
0x1d7: {  	[tilespmem:v36+s0+$0x0] =	vst.idx.msk $0xffff, v18  }
0x1d8: {  	v18 =	vld.idx.msk [tilespmem:v37+s14+$0x0], $0xffff;
	_ =	sdelay $0x2  }
0x1d9: {  	v38 =	vadd.s32 $0xB, v16;
	_ =	sdelay $0x1  }
0x1da: {  	v18 =	vmul.f32 v35, v18;
	_ =	sdelay $0x1  }
0x1db: {  	[tilespmem:v37+s0+$0x0] =	vst.idx.msk $0xffff, v18  }
0x1dc: {  	v18 =	vld.idx.msk [tilespmem:v38+s14+$0x0], $0xffff;
	_ =	sdelay $0x2  }
0x1dd: {  	v39 =	vadd.s32 $0xC, v16;
	_ =	sdelay $0x1  }
0x1de: {  	v18 =	vmul.f32 v18, v35;
	_ =	sdelay $0x1  }
0x1df: {  	[tilespmem:v38+s0+$0x0] =	vst.idx.msk $0xffff, v18  }
0x1e0: {  	v18 =	vld.idx.msk [tilespmem:v39+s14+$0x0], $0xffff;
	_ =	sdelay $0x2  }
0x1e1: {  	v40 =	vadd.s32 $0xD, v16;
	_ =	sdelay $0x1  }
0x1e2: {  	v18 =	vmul.f32 v18, v35;
	_ =	sdelay $0x1  }
0x1e3: {  	[tilespmem:v39+s0+$0x0] =	vst.idx.msk $0xffff, v18  }
0x1e4: {  	v18 =	vld.idx.msk [tilespmem:v40+s14+$0x0], $0xffff;
	_ =	sdelay $0x2  }
0x1e5: {  	v41 =	vadd.s32 $0xE, v16;
	_ =	sdelay $0x1  }
0x1e6: {  	v18 =	vmul.f32 v18, v35;
	_ =	sdelay $0x1  }
0x1e7: {  	[tilespmem:v40+s0+$0x0] =	vst.idx.msk $0xffff, v18  }
0x1e8: {  	v18 =	vld.idx.msk [tilespmem:v41+s14+$0x0], $0xffff;
	_ =	sdelay $0x2  }
0x1e9: {  	v42 =	vadd.s32 $0xF, v16;
	_ =	sdelay $0x1  }
0x1ea: {  	v18 =	vmul.f32 v18, v35;
	_ =	sdelay $0x1  }
0x1eb: {  	[tilespmem:v41+s0+$0x0] =	vst.idx.msk $0xffff, v18  }
0x1ec: {  	v18 =	vld.idx.msk [tilespmem:v42+s14+$0x0], $0xffff;
	_ =	sdelay $0x2  }
0x1ed: {  	v43 =	vadd.s32 $0x22, v16  }
0x1ee: {  	v44 =	vor.u32 v4, v17  }
0x1ef: {  	v18 =	vmul.f32 v18, v35;
	_ =	sdelay $0x1  }
0x1f0: {  	[tilespmem:v42+s0+$0x0] =	vst.idx.msk $0xffff, v18  }
0x1f1: {  	v18 =	vld.idx.msk [tilespmem:v43+s14+$0x0], $0xffff  }
0x1f2: {  	v45 =	vld.idx.msk [tilespmem:v44+s15+$0x0], $0xffff;
	_ =	sdelay $0x4  }
0x1f3: {  	v18 =	vadd.f32 v45, v18;
	_ =	sdelay $0x1  }
0x1f4: {  	v19 =	vmul.f32 $2.000000030e-01, v18  }
0x1f5: {  	vm14 =	vge.f32 v18, $0.0e+00  }
0x1f6: {  	v18 =	vsel vm14, v18, v19  }
0x1f7: {  	v18 =	vsub.f32 v18, v15;
	_ =	sdelay $0x1  }
0x1f8: {  	v18 =	vmul.f32 $1.442695020e+00, v18;
	_ =	sdelay $0x1  }
0x1f9: {  	(erf) = vpow2.f32 v18;
	_ =	sdelay $0x5  }
0x1fa: {  	v46 =	vadd.s32 $0x10, v16;
	_ =	sdelay $0x2  }
0x1fb: {  	v47 =	vpop (erf)  }
0x1fc: {  	[tilespmem:v43+s0+$0x0] =	vst.idx.msk $0xffff, v47  }
0x1fd: {  	v20 =	vld.idx.msk [tilespmem:v46+s14+$0x0], $0xffff;
	_ =	sdelay $0x2  }
0x1fe: {  	v48 =	vadd.s32 $0x11, v16;
	_ =	sdelay $0x1  }
0x1ff: {  	v20 =	vmul.f32 v47, v20;
	_ =	sdelay $0x1  }
0x200: {  	[tilespmem:v46+s0+$0x0] =	vst.idx.msk $0xffff, v20  }
0x201: {  	v18 =	vld.idx.msk [tilespmem:v48+s14+$0x0], $0xffff;
	_ =	sdelay $0x2  }
0x202: {  	v49 =	vadd.s32 $0x12, v16;
	_ =	sdelay $0x1  }
0x203: {  	v18 =	vmul.f32 v47, v18;
	_ =	sdelay $0x1  }
0x204: {  	[tilespmem:v48+s0+$0x0] =	vst.idx.msk $0xffff, v18  }
0x205: {  	v18 =	vld.idx.msk [tilespmem:v49+s14+$0x0], $0xffff;
	_ =	sdelay $0x2  }
0x206: {  	v50 =	vadd.s32 $0x13, v16;
	_ =	sdelay $0x1  }
0x207: {  	v18 =	vmul.f32 v47, v18;
	_ =	sdelay $0x1  }
0x208: {  	[tilespmem:v49+s0+$0x0] =	vst.idx.msk $0xffff, v18  }
0x209: {  	v18 =	vld.idx.msk [tilespmem:v50+s14+$0x0], $0xffff;
	_ =	sdelay $0x2  }
0x20a: {  	v51 =	vadd.s32 $0x14, v16;
	_ =	sdelay $0x1  }
0x20b: {  	v18 =	vmul.f32 v18, v47;
	_ =	sdelay $0x1  }
0x20c: {  	[tilespmem:v50+s0+$0x0] =	vst.idx.msk $0xffff, v18  }
0x20d: {  	v18 =	vld.idx.msk [tilespmem:v51+s14+$0x0], $0xffff;
	_ =	sdelay $0x2  }
0x20e: {  	v52 =	vadd.s32 $0x15, v16;
	_ =	sdelay $0x1  }
0x20f: {  	v18 =	vmul.f32 v18, v47;
	_ =	sdelay $0x1  }
0x210: {  	[tilespmem:v51+s0+$0x0] =	vst.idx.msk $0xffff, v18  }
0x211: {  	v18 =	vld.idx.msk [tilespmem:v52+s14+$0x0], $0xffff;
	_ =	sdelay $0x2  }
0x212: {  	v53 =	vadd.s32 $0x16, v16;
	_ =	sdelay $0x1  }
0x213: {  	v18 =	vmul.f32 v18, v47;
	_ =	sdelay $0x1  }
0x214: {  	[tilespmem:v52+s0+$0x0] =	vst.idx.msk $0xffff, v18  }
0x215: {  	v18 =	vld.idx.msk [tilespmem:v53+s14+$0x0], $0xffff;
	_ =	sdelay $0x2  }
0x216: {  	v54 =	vadd.s32 $0x17, v16;
	_ =	sdelay $0x1  }
0x217: {  	v18 =	vmul.f32 v18, v47;
	_ =	sdelay $0x1  }
0x218: {  	[tilespmem:v53+s0+$0x0] =	vst.idx.msk $0xffff, v18  }
0x219: {  	v18 =	vld.idx.msk [tilespmem:v54+s14+$0x0], $0xffff;
	_ =	sdelay $0x2  }
0x21a: {  	v55 =	vadd.s32 $0x23, v16  }
0x21b: {  	v17 =	vor.u32 v5, v17  }
0x21c: {  	v18 =	vmul.f32 v18, v47;
	_ =	sdelay $0x1  }
0x21d: {  	[tilespmem:v54+s0+$0x0] =	vst.idx.msk $0xffff, v18  }
0x21e: {  	v18 =	vld.idx.msk [tilespmem:v55+s14+$0x0], $0xffff  }
0x21f: {  	v17 =	vld.idx.msk [tilespmem:v17+s15+$0x0], $0xffff;
	_ =	sdelay $0x4  }
0x220: {  	v17 =	vadd.f32 v17, v18;
	_ =	sdelay $0x1  }
0x221: {  	v18 =	vmul.f32 $2.000000030e-01, v17  }
0x222: {  	vm15 =	vge.f32 v17, $0.0e+00  }
0x223: {  	v17 =	vsel vm15, v17, v18  }
0x224: {  	v17 =	vsub.f32 v17, v15;
	_ =	sdelay $0x1  }
0x225: {  	v17 =	vmul.f32 $1.442695020e+00, v17;
	_ =	sdelay $0x1  }
0x226: {  	(erf) = vpow2.f32 v17;
	_ =	sdelay $0x5  }
0x227: {  	v17 =	vadd.s32 $0x18, v16;
	_ =	sdelay $0x2  }
0x228: {  	v56 =	vpop (erf)  }
0x229: {  	[tilespmem:v55+s0+$0x0] =	vst.idx.msk $0xffff, v56  }
0x22a: {  	v57 =	vld.idx.msk [tilespmem:v17+s14+$0x0], $0xffff;
	_ =	sdelay $0x2  }
0x22b: {  	v58 =	vadd.s32 $0x19, v16;
	_ =	sdelay $0x1  }
0x22c: {  	v19 =	vmul.f32 v56, v57;
	_ =	sdelay $0x1  }
0x22d: {  	[tilespmem:v17+s0+$0x0] =	vst.idx.msk $0xffff, v19  }
0x22e: {  	v17 =	vld.idx.msk [tilespmem:v58+s14+$0x0], $0xffff;
	_ =	sdelay $0x2  }
0x22f: {  	v59 =	vadd.s32 $0x1A, v16;
	_ =	sdelay $0x1  }
0x230: {  	v17 =	vmul.f32 v56, v17;
	_ =	sdelay $0x1  }
0x231: {  	[tilespmem:v58+s0+$0x0] =	vst.idx.msk $0xffff, v17  }
0x232: {  	v17 =	vld.idx.msk [tilespmem:v59+s14+$0x0], $0xffff;
	_ =	sdelay $0x2  }
0x233: {  	v60 =	vadd.s32 $0x1B, v16;
	_ =	sdelay $0x1  }
0x234: {  	v17 =	vmul.f32 v56, v17;
	_ =	sdelay $0x1  }
0x235: {  	[tilespmem:v59+s0+$0x0] =	vst.idx.msk $0xffff, v17  }
0x236: {  	v17 =	vld.idx.msk [tilespmem:v60+s14+$0x0], $0xffff;
	_ =	sdelay $0x2  }
0x237: {  	v61 =	vadd.s32 $0x1C, v16;
	_ =	sdelay $0x1  }
0x238: {  	v17 =	vmul.f32 v17, v56;
	_ =	sdelay $0x1  }
0x239: {  	[tilespmem:v60+s0+$0x0] =	vst.idx.msk $0xffff, v17  }
0x23a: {  	v17 =	vld.idx.msk [tilespmem:v61+s14+$0x0], $0xffff;
	_ =	sdelay $0x2  }
0x23b: {  	v62 =	vadd.s32 $0x1D, v16;
	_ =	sdelay $0x1  }
0x23c: {  	v17 =	vmul.f32 v17, v56;
	_ =	sdelay $0x1  }
0x23d: {  	[tilespmem:v61+s0+$0x0] =	vst.idx.msk $0xffff, v17  }
0x23e: {  	v17 =	vld.idx.msk [tilespmem:v62+s14+$0x0], $0xffff;
	_ =	sdelay $0x2  }
0x23f: {  	v63 =	vadd.s32 $0x1E, v16;
	_ =	sdelay $0x1  }
0x240: {  	v17 =	vmul.f32 v17, v56;
	_ =	sdelay $0x1  }
0x241: {  	[tilespmem:v62+s0+$0x0] =	vst.idx.msk $0xffff, v17  }
0x242: {  	v17 =	vld.idx.msk [tilespmem:v63+s14+$0x0], $0xffff;
	_ =	sdelay $0x2  }
0x243: {  	v16 =	vadd.s32 $0x1F, v16;
	_ =	sdelay $0x1  }
0x244: {  	v17 =	vmul.f32 v17, v56;
	_ =	sdelay $0x1  }
0x245: {  	[tilespmem:v63+s0+$0x0] =	vst.idx.msk $0xffff, v17  }
0x246: {  	v17 =	vld.idx.msk [tilespmem:v16+s14+$0x0], $0xffff;
	_ =	sdelay $0x1  }
0x247: {  	p3 =	por p2, p2  }
.Ltmp7:
0x248: {  	_ = 	snop;
	(pc) =	sbr.rel @p3 .LBB2_8-.Ltmp7, $3  }
0x249: {  	_ = 	snop  }
0x24a: {  	v17 =	vmul.f32 v17, v56;
	_ =	sdelay $0x1  }
0x24b: {  	s7 =	simm.s32 $0x10;
	p2 =	por $0x0, $0x0;
	[tilespmem:v16+s0+$0x0] =	vst.idx.msk $0xffff, v17  }
.Ltmp8:
0x24c: {  	(pc) =	sbr.rel .LBB2_10-.Ltmp8, $2  }
0x24d: {  	_ =	sdelay $0x2  }
0x24e: {  	[spmem:s4] =	stream.indirect.scatter.add.f32 [tilespmem:s0], [sflag:$0x6], $0x28, s16, s11, $0xb8;
	[tilespmem:$0x1FED8] =	vst v63  }
.LBB2_12:
0x24f: {  	_ =	sfence.sel $0x180000  }
0x250: {  	[bflag:$0x0] =	sbarrier.arrive $0xFFFF  }
0x251: {  	_ =	strace $0x90000047  }
0x252: {  	s0 =	stileid.u32;
	[bflag:$0x2] =	sbarrier.arrive $0xFFFF  }
0x253: {  	p0 =	sne.s32 s0, $0x0;
	s0 =	rddreg [dreg:$0x3]  }
0x254: {  	s0 =	sadd.s32 @!p0 $0x100000, s0  }
0x255: {  	[sflag:s0] =	ssyncadd.tile.s32 @!p0 $0x1;
	_ =	shalt  }
.Lfunc_end2:
_tile_overlayer_lowered:
.L_overlay_start_2:
0x256: {  	(tag) =	ssettag $0x2  }
0x257: {  	s0 =	rddreg [dreg:$0x0];
	s2 =	stileid.u32  }
0x258: {  	s1 =	rddreg [dreg:$0x1];
	p0 =	sne.s32 s2, $0x0  }
0x259: {  	s3 =	rddreg [dreg:$0x2];
	[bflag:$0x3] =	sbarrier.arrive $0xFFFF;
	s2 =	simm.s32 @!p0 $0x1C07  }
0x25a: {  	[timem:s3], [sflag:s2] =	dma.local @!p0 [hbm:s0], s1  }
0x25b: {  	s0 =	simm.s32 @!p0 $0x7  }
0x25c: {  	_ =	swait.ge @!p0 [sflag:s0], s1  }
0x25d: {  	s1 =	ssub.s32 @!p0 $0x0, s1;
	[sflag:s0] =	ssyncset.done @!p0 $0x0  }
0x25e: {  	[sflag:s0] =	ssyncadd.s32 @!p0 s1  }
0x25f: {  	[bflag:$0x3] =	sbarrier.arrive $0xFFFF  }
0x260: {  	_ =	shalt  }

</sc_bundles>
